<compile_context>
chip_gen: v7x
topology: tpu7x:2x2x1
jax: 0.10.2.dev20260603
libtpu: 0.0.44.dev20260713+nightly
codegen_flags: <defaults>
</compile_context>

<pallas_src>
import functools

import jax
import jax.numpy as jnp
from jax import lax
from jax.experimental import pallas as pl
from jax.experimental.pallas import tpu as pltpu
from jax.experimental.pallas import tpu_sc as plsc

N = 10000
DEG = 32
DN = 128
DE = 16
E = N * DEG
DOUT = 128
NMOL = 256

NC, NS, L = 2, 16, 16
NW = NC * NS
PER_W = 320
A = 8
CHUNKS = PER_W // A
ROWS = A * DEG
NCOL = DN // L
LAST_W = NW - 1
LAST_N = N - LAST_W * PER_W
LAST_CHUNKS = LAST_N // A

BLK = 2000
NB = N // BLK


def _make_sc_body(width):
    ncol = width // L

    def body(tbl, nidx, dep, out, idxt, idx1, rows, dest, zrow, sacc,
             sg, swr, semz, sems):
        del dep
        sid = lax.axis_index("s")
        wid = sid * NC + lax.axis_index("c")
        base = wid * PER_W
        nch = jnp.where(wid == LAST_W, LAST_CHUNKS, CHUNKS)

        @pl.when(wid != LAST_W)
        def _():
            pltpu.sync_copy(nidx.at[pl.ds(base, PER_W)], idxt)

        @pl.when(wid == LAST_W)
        def _():
            pltpu.sync_copy(nidx.at[pl.ds(LAST_W * PER_W, LAST_N)],
                            idxt.at[pl.ds(0, LAST_N)])

        def reformat(i, carry):
            for h in range(DEG // L):
                idx1[pl.ds(i * DEG + h * L, L)] = idxt[i, pl.ds(h * L, L)]
            return carry

        lax.fori_loop(0, PER_W, reformat, 0)

        def fire(g, buf):
            for h in range(2):
                sl = pl.ds(g * ROWS + h * 128, 128)
                dl = pl.ds(h * 128, 128)
                pltpu.async_copy(tbl.at[idx1.at[sl]], rows.at[buf].at[dl],
                                 sg.at[buf])

        def drain_gathers(g, buf):
            for h in range(2):
                sl = pl.ds(g * ROWS + h * 128, 128)
                dl = pl.ds(h * 128, 128)
                pltpu.make_async_copy(tbl.at[idx1.at[sl]],
                                     rows.at[buf].at[dl], sg.at[buf]).wait()

        def srow(buf):
            return sid * (2 * A) + buf * A

        def out_dst(g):
            if width == DN:
                return out.at[pl.ds(base + g * A, A)]
            return out.at[pl.ds(base + g * A, A), pl.ds(0, width)]

        def drain_write(g, buf):
            pltpu.make_async_copy(sacc.at[pl.ds(srow(buf), A)],
                                  out_dst(g), swr.at[buf]).wait()

        def drain_scatter(buf):
            pltpu.make_async_copy(rows.at[buf], sacc.at[dest.at[buf]],
                                  sems.at[buf]).wait()

        def issue_write(g, buf):
            pltpu.async_copy(sacc.at[pl.ds(srow(buf), A)],
                             out_dst(g), swr.at[buf])

        for i in range(A):
            for c in range(ncol):
                zrow[i, pl.ds(c * L, L)] = jnp.zeros((L,), jnp.float32)
        for buf in range(2):
            for v in range(ROWS // L):
                dest[buf, pl.ds(v * L, L)] = jnp.full(
                    (L,), srow(buf) + v // (DEG // L), jnp.int32)

        fire(0, 0)

        def chunk_body(g, carry):
            buf = lax.rem(g, 2)
            nbuf = lax.rem(g + 1, 2)

            @pl.when(g >= 1)
            def _():
                drain_scatter(nbuf)
                issue_write(g - 1, nbuf)

            @pl.when(g + 1 < nch)
            def _():
                fire(g + 1, nbuf)

            @pl.when(g >= 2)
            def _():
                drain_write(g - 2, buf)

            zc = pltpu.async_copy(zrow, sacc.at[pl.ds(srow(buf), A)],
                                  semz.at[buf])
            drain_gathers(g, buf)
            zc.wait()
            pltpu.async_copy(rows.at[buf], sacc.at[dest.at[buf]],
                             sems.at[buf], add=True)
            return carry

        lax.fori_loop(0, nch, chunk_body, 0)
        lbuf = lax.rem(nch - 1, 2)
        drain_scatter(lbuf)
        issue_write(nch - 1, lbuf)
        drain_write(nch - 2, lax.rem(nch - 2, 2))
        drain_write(nch - 1, lbuf)

    return body


@functools.cache
def _get_sc_kernel(width):
    mesh = plsc.VectorSubcoreMesh(
        core_axis_name="c", subcore_axis_name="s",
        num_cores=NC, num_subcores=NS)
    return pl.kernel(
        _make_sc_body(width),
        out_type=jax.ShapeDtypeStruct((N, DN), jnp.float32),
        mesh=mesh,
        scratch_types=[
            pltpu.VMEM((PER_W, DN), jnp.int32),
            pltpu.VMEM((PER_W * DEG,), jnp.int32),
            pltpu.VMEM((2, ROWS, width), jnp.float32),
            pltpu.VMEM((2, ROWS), jnp.int32),
            pltpu.VMEM((A, width), jnp.float32),
            pltpu.VMEM_SHARED((NS * 2 * A, width), jnp.float32),
            pltpu.SemaphoreType.DMA((2,)),
            pltpu.SemaphoreType.DMA((2,)),
            pltpu.SemaphoreType.DMA((2,)),
            pltpu.SemaphoreType.DMA((2,)),
        ],
        compiler_params=pltpu.CompilerParams(use_tc_tiling_on_sc=False),
    )


def _dot_t(x, w):
    return lax.dot_general(x, w, (((1,), (1,)), ((), ())),
                           preferred_element_type=jnp.float32)


def _onehot_t(mol_row):
    seg = lax.broadcasted_iota(jnp.int32, (NMOL, BLK), 0)
    return jnp.where(mol_row == seg, 1.0, 0.0)


def _tc1_body(ar_ref, asum_ref, bsum_ref, mol_ref, wdeg_ref, wself_ref,
              bias_ref, wout0_ref, bout0_ref, act_ref, stats_ref, fp0_ref):
    b = pl.program_id(0)
    ar = ar_ref[...]
    wdeg = wdeg_ref[...]
    wa = wdeg[:, :DN]
    wb = wdeg[:, DN:]
    wc = wa + wself_ref[...]
    act = (_dot_t(asum_ref[...], wa) + _dot_t(bsum_ref[...][:, :DE], wb)
           + _dot_t(ar, wc) + bias_ref[...])
    act_ref[...] = act

    psum = jnp.sum(act, axis=0, keepdims=True)
    psq = jnp.sum(act * act, axis=0, keepdims=True)

    logits = _dot_t(ar, wout0_ref[...]) + bout0_ref[...]
    m = jnp.max(logits, axis=1, keepdims=True)
    ex = jnp.exp(logits - m)
    soft = ex / jnp.sum(ex, axis=1, keepdims=True)
    oht = _onehot_t(mol_ref[0])
    fp_part = lax.dot_general(oht, soft, (((1,), (0,)), ((), ())),
                              preferred_element_type=jnp.float32)

    @pl.when(b == 0)
    def _():
        stats_ref[...] = jnp.zeros((2, DN), jnp.float32)
        fp0_ref[...] = jnp.zeros((NMOL, DOUT), jnp.float32)

    stats_ref[0:1, :] += psum
    stats_ref[1:2, :] += psq
    fp0_ref[...] += fp_part


_tc1 = pl.pallas_call(
    _tc1_body,
    grid=(NB,),
    in_specs=[
        pl.BlockSpec((BLK, DN), lambda b: (b, 0)),
        pl.BlockSpec((BLK, DN), lambda b: (b, 0)),
        pl.BlockSpec((BLK, DN), lambda b: (b, 0)),
        pl.BlockSpec((1, 1, BLK), lambda b: (b, 0, 0)),
        pl.BlockSpec((DOUT, DN + DE), lambda b: (0, 0)),
        pl.BlockSpec((DOUT, DN), lambda b: (0, 0)),
        pl.BlockSpec((1, DOUT), lambda b: (0, 0)),
        pl.BlockSpec((DOUT, DN), lambda b: (0, 0)),
        pl.BlockSpec((1, DOUT), lambda b: (0, 0)),
    ],
    out_specs=[
        pl.BlockSpec((BLK, DN), lambda b: (b, 0)),
        pl.BlockSpec((2, DN), lambda b: (0, 0)),
        pl.BlockSpec((NMOL, DOUT), lambda b: (0, 0)),
    ],
    out_shape=[
        jax.ShapeDtypeStruct((N, DN), jnp.float32),
        jax.ShapeDtypeStruct((2, DN), jnp.float32),
        jax.ShapeDtypeStruct((NMOL, DOUT), jnp.float32),
    ],
)


def _tc2_body(act_ref, mol_ref, stats_ref, fp0_ref, wout1_ref, bout1_ref,
              out_ref):
    b = pl.program_id(0)
    mean = stats_ref[0:1, :] * (1.0 / N)
    var = stats_ref[1:2, :] * (1.0 / N) - mean * mean
    h = jnp.maximum((act_ref[...] - mean) * lax.rsqrt(var + 1e-5), 0.0)
    logits = _dot_t(h, wout1_ref[...]) + bout1_ref[...]
    m = jnp.max(logits, axis=1, keepdims=True)
    ex = jnp.exp(logits - m)
    soft = ex / jnp.sum(ex, axis=1, keepdims=True)
    oht = _onehot_t(mol_ref[0])
    fp_part = lax.dot_general(oht, soft, (((1,), (0,)), ((), ())),
                              preferred_element_type=jnp.float32)

    @pl.when(b == 0)
    def _():
        out_ref[...] = fp0_ref[...]

    out_ref[...] += fp_part


_tc2 = pl.pallas_call(
    _tc2_body,
    grid=(NB,),
    in_specs=[
        pl.BlockSpec((BLK, DN), lambda b: (b, 0)),
        pl.BlockSpec((1, 1, BLK), lambda b: (b, 0, 0)),
        pl.BlockSpec((2, DN), lambda b: (0, 0)),
        pl.BlockSpec((NMOL, DOUT), lambda b: (0, 0)),
        pl.BlockSpec((DOUT, DOUT), lambda b: (0, 0)),
        pl.BlockSpec((1, DOUT), lambda b: (0, 0)),
    ],
    out_specs=pl.BlockSpec((NMOL, DOUT), lambda b: (0, 0)),
    out_shape=jax.ShapeDtypeStruct((NMOL, DOUT), jnp.float32),
)


def kernel(atom_repr, bond_repr, atom_nbr_idx, bond_nbr_idx, mol_ids,
           W_deg, W_self, bias, W_out0, b_out0, W_out1, b_out1):
    aidx_p = jnp.pad(atom_nbr_idx, ((0, 0), (0, DN - DEG)))
    bidx_p = jnp.pad(bond_nbr_idx, ((0, 0), (0, DN - DEG)))
    asum = _get_sc_kernel(DN)(atom_repr, aidx_p,
                              jnp.zeros((8, DN), jnp.float32))
    bsum = _get_sc_kernel(DE)(bond_repr, bidx_p,
                              lax.slice(asum, (0, 0), (8, DN)))

    mol3 = mol_ids.astype(jnp.int32).reshape(NB, 1, BLK)
    act, stats, fp0 = _tc1(atom_repr, asum, bsum, mol3, W_deg, W_self, bias,
                           W_out0, b_out0.reshape(1, DOUT))
    return _tc2(act, mol3, stats, fp0, W_out1, b_out1.reshape(1, DOUT))

# --- scband reference (transcript-rebuilt; emitter-appended) ---
"""Pipeline reference for scband-neural-fingerprint-56710748176713 (READ-ONLY COPY).

The authoritative reference and input builder live on the scoring server;
editing this copy changes nothing except your own understanding.
"""

import jax, jax.numpy as jnp
import numpy as np

N = 10000      # atoms in batch
DEG = 32       # uniform degree (single entry in degree_list)
D_NODE = 128   # node_size
D_EDGE = 16    # edge_size
E = N * DEG    # bonds (directed neighbor slots)
D_OUT = 128    # conv output size == fingerprint output_size
N_MOL = 256    # molecules in minibatch


def setup_inputs(seed: int = 0) -> dict:
    key = jax.random.key(seed)
    ks = jax.random.split(key, 12)
    atom_repr = jax.random.normal(ks[0], (N, D_NODE), dtype=jnp.float32)
    bond_repr = jax.random.normal(ks[1], (E, D_EDGE), dtype=jnp.float32)
    atom_nbr_idx = jax.random.randint(ks[2], (N, DEG), 0, N)
    bond_nbr_idx = jax.random.randint(ks[3], (N, DEG), 0, E)
    mol_ids = jnp.sort(jax.random.randint(ks[4], (N,), 0, N_MOL))
    scale = 0.05
    # GraphDegreeConv params (degree_list=[32] -> one degree layer of size node+edge)
    W_deg = jax.random.normal(ks[5], (D_OUT, D_NODE + D_EDGE), dtype=jnp.float32) * scale
    W_self = jax.random.normal(ks[6], (D_OUT, D_NODE), dtype=jnp.float32) * scale
    bias = jnp.zeros((1, D_OUT), dtype=jnp.float32)
    # NeuralFingerprint output layers: one per representation level (input + 1 conv layer)
    W_out0 = jax.random.normal(ks[7], (D_OUT, D_NODE), dtype=jnp.float32) * scale
    b_out0 = jnp.zeros((D_OUT,), dtype=jnp.float32)
    W_out1 = jax.random.normal(ks[8], (D_OUT, D_OUT), dtype=jnp.float32) * scale
    b_out1 = jnp.zeros((D_OUT,), dtype=jnp.float32)
    return {
        "atom_repr": atom_repr,
        "bond_repr": bond_repr,
        "atom_nbr_idx": atom_nbr_idx,
        "bond_nbr_idx": bond_nbr_idx,
        "mol_ids": mol_ids,
        "W_deg": W_deg,
        "W_self": W_self,
        "bias": bias,
        "W_out0": W_out0,
        "b_out0": b_out0,
        "W_out1": W_out1,
        "b_out1": b_out1,
    }


def reference(atom_repr, bond_repr, atom_nbr_idx, bond_nbr_idx, mol_ids,
              W_deg, W_self, bias, W_out0, b_out0, W_out1, b_out1):
    # ---- GraphDegreeConv (single degree = DEG) ----
    # atom_idxs_batch = [self] + neighbors  -> sum includes the atom itself
    atom_nbr_sum = atom_repr + jnp.take(atom_repr, atom_nbr_idx, axis=0).sum(axis=1)
    bond_nbr_sum = jnp.take(bond_repr, bond_nbr_idx, axis=0).sum(axis=1)
    stacked = jnp.concatenate([atom_nbr_sum, bond_nbr_sum], axis=1)
    neighbor_act = stacked @ W_deg.T            # degree_layer (Linear, no bias)
    self_act = atom_repr @ W_self.T             # self linear (no bias)
    activations = self_act + neighbor_act + bias
    # BatchNorm1d(affine=False), training-mode batch stats
    mean = activations.mean(axis=0)
    var = activations.var(axis=0)
    activations = (activations - mean) / jnp.sqrt(var + 1e-5)
    h1 = jax.nn.relu(activations)
    # ---- NeuralFingerprint readout: sum_mol softmax(out_layer(repr)) per layer ----
    fp0 = jax.ops.segment_sum(
        jax.nn.softmax(atom_repr @ W_out0.T + b_out0, axis=-1),
        mol_ids, num_segments=N_MOL)
    fp1 = jax.ops.segment_sum(
        jax.nn.softmax(h1 @ W_out1.T + b_out1, axis=-1),
        mol_ids, num_segments=N_MOL)
    return fp0 + fp1

if __name__ == "__main__":
    import jax
    _d = setup_inputs()
    print(jax.jit(kernel)(*tuple(_d.values())))

</pallas_src>

<mosaic_0001>
#map = affine_map<(d0, d1) -> (0, 0)>
module attributes {stable_mosaic.version = 14 : i64} {
  func.func @body(%arg0: i32, %arg1: i32, %arg2: memref<10000x128xf32, #tpu.memory_space<hbm>>, %arg3: memref<10000x128xi32, #tpu.memory_space<hbm>>, %arg4: memref<8x128xf32, #tpu.memory_space<hbm>>, %arg5: memref<10000x128xf32, #tpu.memory_space<hbm>>, %arg6: memref<320x128xi32, #tpu.memory_space<vmem>>, %arg7: memref<10240xi32, #tpu.memory_space<vmem>>, %arg8: memref<2x256x128xf32, #tpu.memory_space<vmem>>, %arg9: memref<2x256xi32, #tpu.memory_space<vmem>>, %arg10: memref<8x128xf32, #tpu.memory_space<vmem>>, %arg11: memref<256x128xf32, #tpu.memory_space<vmem_shared>>, %arg12: memref<2x!tpu.dma_semaphore, #tpu.memory_space<semaphore_mem>>, %arg13: memref<2x!tpu.dma_semaphore, #tpu.memory_space<semaphore_mem>>, %arg14: memref<2x!tpu.dma_semaphore, #tpu.memory_space<semaphore_mem>>, %arg15: memref<2x!tpu.dma_semaphore, #tpu.memory_space<semaphore_mem>>) attributes {dimension_semantics = [#tpu.dimension_semantics<core_parallel>, #tpu.dimension_semantics<subcore_parallel>], iteration_bounds = array<i64: 2, 16>, scalar_prefetch = 0 : i64, scratch_operands = 10 : i64, tpu.core_type = #tpu.core_type<sc_vector_subcore>, window_params = [{transform_indices = #map}, {transform_indices = #map}, {transform_indices = #map}, {transform_indices = #map}]} {
    %mul3A = arith.constant 2 : i32
    %mul3A_0 = arith.muli %arg1, %mul3A : i32
    %add3A = arith.addi %mul3A_0, %arg0 : i32
    %mul3A_1 = arith.constant 320 : i32
    %mul3A_2 = arith.muli %add3A, %mul3A_1 : i32
    %eq3A = arith.constant 31 : i32
    %eq3A_3 = arith.cmpi eq, %add3A, %eq3A : i32
    %jit3A = arith.constant 10 : i32
    %jit3A_4 = arith.constant 40 : i32
    %select_n3A = arith.select %eq3A_3, %jit3A, %jit3A_4 : i32
    %ne3A = arith.constant 31 : i32
    %ne3A_5 = arith.cmpi ne, %add3A, %ne3A : i32
    %convert_element_type3A = arith.extui %ne3A_5 : i1 to i32
    %cond3A = arith.constant 0 : i32
    %cond3A_6 = arith.cmpi ne, %convert_element_type3A, %cond3A : i32
    scf.if %cond3A_6 {
      "tpu.region"() ({
        %run_scoped3A = tpu.sem_alloc : memref<!tpu.dma_semaphore, #tpu.memory_space<semaphore_mem>>
        %dma_start3A_1048 = arith.constant 0 : i32
        %dma_start3A_1049 = tpu.memref_slice %arg3[%mul3A_2, %dma_start3A_1048] : memref<10000x128xi32, #tpu.memory_space<hbm>> -> memref<320x128xi32, #tpu.memory_space<hbm>>
        %dma_start3A_1050 = arith.constant 0 : i32
        %dma_start3A_1051 = tpu.memref_slice %arg3[%mul3A_2, %dma_start3A_1050] : memref<10000x128xi32, #tpu.memory_space<hbm>> -> memref<320x128xi32, #tpu.memory_space<hbm>>
        tpu.enqueue_dma source(%dma_start3A_1051 : memref<320x128xi32, #tpu.memory_space<hbm>>) target(%arg6 : memref<320x128xi32, #tpu.memory_space<vmem>>) target_semaphore(%run_scoped3A : memref<!tpu.dma_semaphore, #tpu.memory_space<semaphore_mem>>)
        %dma_wait3A_1052 = arith.constant 0 : i32
        %dma_wait3A_1053 = tpu.memref_slice %arg3[%mul3A_2, %dma_wait3A_1052] : memref<10000x128xi32, #tpu.memory_space<hbm>> -> memref<320x128xi32, #tpu.memory_space<hbm>>
        %dma_wait3A_1054 = arith.constant 0 : i32
        %dma_wait3A_1055 = tpu.memref_slice %arg3[%mul3A_2, %dma_wait3A_1054] : memref<10000x128xi32, #tpu.memory_space<hbm>> -> memref<320x128xi32, #tpu.memory_space<hbm>>
        tpu.wait_dma2 semaphore(%run_scoped3A : memref<!tpu.dma_semaphore, #tpu.memory_space<semaphore_mem>>) src(%dma_wait3A_1055 : memref<320x128xi32, #tpu.memory_space<hbm>>) dst(%arg6 : memref<320x128xi32, #tpu.memory_space<vmem>>)
        tpu.yield
      }) : () -> ()
    } else {
    }
    %eq3A_7 = arith.constant 31 : i32
    %eq3A_8 = arith.cmpi eq, %add3A, %eq3A_7 : i32
    %convert_element_type3A_9 = arith.extui %eq3A_8 : i1 to i32
    %cond3A_10 = arith.constant 0 : i32
    %cond3A_11 = arith.cmpi ne, %convert_element_type3A_9, %cond3A_10 : i32
    scf.if %cond3A_11 {
      "tpu.region"() ({
        %run_scoped3A = tpu.sem_alloc : memref<!tpu.dma_semaphore, #tpu.memory_space<semaphore_mem>>
        %dma_start3A_1048 = arith.constant 0 : i32
        %dma_start3A_1049 = arith.constant 0 : i32
        %dma_start3A_1050 = tpu.memref_slice %arg6[%dma_start3A_1048, %dma_start3A_1049] : memref<320x128xi32, #tpu.memory_space<vmem>> -> memref<80x128xi32, #tpu.memory_space<vmem>>
        %dma_start3A_1051 = arith.constant 9920 : i32
        %dma_start3A_1052 = arith.constant 0 : i32
        %dma_start3A_1053 = tpu.memref_slice %arg3[%dma_start3A_1051, %dma_start3A_1052] : memref<10000x128xi32, #tpu.memory_space<hbm>> -> memref<80x128xi32, #tpu.memory_space<hbm>>
        %dma_start3A_1054 = arith.constant 0 : i32
        %dma_start3A_1055 = arith.constant 0 : i32
        %dma_start3A_1056 = tpu.memref_slice %arg6[%dma_start3A_1054, %dma_start3A_1055] : memref<320x128xi32, #tpu.memory_space<vmem>> -> memref<80x128xi32, #tpu.memory_space<vmem>>
        %dma_start3A_1057 = arith.constant 9920 : i32
        %dma_start3A_1058 = arith.constant 0 : i32
        %dma_start3A_1059 = tpu.memref_slice %arg3[%dma_start3A_1057, %dma_start3A_1058] : memref<10000x128xi32, #tpu.memory_space<hbm>> -> memref<80x128xi32, #tpu.memory_space<hbm>>
        tpu.enqueue_dma source(%dma_start3A_1059 : memref<80x128xi32, #tpu.memory_space<hbm>>) target(%dma_start3A_1056 : memref<80x128xi32, #tpu.memory_space<vmem>>) target_semaphore(%run_scoped3A : memref<!tpu.dma_semaphore, #tpu.memory_space<semaphore_mem>>)
        %dma_wait3A_1060 = arith.constant 0 : i32
        %dma_wait3A_1061 = arith.constant 0 : i32
        %dma_wait3A_1062 = tpu.memref_slice %arg6[%dma_wait3A_1060, %dma_wait3A_1061] : memref<320x128xi32, #tpu.memory_space<vmem>> -> memref<80x128xi32, #tpu.memory_space<vmem>>
        %dma_wait3A_1063 = arith.constant 9920 : i32
        %dma_wait3A_1064 = arith.constant 0 : i32
        %dma_wait3A_1065 = tpu.memref_slice %arg3[%dma_wait3A_1063, %dma_wait3A_1064] : memref<10000x128xi32, #tpu.memory_space<hbm>> -> memref<80x128xi32, #tpu.memory_space<hbm>>
        %dma_wait3A_1066 = arith.constant 0 : i32
        %dma_wait3A_1067 = arith.constant 0 : i32
        %dma_wait3A_1068 = tpu.memref_slice %arg6[%dma_wait3A_1066, %dma_wait3A_1067] : memref<320x128xi32, #tpu.memory_space<vmem>> -> memref<80x128xi32, #tpu.memory_space<vmem>>
        %dma_wait3A_1069 = arith.constant 9920 : i32
        %dma_wait3A_1070 = arith.constant 0 : i32
        %dma_wait3A_1071 = tpu.memref_slice %arg3[%dma_wait3A_1069, %dma_wait3A_1070] : memref<10000x128xi32, #tpu.memory_space<hbm>> -> memref<80x128xi32, #tpu.memory_space<hbm>>
        tpu.wait_dma2 semaphore(%run_scoped3A : memref<!tpu.dma_semaphore, #tpu.memory_space<semaphore_mem>>) src(%dma_wait3A_1071 : memref<80x128xi32, #tpu.memory_space<hbm>>) dst(%dma_wait3A_1068 : memref<80x128xi32, #tpu.memory_space<vmem>>)
        tpu.yield
      }) : () -> ()
    } else {
    }
    %scan3A = arith.constant 0 : i32
    %scan3A_12 = arith.constant 0 : i32
    %scan3A_13 = arith.constant 320 : i32
    %scan3A_14 = arith.addi %scan3A_12, %scan3A_13 : i32
    %scan3A_15 = arith.constant 1 : i32
    scf.for %scan3A_1048 = %scan3A_12 to %scan3A_14 step %scan3A_15  : i32 {
      %get3A = arith.index_cast %scan3A_1048 : i32 to index
      %get3A_1049 = arith.constant 0 : index
      %get3A_1050 = tpu.vector_load %arg6[%get3A, %get3A_1049] {strides = array<i32>} : memref<320x128xi32, #tpu.memory_space<vmem>>, vector<1x16xi32>,
      %get3A_1051 = vector.shape_cast %get3A_1050 : vector<1x16xi32> to vector<16xi32>
      %mul3A_1052 = arith.constant 32 : i32
      %mul3A_1053 = arith.muli %scan3A_1048, %mul3A_1052 : i32
      %add3A_1054 = arith.constant 0 : i32
      %add3A_1055 = arith.addi %mul3A_1053, %add3A_1054 : i32
      %swap3A_1056 = arith.index_cast %add3A_1055 : i32 to index
      %swap3A_1057 = tpu.vector_load %arg7[%swap3A_1056] {strides = array<i32>} : memref<10240xi32, #tpu.memory_space<vmem>>, vector<16xi32>,
      %swap3A_1058 = vector.shape_cast %swap3A_1057 : vector<16xi32> to vector<16xi32>
      %swap3A_1059 = vector.shape_cast %get3A_1051 : vector<16xi32> to vector<16xi32>
      tpu.vector_store %arg7[%swap3A_1056], %swap3A_1059 {strides = array<i32>} : memref<10240xi32, #tpu.memory_space<vmem>>, vector<16xi32>,
      %get3A_1060 = arith.index_cast %scan3A_1048 : i32 to index
      %get3A_1061 = arith.constant 16 : index
      %get3A_1062 = tpu.vector_load %arg6[%get3A_1060, %get3A_1061] {strides = array<i32>} : memref<320x128xi32, #tpu.memory_space<vmem>>, vector<1x16xi32>,
      %get3A_1063 = vector.shape_cast %get3A_1062 : vector<1x16xi32> to vector<16xi32>
      %mul3A_1064 = arith.constant 32 : i32
      %mul3A_1065 = arith.muli %scan3A_1048, %mul3A_1064 : i32
      %add3A_1066 = arith.constant 16 : i32
      %add3A_1067 = arith.addi %mul3A_1065, %add3A_1066 : i32
      %swap3A_1068 = arith.index_cast %add3A_1067 : i32 to index
      %swap3A_1069 = tpu.vector_load %arg7[%swap3A_1068] {strides = array<i32>} : memref<10240xi32, #tpu.memory_space<vmem>>, vector<16xi32>,
      %swap3A_1070 = vector.shape_cast %swap3A_1069 : vector<16xi32> to vector<16xi32>
      %swap3A_1071 = vector.shape_cast %get3A_1063 : vector<16xi32> to vector<16xi32>
      tpu.vector_store %arg7[%swap3A_1068], %swap3A_1071 {strides = array<i32>} : memref<10240xi32, #tpu.memory_space<vmem>>, vector<16xi32>,
    }
    %scan3A_16 = arith.constant 320 : i32
    %broadcast_in_dim3A = arith.constant 0.000000e+00 : f32
    %broadcast_in_dim3A_17 = vector.broadcast %broadcast_in_dim3A : f32 to vector<16xf32>
    %swap3A = arith.constant 0 : i32
    %swap3A_18 = arith.index_cast %swap3A : i32 to index
    %swap3A_19 = arith.constant 0 : index
    %swap3A_20 = tpu.vector_load %arg10[%swap3A_18, %swap3A_19] {strides = array<i32>} : memref<8x128xf32, #tpu.memory_space<vmem>>, vector<1x16xf32>,
    %swap3A_21 = vector.shape_cast %swap3A_20 : vector<1x16xf32> to vector<16xf32>
    %swap3A_22 = vector.shape_cast %broadcast_in_dim3A_17 : vector<16xf32> to vector<1x16xf32>
    tpu.vector_store %arg10[%swap3A_18, %swap3A_19], %swap3A_22 {strides = array<i32>} : memref<8x128xf32, #tpu.memory_space<vmem>>, vector<1x16xf32>,
    %broadcast_in_dim3A_23 = arith.constant 0.000000e+00 : f32
    %broadcast_in_dim3A_24 = vector.broadcast %broadcast_in_dim3A_23 : f32 to vector<16xf32>
    %swap3A_25 = arith.constant 0 : i32
    %swap3A_26 = arith.index_cast %swap3A_25 : i32 to index
    %swap3A_27 = arith.constant 16 : index
    %swap3A_28 = tpu.vector_load %arg10[%swap3A_26, %swap3A_27] {strides = array<i32>} : memref<8x128xf32, #tpu.memory_space<vmem>>, vector<1x16xf32>,
    %swap3A_29 = vector.shape_cast %swap3A_28 : vector<1x16xf32> to vector<16xf32>
    %swap3A_30 = vector.shape_cast %broadcast_in_dim3A_24 : vector<16xf32> to vector<1x16xf32>
    tpu.vector_store %arg10[%swap3A_26, %swap3A_27], %swap3A_30 {strides = array<i32>} : memref<8x128xf32, #tpu.memory_space<vmem>>, vector<1x16xf32>,
    %broadcast_in_dim3A_31 = arith.constant 0.000000e+00 : f32
    %broadcast_in_dim3A_32 = vector.broadcast %broadcast_in_dim3A_31 : f32 to vector<16xf32>
    %swap3A_33 = arith.constant 0 : i32
    %swap3A_34 = arith.index_cast %swap3A_33 : i32 to index
    %swap3A_35 = arith.constant 32 : index
    %swap3A_36 = tpu.vector_load %arg10[%swap3A_34, %swap3A_35] {strides = array<i32>} : memref<8x128xf32, #tpu.memory_space<vmem>>, vector<1x16xf32>,
    %swap3A_37 = vector.shape_cast %swap3A_36 : vector<1x16xf32> to vector<16xf32>
    %swap3A_38 = vector.shape_cast %broadcast_in_dim3A_32 : vector<16xf32> to vector<1x16xf32>
    tpu.vector_store %arg10[%swap3A_34, %swap3A_35], %swap3A_38 {strides = array<i32>} : memref<8x128xf32, #tpu.memory_space<vmem>>, vector<1x16xf32>,
    %broadcast_in_dim3A_39 = arith.constant 0.000000e+00 : f32
    %broadcast_in_dim3A_40 = vector.broadcast %broadcast_in_dim3A_39 : f32 to vector<16xf32>
    %swap3A_41 = arith.constant 0 : i32
    %swap3A_42 = arith.index_cast %swap3A_41 : i32 to index
    %swap3A_43 = arith.constant 48 : index
    %swap3A_44 = tpu.vector_load %arg10[%swap3A_42, %swap3A_43] {strides = array<i32>} : memref<8x128xf32, #tpu.memory_space<vmem>>, vector<1x16xf32>,
    %swap3A_45 = vector.shape_cast %swap3A_44 : vector<1x16xf32> to vector<16xf32>
    %swap3A_46 = vector.shape_cast %broadcast_in_dim3A_40 : vector<16xf32> to vector<1x16xf32>
    tpu.vector_store %arg10[%swap3A_42, %swap3A_43], %swap3A_46 {strides = array<i32>} : memref<8x128xf32, #tpu.memory_space<vmem>>, vector<1x16xf32>,
    %broadcast_in_dim3A_47 = arith.constant 0.000000e+00 : f32
    %broadcast_in_dim3A_48 = vector.broadcast %broadcast_in_dim3A_47 : f32 to vector<16xf32>
    %swap3A_49 = arith.constant 0 : i32
    %swap3A_50 = arith.index_cast %swap3A_49 : i32 to index
    %swap3A_51 = arith.constant 64 : index
    %swap3A_52 = tpu.vector_load %arg10[%swap3A_50, %swap3A_51] {strides = array<i32>} : memref<8x128xf32, #tpu.memory_space<vmem>>, vector<1x16xf32>,
    %swap3A_53 = vector.shape_cast %swap3A_52 : vector<1x16xf32> to vector<16xf32>
    %swap3A_54 = vector.shape_cast %broadcast_in_dim3A_48 : vector<16xf32> to vector<1x16xf32>
    tpu.vector_store %arg10[%swap3A_50, %swap3A_51], %swap3A_54 {strides = array<i32>} : memref<8x128xf32, #tpu.memory_space<vmem>>, vector<1x16xf32>,
    %broadcast_in_dim3A_55 = arith.constant 0.000000e+00 : f32
    %broadcast_in_dim3A_56 = vector.broadcast %broadcast_in_dim3A_55 : f32 to vector<16xf32>
    %swap3A_57 = arith.constant 0 : i32
    %swap3A_58 = arith.index_cast %swap3A_57 : i32 to index
    %swap3A_59 = arith.constant 80 : index
    %swap3A_60 = tpu.vector_load %arg10[%swap3A_58, %swap3A_59] {strides = array<i32>} : memref<8x128xf32, #tpu.memory_space<vmem>>, vector<1x16xf32>,
    %swap3A_61 = vector.shape_cast %swap3A_60 : vector<1x16xf32> to vector<16xf32>
    %swap3A_62 = vector.shape_cast %broadcast_in_dim3A_56 : vector<16xf32> to vector<1x16xf32>
    tpu.vector_store %arg10[%swap3A_58, %swap3A_59], %swap3A_62 {strides = array<i32>} : memref<8x128xf32, #tpu.memory_space<vmem>>, vector<1x16xf32>,
    %broadcast_in_dim3A_63 = arith.constant 0.000000e+00 : f32
    %broadcast_in_dim3A_64 = vector.broadcast %broadcast_in_dim3A_63 : f32 to vector<16xf32>
    %swap3A_65 = arith.constant 0 : i32
    %swap3A_66 = arith.index_cast %swap3A_65 : i32 to index
    %swap3A_67 = arith.constant 96 : index
    %swap3A_68 = tpu.vector_load %arg10[%swap3A_66, %swap3A_67] {strides = array<i32>} : memref<8x128xf32, #tpu.memory_space<vmem>>, vector<1x16xf32>,
    %swap3A_69 = vector.shape_cast %swap3A_68 : vector<1x16xf32> to vector<16xf32>
    %swap3A_70 = vector.shape_cast %broadcast_in_dim3A_64 : vector<16xf32> to vector<1x16xf32>
    tpu.vector_store %arg10[%swap3A_66, %swap3A_67], %swap3A_70 {strides = array<i32>} : memref<8x128xf32, #tpu.memory_space<vmem>>, vector<1x16xf32>,
    %broadcast_in_dim3A_71 = arith.constant 0.000000e+00 : f32
    %broadcast_in_dim3A_72 = vector.broadcast %broadcast_in_dim3A_71 : f32 to vector<16xf32>
    %swap3A_73 = arith.constant 0 : i32
    %swap3A_74 = arith.index_cast %swap3A_73 : i32 to index
    %swap3A_75 = arith.constant 112 : index
    %swap3A_76 = tpu.vector_load %arg10[%swap3A_74, %swap3A_75] {strides = array<i32>} : memref<8x128xf32, #tpu.memory_space<vmem>>, vector<1x16xf32>,
    %swap3A_77 = vector.shape_cast %swap3A_76 : vector<1x16xf32> to vector<16xf32>
    %swap3A_78 = vector.shape_cast %broadcast_in_dim3A_72 : vector<16xf32> to vector<1x16xf32>
    tpu.vector_store %arg10[%swap3A_74, %swap3A_75], %swap3A_78 {strides = array<i32>} : memref<8x128xf32, #tpu.memory_space<vmem>>, vector<1x16xf32>,
    %broadcast_in_dim3A_79 = arith.constant 0.000000e+00 : f32
    %broadcast_in_dim3A_80 = vector.broadcast %broadcast_in_dim3A_79 : f32 to vector<16xf32>
    %swap3A_81 = arith.constant 1 : i32
    %swap3A_82 = arith.index_cast %swap3A_81 : i32 to index
    %swap3A_83 = arith.constant 0 : index
    %swap3A_84 = tpu.vector_load %arg10[%swap3A_82, %swap3A_83] {strides = array<i32>} : memref<8x128xf32, #tpu.memory_space<vmem>>, vector<1x16xf32>,
    %swap3A_85 = vector.shape_cast %swap3A_84 : vector<1x16xf32> to vector<16xf32>
    %swap3A_86 = vector.shape_cast %broadcast_in_dim3A_80 : vector<16xf32> to vector<1x16xf32>
    tpu.vector_store %arg10[%swap3A_82, %swap3A_83], %swap3A_86 {strides = array<i32>} : memref<8x128xf32, #tpu.memory_space<vmem>>, vector<1x16xf32>,
    %broadcast_in_dim3A_87 = arith.constant 0.000000e+00 : f32
    %broadcast_in_dim3A_88 = vector.broadcast %broadcast_in_dim3A_87 : f32 to vector<16xf32>
    %swap3A_89 = arith.constant 1 : i32
    %swap3A_90 = arith.index_cast %swap3A_89 : i32 to index
    %swap3A_91 = arith.constant 16 : index
    %swap3A_92 = tpu.vector_load %arg10[%swap3A_90, %swap3A_91] {strides = array<i32>} : memref<8x128xf32, #tpu.memory_space<vmem>>, vector<1x16xf32>,
    %swap3A_93 = vector.shape_cast %swap3A_92 : vector<1x16xf32> to vector<16xf32>
    %swap3A_94 = vector.shape_cast %broadcast_in_dim3A_88 : vector<16xf32> to vector<1x16xf32>
    tpu.vector_store %arg10[%swap3A_90, %swap3A_91], %swap3A_94 {strides = array<i32>} : memref<8x128xf32, #tpu.memory_space<vmem>>, vector<1x16xf32>,
    %broadcast_in_dim3A_95 = arith.constant 0.000000e+00 : f32
    %broadcast_in_dim3A_96 = vector.broadcast %broadcast_in_dim3A_95 : f32 to vector<16xf32>
    %swap3A_97 = arith.constant 1 : i32
    %swap3A_98 = arith.index_cast %swap3A_97 : i32 to index
    %swap3A_99 = arith.constant 32 : index
    %swap3A_100 = tpu.vector_load %arg10[%swap3A_98, %swap3A_99] {strides = array<i32>} : memref<8x128xf32, #tpu.memory_space<vmem>>, vector<1x16xf32>,
    %swap3A_101 = vector.shape_cast %swap3A_100 : vector<1x16xf32> to vector<16xf32>
    %swap3A_102 = vector.shape_cast %broadcast_in_dim3A_96 : vector<16xf32> to vector<1x16xf32>
    tpu.vector_store %arg10[%swap3A_98, %swap3A_99], %swap3A_102 {strides = array<i32>} : memref<8x128xf32, #tpu.memory_space<vmem>>, vector<1x16xf32>,
    %broadcast_in_dim3A_103 = arith.constant 0.000000e+00 : f32
    %broadcast_in_dim3A_104 = vector.broadcast %broadcast_in_dim3A_103 : f32 to vector<16xf32>
    %swap3A_105 = arith.constant 1 : i32
    %swap3A_106 = arith.index_cast %swap3A_105 : i32 to index
    %swap3A_107 = arith.constant 48 : index
    %swap3A_108 = tpu.vector_load %arg10[%swap3A_106, %swap3A_107] {strides = array<i32>} : memref<8x128xf32, #tpu.memory_space<vmem>>, vector<1x16xf32>,
    %swap3A_109 = vector.shape_cast %swap3A_108 : vector<1x16xf32> to vector<16xf32>
    %swap3A_110 = vector.shape_cast %broadcast_in_dim3A_104 : vector<16xf32> to vector<1x16xf32>
    tpu.vector_store %arg10[%swap3A_106, %swap3A_107], %swap3A_110 {strides = array<i32>} : memref<8x128xf32, #tpu.memory_space<vmem>>, vector<1x16xf32>,
    %broadcast_in_dim3A_111 = arith.constant 0.000000e+00 : f32
    %broadcast_in_dim3A_112 = vector.broadcast %broadcast_in_dim3A_111 : f32 to vector<16xf32>
    %swap3A_113 = arith.constant 1 : i32
    %swap3A_114 = arith.index_cast %swap3A_113 : i32 to index
    %swap3A_115 = arith.constant 64 : index
    %swap3A_116 = tpu.vector_load %arg10[%swap3A_114, %swap3A_115] {strides = array<i32>} : memref<8x128xf32, #tpu.memory_space<vmem>>, vector<1x16xf32>,
    %swap3A_117 = vector.shape_cast %swap3A_116 : vector<1x16xf32> to vector<16xf32>
    %swap3A_118 = vector.shape_cast %broadcast_in_dim3A_112 : vector<16xf32> to vector<1x16xf32>
    tpu.vector_store %arg10[%swap3A_114, %swap3A_115], %swap3A_118 {strides = array<i32>} : memref<8x128xf32, #tpu.memory_space<vmem>>, vector<1x16xf32>,
    %broadcast_in_dim3A_119 = arith.constant 0.000000e+00 : f32
    %broadcast_in_dim3A_120 = vector.broadcast %broadcast_in_dim3A_119 : f32 to vector<16xf32>
    %swap3A_121 = arith.constant 1 : i32
    %swap3A_122 = arith.index_cast %swap3A_121 : i32 to index
    %swap3A_123 = arith.constant 80 : index
    %swap3A_124 = tpu.vector_load %arg10[%swap3A_122, %swap3A_123] {strides = array<i32>} : memref<8x128xf32, #tpu.memory_space<vmem>>, vector<1x16xf32>,
    %swap3A_125 = vector.shape_cast %swap3A_124 : vector<1x16xf32> to vector<16xf32>
    %swap3A_126 = vector.shape_cast %broadcast_in_dim3A_120 : vector<16xf32> to vector<1x16xf32>
    tpu.vector_store %arg10[%swap3A_122, %swap3A_123], %swap3A_126 {strides = array<i32>} : memref<8x128xf32, #tpu.memory_space<vmem>>, vector<1x16xf32>,
    %broadcast_in_dim3A_127 = arith.constant 0.000000e+00 : f32
    %broadcast_in_dim3A_128 = vector.broadcast %broadcast_in_dim3A_127 : f32 to vector<16xf32>
    %swap3A_129 = arith.constant 1 : i32
    %swap3A_130 = arith.index_cast %swap3A_129 : i32 to index
    %swap3A_131 = arith.constant 96 : index
    %swap3A_132 = tpu.vector_load %arg10[%swap3A_130, %swap3A_131] {strides = array<i32>} : memref<8x128xf32, #tpu.memory_space<vmem>>, vector<1x16xf32>,
    %swap3A_133 = vector.shape_cast %swap3A_132 : vector<1x16xf32> to vector<16xf32>
    %swap3A_134 = vector.shape_cast %broadcast_in_dim3A_128 : vector<16xf32> to vector<1x16xf32>
    tpu.vector_store %arg10[%swap3A_130, %swap3A_131], %swap3A_134 {strides = array<i32>} : memref<8x128xf32, #tpu.memory_space<vmem>>, vector<1x16xf32>,
    %broadcast_in_dim3A_135 = arith.constant 0.000000e+00 : f32
    %broadcast_in_dim3A_136 = vector.broadcast %broadcast_in_dim3A_135 : f32 to vector<16xf32>
    %swap3A_137 = arith.constant 1 : i32
    %swap3A_138 = arith.index_cast %swap3A_137 : i32 to index
    %swap3A_139 = arith.constant 112 : index
    %swap3A_140 = tpu.vector_load %arg10[%swap3A_138, %swap3A_139] {strides = array<i32>} : memref<8x128xf32, #tpu.memory_space<vmem>>, vector<1x16xf32>,
    %swap3A_141 = vector.shape_cast %swap3A_140 : vector<1x16xf32> to vector<16xf32>
    %swap3A_142 = vector.shape_cast %broadcast_in_dim3A_136 : vector<16xf32> to vector<1x16xf32>
    tpu.vector_store %arg10[%swap3A_138, %swap3A_139], %swap3A_142 {strides = array<i32>} : memref<8x128xf32, #tpu.memory_space<vmem>>, vector<1x16xf32>,
    %broadcast_in_dim3A_143 = arith.constant 0.000000e+00 : f32
    %broadcast_in_dim3A_144 = vector.broadcast %broadcast_in_dim3A_143 : f32 to vector<16xf32>
    %swap3A_145 = arith.constant 2 : i32
    %swap3A_146 = arith.index_cast %swap3A_145 : i32 to index
    %swap3A_147 = arith.constant 0 : index
    %swap3A_148 = tpu.vector_load %arg10[%swap3A_146, %swap3A_147] {strides = array<i32>} : memref<8x128xf32, #tpu.memory_space<vmem>>, vector<1x16xf32>,
    %swap3A_149 = vector.shape_cast %swap3A_148 : vector<1x16xf32> to vector<16xf32>
    %swap3A_150 = vector.shape_cast %broadcast_in_dim3A_144 : vector<16xf32> to vector<1x16xf32>
    tpu.vector_store %arg10[%swap3A_146, %swap3A_147], %swap3A_150 {strides = array<i32>} : memref<8x128xf32, #tpu.memory_space<vmem>>, vector<1x16xf32>,
    %broadcast_in_dim3A_151 = arith.constant 0.000000e+00 : f32
    %broadcast_in_dim3A_152 = vector.broadcast %broadcast_in_dim3A_151 : f32 to vector<16xf32>
    %swap3A_153 = arith.constant 2 : i32
    %swap3A_154 = arith.index_cast %swap3A_153 : i32 to index
    %swap3A_155 = arith.constant 16 : index
    %swap3A_156 = tpu.vector_load %arg10[%swap3A_154, %swap3A_155] {strides = array<i32>} : memref<8x128xf32, #tpu.memory_space<vmem>>, vector<1x16xf32>,
    %swap3A_157 = vector.shape_cast %swap3A_156 : vector<1x16xf32> to vector<16xf32>
    %swap3A_158 = vector.shape_cast %broadcast_in_dim3A_152 : vector<16xf32> to vector<1x16xf32>
    tpu.vector_store %arg10[%swap3A_154, %swap3A_155], %swap3A_158 {strides = array<i32>} : memref<8x128xf32, #tpu.memory_space<vmem>>, vector<1x16xf32>,
    %broadcast_in_dim3A_159 = arith.constant 0.000000e+00 : f32
    %broadcast_in_dim3A_160 = vector.broadcast %broadcast_in_dim3A_159 : f32 to vector<16xf32>
    %swap3A_161 = arith.constant 2 : i32
    %swap3A_162 = arith.index_cast %swap3A_161 : i32 to index
    %swap3A_163 = arith.constant 32 : index
    %swap3A_164 = tpu.vector_load %arg10[%swap3A_162, %swap3A_163] {strides = array<i32>} : memref<8x128xf32, #tpu.memory_space<vmem>>, vector<1x16xf32>,
    %swap3A_165 = vector.shape_cast %swap3A_164 : vector<1x16xf32> to vector<16xf32>
    %swap3A_166 = vector.shape_cast %broadcast_in_dim3A_160 : vector<16xf32> to vector<1x16xf32>
    tpu.vector_store %arg10[%swap3A_162, %swap3A_163], %swap3A_166 {strides = array<i32>} : memref<8x128xf32, #tpu.memory_space<vmem>>, vector<1x16xf32>,
    %broadcast_in_dim3A_167 = arith.constant 0.000000e+00 : f32
    %broadcast_in_dim3A_168 = vector.broadcast %broadcast_in_dim3A_167 : f32 to vector<16xf32>
    %swap3A_169 = arith.constant 2 : i32
    %swap3A_170 = arith.index_cast %swap3A_169 : i32 to index
    %swap3A_171 = arith.constant 48 : index
    %swap3A_172 = tpu.vector_load %arg10[%swap3A_170, %swap3A_171] {strides = array<i32>} : memref<8x128xf32, #tpu.memory_space<vmem>>, vector<1x16xf32>,
    %swap3A_173 = vector.shape_cast %swap3A_172 : vector<1x16xf32> to vector<16xf32>
    %swap3A_174 = vector.shape_cast %broadcast_in_dim3A_168 : vector<16xf32> to vector<1x16xf32>
    tpu.vector_store %arg10[%swap3A_170, %swap3A_171], %swap3A_174 {strides = array<i32>} : memref<8x128xf32, #tpu.memory_space<vmem>>, vector<1x16xf32>,
    %broadcast_in_dim3A_175 = arith.constant 0.000000e+00 : f32
    %broadcast_in_dim3A_176 = vector.broadcast %broadcast_in_dim3A_175 : f32 to vector<16xf32>
    %swap3A_177 = arith.constant 2 : i32
    %swap3A_178 = arith.index_cast %swap3A_177 : i32 to index
    %swap3A_179 = arith.constant 64 : index
    %swap3A_180 = tpu.vector_load %arg10[%swap3A_178, %swap3A_179] {strides = array<i32>} : memref<8x128xf32, #tpu.memory_space<vmem>>, vector<1x16xf32>,
    %swap3A_181 = vector.shape_cast %swap3A_180 : vector<1x16xf32> to vector<16xf32>
    %swap3A_182 = vector.shape_cast %broadcast_in_dim3A_176 : vector<16xf32> to vector<1x16xf32>
    tpu.vector_store %arg10[%swap3A_178, %swap3A_179], %swap3A_182 {strides = array<i32>} : memref<8x128xf32, #tpu.memory_space<vmem>>, vector<1x16xf32>,
    %broadcast_in_dim3A_183 = arith.constant 0.000000e+00 : f32
    %broadcast_in_dim3A_184 = vector.broadcast %broadcast_in_dim3A_183 : f32 to vector<16xf32>
    %swap3A_185 = arith.constant 2 : i32
    %swap3A_186 = arith.index_cast %swap3A_185 : i32 to index
    %swap3A_187 = arith.constant 80 : index
    %swap3A_188 = tpu.vector_load %arg10[%swap3A_186, %swap3A_187] {strides = array<i32>} : memref<8x128xf32, #tpu.memory_space<vmem>>, vector<1x16xf32>,
    %swap3A_189 = vector.shape_cast %swap3A_188 : vector<1x16xf32> to vector<16xf32>
    %swap3A_190 = vector.shape_cast %broadcast_in_dim3A_184 : vector<16xf32> to vector<1x16xf32>
    tpu.vector_store %arg10[%swap3A_186, %swap3A_187], %swap3A_190 {strides = array<i32>} : memref<8x128xf32, #tpu.memory_space<vmem>>, vector<1x16xf32>,
    %broadcast_in_dim3A_191 = arith.constant 0.000000e+00 : f32
    %broadcast_in_dim3A_192 = vector.broadcast %broadcast_in_dim3A_191 : f32 to vector<16xf32>
    %swap3A_193 = arith.constant 2 : i32
    %swap3A_194 = arith.index_cast %swap3A_193 : i32 to index
    %swap3A_195 = arith.constant 96 : index
    %swap3A_196 = tpu.vector_load %arg10[%swap3A_194, %swap3A_195] {strides = array<i32>} : memref<8x128xf32, #tpu.memory_space<vmem>>, vector<1x16xf32>,
    %swap3A_197 = vector.shape_cast %swap3A_196 : vector<1x16xf32> to vector<16xf32>
    %swap3A_198 = vector.shape_cast %broadcast_in_dim3A_192 : vector<16xf32> to vector<1x16xf32>
    tpu.vector_store %arg10[%swap3A_194, %swap3A_195], %swap3A_198 {strides = array<i32>} : memref<8x128xf32, #tpu.memory_space<vmem>>, vector<1x16xf32>,
    %broadcast_in_dim3A_199 = arith.constant 0.000000e+00 : f32
    %broadcast_in_dim3A_200 = vector.broadcast %broadcast_in_dim3A_199 : f32 to vector<16xf32>
    %swap3A_201 = arith.constant 2 : i32
    %swap3A_202 = arith.index_cast %swap3A_201 : i32 to index
    %swap3A_203 = arith.constant 112 : index
    %swap3A_204 = tpu.vector_load %arg10[%swap3A_202, %swap3A_203] {strides = array<i32>} : memref<8x128xf32, #tpu.memory_space<vmem>>, vector<1x16xf32>,
    %swap3A_205 = vector.shape_cast %swap3A_204 : vector<1x16xf32> to vector<16xf32>
    %swap3A_206 = vector.shape_cast %broadcast_in_dim3A_200 : vector<16xf32> to vector<1x16xf32>
    tpu.vector_store %arg10[%swap3A_202, %swap3A_203], %swap3A_206 {strides = array<i32>} : memref<8x128xf32, #tpu.memory_space<vmem>>, vector<1x16xf32>,
    %broadcast_in_dim3A_207 = arith.constant 0.000000e+00 : f32
    %broadcast_in_dim3A_208 = vector.broadcast %broadcast_in_dim3A_207 : f32 to vector<16xf32>
    %swap3A_209 = arith.constant 3 : i32
    %swap3A_210 = arith.index_cast %swap3A_209 : i32 to index
    %swap3A_211 = arith.constant 0 : index
    %swap3A_212 = tpu.vector_load %arg10[%swap3A_210, %swap3A_211] {strides = array<i32>} : memref<8x128xf32, #tpu.memory_space<vmem>>, vector<1x16xf32>,
    %swap3A_213 = vector.shape_cast %swap3A_212 : vector<1x16xf32> to vector<16xf32>
    %swap3A_214 = vector.shape_cast %broadcast_in_dim3A_208 : vector<16xf32> to vector<1x16xf32>
    tpu.vector_store %arg10[%swap3A_210, %swap3A_211], %swap3A_214 {strides = array<i32>} : memref<8x128xf32, #tpu.memory_space<vmem>>, vector<1x16xf32>,
    %broadcast_in_dim3A_215 = arith.constant 0.000000e+00 : f32
    %broadcast_in_dim3A_216 = vector.broadcast %broadcast_in_dim3A_215 : f32 to vector<16xf32>
    %swap3A_217 = arith.constant 3 : i32
    %swap3A_218 = arith.index_cast %swap3A_217 : i32 to index
    %swap3A_219 = arith.constant 16 : index
    %swap3A_220 = tpu.vector_load %arg10[%swap3A_218, %swap3A_219] {strides = array<i32>} : memref<8x128xf32, #tpu.memory_space<vmem>>, vector<1x16xf32>,
    %swap3A_221 = vector.shape_cast %swap3A_220 : vector<1x16xf32> to vector<16xf32>
    %swap3A_222 = vector.shape_cast %broadcast_in_dim3A_216 : vector<16xf32> to vector<1x16xf32>
    tpu.vector_store %arg10[%swap3A_218, %swap3A_219], %swap3A_222 {strides = array<i32>} : memref<8x128xf32, #tpu.memory_space<vmem>>, vector<1x16xf32>,
    %broadcast_in_dim3A_223 = arith.constant 0.000000e+00 : f32
    %broadcast_in_dim3A_224 = vector.broadcast %broadcast_in_dim3A_223 : f32 to vector<16xf32>
    %swap3A_225 = arith.constant 3 : i32
    %swap3A_226 = arith.index_cast %swap3A_225 : i32 to index
    %swap3A_227 = arith.constant 32 : index
    %swap3A_228 = tpu.vector_load %arg10[%swap3A_226, %swap3A_227] {strides = array<i32>} : memref<8x128xf32, #tpu.memory_space<vmem>>, vector<1x16xf32>,
    %swap3A_229 = vector.shape_cast %swap3A_228 : vector<1x16xf32> to vector<16xf32>
    %swap3A_230 = vector.shape_cast %broadcast_in_dim3A_224 : vector<16xf32> to vector<1x16xf32>
    tpu.vector_store %arg10[%swap3A_226, %swap3A_227], %swap3A_230 {strides = array<i32>} : memref<8x128xf32, #tpu.memory_space<vmem>>, vector<1x16xf32>,
    %broadcast_in_dim3A_231 = arith.constant 0.000000e+00 : f32
    %broadcast_in_dim3A_232 = vector.broadcast %broadcast_in_dim3A_231 : f32 to vector<16xf32>
    %swap3A_233 = arith.constant 3 : i32
    %swap3A_234 = arith.index_cast %swap3A_233 : i32 to index
    %swap3A_235 = arith.constant 48 : index
    %swap3A_236 = tpu.vector_load %arg10[%swap3A_234, %swap3A_235] {strides = array<i32>} : memref<8x128xf32, #tpu.memory_space<vmem>>, vector<1x16xf32>,
    %swap3A_237 = vector.shape_cast %swap3A_236 : vector<1x16xf32> to vector<16xf32>
    %swap3A_238 = vector.shape_cast %broadcast_in_dim3A_232 : vector<16xf32> to vector<1x16xf32>
    tpu.vector_store %arg10[%swap3A_234, %swap3A_235], %swap3A_238 {strides = array<i32>} : memref<8x128xf32, #tpu.memory_space<vmem>>, vector<1x16xf32>,
    %broadcast_in_dim3A_239 = arith.constant 0.000000e+00 : f32
    %broadcast_in_dim3A_240 = vector.broadcast %broadcast_in_dim3A_239 : f32 to vector<16xf32>
    %swap3A_241 = arith.constant 3 : i32
    %swap3A_242 = arith.index_cast %swap3A_241 : i32 to index
    %swap3A_243 = arith.constant 64 : index
    %swap3A_244 = tpu.vector_load %arg10[%swap3A_242, %swap3A_243] {strides = array<i32>} : memref<8x128xf32, #tpu.memory_space<vmem>>, vector<1x16xf32>,
    %swap3A_245 = vector.shape_cast %swap3A_244 : vector<1x16xf32> to vector<16xf32>
    %swap3A_246 = vector.shape_cast %broadcast_in_dim3A_240 : vector<16xf32> to vector<1x16xf32>
    tpu.vector_store %arg10[%swap3A_242, %swap3A_243], %swap3A_246 {strides = array<i32>} : memref<8x128xf32, #tpu.memory_space<vmem>>, vector<1x16xf32>,
    %broadcast_in_dim3A_247 = arith.constant 0.000000e+00 : f32
    %broadcast_in_dim3A_248 = vector.broadcast %broadcast_in_dim3A_247 : f32 to vector<16xf32>
    %swap3A_249 = arith.constant 3 : i32
    %swap3A_250 = arith.index_cast %swap3A_249 : i32 to index
    %swap3A_251 = arith.constant 80 : index
    %swap3A_252 = tpu.vector_load %arg10[%swap3A_250, %swap3A_251] {strides = array<i32>} : memref<8x128xf32, #tpu.memory_space<vmem>>, vector<1x16xf32>,
    %swap3A_253 = vector.shape_cast %swap3A_252 : vector<1x16xf32> to vector<16xf32>
    %swap3A_254 = vector.shape_cast %broadcast_in_dim3A_248 : vector<16xf32> to vector<1x16xf32>
    tpu.vector_store %arg10[%swap3A_250, %swap3A_251], %swap3A_254 {strides = array<i32>} : memref<8x128xf32, #tpu.memory_space<vmem>>, vector<1x16xf32>,
    %broadcast_in_dim3A_255 = arith.constant 0.000000e+00 : f32
    %broadcast_in_dim3A_256 = vector.broadcast %broadcast_in_dim3A_255 : f32 to vector<16xf32>
    %swap3A_257 = arith.constant 3 : i32
    %swap3A_258 = arith.index_cast %swap3A_257 : i32 to index
    %swap3A_259 = arith.constant 96 : index
    %swap3A_260 = tpu.vector_load %arg10[%swap3A_258, %swap3A_259] {strides = array<i32>} : memref<8x128xf32, #tpu.memory_space<vmem>>, vector<1x16xf32>,
    %swap3A_261 = vector.shape_cast %swap3A_260 : vector<1x16xf32> to vector<16xf32>
    %swap3A_262 = vector.shape_cast %broadcast_in_dim3A_256 : vector<16xf32> to vector<1x16xf32>
    tpu.vector_store %arg10[%swap3A_258, %swap3A_259], %swap3A_262 {strides = array<i32>} : memref<8x128xf32, #tpu.memory_space<vmem>>, vector<1x16xf32>,
    %broadcast_in_dim3A_263 = arith.constant 0.000000e+00 : f32
    %broadcast_in_dim3A_264 = vector.broadcast %broadcast_in_dim3A_263 : f32 to vector<16xf32>
    %swap3A_265 = arith.constant 3 : i32
    %swap3A_266 = arith.index_cast %swap3A_265 : i32 to index
    %swap3A_267 = arith.constant 112 : index
    %swap3A_268 = tpu.vector_load %arg10[%swap3A_266, %swap3A_267] {strides = array<i32>} : memref<8x128xf32, #tpu.memory_space<vmem>>, vector<1x16xf32>,
    %swap3A_269 = vector.shape_cast %swap3A_268 : vector<1x16xf32> to vector<16xf32>
    %swap3A_270 = vector.shape_cast %broadcast_in_dim3A_264 : vector<16xf32> to vector<1x16xf32>
    tpu.vector_store %arg10[%swap3A_266, %swap3A_267], %swap3A_270 {strides = array<i32>} : memref<8x128xf32, #tpu.memory_space<vmem>>, vector<1x16xf32>,
    %broadcast_in_dim3A_271 = arith.constant 0.000000e+00 : f32
    %broadcast_in_dim3A_272 = vector.broadcast %broadcast_in_dim3A_271 : f32 to vector<16xf32>
    %swap3A_273 = arith.constant 4 : i32
    %swap3A_274 = arith.index_cast %swap3A_273 : i32 to index
    %swap3A_275 = arith.constant 0 : index
    %swap3A_276 = tpu.vector_load %arg10[%swap3A_274, %swap3A_275] {strides = array<i32>} : memref<8x128xf32, #tpu.memory_space<vmem>>, vector<1x16xf32>,
    %swap3A_277 = vector.shape_cast %swap3A_276 : vector<1x16xf32> to vector<16xf32>
    %swap3A_278 = vector.shape_cast %broadcast_in_dim3A_272 : vector<16xf32> to vector<1x16xf32>
    tpu.vector_store %arg10[%swap3A_274, %swap3A_275], %swap3A_278 {strides = array<i32>} : memref<8x128xf32, #tpu.memory_space<vmem>>, vector<1x16xf32>,
    %broadcast_in_dim3A_279 = arith.constant 0.000000e+00 : f32
    %broadcast_in_dim3A_280 = vector.broadcast %broadcast_in_dim3A_279 : f32 to vector<16xf32>
    %swap3A_281 = arith.constant 4 : i32
    %swap3A_282 = arith.index_cast %swap3A_281 : i32 to index
    %swap3A_283 = arith.constant 16 : index
    %swap3A_284 = tpu.vector_load %arg10[%swap3A_282, %swap3A_283] {strides = array<i32>} : memref<8x128xf32, #tpu.memory_space<vmem>>, vector<1x16xf32>,
    %swap3A_285 = vector.shape_cast %swap3A_284 : vector<1x16xf32> to vector<16xf32>
    %swap3A_286 = vector.shape_cast %broadcast_in_dim3A_280 : vector<16xf32> to vector<1x16xf32>
    tpu.vector_store %arg10[%swap3A_282, %swap3A_283], %swap3A_286 {strides = array<i32>} : memref<8x128xf32, #tpu.memory_space<vmem>>, vector<1x16xf32>,
    %broadcast_in_dim3A_287 = arith.constant 0.000000e+00 : f32
    %broadcast_in_dim3A_288 = vector.broadcast %broadcast_in_dim3A_287 : f32 to vector<16xf32>
    %swap3A_289 = arith.constant 4 : i32
    %swap3A_290 = arith.index_cast %swap3A_289 : i32 to index
    %swap3A_291 = arith.constant 32 : index
    %swap3A_292 = tpu.vector_load %arg10[%swap3A_290, %swap3A_291] {strides = array<i32>} : memref<8x128xf32, #tpu.memory_space<vmem>>, vector<1x16xf32>,
    %swap3A_293 = vector.shape_cast %swap3A_292 : vector<1x16xf32> to vector<16xf32>
    %swap3A_294 = vector.shape_cast %broadcast_in_dim3A_288 : vector<16xf32> to vector<1x16xf32>
    tpu.vector_store %arg10[%swap3A_290, %swap3A_291], %swap3A_294 {strides = array<i32>} : memref<8x128xf32, #tpu.memory_space<vmem>>, vector<1x16xf32>,
    %broadcast_in_dim3A_295 = arith.constant 0.000000e+00 : f32
    %broadcast_in_dim3A_296 = vector.broadcast %broadcast_in_dim3A_295 : f32 to vector<16xf32>
    %swap3A_297 = arith.constant 4 : i32
    %swap3A_298 = arith.index_cast %swap3A_297 : i32 to index
    %swap3A_299 = arith.constant 48 : index
    %swap3A_300 = tpu.vector_load %arg10[%swap3A_298, %swap3A_299] {strides = array<i32>} : memref<8x128xf32, #tpu.memory_space<vmem>>, vector<1x16xf32>,
    %swap3A_301 = vector.shape_cast %swap3A_300 : vector<1x16xf32> to vector<16xf32>
    %swap3A_302 = vector.shape_cast %broadcast_in_dim3A_296 : vector<16xf32> to vector<1x16xf32>
    tpu.vector_store %arg10[%swap3A_298, %swap3A_299], %swap3A_302 {strides = array<i32>} : memref<8x128xf32, #tpu.memory_space<vmem>>, vector<1x16xf32>,
    %broadcast_in_dim3A_303 = arith.constant 0.000000e+00 : f32
    %broadcast_in_dim3A_304 = vector.broadcast %broadcast_in_dim3A_303 : f32 to vector<16xf32>
    %swap3A_305 = arith.constant 4 : i32
    %swap3A_306 = arith.index_cast %swap3A_305 : i32 to index
    %swap3A_307 = arith.constant 64 : index
    %swap3A_308 = tpu.vector_load %arg10[%swap3A_306, %swap3A_307] {strides = array<i32>} : memref<8x128xf32, #tpu.memory_space<vmem>>, vector<1x16xf32>,
    %swap3A_309 = vector.shape_cast %swap3A_308 : vector<1x16xf32> to vector<16xf32>
    %swap3A_310 = vector.shape_cast %broadcast_in_dim3A_304 : vector<16xf32> to vector<1x16xf32>
    tpu.vector_store %arg10[%swap3A_306, %swap3A_307], %swap3A_310 {strides = array<i32>} : memref<8x128xf32, #tpu.memory_space<vmem>>, vector<1x16xf32>,
    %broadcast_in_dim3A_311 = arith.constant 0.000000e+00 : f32
    %broadcast_in_dim3A_312 = vector.broadcast %broadcast_in_dim3A_311 : f32 to vector<16xf32>
    %swap3A_313 = arith.constant 4 : i32
    %swap3A_314 = arith.index_cast %swap3A_313 : i32 to index
    %swap3A_315 = arith.constant 80 : index
    %swap3A_316 = tpu.vector_load %arg10[%swap3A_314, %swap3A_315] {strides = array<i32>} : memref<8x128xf32, #tpu.memory_space<vmem>>, vector<1x16xf32>,
    %swap3A_317 = vector.shape_cast %swap3A_316 : vector<1x16xf32> to vector<16xf32>
    %swap3A_318 = vector.shape_cast %broadcast_in_dim3A_312 : vector<16xf32> to vector<1x16xf32>
    tpu.vector_store %arg10[%swap3A_314, %swap3A_315], %swap3A_318 {strides = array<i32>} : memref<8x128xf32, #tpu.memory_space<vmem>>, vector<1x16xf32>,
    %broadcast_in_dim3A_319 = arith.constant 0.000000e+00 : f32
    %broadcast_in_dim3A_320 = vector.broadcast %broadcast_in_dim3A_319 : f32 to vector<16xf32>
    %swap3A_321 = arith.constant 4 : i32
    %swap3A_322 = arith.index_cast %swap3A_321 : i32 to index
    %swap3A_323 = arith.constant 96 : index
    %swap3A_324 = tpu.vector_load %arg10[%swap3A_322, %swap3A_323] {strides = array<i32>} : memref<8x128xf32, #tpu.memory_space<vmem>>, vector<1x16xf32>,
    %swap3A_325 = vector.shape_cast %swap3A_324 : vector<1x16xf32> to vector<16xf32>
    %swap3A_326 = vector.shape_cast %broadcast_in_dim3A_320 : vector<16xf32> to vector<1x16xf32>
    tpu.vector_store %arg10[%swap3A_322, %swap3A_323], %swap3A_326 {strides = array<i32>} : memref<8x128xf32, #tpu.memory_space<vmem>>, vector<1x16xf32>,
    %broadcast_in_dim3A_327 = arith.constant 0.000000e+00 : f32
    %broadcast_in_dim3A_328 = vector.broadcast %broadcast_in_dim3A_327 : f32 to vector<16xf32>
    %swap3A_329 = arith.constant 4 : i32
    %swap3A_330 = arith.index_cast %swap3A_329 : i32 to index
    %swap3A_331 = arith.constant 112 : index
    %swap3A_332 = tpu.vector_load %arg10[%swap3A_330, %swap3A_331] {strides = array<i32>} : memref<8x128xf32, #tpu.memory_space<vmem>>, vector<1x16xf32>,
    %swap3A_333 = vector.shape_cast %swap3A_332 : vector<1x16xf32> to vector<16xf32>
    %swap3A_334 = vector.shape_cast %broadcast_in_dim3A_328 : vector<16xf32> to vector<1x16xf32>
    tpu.vector_store %arg10[%swap3A_330, %swap3A_331], %swap3A_334 {strides = array<i32>} : memref<8x128xf32, #tpu.memory_space<vmem>>, vector<1x16xf32>,
    %broadcast_in_dim3A_335 = arith.constant 0.000000e+00 : f32
    %broadcast_in_dim3A_336 = vector.broadcast %broadcast_in_dim3A_335 : f32 to vector<16xf32>
    %swap3A_337 = arith.constant 5 : i32
    %swap3A_338 = arith.index_cast %swap3A_337 : i32 to index
    %swap3A_339 = arith.constant 0 : index
    %swap3A_340 = tpu.vector_load %arg10[%swap3A_338, %swap3A_339] {strides = array<i32>} : memref<8x128xf32, #tpu.memory_space<vmem>>, vector<1x16xf32>,
    %swap3A_341 = vector.shape_cast %swap3A_340 : vector<1x16xf32> to vector<16xf32>
    %swap3A_342 = vector.shape_cast %broadcast_in_dim3A_336 : vector<16xf32> to vector<1x16xf32>
    tpu.vector_store %arg10[%swap3A_338, %swap3A_339], %swap3A_342 {strides = array<i32>} : memref<8x128xf32, #tpu.memory_space<vmem>>, vector<1x16xf32>,
    %broadcast_in_dim3A_343 = arith.constant 0.000000e+00 : f32
    %broadcast_in_dim3A_344 = vector.broadcast %broadcast_in_dim3A_343 : f32 to vector<16xf32>
    %swap3A_345 = arith.constant 5 : i32
    %swap3A_346 = arith.index_cast %swap3A_345 : i32 to index
    %swap3A_347 = arith.constant 16 : index
    %swap3A_348 = tpu.vector_load %arg10[%swap3A_346, %swap3A_347] {strides = array<i32>} : memref<8x128xf32, #tpu.memory_space<vmem>>, vector<1x16xf32>,
    %swap3A_349 = vector.shape_cast %swap3A_348 : vector<1x16xf32> to vector<16xf32>
    %swap3A_350 = vector.shape_cast %broadcast_in_dim3A_344 : vector<16xf32> to vector<1x16xf32>
    tpu.vector_store %arg10[%swap3A_346, %swap3A_347], %swap3A_350 {strides = array<i32>} : memref<8x128xf32, #tpu.memory_space<vmem>>, vector<1x16xf32>,
    %broadcast_in_dim3A_351 = arith.constant 0.000000e+00 : f32
    %broadcast_in_dim3A_352 = vector.broadcast %broadcast_in_dim3A_351 : f32 to vector<16xf32>
    %swap3A_353 = arith.constant 5 : i32
    %swap3A_354 = arith.index_cast %swap3A_353 : i32 to index
    %swap3A_355 = arith.constant 32 : index
    %swap3A_356 = tpu.vector_load %arg10[%swap3A_354, %swap3A_355] {strides = array<i32>} : memref<8x128xf32, #tpu.memory_space<vmem>>, vector<1x16xf32>,
    %swap3A_357 = vector.shape_cast %swap3A_356 : vector<1x16xf32> to vector<16xf32>
    %swap3A_358 = vector.shape_cast %broadcast_in_dim3A_352 : vector<16xf32> to vector<1x16xf32>
    tpu.vector_store %arg10[%swap3A_354, %swap3A_355], %swap3A_358 {strides = array<i32>} : memref<8x128xf32, #tpu.memory_space<vmem>>, vector<1x16xf32>,
    %broadcast_in_dim3A_359 = arith.constant 0.000000e+00 : f32
    %broadcast_in_dim3A_360 = vector.broadcast %broadcast_in_dim3A_359 : f32 to vector<16xf32>
    %swap3A_361 = arith.constant 5 : i32
    %swap3A_362 = arith.index_cast %swap3A_361 : i32 to index
    %swap3A_363 = arith.constant 48 : index
    %swap3A_364 = tpu.vector_load %arg10[%swap3A_362, %swap3A_363] {strides = array<i32>} : memref<8x128xf32, #tpu.memory_space<vmem>>, vector<1x16xf32>,
    %swap3A_365 = vector.shape_cast %swap3A_364 : vector<1x16xf32> to vector<16xf32>
    %swap3A_366 = vector.shape_cast %broadcast_in_dim3A_360 : vector<16xf32> to vector<1x16xf32>
    tpu.vector_store %arg10[%swap3A_362, %swap3A_363], %swap3A_366 {strides = array<i32>} : memref<8x128xf32, #tpu.memory_space<vmem>>, vector<1x16xf32>,
    %broadcast_in_dim3A_367 = arith.constant 0.000000e+00 : f32
    %broadcast_in_dim3A_368 = vector.broadcast %broadcast_in_dim3A_367 : f32 to vector<16xf32>
    %swap3A_369 = arith.constant 5 : i32
    %swap3A_370 = arith.index_cast %swap3A_369 : i32 to index
    %swap3A_371 = arith.constant 64 : index
    %swap3A_372 = tpu.vector_load %arg10[%swap3A_370, %swap3A_371] {strides = array<i32>} : memref<8x128xf32, #tpu.memory_space<vmem>>, vector<1x16xf32>,
    %swap3A_373 = vector.shape_cast %swap3A_372 : vector<1x16xf32> to vector<16xf32>
    %swap3A_374 = vector.shape_cast %broadcast_in_dim3A_368 : vector<16xf32> to vector<1x16xf32>
    tpu.vector_store %arg10[%swap3A_370, %swap3A_371], %swap3A_374 {strides = array<i32>} : memref<8x128xf32, #tpu.memory_space<vmem>>, vector<1x16xf32>,
    %broadcast_in_dim3A_375 = arith.constant 0.000000e+00 : f32
    %broadcast_in_dim3A_376 = vector.broadcast %broadcast_in_dim3A_375 : f32 to vector<16xf32>
    %swap3A_377 = arith.constant 5 : i32
    %swap3A_378 = arith.index_cast %swap3A_377 : i32 to index
    %swap3A_379 = arith.constant 80 : index
    %swap3A_380 = tpu.vector_load %arg10[%swap3A_378, %swap3A_379] {strides = array<i32>} : memref<8x128xf32, #tpu.memory_space<vmem>>, vector<1x16xf32>,
    %swap3A_381 = vector.shape_cast %swap3A_380 : vector<1x16xf32> to vector<16xf32>
    %swap3A_382 = vector.shape_cast %broadcast_in_dim3A_376 : vector<16xf32> to vector<1x16xf32>
    tpu.vector_store %arg10[%swap3A_378, %swap3A_379], %swap3A_382 {strides = array<i32>} : memref<8x128xf32, #tpu.memory_space<vmem>>, vector<1x16xf32>,
    %broadcast_in_dim3A_383 = arith.constant 0.000000e+00 : f32
    %broadcast_in_dim3A_384 = vector.broadcast %broadcast_in_dim3A_383 : f32 to vector<16xf32>
    %swap3A_385 = arith.constant 5 : i32
    %swap3A_386 = arith.index_cast %swap3A_385 : i32 to index
    %swap3A_387 = arith.constant 96 : index
    %swap3A_388 = tpu.vector_load %arg10[%swap3A_386, %swap3A_387] {strides = array<i32>} : memref<8x128xf32, #tpu.memory_space<vmem>>, vector<1x16xf32>,
    %swap3A_389 = vector.shape_cast %swap3A_388 : vector<1x16xf32> to vector<16xf32>
    %swap3A_390 = vector.shape_cast %broadcast_in_dim3A_384 : vector<16xf32> to vector<1x16xf32>
    tpu.vector_store %arg10[%swap3A_386, %swap3A_387], %swap3A_390 {strides = array<i32>} : memref<8x128xf32, #tpu.memory_space<vmem>>, vector<1x16xf32>,
    %broadcast_in_dim3A_391 = arith.constant 0.000000e+00 : f32
    %broadcast_in_dim3A_392 = vector.broadcast %broadcast_in_dim3A_391 : f32 to vector<16xf32>
    %swap3A_393 = arith.constant 5 : i32
    %swap3A_394 = arith.index_cast %swap3A_393 : i32 to index
    %swap3A_395 = arith.constant 112 : index
    %swap3A_396 = tpu.vector_load %arg10[%swap3A_394, %swap3A_395] {strides = array<i32>} : memref<8x128xf32, #tpu.memory_space<vmem>>, vector<1x16xf32>,
    %swap3A_397 = vector.shape_cast %swap3A_396 : vector<1x16xf32> to vector<16xf32>
    %swap3A_398 = vector.shape_cast %broadcast_in_dim3A_392 : vector<16xf32> to vector<1x16xf32>
    tpu.vector_store %arg10[%swap3A_394, %swap3A_395], %swap3A_398 {strides = array<i32>} : memref<8x128xf32, #tpu.memory_space<vmem>>, vector<1x16xf32>,
    %broadcast_in_dim3A_399 = arith.constant 0.000000e+00 : f32
    %broadcast_in_dim3A_400 = vector.broadcast %broadcast_in_dim3A_399 : f32 to vector<16xf32>
    %swap3A_401 = arith.constant 6 : i32
    %swap3A_402 = arith.index_cast %swap3A_401 : i32 to index
    %swap3A_403 = arith.constant 0 : index
    %swap3A_404 = tpu.vector_load %arg10[%swap3A_402, %swap3A_403] {strides = array<i32>} : memref<8x128xf32, #tpu.memory_space<vmem>>, vector<1x16xf32>,
    %swap3A_405 = vector.shape_cast %swap3A_404 : vector<1x16xf32> to vector<16xf32>
    %swap3A_406 = vector.shape_cast %broadcast_in_dim3A_400 : vector<16xf32> to vector<1x16xf32>
    tpu.vector_store %arg10[%swap3A_402, %swap3A_403], %swap3A_406 {strides = array<i32>} : memref<8x128xf32, #tpu.memory_space<vmem>>, vector<1x16xf32>,
    %broadcast_in_dim3A_407 = arith.constant 0.000000e+00 : f32
    %broadcast_in_dim3A_408 = vector.broadcast %broadcast_in_dim3A_407 : f32 to vector<16xf32>
    %swap3A_409 = arith.constant 6 : i32
    %swap3A_410 = arith.index_cast %swap3A_409 : i32 to index
    %swap3A_411 = arith.constant 16 : index
    %swap3A_412 = tpu.vector_load %arg10[%swap3A_410, %swap3A_411] {strides = array<i32>} : memref<8x128xf32, #tpu.memory_space<vmem>>, vector<1x16xf32>,
    %swap3A_413 = vector.shape_cast %swap3A_412 : vector<1x16xf32> to vector<16xf32>
    %swap3A_414 = vector.shape_cast %broadcast_in_dim3A_408 : vector<16xf32> to vector<1x16xf32>
    tpu.vector_store %arg10[%swap3A_410, %swap3A_411], %swap3A_414 {strides = array<i32>} : memref<8x128xf32, #tpu.memory_space<vmem>>, vector<1x16xf32>,
    %broadcast_in_dim3A_415 = arith.constant 0.000000e+00 : f32
    %broadcast_in_dim3A_416 = vector.broadcast %broadcast_in_dim3A_415 : f32 to vector<16xf32>
    %swap3A_417 = arith.constant 6 : i32
    %swap3A_418 = arith.index_cast %swap3A_417 : i32 to index
    %swap3A_419 = arith.constant 32 : index
    %swap3A_420 = tpu.vector_load %arg10[%swap3A_418, %swap3A_419] {strides = array<i32>} : memref<8x128xf32, #tpu.memory_space<vmem>>, vector<1x16xf32>,
    %swap3A_421 = vector.shape_cast %swap3A_420 : vector<1x16xf32> to vector<16xf32>
    %swap3A_422 = vector.shape_cast %broadcast_in_dim3A_416 : vector<16xf32> to vector<1x16xf32>
    tpu.vector_store %arg10[%swap3A_418, %swap3A_419], %swap3A_422 {strides = array<i32>} : memref<8x128xf32, #tpu.memory_space<vmem>>, vector<1x16xf32>,
    %broadcast_in_dim3A_423 = arith.constant 0.000000e+00 : f32
    %broadcast_in_dim3A_424 = vector.broadcast %broadcast_in_dim3A_423 : f32 to vector<16xf32>
    %swap3A_425 = arith.constant 6 : i32
    %swap3A_426 = arith.index_cast %swap3A_425 : i32 to index
    %swap3A_427 = arith.constant 48 : index
    %swap3A_428 = tpu.vector_load %arg10[%swap3A_426, %swap3A_427] {strides = array<i32>} : memref<8x128xf32, #tpu.memory_space<vmem>>, vector<1x16xf32>,
    %swap3A_429 = vector.shape_cast %swap3A_428 : vector<1x16xf32> to vector<16xf32>
    %swap3A_430 = vector.shape_cast %broadcast_in_dim3A_424 : vector<16xf32> to vector<1x16xf32>
    tpu.vector_store %arg10[%swap3A_426, %swap3A_427], %swap3A_430 {strides = array<i32>} : memref<8x128xf32, #tpu.memory_space<vmem>>, vector<1x16xf32>,
    %broadcast_in_dim3A_431 = arith.constant 0.000000e+00 : f32
    %broadcast_in_dim3A_432 = vector.broadcast %broadcast_in_dim3A_431 : f32 to vector<16xf32>
    %swap3A_433 = arith.constant 6 : i32
    %swap3A_434 = arith.index_cast %swap3A_433 : i32 to index
    %swap3A_435 = arith.constant 64 : index
    %swap3A_436 = tpu.vector_load %arg10[%swap3A_434, %swap3A_435] {strides = array<i32>} : memref<8x128xf32, #tpu.memory_space<vmem>>, vector<1x16xf32>,
    %swap3A_437 = vector.shape_cast %swap3A_436 : vector<1x16xf32> to vector<16xf32>
    %swap3A_438 = vector.shape_cast %broadcast_in_dim3A_432 : vector<16xf32> to vector<1x16xf32>
    tpu.vector_store %arg10[%swap3A_434, %swap3A_435], %swap3A_438 {strides = array<i32>} : memref<8x128xf32, #tpu.memory_space<vmem>>, vector<1x16xf32>,
    %broadcast_in_dim3A_439 = arith.constant 0.000000e+00 : f32
    %broadcast_in_dim3A_440 = vector.broadcast %broadcast_in_dim3A_439 : f32 to vector<16xf32>
    %swap3A_441 = arith.constant 6 : i32
    %swap3A_442 = arith.index_cast %swap3A_441 : i32 to index
    %swap3A_443 = arith.constant 80 : index
    %swap3A_444 = tpu.vector_load %arg10[%swap3A_442, %swap3A_443] {strides = array<i32>} : memref<8x128xf32, #tpu.memory_space<vmem>>, vector<1x16xf32>,
    %swap3A_445 = vector.shape_cast %swap3A_444 : vector<1x16xf32> to vector<16xf32>
    %swap3A_446 = vector.shape_cast %broadcast_in_dim3A_440 : vector<16xf32> to vector<1x16xf32>
    tpu.vector_store %arg10[%swap3A_442, %swap3A_443], %swap3A_446 {strides = array<i32>} : memref<8x128xf32, #tpu.memory_space<vmem>>, vector<1x16xf32>,
    %broadcast_in_dim3A_447 = arith.constant 0.000000e+00 : f32
    %broadcast_in_dim3A_448 = vector.broadcast %broadcast_in_dim3A_447 : f32 to vector<16xf32>
    %swap3A_449 = arith.constant 6 : i32
    %swap3A_450 = arith.index_cast %swap3A_449 : i32 to index
    %swap3A_451 = arith.constant 96 : index
    %swap3A_452 = tpu.vector_load %arg10[%swap3A_450, %swap3A_451] {strides = array<i32>} : memref<8x128xf32, #tpu.memory_space<vmem>>, vector<1x16xf32>,
    %swap3A_453 = vector.shape_cast %swap3A_452 : vector<1x16xf32> to vector<16xf32>
    %swap3A_454 = vector.shape_cast %broadcast_in_dim3A_448 : vector<16xf32> to vector<1x16xf32>
    tpu.vector_store %arg10[%swap3A_450, %swap3A_451], %swap3A_454 {strides = array<i32>} : memref<8x128xf32, #tpu.memory_space<vmem>>, vector<1x16xf32>,
    %broadcast_in_dim3A_455 = arith.constant 0.000000e+00 : f32
    %broadcast_in_dim3A_456 = vector.broadcast %broadcast_in_dim3A_455 : f32 to vector<16xf32>
    %swap3A_457 = arith.constant 6 : i32
    %swap3A_458 = arith.index_cast %swap3A_457 : i32 to index
    %swap3A_459 = arith.constant 112 : index
    %swap3A_460 = tpu.vector_load %arg10[%swap3A_458, %swap3A_459] {strides = array<i32>} : memref<8x128xf32, #tpu.memory_space<vmem>>, vector<1x16xf32>,
    %swap3A_461 = vector.shape_cast %swap3A_460 : vector<1x16xf32> to vector<16xf32>
    %swap3A_462 = vector.shape_cast %broadcast_in_dim3A_456 : vector<16xf32> to vector<1x16xf32>
    tpu.vector_store %arg10[%swap3A_458, %swap3A_459], %swap3A_462 {strides = array<i32>} : memref<8x128xf32, #tpu.memory_space<vmem>>, vector<1x16xf32>,
    %broadcast_in_dim3A_463 = arith.constant 0.000000e+00 : f32
    %broadcast_in_dim3A_464 = vector.broadcast %broadcast_in_dim3A_463 : f32 to vector<16xf32>
    %swap3A_465 = arith.constant 7 : i32
    %swap3A_466 = arith.index_cast %swap3A_465 : i32 to index
    %swap3A_467 = arith.constant 0 : index
    %swap3A_468 = tpu.vector_load %arg10[%swap3A_466, %swap3A_467] {strides = array<i32>} : memref<8x128xf32, #tpu.memory_space<vmem>>, vector<1x16xf32>,
    %swap3A_469 = vector.shape_cast %swap3A_468 : vector<1x16xf32> to vector<16xf32>
    %swap3A_470 = vector.shape_cast %broadcast_in_dim3A_464 : vector<16xf32> to vector<1x16xf32>
    tpu.vector_store %arg10[%swap3A_466, %swap3A_467], %swap3A_470 {strides = array<i32>} : memref<8x128xf32, #tpu.memory_space<vmem>>, vector<1x16xf32>,
    %broadcast_in_dim3A_471 = arith.constant 0.000000e+00 : f32
    %broadcast_in_dim3A_472 = vector.broadcast %broadcast_in_dim3A_471 : f32 to vector<16xf32>
    %swap3A_473 = arith.constant 7 : i32
    %swap3A_474 = arith.index_cast %swap3A_473 : i32 to index
    %swap3A_475 = arith.constant 16 : index
    %swap3A_476 = tpu.vector_load %arg10[%swap3A_474, %swap3A_475] {strides = array<i32>} : memref<8x128xf32, #tpu.memory_space<vmem>>, vector<1x16xf32>,
    %swap3A_477 = vector.shape_cast %swap3A_476 : vector<1x16xf32> to vector<16xf32>
    %swap3A_478 = vector.shape_cast %broadcast_in_dim3A_472 : vector<16xf32> to vector<1x16xf32>
    tpu.vector_store %arg10[%swap3A_474, %swap3A_475], %swap3A_478 {strides = array<i32>} : memref<8x128xf32, #tpu.memory_space<vmem>>, vector<1x16xf32>,
    %broadcast_in_dim3A_479 = arith.constant 0.000000e+00 : f32
    %broadcast_in_dim3A_480 = vector.broadcast %broadcast_in_dim3A_479 : f32 to vector<16xf32>
    %swap3A_481 = arith.constant 7 : i32
    %swap3A_482 = arith.index_cast %swap3A_481 : i32 to index
    %swap3A_483 = arith.constant 32 : index
    %swap3A_484 = tpu.vector_load %arg10[%swap3A_482, %swap3A_483] {strides = array<i32>} : memref<8x128xf32, #tpu.memory_space<vmem>>, vector<1x16xf32>,
    %swap3A_485 = vector.shape_cast %swap3A_484 : vector<1x16xf32> to vector<16xf32>
    %swap3A_486 = vector.shape_cast %broadcast_in_dim3A_480 : vector<16xf32> to vector<1x16xf32>
    tpu.vector_store %arg10[%swap3A_482, %swap3A_483], %swap3A_486 {strides = array<i32>} : memref<8x128xf32, #tpu.memory_space<vmem>>, vector<1x16xf32>,
    %broadcast_in_dim3A_487 = arith.constant 0.000000e+00 : f32
    %broadcast_in_dim3A_488 = vector.broadcast %broadcast_in_dim3A_487 : f32 to vector<16xf32>
    %swap3A_489 = arith.constant 7 : i32
    %swap3A_490 = arith.index_cast %swap3A_489 : i32 to index
    %swap3A_491 = arith.constant 48 : index
    %swap3A_492 = tpu.vector_load %arg10[%swap3A_490, %swap3A_491] {strides = array<i32>} : memref<8x128xf32, #tpu.memory_space<vmem>>, vector<1x16xf32>,
    %swap3A_493 = vector.shape_cast %swap3A_492 : vector<1x16xf32> to vector<16xf32>
    %swap3A_494 = vector.shape_cast %broadcast_in_dim3A_488 : vector<16xf32> to vector<1x16xf32>
    tpu.vector_store %arg10[%swap3A_490, %swap3A_491], %swap3A_494 {strides = array<i32>} : memref<8x128xf32, #tpu.memory_space<vmem>>, vector<1x16xf32>,
    %broadcast_in_dim3A_495 = arith.constant 0.000000e+00 : f32
    %broadcast_in_dim3A_496 = vector.broadcast %broadcast_in_dim3A_495 : f32 to vector<16xf32>
    %swap3A_497 = arith.constant 7 : i32
    %swap3A_498 = arith.index_cast %swap3A_497 : i32 to index
    %swap3A_499 = arith.constant 64 : index
    %swap3A_500 = tpu.vector_load %arg10[%swap3A_498, %swap3A_499] {strides = array<i32>} : memref<8x128xf32, #tpu.memory_space<vmem>>, vector<1x16xf32>,
    %swap3A_501 = vector.shape_cast %swap3A_500 : vector<1x16xf32> to vector<16xf32>
    %swap3A_502 = vector.shape_cast %broadcast_in_dim3A_496 : vector<16xf32> to vector<1x16xf32>
    tpu.vector_store %arg10[%swap3A_498, %swap3A_499], %swap3A_502 {strides = array<i32>} : memref<8x128xf32, #tpu.memory_space<vmem>>, vector<1x16xf32>,
    %broadcast_in_dim3A_503 = arith.constant 0.000000e+00 : f32
    %broadcast_in_dim3A_504 = vector.broadcast %broadcast_in_dim3A_503 : f32 to vector<16xf32>
    %swap3A_505 = arith.constant 7 : i32
    %swap3A_506 = arith.index_cast %swap3A_505 : i32 to index
    %swap3A_507 = arith.constant 80 : index
    %swap3A_508 = tpu.vector_load %arg10[%swap3A_506, %swap3A_507] {strides = array<i32>} : memref<8x128xf32, #tpu.memory_space<vmem>>, vector<1x16xf32>,
    %swap3A_509 = vector.shape_cast %swap3A_508 : vector<1x16xf32> to vector<16xf32>
    %swap3A_510 = vector.shape_cast %broadcast_in_dim3A_504 : vector<16xf32> to vector<1x16xf32>
    tpu.vector_store %arg10[%swap3A_506, %swap3A_507], %swap3A_510 {strides = array<i32>} : memref<8x128xf32, #tpu.memory_space<vmem>>, vector<1x16xf32>,
    %broadcast_in_dim3A_511 = arith.constant 0.000000e+00 : f32
    %broadcast_in_dim3A_512 = vector.broadcast %broadcast_in_dim3A_511 : f32 to vector<16xf32>
    %swap3A_513 = arith.constant 7 : i32
    %swap3A_514 = arith.index_cast %swap3A_513 : i32 to index
    %swap3A_515 = arith.constant 96 : index
    %swap3A_516 = tpu.vector_load %arg10[%swap3A_514, %swap3A_515] {strides = array<i32>} : memref<8x128xf32, #tpu.memory_space<vmem>>, vector<1x16xf32>,
    %swap3A_517 = vector.shape_cast %swap3A_516 : vector<1x16xf32> to vector<16xf32>
    %swap3A_518 = vector.shape_cast %broadcast_in_dim3A_512 : vector<16xf32> to vector<1x16xf32>
    tpu.vector_store %arg10[%swap3A_514, %swap3A_515], %swap3A_518 {strides = array<i32>} : memref<8x128xf32, #tpu.memory_space<vmem>>, vector<1x16xf32>,
    %broadcast_in_dim3A_519 = arith.constant 0.000000e+00 : f32
    %broadcast_in_dim3A_520 = vector.broadcast %broadcast_in_dim3A_519 : f32 to vector<16xf32>
    %swap3A_521 = arith.constant 7 : i32
    %swap3A_522 = arith.index_cast %swap3A_521 : i32 to index
    %swap3A_523 = arith.constant 112 : index
    %swap3A_524 = tpu.vector_load %arg10[%swap3A_522, %swap3A_523] {strides = array<i32>} : memref<8x128xf32, #tpu.memory_space<vmem>>, vector<1x16xf32>,
    %swap3A_525 = vector.shape_cast %swap3A_524 : vector<1x16xf32> to vector<16xf32>
    %swap3A_526 = vector.shape_cast %broadcast_in_dim3A_520 : vector<16xf32> to vector<1x16xf32>
    tpu.vector_store %arg10[%swap3A_522, %swap3A_523], %swap3A_526 {strides = array<i32>} : memref<8x128xf32, #tpu.memory_space<vmem>>, vector<1x16xf32>,
    %mul3A_527 = arith.constant 16 : i32
    %mul3A_528 = arith.muli %arg1, %mul3A_527 : i32
    %add3A_529 = arith.constant 0 : i32
    %add3A_530 = arith.addi %mul3A_528, %add3A_529 : i32
    %add3A_531 = arith.constant 0 : i32
    %add3A_532 = arith.addi %add3A_530, %add3A_531 : i32
    %broadcast_in_dim3A_533 = vector.broadcast %add3A_532 : i32 to vector<16xi32>
    %swap3A_534 = arith.constant 0 : i32
    %swap3A_535 = arith.index_cast %swap3A_534 : i32 to index
    %swap3A_536 = arith.constant 0 : index
    %swap3A_537 = tpu.vector_load %arg9[%swap3A_535, %swap3A_536] {strides = array<i32>} : memref<2x256xi32, #tpu.memory_space<vmem>>, vector<1x16xi32>,
    %swap3A_538 = vector.shape_cast %swap3A_537 : vector<1x16xi32> to vector<16xi32>
    %swap3A_539 = vector.shape_cast %broadcast_in_dim3A_533 : vector<16xi32> to vector<1x16xi32>
    tpu.vector_store %arg9[%swap3A_535, %swap3A_536], %swap3A_539 {strides = array<i32>} : memref<2x256xi32, #tpu.memory_space<vmem>>, vector<1x16xi32>,
    %mul3A_540 = arith.constant 16 : i32
    %mul3A_541 = arith.muli %arg1, %mul3A_540 : i32
    %add3A_542 = arith.constant 0 : i32
    %add3A_543 = arith.addi %mul3A_541, %add3A_542 : i32
    %add3A_544 = arith.constant 0 : i32
    %add3A_545 = arith.addi %add3A_543, %add3A_544 : i32
    %broadcast_in_dim3A_546 = vector.broadcast %add3A_545 : i32 to vector<16xi32>
    %swap3A_547 = arith.constant 0 : i32
    %swap3A_548 = arith.index_cast %swap3A_547 : i32 to index
    %swap3A_549 = arith.constant 16 : index
    %swap3A_550 = tpu.vector_load %arg9[%swap3A_548, %swap3A_549] {strides = array<i32>} : memref<2x256xi32, #tpu.memory_space<vmem>>, vector<1x16xi32>,
    %swap3A_551 = vector.shape_cast %swap3A_550 : vector<1x16xi32> to vector<16xi32>
    %swap3A_552 = vector.shape_cast %broadcast_in_dim3A_546 : vector<16xi32> to vector<1x16xi32>
    tpu.vector_store %arg9[%swap3A_548, %swap3A_549], %swap3A_552 {strides = array<i32>} : memref<2x256xi32, #tpu.memory_space<vmem>>, vector<1x16xi32>,
    %mul3A_553 = arith.constant 16 : i32
    %mul3A_554 = arith.muli %arg1, %mul3A_553 : i32
    %add3A_555 = arith.constant 0 : i32
    %add3A_556 = arith.addi %mul3A_554, %add3A_555 : i32
    %add3A_557 = arith.constant 1 : i32
    %add3A_558 = arith.addi %add3A_556, %add3A_557 : i32
    %broadcast_in_dim3A_559 = vector.broadcast %add3A_558 : i32 to vector<16xi32>
    %swap3A_560 = arith.constant 0 : i32
    %swap3A_561 = arith.index_cast %swap3A_560 : i32 to index
    %swap3A_562 = arith.constant 32 : index
    %swap3A_563 = tpu.vector_load %arg9[%swap3A_561, %swap3A_562] {strides = array<i32>} : memref<2x256xi32, #tpu.memory_space<vmem>>, vector<1x16xi32>,
    %swap3A_564 = vector.shape_cast %swap3A_563 : vector<1x16xi32> to vector<16xi32>
    %swap3A_565 = vector.shape_cast %broadcast_in_dim3A_559 : vector<16xi32> to vector<1x16xi32>
    tpu.vector_store %arg9[%swap3A_561, %swap3A_562], %swap3A_565 {strides = array<i32>} : memref<2x256xi32, #tpu.memory_space<vmem>>, vector<1x16xi32>,
    %mul3A_566 = arith.constant 16 : i32
    %mul3A_567 = arith.muli %arg1, %mul3A_566 : i32
    %add3A_568 = arith.constant 0 : i32
    %add3A_569 = arith.addi %mul3A_567, %add3A_568 : i32
    %add3A_570 = arith.constant 1 : i32
    %add3A_571 = arith.addi %add3A_569, %add3A_570 : i32
    %broadcast_in_dim3A_572 = vector.broadcast %add3A_571 : i32 to vector<16xi32>
    %swap3A_573 = arith.constant 0 : i32
    %swap3A_574 = arith.index_cast %swap3A_573 : i32 to index
    %swap3A_575 = arith.constant 48 : index
    %swap3A_576 = tpu.vector_load %arg9[%swap3A_574, %swap3A_575] {strides = array<i32>} : memref<2x256xi32, #tpu.memory_space<vmem>>, vector<1x16xi32>,
    %swap3A_577 = vector.shape_cast %swap3A_576 : vector<1x16xi32> to vector<16xi32>
    %swap3A_578 = vector.shape_cast %broadcast_in_dim3A_572 : vector<16xi32> to vector<1x16xi32>
    tpu.vector_store %arg9[%swap3A_574, %swap3A_575], %swap3A_578 {strides = array<i32>} : memref<2x256xi32, #tpu.memory_space<vmem>>, vector<1x16xi32>,
    %mul3A_579 = arith.constant 16 : i32
    %mul3A_580 = arith.muli %arg1, %mul3A_579 : i32
    %add3A_581 = arith.constant 0 : i32
    %add3A_582 = arith.addi %mul3A_580, %add3A_581 : i32
    %add3A_583 = arith.constant 2 : i32
    %add3A_584 = arith.addi %add3A_582, %add3A_583 : i32
    %broadcast_in_dim3A_585 = vector.broadcast %add3A_584 : i32 to vector<16xi32>
    %swap3A_586 = arith.constant 0 : i32
    %swap3A_587 = arith.index_cast %swap3A_586 : i32 to index
    %swap3A_588 = arith.constant 64 : index
    %swap3A_589 = tpu.vector_load %arg9[%swap3A_587, %swap3A_588] {strides = array<i32>} : memref<2x256xi32, #tpu.memory_space<vmem>>, vector<1x16xi32>,
    %swap3A_590 = vector.shape_cast %swap3A_589 : vector<1x16xi32> to vector<16xi32>
    %swap3A_591 = vector.shape_cast %broadcast_in_dim3A_585 : vector<16xi32> to vector<1x16xi32>
    tpu.vector_store %arg9[%swap3A_587, %swap3A_588], %swap3A_591 {strides = array<i32>} : memref<2x256xi32, #tpu.memory_space<vmem>>, vector<1x16xi32>,
    %mul3A_592 = arith.constant 16 : i32
    %mul3A_593 = arith.muli %arg1, %mul3A_592 : i32
    %add3A_594 = arith.constant 0 : i32
    %add3A_595 = arith.addi %mul3A_593, %add3A_594 : i32
    %add3A_596 = arith.constant 2 : i32
    %add3A_597 = arith.addi %add3A_595, %add3A_596 : i32
    %broadcast_in_dim3A_598 = vector.broadcast %add3A_597 : i32 to vector<16xi32>
    %swap3A_599 = arith.constant 0 : i32
    %swap3A_600 = arith.index_cast %swap3A_599 : i32 to index
    %swap3A_601 = arith.constant 80 : index
    %swap3A_602 = tpu.vector_load %arg9[%swap3A_600, %swap3A_601] {strides = array<i32>} : memref<2x256xi32, #tpu.memory_space<vmem>>, vector<1x16xi32>,
    %swap3A_603 = vector.shape_cast %swap3A_602 : vector<1x16xi32> to vector<16xi32>
    %swap3A_604 = vector.shape_cast %broadcast_in_dim3A_598 : vector<16xi32> to vector<1x16xi32>
    tpu.vector_store %arg9[%swap3A_600, %swap3A_601], %swap3A_604 {strides = array<i32>} : memref<2x256xi32, #tpu.memory_space<vmem>>, vector<1x16xi32>,
    %mul3A_605 = arith.constant 16 : i32
    %mul3A_606 = arith.muli %arg1, %mul3A_605 : i32
    %add3A_607 = arith.constant 0 : i32
    %add3A_608 = arith.addi %mul3A_606, %add3A_607 : i32
    %add3A_609 = arith.constant 3 : i32
    %add3A_610 = arith.addi %add3A_608, %add3A_609 : i32
    %broadcast_in_dim3A_611 = vector.broadcast %add3A_610 : i32 to vector<16xi32>
    %swap3A_612 = arith.constant 0 : i32
    %swap3A_613 = arith.index_cast %swap3A_612 : i32 to index
    %swap3A_614 = arith.constant 96 : index
    %swap3A_615 = tpu.vector_load %arg9[%swap3A_613, %swap3A_614] {strides = array<i32>} : memref<2x256xi32, #tpu.memory_space<vmem>>, vector<1x16xi32>,
    %swap3A_616 = vector.shape_cast %swap3A_615 : vector<1x16xi32> to vector<16xi32>
    %swap3A_617 = vector.shape_cast %broadcast_in_dim3A_611 : vector<16xi32> to vector<1x16xi32>
    tpu.vector_store %arg9[%swap3A_613, %swap3A_614], %swap3A_617 {strides = array<i32>} : memref<2x256xi32, #tpu.memory_space<vmem>>, vector<1x16xi32>,
    %mul3A_618 = arith.constant 16 : i32
    %mul3A_619 = arith.muli %arg1, %mul3A_618 : i32
    %add3A_620 = arith.constant 0 : i32
    %add3A_621 = arith.addi %mul3A_619, %add3A_620 : i32
    %add3A_622 = arith.constant 3 : i32
    %add3A_623 = arith.addi %add3A_621, %add3A_622 : i32
    %broadcast_in_dim3A_624 = vector.broadcast %add3A_623 : i32 to vector<16xi32>
    %swap3A_625 = arith.constant 0 : i32
    %swap3A_626 = arith.index_cast %swap3A_625 : i32 to index
    %swap3A_627 = arith.constant 112 : index
    %swap3A_628 = tpu.vector_load %arg9[%swap3A_626, %swap3A_627] {strides = array<i32>} : memref<2x256xi32, #tpu.memory_space<vmem>>, vector<1x16xi32>,
    %swap3A_629 = vector.shape_cast %swap3A_628 : vector<1x16xi32> to vector<16xi32>
    %swap3A_630 = vector.shape_cast %broadcast_in_dim3A_624 : vector<16xi32> to vector<1x16xi32>
    tpu.vector_store %arg9[%swap3A_626, %swap3A_627], %swap3A_630 {strides = array<i32>} : memref<2x256xi32, #tpu.memory_space<vmem>>, vector<1x16xi32>,
    %mul3A_631 = arith.constant 16 : i32
    %mul3A_632 = arith.muli %arg1, %mul3A_631 : i32
    %add3A_633 = arith.constant 0 : i32
    %add3A_634 = arith.addi %mul3A_632, %add3A_633 : i32
    %add3A_635 = arith.constant 4 : i32
    %add3A_636 = arith.addi %add3A_634, %add3A_635 : i32
    %broadcast_in_dim3A_637 = vector.broadcast %add3A_636 : i32 to vector<16xi32>
    %swap3A_638 = arith.constant 0 : i32
    %swap3A_639 = arith.index_cast %swap3A_638 : i32 to index
    %swap3A_640 = arith.constant 128 : index
    %swap3A_641 = tpu.vector_load %arg9[%swap3A_639, %swap3A_640] {strides = array<i32>} : memref<2x256xi32, #tpu.memory_space<vmem>>, vector<1x16xi32>,
    %swap3A_642 = vector.shape_cast %swap3A_641 : vector<1x16xi32> to vector<16xi32>
    %swap3A_643 = vector.shape_cast %broadcast_in_dim3A_637 : vector<16xi32> to vector<1x16xi32>
    tpu.vector_store %arg9[%swap3A_639, %swap3A_640], %swap3A_643 {strides = array<i32>} : memref<2x256xi32, #tpu.memory_space<vmem>>, vector<1x16xi32>,
    %mul3A_644 = arith.constant 16 : i32
    %mul3A_645 = arith.muli %arg1, %mul3A_644 : i32
    %add3A_646 = arith.constant 0 : i32
    %add3A_647 = arith.addi %mul3A_645, %add3A_646 : i32
    %add3A_648 = arith.constant 4 : i32
    %add3A_649 = arith.addi %add3A_647, %add3A_648 : i32
    %broadcast_in_dim3A_650 = vector.broadcast %add3A_649 : i32 to vector<16xi32>
    %swap3A_651 = arith.constant 0 : i32
    %swap3A_652 = arith.index_cast %swap3A_651 : i32 to index
    %swap3A_653 = arith.constant 144 : index
    %swap3A_654 = tpu.vector_load %arg9[%swap3A_652, %swap3A_653] {strides = array<i32>} : memref<2x256xi32, #tpu.memory_space<vmem>>, vector<1x16xi32>,
    %swap3A_655 = vector.shape_cast %swap3A_654 : vector<1x16xi32> to vector<16xi32>
    %swap3A_656 = vector.shape_cast %broadcast_in_dim3A_650 : vector<16xi32> to vector<1x16xi32>
    tpu.vector_store %arg9[%swap3A_652, %swap3A_653], %swap3A_656 {strides = array<i32>} : memref<2x256xi32, #tpu.memory_space<vmem>>, vector<1x16xi32>,
    %mul3A_657 = arith.constant 16 : i32
    %mul3A_658 = arith.muli %arg1, %mul3A_657 : i32
    %add3A_659 = arith.constant 0 : i32
    %add3A_660 = arith.addi %mul3A_658, %add3A_659 : i32
    %add3A_661 = arith.constant 5 : i32
    %add3A_662 = arith.addi %add3A_660, %add3A_661 : i32
    %broadcast_in_dim3A_663 = vector.broadcast %add3A_662 : i32 to vector<16xi32>
    %swap3A_664 = arith.constant 0 : i32
    %swap3A_665 = arith.index_cast %swap3A_664 : i32 to index
    %swap3A_666 = arith.constant 160 : index
    %swap3A_667 = tpu.vector_load %arg9[%swap3A_665, %swap3A_666] {strides = array<i32>} : memref<2x256xi32, #tpu.memory_space<vmem>>, vector<1x16xi32>,
    %swap3A_668 = vector.shape_cast %swap3A_667 : vector<1x16xi32> to vector<16xi32>
    %swap3A_669 = vector.shape_cast %broadcast_in_dim3A_663 : vector<16xi32> to vector<1x16xi32>
    tpu.vector_store %arg9[%swap3A_665, %swap3A_666], %swap3A_669 {strides = array<i32>} : memref<2x256xi32, #tpu.memory_space<vmem>>, vector<1x16xi32>,
    %mul3A_670 = arith.constant 16 : i32
    %mul3A_671 = arith.muli %arg1, %mul3A_670 : i32
    %add3A_672 = arith.constant 0 : i32
    %add3A_673 = arith.addi %mul3A_671, %add3A_672 : i32
    %add3A_674 = arith.constant 5 : i32
    %add3A_675 = arith.addi %add3A_673, %add3A_674 : i32
    %broadcast_in_dim3A_676 = vector.broadcast %add3A_675 : i32 to vector<16xi32>
    %swap3A_677 = arith.constant 0 : i32
    %swap3A_678 = arith.index_cast %swap3A_677 : i32 to index
    %swap3A_679 = arith.constant 176 : index
    %swap3A_680 = tpu.vector_load %arg9[%swap3A_678, %swap3A_679] {strides = array<i32>} : memref<2x256xi32, #tpu.memory_space<vmem>>, vector<1x16xi32>,
    %swap3A_681 = vector.shape_cast %swap3A_680 : vector<1x16xi32> to vector<16xi32>
    %swap3A_682 = vector.shape_cast %broadcast_in_dim3A_676 : vector<16xi32> to vector<1x16xi32>
    tpu.vector_store %arg9[%swap3A_678, %swap3A_679], %swap3A_682 {strides = array<i32>} : memref<2x256xi32, #tpu.memory_space<vmem>>, vector<1x16xi32>,
    %mul3A_683 = arith.constant 16 : i32
    %mul3A_684 = arith.muli %arg1, %mul3A_683 : i32
    %add3A_685 = arith.constant 0 : i32
    %add3A_686 = arith.addi %mul3A_684, %add3A_685 : i32
    %add3A_687 = arith.constant 6 : i32
    %add3A_688 = arith.addi %add3A_686, %add3A_687 : i32
    %broadcast_in_dim3A_689 = vector.broadcast %add3A_688 : i32 to vector<16xi32>
    %swap3A_690 = arith.constant 0 : i32
    %swap3A_691 = arith.index_cast %swap3A_690 : i32 to index
    %swap3A_692 = arith.constant 192 : index
    %swap3A_693 = tpu.vector_load %arg9[%swap3A_691, %swap3A_692] {strides = array<i32>} : memref<2x256xi32, #tpu.memory_space<vmem>>, vector<1x16xi32>,
    %swap3A_694 = vector.shape_cast %swap3A_693 : vector<1x16xi32> to vector<16xi32>
    %swap3A_695 = vector.shape_cast %broadcast_in_dim3A_689 : vector<16xi32> to vector<1x16xi32>
    tpu.vector_store %arg9[%swap3A_691, %swap3A_692], %swap3A_695 {strides = array<i32>} : memref<2x256xi32, #tpu.memory_space<vmem>>, vector<1x16xi32>,
    %mul3A_696 = arith.constant 16 : i32
    %mul3A_697 = arith.muli %arg1, %mul3A_696 : i32
    %add3A_698 = arith.constant 0 : i32
    %add3A_699 = arith.addi %mul3A_697, %add3A_698 : i32
    %add3A_700 = arith.constant 6 : i32
    %add3A_701 = arith.addi %add3A_699, %add3A_700 : i32
    %broadcast_in_dim3A_702 = vector.broadcast %add3A_701 : i32 to vector<16xi32>
    %swap3A_703 = arith.constant 0 : i32
    %swap3A_704 = arith.index_cast %swap3A_703 : i32 to index
    %swap3A_705 = arith.constant 208 : index
    %swap3A_706 = tpu.vector_load %arg9[%swap3A_704, %swap3A_705] {strides = array<i32>} : memref<2x256xi32, #tpu.memory_space<vmem>>, vector<1x16xi32>,
    %swap3A_707 = vector.shape_cast %swap3A_706 : vector<1x16xi32> to vector<16xi32>
    %swap3A_708 = vector.shape_cast %broadcast_in_dim3A_702 : vector<16xi32> to vector<1x16xi32>
    tpu.vector_store %arg9[%swap3A_704, %swap3A_705], %swap3A_708 {strides = array<i32>} : memref<2x256xi32, #tpu.memory_space<vmem>>, vector<1x16xi32>,
    %mul3A_709 = arith.constant 16 : i32
    %mul3A_710 = arith.muli %arg1, %mul3A_709 : i32
    %add3A_711 = arith.constant 0 : i32
    %add3A_712 = arith.addi %mul3A_710, %add3A_711 : i32
    %add3A_713 = arith.constant 7 : i32
    %add3A_714 = arith.addi %add3A_712, %add3A_713 : i32
    %broadcast_in_dim3A_715 = vector.broadcast %add3A_714 : i32 to vector<16xi32>
    %swap3A_716 = arith.constant 0 : i32
    %swap3A_717 = arith.index_cast %swap3A_716 : i32 to index
    %swap3A_718 = arith.constant 224 : index
    %swap3A_719 = tpu.vector_load %arg9[%swap3A_717, %swap3A_718] {strides = array<i32>} : memref<2x256xi32, #tpu.memory_space<vmem>>, vector<1x16xi32>,
    %swap3A_720 = vector.shape_cast %swap3A_719 : vector<1x16xi32> to vector<16xi32>
    %swap3A_721 = vector.shape_cast %broadcast_in_dim3A_715 : vector<16xi32> to vector<1x16xi32>
    tpu.vector_store %arg9[%swap3A_717, %swap3A_718], %swap3A_721 {strides = array<i32>} : memref<2x256xi32, #tpu.memory_space<vmem>>, vector<1x16xi32>,
    %mul3A_722 = arith.constant 16 : i32
    %mul3A_723 = arith.muli %arg1, %mul3A_722 : i32
    %add3A_724 = arith.constant 0 : i32
    %add3A_725 = arith.addi %mul3A_723, %add3A_724 : i32
    %add3A_726 = arith.constant 7 : i32
    %add3A_727 = arith.addi %add3A_725, %add3A_726 : i32
    %broadcast_in_dim3A_728 = vector.broadcast %add3A_727 : i32 to vector<16xi32>
    %swap3A_729 = arith.constant 0 : i32
    %swap3A_730 = arith.index_cast %swap3A_729 : i32 to index
    %swap3A_731 = arith.constant 240 : index
    %swap3A_732 = tpu.vector_load %arg9[%swap3A_730, %swap3A_731] {strides = array<i32>} : memref<2x256xi32, #tpu.memory_space<vmem>>, vector<1x16xi32>,
    %swap3A_733 = vector.shape_cast %swap3A_732 : vector<1x16xi32> to vector<16xi32>
    %swap3A_734 = vector.shape_cast %broadcast_in_dim3A_728 : vector<16xi32> to vector<1x16xi32>
    tpu.vector_store %arg9[%swap3A_730, %swap3A_731], %swap3A_734 {strides = array<i32>} : memref<2x256xi32, #tpu.memory_space<vmem>>, vector<1x16xi32>,
    %mul3A_735 = arith.constant 16 : i32
    %mul3A_736 = arith.muli %arg1, %mul3A_735 : i32
    %add3A_737 = arith.constant 8 : i32
    %add3A_738 = arith.addi %mul3A_736, %add3A_737 : i32
    %add3A_739 = arith.constant 0 : i32
    %add3A_740 = arith.addi %add3A_738, %add3A_739 : i32
    %broadcast_in_dim3A_741 = vector.broadcast %add3A_740 : i32 to vector<16xi32>
    %swap3A_742 = arith.constant 1 : i32
    %swap3A_743 = arith.index_cast %swap3A_742 : i32 to index
    %swap3A_744 = arith.constant 0 : index
    %swap3A_745 = tpu.vector_load %arg9[%swap3A_743, %swap3A_744] {strides = array<i32>} : memref<2x256xi32, #tpu.memory_space<vmem>>, vector<1x16xi32>,
    %swap3A_746 = vector.shape_cast %swap3A_745 : vector<1x16xi32> to vector<16xi32>
    %swap3A_747 = vector.shape_cast %broadcast_in_dim3A_741 : vector<16xi32> to vector<1x16xi32>
    tpu.vector_store %arg9[%swap3A_743, %swap3A_744], %swap3A_747 {strides = array<i32>} : memref<2x256xi32, #tpu.memory_space<vmem>>, vector<1x16xi32>,
    %mul3A_748 = arith.constant 16 : i32
    %mul3A_749 = arith.muli %arg1, %mul3A_748 : i32
    %add3A_750 = arith.constant 8 : i32
    %add3A_751 = arith.addi %mul3A_749, %add3A_750 : i32
    %add3A_752 = arith.constant 0 : i32
    %add3A_753 = arith.addi %add3A_751, %add3A_752 : i32
    %broadcast_in_dim3A_754 = vector.broadcast %add3A_753 : i32 to vector<16xi32>
    %swap3A_755 = arith.constant 1 : i32
    %swap3A_756 = arith.index_cast %swap3A_755 : i32 to index
    %swap3A_757 = arith.constant 16 : index
    %swap3A_758 = tpu.vector_load %arg9[%swap3A_756, %swap3A_757] {strides = array<i32>} : memref<2x256xi32, #tpu.memory_space<vmem>>, vector<1x16xi32>,
    %swap3A_759 = vector.shape_cast %swap3A_758 : vector<1x16xi32> to vector<16xi32>
    %swap3A_760 = vector.shape_cast %broadcast_in_dim3A_754 : vector<16xi32> to vector<1x16xi32>
    tpu.vector_store %arg9[%swap3A_756, %swap3A_757], %swap3A_760 {strides = array<i32>} : memref<2x256xi32, #tpu.memory_space<vmem>>, vector<1x16xi32>,
    %mul3A_761 = arith.constant 16 : i32
    %mul3A_762 = arith.muli %arg1, %mul3A_761 : i32
    %add3A_763 = arith.constant 8 : i32
    %add3A_764 = arith.addi %mul3A_762, %add3A_763 : i32
    %add3A_765 = arith.constant 1 : i32
    %add3A_766 = arith.addi %add3A_764, %add3A_765 : i32
    %broadcast_in_dim3A_767 = vector.broadcast %add3A_766 : i32 to vector<16xi32>
    %swap3A_768 = arith.constant 1 : i32
    %swap3A_769 = arith.index_cast %swap3A_768 : i32 to index
    %swap3A_770 = arith.constant 32 : index
    %swap3A_771 = tpu.vector_load %arg9[%swap3A_769, %swap3A_770] {strides = array<i32>} : memref<2x256xi32, #tpu.memory_space<vmem>>, vector<1x16xi32>,
    %swap3A_772 = vector.shape_cast %swap3A_771 : vector<1x16xi32> to vector<16xi32>
    %swap3A_773 = vector.shape_cast %broadcast_in_dim3A_767 : vector<16xi32> to vector<1x16xi32>
    tpu.vector_store %arg9[%swap3A_769, %swap3A_770], %swap3A_773 {strides = array<i32>} : memref<2x256xi32, #tpu.memory_space<vmem>>, vector<1x16xi32>,
    %mul3A_774 = arith.constant 16 : i32
    %mul3A_775 = arith.muli %arg1, %mul3A_774 : i32
    %add3A_776 = arith.constant 8 : i32
    %add3A_777 = arith.addi %mul3A_775, %add3A_776 : i32
    %add3A_778 = arith.constant 1 : i32
    %add3A_779 = arith.addi %add3A_777, %add3A_778 : i32
    %broadcast_in_dim3A_780 = vector.broadcast %add3A_779 : i32 to vector<16xi32>
    %swap3A_781 = arith.constant 1 : i32
    %swap3A_782 = arith.index_cast %swap3A_781 : i32 to index
    %swap3A_783 = arith.constant 48 : index
    %swap3A_784 = tpu.vector_load %arg9[%swap3A_782, %swap3A_783] {strides = array<i32>} : memref<2x256xi32, #tpu.memory_space<vmem>>, vector<1x16xi32>,
    %swap3A_785 = vector.shape_cast %swap3A_784 : vector<1x16xi32> to vector<16xi32>
    %swap3A_786 = vector.shape_cast %broadcast_in_dim3A_780 : vector<16xi32> to vector<1x16xi32>
    tpu.vector_store %arg9[%swap3A_782, %swap3A_783], %swap3A_786 {strides = array<i32>} : memref<2x256xi32, #tpu.memory_space<vmem>>, vector<1x16xi32>,
    %mul3A_787 = arith.constant 16 : i32
    %mul3A_788 = arith.muli %arg1, %mul3A_787 : i32
    %add3A_789 = arith.constant 8 : i32
    %add3A_790 = arith.addi %mul3A_788, %add3A_789 : i32
    %add3A_791 = arith.constant 2 : i32
    %add3A_792 = arith.addi %add3A_790, %add3A_791 : i32
    %broadcast_in_dim3A_793 = vector.broadcast %add3A_792 : i32 to vector<16xi32>
    %swap3A_794 = arith.constant 1 : i32
    %swap3A_795 = arith.index_cast %swap3A_794 : i32 to index
    %swap3A_796 = arith.constant 64 : index
    %swap3A_797 = tpu.vector_load %arg9[%swap3A_795, %swap3A_796] {strides = array<i32>} : memref<2x256xi32, #tpu.memory_space<vmem>>, vector<1x16xi32>,
    %swap3A_798 = vector.shape_cast %swap3A_797 : vector<1x16xi32> to vector<16xi32>
    %swap3A_799 = vector.shape_cast %broadcast_in_dim3A_793 : vector<16xi32> to vector<1x16xi32>
    tpu.vector_store %arg9[%swap3A_795, %swap3A_796], %swap3A_799 {strides = array<i32>} : memref<2x256xi32, #tpu.memory_space<vmem>>, vector<1x16xi32>,
    %mul3A_800 = arith.constant 16 : i32
    %mul3A_801 = arith.muli %arg1, %mul3A_800 : i32
    %add3A_802 = arith.constant 8 : i32
    %add3A_803 = arith.addi %mul3A_801, %add3A_802 : i32
    %add3A_804 = arith.constant 2 : i32
    %add3A_805 = arith.addi %add3A_803, %add3A_804 : i32
    %broadcast_in_dim3A_806 = vector.broadcast %add3A_805 : i32 to vector<16xi32>
    %swap3A_807 = arith.constant 1 : i32
    %swap3A_808 = arith.index_cast %swap3A_807 : i32 to index
    %swap3A_809 = arith.constant 80 : index
    %swap3A_810 = tpu.vector_load %arg9[%swap3A_808, %swap3A_809] {strides = array<i32>} : memref<2x256xi32, #tpu.memory_space<vmem>>, vector<1x16xi32>,
    %swap3A_811 = vector.shape_cast %swap3A_810 : vector<1x16xi32> to vector<16xi32>
    %swap3A_812 = vector.shape_cast %broadcast_in_dim3A_806 : vector<16xi32> to vector<1x16xi32>
    tpu.vector_store %arg9[%swap3A_808, %swap3A_809], %swap3A_812 {strides = array<i32>} : memref<2x256xi32, #tpu.memory_space<vmem>>, vector<1x16xi32>,
    %mul3A_813 = arith.constant 16 : i32
    %mul3A_814 = arith.muli %arg1, %mul3A_813 : i32
    %add3A_815 = arith.constant 8 : i32
    %add3A_816 = arith.addi %mul3A_814, %add3A_815 : i32
    %add3A_817 = arith.constant 3 : i32
    %add3A_818 = arith.addi %add3A_816, %add3A_817 : i32
    %broadcast_in_dim3A_819 = vector.broadcast %add3A_818 : i32 to vector<16xi32>
    %swap3A_820 = arith.constant 1 : i32
    %swap3A_821 = arith.index_cast %swap3A_820 : i32 to index
    %swap3A_822 = arith.constant 96 : index
    %swap3A_823 = tpu.vector_load %arg9[%swap3A_821, %swap3A_822] {strides = array<i32>} : memref<2x256xi32, #tpu.memory_space<vmem>>, vector<1x16xi32>,
    %swap3A_824 = vector.shape_cast %swap3A_823 : vector<1x16xi32> to vector<16xi32>
    %swap3A_825 = vector.shape_cast %broadcast_in_dim3A_819 : vector<16xi32> to vector<1x16xi32>
    tpu.vector_store %arg9[%swap3A_821, %swap3A_822], %swap3A_825 {strides = array<i32>} : memref<2x256xi32, #tpu.memory_space<vmem>>, vector<1x16xi32>,
    %mul3A_826 = arith.constant 16 : i32
    %mul3A_827 = arith.muli %arg1, %mul3A_826 : i32
    %add3A_828 = arith.constant 8 : i32
    %add3A_829 = arith.addi %mul3A_827, %add3A_828 : i32
    %add3A_830 = arith.constant 3 : i32
    %add3A_831 = arith.addi %add3A_829, %add3A_830 : i32
    %broadcast_in_dim3A_832 = vector.broadcast %add3A_831 : i32 to vector<16xi32>
    %swap3A_833 = arith.constant 1 : i32
    %swap3A_834 = arith.index_cast %swap3A_833 : i32 to index
    %swap3A_835 = arith.constant 112 : index
    %swap3A_836 = tpu.vector_load %arg9[%swap3A_834, %swap3A_835] {strides = array<i32>} : memref<2x256xi32, #tpu.memory_space<vmem>>, vector<1x16xi32>,
    %swap3A_837 = vector.shape_cast %swap3A_836 : vector<1x16xi32> to vector<16xi32>
    %swap3A_838 = vector.shape_cast %broadcast_in_dim3A_832 : vector<16xi32> to vector<1x16xi32>
    tpu.vector_store %arg9[%swap3A_834, %swap3A_835], %swap3A_838 {strides = array<i32>} : memref<2x256xi32, #tpu.memory_space<vmem>>, vector<1x16xi32>,
    %mul3A_839 = arith.constant 16 : i32
    %mul3A_840 = arith.muli %arg1, %mul3A_839 : i32
    %add3A_841 = arith.constant 8 : i32
    %add3A_842 = arith.addi %mul3A_840, %add3A_841 : i32
    %add3A_843 = arith.constant 4 : i32
    %add3A_844 = arith.addi %add3A_842, %add3A_843 : i32
    %broadcast_in_dim3A_845 = vector.broadcast %add3A_844 : i32 to vector<16xi32>
    %swap3A_846 = arith.constant 1 : i32
    %swap3A_847 = arith.index_cast %swap3A_846 : i32 to index
    %swap3A_848 = arith.constant 128 : index
    %swap3A_849 = tpu.vector_load %arg9[%swap3A_847, %swap3A_848] {strides = array<i32>} : memref<2x256xi32, #tpu.memory_space<vmem>>, vector<1x16xi32>,
    %swap3A_850 = vector.shape_cast %swap3A_849 : vector<1x16xi32> to vector<16xi32>
    %swap3A_851 = vector.shape_cast %broadcast_in_dim3A_845 : vector<16xi32> to vector<1x16xi32>
    tpu.vector_store %arg9[%swap3A_847, %swap3A_848], %swap3A_851 {strides = array<i32>} : memref<2x256xi32, #tpu.memory_space<vmem>>, vector<1x16xi32>,
    %mul3A_852 = arith.constant 16 : i32
    %mul3A_853 = arith.muli %arg1, %mul3A_852 : i32
    %add3A_854 = arith.constant 8 : i32
    %add3A_855 = arith.addi %mul3A_853, %add3A_854 : i32
    %add3A_856 = arith.constant 4 : i32
    %add3A_857 = arith.addi %add3A_855, %add3A_856 : i32
    %broadcast_in_dim3A_858 = vector.broadcast %add3A_857 : i32 to vector<16xi32>
    %swap3A_859 = arith.constant 1 : i32
    %swap3A_860 = arith.index_cast %swap3A_859 : i32 to index
    %swap3A_861 = arith.constant 144 : index
    %swap3A_862 = tpu.vector_load %arg9[%swap3A_860, %swap3A_861] {strides = array<i32>} : memref<2x256xi32, #tpu.memory_space<vmem>>, vector<1x16xi32>,
    %swap3A_863 = vector.shape_cast %swap3A_862 : vector<1x16xi32> to vector<16xi32>
    %swap3A_864 = vector.shape_cast %broadcast_in_dim3A_858 : vector<16xi32> to vector<1x16xi32>
    tpu.vector_store %arg9[%swap3A_860, %swap3A_861], %swap3A_864 {strides = array<i32>} : memref<2x256xi32, #tpu.memory_space<vmem>>, vector<1x16xi32>,
    %mul3A_865 = arith.constant 16 : i32
    %mul3A_866 = arith.muli %arg1, %mul3A_865 : i32
    %add3A_867 = arith.constant 8 : i32
    %add3A_868 = arith.addi %mul3A_866, %add3A_867 : i32
    %add3A_869 = arith.constant 5 : i32
    %add3A_870 = arith.addi %add3A_868, %add3A_869 : i32
    %broadcast_in_dim3A_871 = vector.broadcast %add3A_870 : i32 to vector<16xi32>
    %swap3A_872 = arith.constant 1 : i32
    %swap3A_873 = arith.index_cast %swap3A_872 : i32 to index
    %swap3A_874 = arith.constant 160 : index
    %swap3A_875 = tpu.vector_load %arg9[%swap3A_873, %swap3A_874] {strides = array<i32>} : memref<2x256xi32, #tpu.memory_space<vmem>>, vector<1x16xi32>,
    %swap3A_876 = vector.shape_cast %swap3A_875 : vector<1x16xi32> to vector<16xi32>
    %swap3A_877 = vector.shape_cast %broadcast_in_dim3A_871 : vector<16xi32> to vector<1x16xi32>
    tpu.vector_store %arg9[%swap3A_873, %swap3A_874], %swap3A_877 {strides = array<i32>} : memref<2x256xi32, #tpu.memory_space<vmem>>, vector<1x16xi32>,
    %mul3A_878 = arith.constant 16 : i32
    %mul3A_879 = arith.muli %arg1, %mul3A_878 : i32
    %add3A_880 = arith.constant 8 : i32
    %add3A_881 = arith.addi %mul3A_879, %add3A_880 : i32
    %add3A_882 = arith.constant 5 : i32
    %add3A_883 = arith.addi %add3A_881, %add3A_882 : i32
    %broadcast_in_dim3A_884 = vector.broadcast %add3A_883 : i32 to vector<16xi32>
    %swap3A_885 = arith.constant 1 : i32
    %swap3A_886 = arith.index_cast %swap3A_885 : i32 to index
    %swap3A_887 = arith.constant 176 : index
    %swap3A_888 = tpu.vector_load %arg9[%swap3A_886, %swap3A_887] {strides = array<i32>} : memref<2x256xi32, #tpu.memory_space<vmem>>, vector<1x16xi32>,
    %swap3A_889 = vector.shape_cast %swap3A_888 : vector<1x16xi32> to vector<16xi32>
    %swap3A_890 = vector.shape_cast %broadcast_in_dim3A_884 : vector<16xi32> to vector<1x16xi32>
    tpu.vector_store %arg9[%swap3A_886, %swap3A_887], %swap3A_890 {strides = array<i32>} : memref<2x256xi32, #tpu.memory_space<vmem>>, vector<1x16xi32>,
    %mul3A_891 = arith.constant 16 : i32
    %mul3A_892 = arith.muli %arg1, %mul3A_891 : i32
    %add3A_893 = arith.constant 8 : i32
    %add3A_894 = arith.addi %mul3A_892, %add3A_893 : i32
    %add3A_895 = arith.constant 6 : i32
    %add3A_896 = arith.addi %add3A_894, %add3A_895 : i32
    %broadcast_in_dim3A_897 = vector.broadcast %add3A_896 : i32 to vector<16xi32>
    %swap3A_898 = arith.constant 1 : i32
    %swap3A_899 = arith.index_cast %swap3A_898 : i32 to index
    %swap3A_900 = arith.constant 192 : index
    %swap3A_901 = tpu.vector_load %arg9[%swap3A_899, %swap3A_900] {strides = array<i32>} : memref<2x256xi32, #tpu.memory_space<vmem>>, vector<1x16xi32>,
    %swap3A_902 = vector.shape_cast %swap3A_901 : vector<1x16xi32> to vector<16xi32>
    %swap3A_903 = vector.shape_cast %broadcast_in_dim3A_897 : vector<16xi32> to vector<1x16xi32>
    tpu.vector_store %arg9[%swap3A_899, %swap3A_900], %swap3A_903 {strides = array<i32>} : memref<2x256xi32, #tpu.memory_space<vmem>>, vector<1x16xi32>,
    %mul3A_904 = arith.constant 16 : i32
    %mul3A_905 = arith.muli %arg1, %mul3A_904 : i32
    %add3A_906 = arith.constant 8 : i32
    %add3A_907 = arith.addi %mul3A_905, %add3A_906 : i32
    %add3A_908 = arith.constant 6 : i32
    %add3A_909 = arith.addi %add3A_907, %add3A_908 : i32
    %broadcast_in_dim3A_910 = vector.broadcast %add3A_909 : i32 to vector<16xi32>
    %swap3A_911 = arith.constant 1 : i32
    %swap3A_912 = arith.index_cast %swap3A_911 : i32 to index
    %swap3A_913 = arith.constant 208 : index
    %swap3A_914 = tpu.vector_load %arg9[%swap3A_912, %swap3A_913] {strides = array<i32>} : memref<2x256xi32, #tpu.memory_space<vmem>>, vector<1x16xi32>,
    %swap3A_915 = vector.shape_cast %swap3A_914 : vector<1x16xi32> to vector<16xi32>
    %swap3A_916 = vector.shape_cast %broadcast_in_dim3A_910 : vector<16xi32> to vector<1x16xi32>
    tpu.vector_store %arg9[%swap3A_912, %swap3A_913], %swap3A_916 {strides = array<i32>} : memref<2x256xi32, #tpu.memory_space<vmem>>, vector<1x16xi32>,
    %mul3A_917 = arith.constant 16 : i32
    %mul3A_918 = arith.muli %arg1, %mul3A_917 : i32
    %add3A_919 = arith.constant 8 : i32
    %add3A_920 = arith.addi %mul3A_918, %add3A_919 : i32
    %add3A_921 = arith.constant 7 : i32
    %add3A_922 = arith.addi %add3A_920, %add3A_921 : i32
    %broadcast_in_dim3A_923 = vector.broadcast %add3A_922 : i32 to vector<16xi32>
    %swap3A_924 = arith.constant 1 : i32
    %swap3A_925 = arith.index_cast %swap3A_924 : i32 to index
    %swap3A_926 = arith.constant 224 : index
    %swap3A_927 = tpu.vector_load %arg9[%swap3A_925, %swap3A_926] {strides = array<i32>} : memref<2x256xi32, #tpu.memory_space<vmem>>, vector<1x16xi32>,
    %swap3A_928 = vector.shape_cast %swap3A_927 : vector<1x16xi32> to vector<16xi32>
    %swap3A_929 = vector.shape_cast %broadcast_in_dim3A_923 : vector<16xi32> to vector<1x16xi32>
    tpu.vector_store %arg9[%swap3A_925, %swap3A_926], %swap3A_929 {strides = array<i32>} : memref<2x256xi32, #tpu.memory_space<vmem>>, vector<1x16xi32>,
    %mul3A_930 = arith.constant 16 : i32
    %mul3A_931 = arith.muli %arg1, %mul3A_930 : i32
    %add3A_932 = arith.constant 8 : i32
    %add3A_933 = arith.addi %mul3A_931, %add3A_932 : i32
    %add3A_934 = arith.constant 7 : i32
    %add3A_935 = arith.addi %add3A_933, %add3A_934 : i32
    %broadcast_in_dim3A_936 = vector.broadcast %add3A_935 : i32 to vector<16xi32>
    %swap3A_937 = arith.constant 1 : i32
    %swap3A_938 = arith.index_cast %swap3A_937 : i32 to index
    %swap3A_939 = arith.constant 240 : index
    %swap3A_940 = tpu.vector_load %arg9[%swap3A_938, %swap3A_939] {strides = array<i32>} : memref<2x256xi32, #tpu.memory_space<vmem>>, vector<1x16xi32>,
    %swap3A_941 = vector.shape_cast %swap3A_940 : vector<1x16xi32> to vector<16xi32>
    %swap3A_942 = vector.shape_cast %broadcast_in_dim3A_936 : vector<16xi32> to vector<1x16xi32>
    tpu.vector_store %arg9[%swap3A_938, %swap3A_939], %swap3A_942 {strides = array<i32>} : memref<2x256xi32, #tpu.memory_space<vmem>>, vector<1x16xi32>,
    %dma_start3A = arith.constant 0 : i32
    %dma_start3A_943 = arith.constant 0 : i32
    %dma_start3A_944 = arith.constant 0 : i32
    %dma_start3A_945 = arith.constant 0 : i32
    %dma_start3A_946 = tpu.memref_slice %arg8[%dma_start3A, %dma_start3A_944, %dma_start3A_945] : memref<2x256x128xf32, #tpu.memory_space<vmem>> -> memref<1x256x128xf32, #tpu.memory_space<vmem>>
    %dma_start3A_947 = tpu.memref_squeeze %dma_start3A_946 : memref<1x256x128xf32, #tpu.memory_space<vmem>> -> memref<256x128xf32, #tpu.memory_space<vmem>>
    %dma_start3A_948 = arith.constant 0 : i32
    %dma_start3A_949 = arith.constant 0 : i32
    %dma_start3A_950 = tpu.memref_slice %dma_start3A_947[%dma_start3A_948, %dma_start3A_949] : memref<256x128xf32, #tpu.memory_space<vmem>> -> memref<128x128xf32, #tpu.memory_space<vmem>>
    %dma_start3A_951 = arith.constant 0 : i32
    %dma_start3A_952 = tpu.memref_slice %arg7[%dma_start3A_951] : memref<10240xi32, #tpu.memory_space<vmem>> -> memref<128xi32, #tpu.memory_space<vmem>>
    %dma_start3A_953 = arith.constant 0 : i32
    %dma_start3A_954 = arith.constant 0 : i32
    %dma_start3A_955 = tpu.memref_slice %arg2[%dma_start3A_953, %dma_start3A_954] : memref<10000x128xf32, #tpu.memory_space<hbm>> -> memref<10000x128xf32, #tpu.memory_space<hbm>>
    %dma_start3A_956 = tpu.memref_slice %arg12[%dma_start3A_943] : memref<2x!tpu.dma_semaphore, #tpu.memory_space<semaphore_mem>> -> memref<1x!tpu.dma_semaphore, #tpu.memory_space<semaphore_mem>>
    %dma_start3A_957 = tpu.memref_squeeze %dma_start3A_956 : memref<1x!tpu.dma_semaphore, #tpu.memory_space<semaphore_mem>> -> memref<!tpu.dma_semaphore, #tpu.memory_space<semaphore_mem>>
    tpu.enqueue_indirect_dma source(%dma_start3A_955 : memref<10000x128xf32, #tpu.memory_space<hbm>>) target(%dma_start3A_950 : memref<128x128xf32, #tpu.memory_space<vmem>>) offsets(%dma_start3A_952 : memref<128xi32, #tpu.memory_space<vmem>>) semaphore(%dma_start3A_957 : memref<!tpu.dma_semaphore, #tpu.memory_space<semaphore_mem>>)
    %dma_start3A_958 = arith.constant 0 : i32
    %dma_start3A_959 = arith.constant 0 : i32
    %dma_start3A_960 = arith.constant 0 : i32
    %dma_start3A_961 = arith.constant 0 : i32
    %dma_start3A_962 = tpu.memref_slice %arg8[%dma_start3A_958, %dma_start3A_960, %dma_start3A_961] : memref<2x256x128xf32, #tpu.memory_space<vmem>> -> memref<1x256x128xf32, #tpu.memory_space<vmem>>
    %dma_start3A_963 = tpu.memref_squeeze %dma_start3A_962 : memref<1x256x128xf32, #tpu.memory_space<vmem>> -> memref<256x128xf32, #tpu.memory_space<vmem>>
    %dma_start3A_964 = arith.constant 128 : i32
    %dma_start3A_965 = arith.constant 0 : i32
    %dma_start3A_966 = tpu.memref_slice %dma_start3A_963[%dma_start3A_964, %dma_start3A_965] : memref<256x128xf32, #tpu.memory_space<vmem>> -> memref<128x128xf32, #tpu.memory_space<vmem>>
    %dma_start3A_967 = arith.constant 128 : i32
    %dma_start3A_968 = tpu.memref_slice %arg7[%dma_start3A_967] : memref<10240xi32, #tpu.memory_space<vmem>> -> memref<128xi32, #tpu.memory_space<vmem>>
    %dma_start3A_969 = arith.constant 0 : i32
    %dma_start3A_970 = arith.constant 0 : i32
    %dma_start3A_971 = tpu.memref_slice %arg2[%dma_start3A_969, %dma_start3A_970] : memref<10000x128xf32, #tpu.memory_space<hbm>> -> memref<10000x128xf32, #tpu.memory_space<hbm>>
    %dma_start3A_972 = tpu.memref_slice %arg12[%dma_start3A_959] : memref<2x!tpu.dma_semaphore, #tpu.memory_space<semaphore_mem>> -> memref<1x!tpu.dma_semaphore, #tpu.memory_space<semaphore_mem>>
    %dma_start3A_973 = tpu.memref_squeeze %dma_start3A_972 : memref<1x!tpu.dma_semaphore, #tpu.memory_space<semaphore_mem>> -> memref<!tpu.dma_semaphore, #tpu.memory_space<semaphore_mem>>
    tpu.enqueue_indirect_dma source(%dma_start3A_971 : memref<10000x128xf32, #tpu.memory_space<hbm>>) target(%dma_start3A_966 : memref<128x128xf32, #tpu.memory_space<vmem>>) offsets(%dma_start3A_968 : memref<128xi32, #tpu.memory_space<vmem>>) semaphore(%dma_start3A_973 : memref<!tpu.dma_semaphore, #tpu.memory_space<semaphore_mem>>)
    %while3A = arith.constant 0 : i32
    %while3A_974 = arith.constant 0 : i32
    %while3A_975 = arith.subi %select_n3A, %while3A_974 : i32
    %while3A_976 = arith.addi %while3A_974, %while3A_975 : i32
    %while3A_977 = arith.constant 1 : i32
    %while3A_978 = arith.divsi %while3A_975, %while3A_977 : i32
    %while3A_979 = arith.muli %while3A_978, %while3A_977 : i32
    %while3A_980 = arith.addi %while3A_974, %while3A_979 : i32
    %while3A_981 = arith.constant 1 : i32
    scf.for %while3A_1048 = %while3A_974 to %while3A_980 step %while3A_981  : i32 {
      %rem3A_1049 = arith.constant 2 : i32
      %rem3A_1050 = arith.remsi %while3A_1048, %rem3A_1049 : i32
      %add3A_1051 = arith.constant 1 : i32
      %add3A_1052 = arith.addi %while3A_1048, %add3A_1051 : i32
      %rem3A_1053 = arith.constant 2 : i32
      %rem3A_1054 = arith.remsi %add3A_1052, %rem3A_1053 : i32
      %ge3A = arith.constant 1 : i32
      %ge3A_1055 = arith.cmpi sge, %while3A_1048, %ge3A : i32
      %convert_element_type3A_1056 = arith.extui %ge3A_1055 : i1 to i32
      %cond3A_1057 = arith.constant 0 : i32
      %cond3A_1058 = arith.cmpi ne, %convert_element_type3A_1056, %cond3A_1057 : i32
      scf.if %cond3A_1058 {
        %dma_wait3A_1132 = arith.constant 0 : i32
        %dma_wait3A_1133 = arith.constant 0 : i32
        %dma_wait3A_1134 = tpu.memref_slice %arg8[%rem3A_1054, %dma_wait3A_1132, %dma_wait3A_1133] : memref<2x256x128xf32, #tpu.memory_space<vmem>> -> memref<1x256x128xf32, #tpu.memory_space<vmem>>
        %dma_wait3A_1135 = tpu.memref_squeeze %dma_wait3A_1134 : memref<1x256x128xf32, #tpu.memory_space<vmem>> -> memref<256x128xf32, #tpu.memory_space<vmem>>
        %dma_wait3A_1136 = arith.constant 0 : i32
        %dma_wait3A_1137 = tpu.memref_slice %arg9[%rem3A_1054, %dma_wait3A_1136] : memref<2x256xi32, #tpu.memory_space<vmem>> -> memref<1x256xi32, #tpu.memory_space<vmem>>
        %dma_wait3A_1138 = tpu.memref_squeeze %dma_wait3A_1137 : memref<1x256xi32, #tpu.memory_space<vmem>> -> memref<256xi32, #tpu.memory_space<vmem>>
        %dma_wait3A_1139 = arith.constant 0 : i32
        %dma_wait3A_1140 = arith.constant 0 : i32
        %dma_wait3A_1141 = tpu.memref_slice %arg11[%dma_wait3A_1139, %dma_wait3A_1140] : memref<256x128xf32, #tpu.memory_space<vmem_shared>> -> memref<256x128xf32, #tpu.memory_space<vmem_shared>>
        %dma_wait3A_1142 = tpu.memref_slice %arg15[%rem3A_1054] : memref<2x!tpu.dma_semaphore, #tpu.memory_space<semaphore_mem>> -> memref<1x!tpu.dma_semaphore, #tpu.memory_space<semaphore_mem>>
        %dma_wait3A_1143 = tpu.memref_squeeze %dma_wait3A_1142 : memref<1x!tpu.dma_semaphore, #tpu.memory_space<semaphore_mem>> -> memref<!tpu.dma_semaphore, #tpu.memory_space<semaphore_mem>>
        tpu.wait_indirect_dma semaphore(%dma_wait3A_1143 : memref<!tpu.dma_semaphore, #tpu.memory_space<semaphore_mem>>) src(%dma_wait3A_1135 : memref<256x128xf32, #tpu.memory_space<vmem>>) dst(%dma_wait3A_1141 : memref<256x128xf32, #tpu.memory_space<vmem_shared>>)
        %sub3A_1144 = arith.constant 1 : i32
        %sub3A_1145 = arith.subi %while3A_1048, %sub3A_1144 : i32
        %mul3A_1146 = arith.constant 16 : i32
        %mul3A_1147 = arith.muli %arg1, %mul3A_1146 : i32
        %mul3A_1148 = arith.constant 8 : i32
        %mul3A_1149 = arith.muli %rem3A_1054, %mul3A_1148 : i32
        %add3A_1150 = arith.addi %mul3A_1147, %mul3A_1149 : i32
        %mul3A_1151 = arith.constant 8 : i32
        %mul3A_1152 = arith.muli %sub3A_1145, %mul3A_1151 : i32
        %add3A_1153 = arith.addi %mul3A_2, %mul3A_1152 : i32
        %dma_start3A_1154 = tpu.memref_slice %arg13[%rem3A_1054] : memref<2x!tpu.dma_semaphore, #tpu.memory_space<semaphore_mem>> -> memref<1x!tpu.dma_semaphore, #tpu.memory_space<semaphore_mem>>
        %dma_start3A_1155 = tpu.memref_squeeze %dma_start3A_1154 : memref<1x!tpu.dma_semaphore, #tpu.memory_space<semaphore_mem>> -> memref<!tpu.dma_semaphore, #tpu.memory_space<semaphore_mem>>
        %dma_start3A_1156 = arith.constant 0 : i32
        %dma_start3A_1157 = tpu.memref_slice %arg5[%add3A_1153, %dma_start3A_1156] : memref<10000x128xf32, #tpu.memory_space<hbm>> -> memref<8x128xf32, #tpu.memory_space<hbm>>
        %dma_start3A_1158 = arith.constant 0 : i32
        %dma_start3A_1159 = tpu.memref_slice %arg11[%add3A_1150, %dma_start3A_1158] : memref<256x128xf32, #tpu.memory_space<vmem_shared>> -> memref<8x128xf32, #tpu.memory_space<vmem_shared>>
        tpu.enqueue_dma source(%dma_start3A_1159 : memref<8x128xf32, #tpu.memory_space<vmem_shared>>) target(%dma_start3A_1157 : memref<8x128xf32, #tpu.memory_space<hbm>>) target_semaphore(%dma_start3A_1155 : memref<!tpu.dma_semaphore, #tpu.memory_space<semaphore_mem>>)
      } else {
      }
      %add3A_1059 = arith.constant 1 : i32
      %add3A_1060 = arith.addi %while3A_1048, %add3A_1059 : i32
      %lt3A = arith.cmpi slt, %add3A_1060, %select_n3A : i32
      %convert_element_type3A_1061 = arith.extui %lt3A : i1 to i32
      %cond3A_1062 = arith.constant 0 : i32
      %cond3A_1063 = arith.cmpi ne, %convert_element_type3A_1061, %cond3A_1062 : i32
      scf.if %cond3A_1063 {
        %add3A_1132 = arith.constant 1 : i32
        %add3A_1133 = arith.addi %while3A_1048, %add3A_1132 : i32
        %mul3A_1134 = arith.constant 256 : i32
        %mul3A_1135 = arith.muli %add3A_1133, %mul3A_1134 : i32
        %add3A_1136 = arith.constant 0 : i32
        %add3A_1137 = arith.addi %mul3A_1135, %add3A_1136 : i32
        %dma_start3A_1138 = arith.constant 0 : i32
        %dma_start3A_1139 = arith.constant 0 : i32
        %dma_start3A_1140 = tpu.memref_slice %arg8[%rem3A_1054, %dma_start3A_1138, %dma_start3A_1139] : memref<2x256x128xf32, #tpu.memory_space<vmem>> -> memref<1x256x128xf32, #tpu.memory_space<vmem>>
        %dma_start3A_1141 = tpu.memref_squeeze %dma_start3A_1140 : memref<1x256x128xf32, #tpu.memory_space<vmem>> -> memref<256x128xf32, #tpu.memory_space<vmem>>
        %dma_start3A_1142 = arith.constant 0 : i32
        %dma_start3A_1143 = arith.constant 0 : i32
        %dma_start3A_1144 = tpu.memref_slice %dma_start3A_1141[%dma_start3A_1142, %dma_start3A_1143] : memref<256x128xf32, #tpu.memory_space<vmem>> -> memref<128x128xf32, #tpu.memory_space<vmem>>
        %dma_start3A_1145 = tpu.memref_slice %arg7[%add3A_1137] : memref<10240xi32, #tpu.memory_space<vmem>> -> memref<128xi32, #tpu.memory_space<vmem>>
        %dma_start3A_1146 = arith.constant 0 : i32
        %dma_start3A_1147 = arith.constant 0 : i32
        %dma_start3A_1148 = tpu.memref_slice %arg2[%dma_start3A_1146, %dma_start3A_1147] : memref<10000x128xf32, #tpu.memory_space<hbm>> -> memref<10000x128xf32, #tpu.memory_space<hbm>>
        %dma_start3A_1149 = tpu.memref_slice %arg12[%rem3A_1054] : memref<2x!tpu.dma_semaphore, #tpu.memory_space<semaphore_mem>> -> memref<1x!tpu.dma_semaphore, #tpu.memory_space<semaphore_mem>>
        %dma_start3A_1150 = tpu.memref_squeeze %dma_start3A_1149 : memref<1x!tpu.dma_semaphore, #tpu.memory_space<semaphore_mem>> -> memref<!tpu.dma_semaphore, #tpu.memory_space<semaphore_mem>>
        tpu.enqueue_indirect_dma source(%dma_start3A_1148 : memref<10000x128xf32, #tpu.memory_space<hbm>>) target(%dma_start3A_1144 : memref<128x128xf32, #tpu.memory_space<vmem>>) offsets(%dma_start3A_1145 : memref<128xi32, #tpu.memory_space<vmem>>) semaphore(%dma_start3A_1150 : memref<!tpu.dma_semaphore, #tpu.memory_space<semaphore_mem>>)
        %mul3A_1151 = arith.constant 256 : i32
        %mul3A_1152 = arith.muli %add3A_1133, %mul3A_1151 : i32
        %add3A_1153 = arith.constant 128 : i32
        %add3A_1154 = arith.addi %mul3A_1152, %add3A_1153 : i32
        %dma_start3A_1155 = arith.constant 0 : i32
        %dma_start3A_1156 = arith.constant 0 : i32
        %dma_start3A_1157 = tpu.memref_slice %arg8[%rem3A_1054, %dma_start3A_1155, %dma_start3A_1156] : memref<2x256x128xf32, #tpu.memory_space<vmem>> -> memref<1x256x128xf32, #tpu.memory_space<vmem>>
        %dma_start3A_1158 = tpu.memref_squeeze %dma_start3A_1157 : memref<1x256x128xf32, #tpu.memory_space<vmem>> -> memref<256x128xf32, #tpu.memory_space<vmem>>
        %dma_start3A_1159 = arith.constant 128 : i32
        %dma_start3A_1160 = arith.constant 0 : i32
        %dma_start3A_1161 = tpu.memref_slice %dma_start3A_1158[%dma_start3A_1159, %dma_start3A_1160] : memref<256x128xf32, #tpu.memory_space<vmem>> -> memref<128x128xf32, #tpu.memory_space<vmem>>
        %dma_start3A_1162 = tpu.memref_slice %arg7[%add3A_1154] : memref<10240xi32, #tpu.memory_space<vmem>> -> memref<128xi32, #tpu.memory_space<vmem>>
        %dma_start3A_1163 = arith.constant 0 : i32
        %dma_start3A_1164 = arith.constant 0 : i32
        %dma_start3A_1165 = tpu.memref_slice %arg2[%dma_start3A_1163, %dma_start3A_1164] : memref<10000x128xf32, #tpu.memory_space<hbm>> -> memref<10000x128xf32, #tpu.memory_space<hbm>>
        %dma_start3A_1166 = tpu.memref_slice %arg12[%rem3A_1054] : memref<2x!tpu.dma_semaphore, #tpu.memory_space<semaphore_mem>> -> memref<1x!tpu.dma_semaphore, #tpu.memory_space<semaphore_mem>>
        %dma_start3A_1167 = tpu.memref_squeeze %dma_start3A_1166 : memref<1x!tpu.dma_semaphore, #tpu.memory_space<semaphore_mem>> -> memref<!tpu.dma_semaphore, #tpu.memory_space<semaphore_mem>>
        tpu.enqueue_indirect_dma source(%dma_start3A_1165 : memref<10000x128xf32, #tpu.memory_space<hbm>>) target(%dma_start3A_1161 : memref<128x128xf32, #tpu.memory_space<vmem>>) offsets(%dma_start3A_1162 : memref<128xi32, #tpu.memory_space<vmem>>) semaphore(%dma_start3A_1167 : memref<!tpu.dma_semaphore, #tpu.memory_space<semaphore_mem>>)
      } else {
      }
      %ge3A_1064 = arith.constant 2 : i32
      %ge3A_1065 = arith.cmpi sge, %while3A_1048, %ge3A_1064 : i32
      %convert_element_type3A_1066 = arith.extui %ge3A_1065 : i1 to i32
      %cond3A_1067 = arith.constant 0 : i32
      %cond3A_1068 = arith.cmpi ne, %convert_element_type3A_1066, %cond3A_1067 : i32
      scf.if %cond3A_1068 {
        %sub3A_1132 = arith.constant 2 : i32
        %sub3A_1133 = arith.subi %while3A_1048, %sub3A_1132 : i32
        %mul3A_1134 = arith.constant 16 : i32
        %mul3A_1135 = arith.muli %arg1, %mul3A_1134 : i32
        %mul3A_1136 = arith.constant 8 : i32
        %mul3A_1137 = arith.muli %rem3A_1050, %mul3A_1136 : i32
        %add3A_1138 = arith.addi %mul3A_1135, %mul3A_1137 : i32
        %mul3A_1139 = arith.constant 8 : i32
        %mul3A_1140 = arith.muli %sub3A_1133, %mul3A_1139 : i32
        %add3A_1141 = arith.addi %mul3A_2, %mul3A_1140 : i32
        %dma_wait3A_1142 = tpu.memref_slice %arg13[%rem3A_1050] : memref<2x!tpu.dma_semaphore, #tpu.memory_space<semaphore_mem>> -> memref<1x!tpu.dma_semaphore, #tpu.memory_space<semaphore_mem>>
        %dma_wait3A_1143 = tpu.memref_squeeze %dma_wait3A_1142 : memref<1x!tpu.dma_semaphore, #tpu.memory_space<semaphore_mem>> -> memref<!tpu.dma_semaphore, #tpu.memory_space<semaphore_mem>>
        %dma_wait3A_1144 = arith.constant 0 : i32
        %dma_wait3A_1145 = tpu.memref_slice %arg5[%add3A_1141, %dma_wait3A_1144] : memref<10000x128xf32, #tpu.memory_space<hbm>> -> memref<8x128xf32, #tpu.memory_space<hbm>>
        %dma_wait3A_1146 = arith.constant 0 : i32
        %dma_wait3A_1147 = tpu.memref_slice %arg11[%add3A_1138, %dma_wait3A_1146] : memref<256x128xf32, #tpu.memory_space<vmem_shared>> -> memref<8x128xf32, #tpu.memory_space<vmem_shared>>
        tpu.wait_dma2 semaphore(%dma_wait3A_1143 : memref<!tpu.dma_semaphore, #tpu.memory_space<semaphore_mem>>) src(%dma_wait3A_1147 : memref<8x128xf32, #tpu.memory_space<vmem_shared>>) dst(%dma_wait3A_1145 : memref<8x128xf32, #tpu.memory_space<hbm>>)
      } else {
      }
      %mul3A_1069 = arith.constant 16 : i32
      %mul3A_1070 = arith.muli %arg1, %mul3A_1069 : i32
      %mul3A_1071 = arith.constant 8 : i32
      %mul3A_1072 = arith.muli %rem3A_1050, %mul3A_1071 : i32
      %add3A_1073 = arith.addi %mul3A_1070, %mul3A_1072 : i32
      %dma_start3A_1074 = arith.constant 0 : i32
      %dma_start3A_1075 = tpu.memref_slice %arg11[%add3A_1073, %dma_start3A_1074] : memref<256x128xf32, #tpu.memory_space<vmem_shared>> -> memref<8x128xf32, #tpu.memory_space<vmem_shared>>
      %dma_start3A_1076 = tpu.memref_slice %arg14[%rem3A_1050] : memref<2x!tpu.dma_semaphore, #tpu.memory_space<semaphore_mem>> -> memref<1x!tpu.dma_semaphore, #tpu.memory_space<semaphore_mem>>
      %dma_start3A_1077 = tpu.memref_squeeze %dma_start3A_1076 : memref<1x!tpu.dma_semaphore, #tpu.memory_space<semaphore_mem>> -> memref<!tpu.dma_semaphore, #tpu.memory_space<semaphore_mem>>
      %dma_start3A_1078 = arith.constant 0 : i32
      %dma_start3A_1079 = tpu.memref_slice %arg11[%add3A_1073, %dma_start3A_1078] : memref<256x128xf32, #tpu.memory_space<vmem_shared>> -> memref<8x128xf32, #tpu.memory_space<vmem_shared>>
      tpu.enqueue_dma source(%arg10 : memref<8x128xf32, #tpu.memory_space<vmem>>) target(%dma_start3A_1079 : memref<8x128xf32, #tpu.memory_space<vmem_shared>>) target_semaphore(%dma_start3A_1077 : memref<!tpu.dma_semaphore, #tpu.memory_space<semaphore_mem>>)
      %mul3A_1080 = arith.constant 256 : i32
      %mul3A_1081 = arith.muli %while3A_1048, %mul3A_1080 : i32
      %add3A_1082 = arith.constant 0 : i32
      %add3A_1083 = arith.addi %mul3A_1081, %add3A_1082 : i32
      %dma_wait3A_1084 = arith.constant 0 : i32
      %dma_wait3A_1085 = arith.constant 0 : i32
      %dma_wait3A_1086 = tpu.memref_slice %arg8[%rem3A_1050, %dma_wait3A_1084, %dma_wait3A_1085] : memref<2x256x128xf32, #tpu.memory_space<vmem>> -> memref<1x256x128xf32, #tpu.memory_space<vmem>>
      %dma_wait3A_1087 = tpu.memref_squeeze %dma_wait3A_1086 : memref<1x256x128xf32, #tpu.memory_space<vmem>> -> memref<256x128xf32, #tpu.memory_space<vmem>>
      %dma_wait3A_1088 = arith.constant 0 : i32
      %dma_wait3A_1089 = arith.constant 0 : i32
      %dma_wait3A_1090 = tpu.memref_slice %dma_wait3A_1087[%dma_wait3A_1088, %dma_wait3A_1089] : memref<256x128xf32, #tpu.memory_space<vmem>> -> memref<128x128xf32, #tpu.memory_space<vmem>>
      %dma_wait3A_1091 = tpu.memref_slice %arg7[%add3A_1083] : memref<10240xi32, #tpu.memory_space<vmem>> -> memref<128xi32, #tpu.memory_space<vmem>>
      %dma_wait3A_1092 = arith.constant 0 : i32
      %dma_wait3A_1093 = arith.constant 0 : i32
      %dma_wait3A_1094 = tpu.memref_slice %arg2[%dma_wait3A_1092, %dma_wait3A_1093] : memref<10000x128xf32, #tpu.memory_space<hbm>> -> memref<10000x128xf32, #tpu.memory_space<hbm>>
      %dma_wait3A_1095 = tpu.memref_slice %arg12[%rem3A_1050] : memref<2x!tpu.dma_semaphore, #tpu.memory_space<semaphore_mem>> -> memref<1x!tpu.dma_semaphore, #tpu.memory_space<semaphore_mem>>
      %dma_wait3A_1096 = tpu.memref_squeeze %dma_wait3A_1095 : memref<1x!tpu.dma_semaphore, #tpu.memory_space<semaphore_mem>> -> memref<!tpu.dma_semaphore, #tpu.memory_space<semaphore_mem>>
      tpu.wait_indirect_dma semaphore(%dma_wait3A_1096 : memref<!tpu.dma_semaphore, #tpu.memory_space<semaphore_mem>>) src(%dma_wait3A_1094 : memref<10000x128xf32, #tpu.memory_space<hbm>>) dst(%dma_wait3A_1090 : memref<128x128xf32, #tpu.memory_space<vmem>>)
      %mul3A_1097 = arith.constant 256 : i32
      %mul3A_1098 = arith.muli %while3A_1048, %mul3A_1097 : i32
      %add3A_1099 = arith.constant 128 : i32
      %add3A_1100 = arith.addi %mul3A_1098, %add3A_1099 : i32
      %dma_wait3A_1101 = arith.constant 0 : i32
      %dma_wait3A_1102 = arith.constant 0 : i32
      %dma_wait3A_1103 = tpu.memref_slice %arg8[%rem3A_1050, %dma_wait3A_1101, %dma_wait3A_1102] : memref<2x256x128xf32, #tpu.memory_space<vmem>> -> memref<1x256x128xf32, #tpu.memory_space<vmem>>
      %dma_wait3A_1104 = tpu.memref_squeeze %dma_wait3A_1103 : memref<1x256x128xf32, #tpu.memory_space<vmem>> -> memref<256x128xf32, #tpu.memory_space<vmem>>
      %dma_wait3A_1105 = arith.constant 128 : i32
      %dma_wait3A_1106 = arith.constant 0 : i32
      %dma_wait3A_1107 = tpu.memref_slice %dma_wait3A_1104[%dma_wait3A_1105, %dma_wait3A_1106] : memref<256x128xf32, #tpu.memory_space<vmem>> -> memref<128x128xf32, #tpu.memory_space<vmem>>
      %dma_wait3A_1108 = tpu.memref_slice %arg7[%add3A_1100] : memref<10240xi32, #tpu.memory_space<vmem>> -> memref<128xi32, #tpu.memory_space<vmem>>
      %dma_wait3A_1109 = arith.constant 0 : i32
      %dma_wait3A_1110 = arith.constant 0 : i32
      %dma_wait3A_1111 = tpu.memref_slice %arg2[%dma_wait3A_1109, %dma_wait3A_1110] : memref<10000x128xf32, #tpu.memory_space<hbm>> -> memref<10000x128xf32, #tpu.memory_space<hbm>>
      %dma_wait3A_1112 = tpu.memref_slice %arg12[%rem3A_1050] : memref<2x!tpu.dma_semaphore, #tpu.memory_space<semaphore_mem>> -> memref<1x!tpu.dma_semaphore, #tpu.memory_space<semaphore_mem>>
      %dma_wait3A_1113 = tpu.memref_squeeze %dma_wait3A_1112 : memref<1x!tpu.dma_semaphore, #tpu.memory_space<semaphore_mem>> -> memref<!tpu.dma_semaphore, #tpu.memory_space<semaphore_mem>>
      tpu.wait_indirect_dma semaphore(%dma_wait3A_1113 : memref<!tpu.dma_semaphore, #tpu.memory_space<semaphore_mem>>) src(%dma_wait3A_1111 : memref<10000x128xf32, #tpu.memory_space<hbm>>) dst(%dma_wait3A_1107 : memref<128x128xf32, #tpu.memory_space<vmem>>)
      %dma_wait3A_1114 = arith.constant 0 : i32
      %dma_wait3A_1115 = tpu.memref_slice %arg11[%add3A_1073, %dma_wait3A_1114] : memref<256x128xf32, #tpu.memory_space<vmem_shared>> -> memref<8x128xf32, #tpu.memory_space<vmem_shared>>
      %dma_wait3A_1116 = tpu.memref_slice %arg14[%rem3A_1050] : memref<2x!tpu.dma_semaphore, #tpu.memory_space<semaphore_mem>> -> memref<1x!tpu.dma_semaphore, #tpu.memory_space<semaphore_mem>>
      %dma_wait3A_1117 = tpu.memref_squeeze %dma_wait3A_1116 : memref<1x!tpu.dma_semaphore, #tpu.memory_space<semaphore_mem>> -> memref<!tpu.dma_semaphore, #tpu.memory_space<semaphore_mem>>
      %dma_wait3A_1118 = arith.constant 0 : i32
      %dma_wait3A_1119 = tpu.memref_slice %arg11[%add3A_1073, %dma_wait3A_1118] : memref<256x128xf32, #tpu.memory_space<vmem_shared>> -> memref<8x128xf32, #tpu.memory_space<vmem_shared>>
      tpu.wait_dma2 semaphore(%dma_wait3A_1117 : memref<!tpu.dma_semaphore, #tpu.memory_space<semaphore_mem>>) src(%arg10 : memref<8x128xf32, #tpu.memory_space<vmem>>) dst(%dma_wait3A_1119 : memref<8x128xf32, #tpu.memory_space<vmem_shared>>)
      %dma_start3A_1120 = arith.constant 0 : i32
      %dma_start3A_1121 = arith.constant 0 : i32
      %dma_start3A_1122 = tpu.memref_slice %arg8[%rem3A_1050, %dma_start3A_1120, %dma_start3A_1121] : memref<2x256x128xf32, #tpu.memory_space<vmem>> -> memref<1x256x128xf32, #tpu.memory_space<vmem>>
      %dma_start3A_1123 = tpu.memref_squeeze %dma_start3A_1122 : memref<1x256x128xf32, #tpu.memory_space<vmem>> -> memref<256x128xf32, #tpu.memory_space<vmem>>
      %dma_start3A_1124 = arith.constant 0 : i32
      %dma_start3A_1125 = tpu.memref_slice %arg9[%rem3A_1050, %dma_start3A_1124] : memref<2x256xi32, #tpu.memory_space<vmem>> -> memref<1x256xi32, #tpu.memory_space<vmem>>
      %dma_start3A_1126 = tpu.memref_squeeze %dma_start3A_1125 : memref<1x256xi32, #tpu.memory_space<vmem>> -> memref<256xi32, #tpu.memory_space<vmem>>
      %dma_start3A_1127 = arith.constant 0 : i32
      %dma_start3A_1128 = arith.constant 0 : i32
      %dma_start3A_1129 = tpu.memref_slice %arg11[%dma_start3A_1127, %dma_start3A_1128] : memref<256x128xf32, #tpu.memory_space<vmem_shared>> -> memref<256x128xf32, #tpu.memory_space<vmem_shared>>
      %dma_start3A_1130 = tpu.memref_slice %arg15[%rem3A_1050] : memref<2x!tpu.dma_semaphore, #tpu.memory_space<semaphore_mem>> -> memref<1x!tpu.dma_semaphore, #tpu.memory_space<semaphore_mem>>
      %dma_start3A_1131 = tpu.memref_squeeze %dma_start3A_1130 : memref<1x!tpu.dma_semaphore, #tpu.memory_space<semaphore_mem>> -> memref<!tpu.dma_semaphore, #tpu.memory_space<semaphore_mem>>
      tpu.enqueue_indirect_dma source(%dma_start3A_1123 : memref<256x128xf32, #tpu.memory_space<vmem>>) target(%dma_start3A_1129 : memref<256x128xf32, #tpu.memory_space<vmem_shared>>) offsets(%dma_start3A_1126 : memref<256xi32, #tpu.memory_space<vmem>>) semaphore(%dma_start3A_1131 : memref<!tpu.dma_semaphore, #tpu.memory_space<semaphore_mem>>) {add = true}
    }
    %while3A_982 = arith.constant 1 : i32
    scf.for %while3A_1048 = %while3A_980 to %while3A_976 step %while3A_982  : i32 {
      %rem3A_1049 = arith.constant 2 : i32
      %rem3A_1050 = arith.remsi %while3A_1048, %rem3A_1049 : i32
      %add3A_1051 = arith.constant 1 : i32
      %add3A_1052 = arith.addi %while3A_1048, %add3A_1051 : i32
      %rem3A_1053 = arith.constant 2 : i32
      %rem3A_1054 = arith.remsi %add3A_1052, %rem3A_1053 : i32
      %ge3A = arith.constant 1 : i32
      %ge3A_1055 = arith.cmpi sge, %while3A_1048, %ge3A : i32
      %convert_element_type3A_1056 = arith.extui %ge3A_1055 : i1 to i32
      %cond3A_1057 = arith.constant 0 : i32
      %cond3A_1058 = arith.cmpi ne, %convert_element_type3A_1056, %cond3A_1057 : i32
      scf.if %cond3A_1058 {
        %dma_wait3A_1132 = arith.constant 0 : i32
        %dma_wait3A_1133 = arith.constant 0 : i32
        %dma_wait3A_1134 = tpu.memref_slice %arg8[%rem3A_1054, %dma_wait3A_1132, %dma_wait3A_1133] : memref<2x256x128xf32, #tpu.memory_space<vmem>> -> memref<1x256x128xf32, #tpu.memory_space<vmem>>
        %dma_wait3A_1135 = tpu.memref_squeeze %dma_wait3A_1134 : memref<1x256x128xf32, #tpu.memory_space<vmem>> -> memref<256x128xf32, #tpu.memory_space<vmem>>
        %dma_wait3A_1136 = arith.constant 0 : i32
        %dma_wait3A_1137 = tpu.memref_slice %arg9[%rem3A_1054, %dma_wait3A_1136] : memref<2x256xi32, #tpu.memory_space<vmem>> -> memref<1x256xi32, #tpu.memory_space<vmem>>
        %dma_wait3A_1138 = tpu.memref_squeeze %dma_wait3A_1137 : memref<1x256xi32, #tpu.memory_space<vmem>> -> memref<256xi32, #tpu.memory_space<vmem>>
        %dma_wait3A_1139 = arith.constant 0 : i32
        %dma_wait3A_1140 = arith.constant 0 : i32
        %dma_wait3A_1141 = tpu.memref_slice %arg11[%dma_wait3A_1139, %dma_wait3A_1140] : memref<256x128xf32, #tpu.memory_space<vmem_shared>> -> memref<256x128xf32, #tpu.memory_space<vmem_shared>>
        %dma_wait3A_1142 = tpu.memref_slice %arg15[%rem3A_1054] : memref<2x!tpu.dma_semaphore, #tpu.memory_space<semaphore_mem>> -> memref<1x!tpu.dma_semaphore, #tpu.memory_space<semaphore_mem>>
        %dma_wait3A_1143 = tpu.memref_squeeze %dma_wait3A_1142 : memref<1x!tpu.dma_semaphore, #tpu.memory_space<semaphore_mem>> -> memref<!tpu.dma_semaphore, #tpu.memory_space<semaphore_mem>>
        tpu.wait_indirect_dma semaphore(%dma_wait3A_1143 : memref<!tpu.dma_semaphore, #tpu.memory_space<semaphore_mem>>) src(%dma_wait3A_1135 : memref<256x128xf32, #tpu.memory_space<vmem>>) dst(%dma_wait3A_1141 : memref<256x128xf32, #tpu.memory_space<vmem_shared>>)
        %sub3A_1144 = arith.constant 1 : i32
        %sub3A_1145 = arith.subi %while3A_1048, %sub3A_1144 : i32
        %mul3A_1146 = arith.constant 16 : i32
        %mul3A_1147 = arith.muli %arg1, %mul3A_1146 : i32
        %mul3A_1148 = arith.constant 8 : i32
        %mul3A_1149 = arith.muli %rem3A_1054, %mul3A_1148 : i32
        %add3A_1150 = arith.addi %mul3A_1147, %mul3A_1149 : i32
        %mul3A_1151 = arith.constant 8 : i32
        %mul3A_1152 = arith.muli %sub3A_1145, %mul3A_1151 : i32
        %add3A_1153 = arith.addi %mul3A_2, %mul3A_1152 : i32
        %dma_start3A_1154 = tpu.memref_slice %arg13[%rem3A_1054] : memref<2x!tpu.dma_semaphore, #tpu.memory_space<semaphore_mem>> -> memref<1x!tpu.dma_semaphore, #tpu.memory_space<semaphore_mem>>
        %dma_start3A_1155 = tpu.memref_squeeze %dma_start3A_1154 : memref<1x!tpu.dma_semaphore, #tpu.memory_space<semaphore_mem>> -> memref<!tpu.dma_semaphore, #tpu.memory_space<semaphore_mem>>
        %dma_start3A_1156 = arith.constant 0 : i32
        %dma_start3A_1157 = tpu.memref_slice %arg5[%add3A_1153, %dma_start3A_1156] : memref<10000x128xf32, #tpu.memory_space<hbm>> -> memref<8x128xf32, #tpu.memory_space<hbm>>
        %dma_start3A_1158 = arith.constant 0 : i32
        %dma_start3A_1159 = tpu.memref_slice %arg11[%add3A_1150, %dma_start3A_1158] : memref<256x128xf32, #tpu.memory_space<vmem_shared>> -> memref<8x128xf32, #tpu.memory_space<vmem_shared>>
        tpu.enqueue_dma source(%dma_start3A_1159 : memref<8x128xf32, #tpu.memory_space<vmem_shared>>) target(%dma_start3A_1157 : memref<8x128xf32, #tpu.memory_space<hbm>>) target_semaphore(%dma_start3A_1155 : memref<!tpu.dma_semaphore, #tpu.memory_space<semaphore_mem>>)
      } else {
      }
      %add3A_1059 = arith.constant 1 : i32
      %add3A_1060 = arith.addi %while3A_1048, %add3A_1059 : i32
      %lt3A = arith.cmpi slt, %add3A_1060, %select_n3A : i32
      %convert_element_type3A_1061 = arith.extui %lt3A : i1 to i32
      %cond3A_1062 = arith.constant 0 : i32
      %cond3A_1063 = arith.cmpi ne, %convert_element_type3A_1061, %cond3A_1062 : i32
      scf.if %cond3A_1063 {
        %add3A_1132 = arith.constant 1 : i32
        %add3A_1133 = arith.addi %while3A_1048, %add3A_1132 : i32
        %mul3A_1134 = arith.constant 256 : i32
        %mul3A_1135 = arith.muli %add3A_1133, %mul3A_1134 : i32
        %add3A_1136 = arith.constant 0 : i32
        %add3A_1137 = arith.addi %mul3A_1135, %add3A_1136 : i32
        %dma_start3A_1138 = arith.constant 0 : i32
        %dma_start3A_1139 = arith.constant 0 : i32
        %dma_start3A_1140 = tpu.memref_slice %arg8[%rem3A_1054, %dma_start3A_1138, %dma_start3A_1139] : memref<2x256x128xf32, #tpu.memory_space<vmem>> -> memref<1x256x128xf32, #tpu.memory_space<vmem>>
        %dma_start3A_1141 = tpu.memref_squeeze %dma_start3A_1140 : memref<1x256x128xf32, #tpu.memory_space<vmem>> -> memref<256x128xf32, #tpu.memory_space<vmem>>
        %dma_start3A_1142 = arith.constant 0 : i32
        %dma_start3A_1143 = arith.constant 0 : i32
        %dma_start3A_1144 = tpu.memref_slice %dma_start3A_1141[%dma_start3A_1142, %dma_start3A_1143] : memref<256x128xf32, #tpu.memory_space<vmem>> -> memref<128x128xf32, #tpu.memory_space<vmem>>
        %dma_start3A_1145 = tpu.memref_slice %arg7[%add3A_1137] : memref<10240xi32, #tpu.memory_space<vmem>> -> memref<128xi32, #tpu.memory_space<vmem>>
        %dma_start3A_1146 = arith.constant 0 : i32
        %dma_start3A_1147 = arith.constant 0 : i32
        %dma_start3A_1148 = tpu.memref_slice %arg2[%dma_start3A_1146, %dma_start3A_1147] : memref<10000x128xf32, #tpu.memory_space<hbm>> -> memref<10000x128xf32, #tpu.memory_space<hbm>>
        %dma_start3A_1149 = tpu.memref_slice %arg12[%rem3A_1054] : memref<2x!tpu.dma_semaphore, #tpu.memory_space<semaphore_mem>> -> memref<1x!tpu.dma_semaphore, #tpu.memory_space<semaphore_mem>>
        %dma_start3A_1150 = tpu.memref_squeeze %dma_start3A_1149 : memref<1x!tpu.dma_semaphore, #tpu.memory_space<semaphore_mem>> -> memref<!tpu.dma_semaphore, #tpu.memory_space<semaphore_mem>>
        tpu.enqueue_indirect_dma source(%dma_start3A_1148 : memref<10000x128xf32, #tpu.memory_space<hbm>>) target(%dma_start3A_1144 : memref<128x128xf32, #tpu.memory_space<vmem>>) offsets(%dma_start3A_1145 : memref<128xi32, #tpu.memory_space<vmem>>) semaphore(%dma_start3A_1150 : memref<!tpu.dma_semaphore, #tpu.memory_space<semaphore_mem>>)
        %mul3A_1151 = arith.constant 256 : i32
        %mul3A_1152 = arith.muli %add3A_1133, %mul3A_1151 : i32
        %add3A_1153 = arith.constant 128 : i32
        %add3A_1154 = arith.addi %mul3A_1152, %add3A_1153 : i32
        %dma_start3A_1155 = arith.constant 0 : i32
        %dma_start3A_1156 = arith.constant 0 : i32
        %dma_start3A_1157 = tpu.memref_slice %arg8[%rem3A_1054, %dma_start3A_1155, %dma_start3A_1156] : memref<2x256x128xf32, #tpu.memory_space<vmem>> -> memref<1x256x128xf32, #tpu.memory_space<vmem>>
        %dma_start3A_1158 = tpu.memref_squeeze %dma_start3A_1157 : memref<1x256x128xf32, #tpu.memory_space<vmem>> -> memref<256x128xf32, #tpu.memory_space<vmem>>
        %dma_start3A_1159 = arith.constant 128 : i32
        %dma_start3A_1160 = arith.constant 0 : i32
        %dma_start3A_1161 = tpu.memref_slice %dma_start3A_1158[%dma_start3A_1159, %dma_start3A_1160] : memref<256x128xf32, #tpu.memory_space<vmem>> -> memref<128x128xf32, #tpu.memory_space<vmem>>
        %dma_start3A_1162 = tpu.memref_slice %arg7[%add3A_1154] : memref<10240xi32, #tpu.memory_space<vmem>> -> memref<128xi32, #tpu.memory_space<vmem>>
        %dma_start3A_1163 = arith.constant 0 : i32
        %dma_start3A_1164 = arith.constant 0 : i32
        %dma_start3A_1165 = tpu.memref_slice %arg2[%dma_start3A_1163, %dma_start3A_1164] : memref<10000x128xf32, #tpu.memory_space<hbm>> -> memref<10000x128xf32, #tpu.memory_space<hbm>>
        %dma_start3A_1166 = tpu.memref_slice %arg12[%rem3A_1054] : memref<2x!tpu.dma_semaphore, #tpu.memory_space<semaphore_mem>> -> memref<1x!tpu.dma_semaphore, #tpu.memory_space<semaphore_mem>>
        %dma_start3A_1167 = tpu.memref_squeeze %dma_start3A_1166 : memref<1x!tpu.dma_semaphore, #tpu.memory_space<semaphore_mem>> -> memref<!tpu.dma_semaphore, #tpu.memory_space<semaphore_mem>>
        tpu.enqueue_indirect_dma source(%dma_start3A_1165 : memref<10000x128xf32, #tpu.memory_space<hbm>>) target(%dma_start3A_1161 : memref<128x128xf32, #tpu.memory_space<vmem>>) offsets(%dma_start3A_1162 : memref<128xi32, #tpu.memory_space<vmem>>) semaphore(%dma_start3A_1167 : memref<!tpu.dma_semaphore, #tpu.memory_space<semaphore_mem>>)
      } else {
      }
      %ge3A_1064 = arith.constant 2 : i32
      %ge3A_1065 = arith.cmpi sge, %while3A_1048, %ge3A_1064 : i32
      %convert_element_type3A_1066 = arith.extui %ge3A_1065 : i1 to i32
      %cond3A_1067 = arith.constant 0 : i32
      %cond3A_1068 = arith.cmpi ne, %convert_element_type3A_1066, %cond3A_1067 : i32
      scf.if %cond3A_1068 {
        %sub3A_1132 = arith.constant 2 : i32
        %sub3A_1133 = arith.subi %while3A_1048, %sub3A_1132 : i32
        %mul3A_1134 = arith.constant 16 : i32
        %mul3A_1135 = arith.muli %arg1, %mul3A_1134 : i32
        %mul3A_1136 = arith.constant 8 : i32
        %mul3A_1137 = arith.muli %rem3A_1050, %mul3A_1136 : i32
        %add3A_1138 = arith.addi %mul3A_1135, %mul3A_1137 : i32
        %mul3A_1139 = arith.constant 8 : i32
        %mul3A_1140 = arith.muli %sub3A_1133, %mul3A_1139 : i32
        %add3A_1141 = arith.addi %mul3A_2, %mul3A_1140 : i32
        %dma_wait3A_1142 = tpu.memref_slice %arg13[%rem3A_1050] : memref<2x!tpu.dma_semaphore, #tpu.memory_space<semaphore_mem>> -> memref<1x!tpu.dma_semaphore, #tpu.memory_space<semaphore_mem>>
        %dma_wait3A_1143 = tpu.memref_squeeze %dma_wait3A_1142 : memref<1x!tpu.dma_semaphore, #tpu.memory_space<semaphore_mem>> -> memref<!tpu.dma_semaphore, #tpu.memory_space<semaphore_mem>>
        %dma_wait3A_1144 = arith.constant 0 : i32
        %dma_wait3A_1145 = tpu.memref_slice %arg5[%add3A_1141, %dma_wait3A_1144] : memref<10000x128xf32, #tpu.memory_space<hbm>> -> memref<8x128xf32, #tpu.memory_space<hbm>>
        %dma_wait3A_1146 = arith.constant 0 : i32
        %dma_wait3A_1147 = tpu.memref_slice %arg11[%add3A_1138, %dma_wait3A_1146] : memref<256x128xf32, #tpu.memory_space<vmem_shared>> -> memref<8x128xf32, #tpu.memory_space<vmem_shared>>
        tpu.wait_dma2 semaphore(%dma_wait3A_1143 : memref<!tpu.dma_semaphore, #tpu.memory_space<semaphore_mem>>) src(%dma_wait3A_1147 : memref<8x128xf32, #tpu.memory_space<vmem_shared>>) dst(%dma_wait3A_1145 : memref<8x128xf32, #tpu.memory_space<hbm>>)
      } else {
      }
      %mul3A_1069 = arith.constant 16 : i32
      %mul3A_1070 = arith.muli %arg1, %mul3A_1069 : i32
      %mul3A_1071 = arith.constant 8 : i32
      %mul3A_1072 = arith.muli %rem3A_1050, %mul3A_1071 : i32
      %add3A_1073 = arith.addi %mul3A_1070, %mul3A_1072 : i32
      %dma_start3A_1074 = arith.constant 0 : i32
      %dma_start3A_1075 = tpu.memref_slice %arg11[%add3A_1073, %dma_start3A_1074] : memref<256x128xf32, #tpu.memory_space<vmem_shared>> -> memref<8x128xf32, #tpu.memory_space<vmem_shared>>
      %dma_start3A_1076 = tpu.memref_slice %arg14[%rem3A_1050] : memref<2x!tpu.dma_semaphore, #tpu.memory_space<semaphore_mem>> -> memref<1x!tpu.dma_semaphore, #tpu.memory_space<semaphore_mem>>
      %dma_start3A_1077 = tpu.memref_squeeze %dma_start3A_1076 : memref<1x!tpu.dma_semaphore, #tpu.memory_space<semaphore_mem>> -> memref<!tpu.dma_semaphore, #tpu.memory_space<semaphore_mem>>
      %dma_start3A_1078 = arith.constant 0 : i32
      %dma_start3A_1079 = tpu.memref_slice %arg11[%add3A_1073, %dma_start3A_1078] : memref<256x128xf32, #tpu.memory_space<vmem_shared>> -> memref<8x128xf32, #tpu.memory_space<vmem_shared>>
      tpu.enqueue_dma source(%arg10 : memref<8x128xf32, #tpu.memory_space<vmem>>) target(%dma_start3A_1079 : memref<8x128xf32, #tpu.memory_space<vmem_shared>>) target_semaphore(%dma_start3A_1077 : memref<!tpu.dma_semaphore, #tpu.memory_space<semaphore_mem>>)
      %mul3A_1080 = arith.constant 256 : i32
      %mul3A_1081 = arith.muli %while3A_1048, %mul3A_1080 : i32
      %add3A_1082 = arith.constant 0 : i32
      %add3A_1083 = arith.addi %mul3A_1081, %add3A_1082 : i32
      %dma_wait3A_1084 = arith.constant 0 : i32
      %dma_wait3A_1085 = arith.constant 0 : i32
      %dma_wait3A_1086 = tpu.memref_slice %arg8[%rem3A_1050, %dma_wait3A_1084, %dma_wait3A_1085] : memref<2x256x128xf32, #tpu.memory_space<vmem>> -> memref<1x256x128xf32, #tpu.memory_space<vmem>>
      %dma_wait3A_1087 = tpu.memref_squeeze %dma_wait3A_1086 : memref<1x256x128xf32, #tpu.memory_space<vmem>> -> memref<256x128xf32, #tpu.memory_space<vmem>>
      %dma_wait3A_1088 = arith.constant 0 : i32
      %dma_wait3A_1089 = arith.constant 0 : i32
      %dma_wait3A_1090 = tpu.memref_slice %dma_wait3A_1087[%dma_wait3A_1088, %dma_wait3A_1089] : memref<256x128xf32, #tpu.memory_space<vmem>> -> memref<128x128xf32, #tpu.memory_space<vmem>>
      %dma_wait3A_1091 = tpu.memref_slice %arg7[%add3A_1083] : memref<10240xi32, #tpu.memory_space<vmem>> -> memref<128xi32, #tpu.memory_space<vmem>>
      %dma_wait3A_1092 = arith.constant 0 : i32
      %dma_wait3A_1093 = arith.constant 0 : i32
      %dma_wait3A_1094 = tpu.memref_slice %arg2[%dma_wait3A_1092, %dma_wait3A_1093] : memref<10000x128xf32, #tpu.memory_space<hbm>> -> memref<10000x128xf32, #tpu.memory_space<hbm>>
      %dma_wait3A_1095 = tpu.memref_slice %arg12[%rem3A_1050] : memref<2x!tpu.dma_semaphore, #tpu.memory_space<semaphore_mem>> -> memref<1x!tpu.dma_semaphore, #tpu.memory_space<semaphore_mem>>
      %dma_wait3A_1096 = tpu.memref_squeeze %dma_wait3A_1095 : memref<1x!tpu.dma_semaphore, #tpu.memory_space<semaphore_mem>> -> memref<!tpu.dma_semaphore, #tpu.memory_space<semaphore_mem>>
      tpu.wait_indirect_dma semaphore(%dma_wait3A_1096 : memref<!tpu.dma_semaphore, #tpu.memory_space<semaphore_mem>>) src(%dma_wait3A_1094 : memref<10000x128xf32, #tpu.memory_space<hbm>>) dst(%dma_wait3A_1090 : memref<128x128xf32, #tpu.memory_space<vmem>>)
      %mul3A_1097 = arith.constant 256 : i32
      %mul3A_1098 = arith.muli %while3A_1048, %mul3A_1097 : i32
      %add3A_1099 = arith.constant 128 : i32
      %add3A_1100 = arith.addi %mul3A_1098, %add3A_1099 : i32
      %dma_wait3A_1101 = arith.constant 0 : i32
      %dma_wait3A_1102 = arith.constant 0 : i32
      %dma_wait3A_1103 = tpu.memref_slice %arg8[%rem3A_1050, %dma_wait3A_1101, %dma_wait3A_1102] : memref<2x256x128xf32, #tpu.memory_space<vmem>> -> memref<1x256x128xf32, #tpu.memory_space<vmem>>
      %dma_wait3A_1104 = tpu.memref_squeeze %dma_wait3A_1103 : memref<1x256x128xf32, #tpu.memory_space<vmem>> -> memref<256x128xf32, #tpu.memory_space<vmem>>
      %dma_wait3A_1105 = arith.constant 128 : i32
      %dma_wait3A_1106 = arith.constant 0 : i32
      %dma_wait3A_1107 = tpu.memref_slice %dma_wait3A_1104[%dma_wait3A_1105, %dma_wait3A_1106] : memref<256x128xf32, #tpu.memory_space<vmem>> -> memref<128x128xf32, #tpu.memory_space<vmem>>
      %dma_wait3A_1108 = tpu.memref_slice %arg7[%add3A_1100] : memref<10240xi32, #tpu.memory_space<vmem>> -> memref<128xi32, #tpu.memory_space<vmem>>
      %dma_wait3A_1109 = arith.constant 0 : i32
      %dma_wait3A_1110 = arith.constant 0 : i32
      %dma_wait3A_1111 = tpu.memref_slice %arg2[%dma_wait3A_1109, %dma_wait3A_1110] : memref<10000x128xf32, #tpu.memory_space<hbm>> -> memref<10000x128xf32, #tpu.memory_space<hbm>>
      %dma_wait3A_1112 = tpu.memref_slice %arg12[%rem3A_1050] : memref<2x!tpu.dma_semaphore, #tpu.memory_space<semaphore_mem>> -> memref<1x!tpu.dma_semaphore, #tpu.memory_space<semaphore_mem>>
      %dma_wait3A_1113 = tpu.memref_squeeze %dma_wait3A_1112 : memref<1x!tpu.dma_semaphore, #tpu.memory_space<semaphore_mem>> -> memref<!tpu.dma_semaphore, #tpu.memory_space<semaphore_mem>>
      tpu.wait_indirect_dma semaphore(%dma_wait3A_1113 : memref<!tpu.dma_semaphore, #tpu.memory_space<semaphore_mem>>) src(%dma_wait3A_1111 : memref<10000x128xf32, #tpu.memory_space<hbm>>) dst(%dma_wait3A_1107 : memref<128x128xf32, #tpu.memory_space<vmem>>)
      %dma_wait3A_1114 = arith.constant 0 : i32
      %dma_wait3A_1115 = tpu.memref_slice %arg11[%add3A_1073, %dma_wait3A_1114] : memref<256x128xf32, #tpu.memory_space<vmem_shared>> -> memref<8x128xf32, #tpu.memory_space<vmem_shared>>
      %dma_wait3A_1116 = tpu.memref_slice %arg14[%rem3A_1050] : memref<2x!tpu.dma_semaphore, #tpu.memory_space<semaphore_mem>> -> memref<1x!tpu.dma_semaphore, #tpu.memory_space<semaphore_mem>>
      %dma_wait3A_1117 = tpu.memref_squeeze %dma_wait3A_1116 : memref<1x!tpu.dma_semaphore, #tpu.memory_space<semaphore_mem>> -> memref<!tpu.dma_semaphore, #tpu.memory_space<semaphore_mem>>
      %dma_wait3A_1118 = arith.constant 0 : i32
      %dma_wait3A_1119 = tpu.memref_slice %arg11[%add3A_1073, %dma_wait3A_1118] : memref<256x128xf32, #tpu.memory_space<vmem_shared>> -> memref<8x128xf32, #tpu.memory_space<vmem_shared>>
      tpu.wait_dma2 semaphore(%dma_wait3A_1117 : memref<!tpu.dma_semaphore, #tpu.memory_space<semaphore_mem>>) src(%arg10 : memref<8x128xf32, #tpu.memory_space<vmem>>) dst(%dma_wait3A_1119 : memref<8x128xf32, #tpu.memory_space<vmem_shared>>)
      %dma_start3A_1120 = arith.constant 0 : i32
      %dma_start3A_1121 = arith.constant 0 : i32
      %dma_start3A_1122 = tpu.memref_slice %arg8[%rem3A_1050, %dma_start3A_1120, %dma_start3A_1121] : memref<2x256x128xf32, #tpu.memory_space<vmem>> -> memref<1x256x128xf32, #tpu.memory_space<vmem>>
      %dma_start3A_1123 = tpu.memref_squeeze %dma_start3A_1122 : memref<1x256x128xf32, #tpu.memory_space<vmem>> -> memref<256x128xf32, #tpu.memory_space<vmem>>
      %dma_start3A_1124 = arith.constant 0 : i32
      %dma_start3A_1125 = tpu.memref_slice %arg9[%rem3A_1050, %dma_start3A_1124] : memref<2x256xi32, #tpu.memory_space<vmem>> -> memref<1x256xi32, #tpu.memory_space<vmem>>
      %dma_start3A_1126 = tpu.memref_squeeze %dma_start3A_1125 : memref<1x256xi32, #tpu.memory_space<vmem>> -> memref<256xi32, #tpu.memory_space<vmem>>
      %dma_start3A_1127 = arith.constant 0 : i32
      %dma_start3A_1128 = arith.constant 0 : i32
      %dma_start3A_1129 = tpu.memref_slice %arg11[%dma_start3A_1127, %dma_start3A_1128] : memref<256x128xf32, #tpu.memory_space<vmem_shared>> -> memref<256x128xf32, #tpu.memory_space<vmem_shared>>
      %dma_start3A_1130 = tpu.memref_slice %arg15[%rem3A_1050] : memref<2x!tpu.dma_semaphore, #tpu.memory_space<semaphore_mem>> -> memref<1x!tpu.dma_semaphore, #tpu.memory_space<semaphore_mem>>
      %dma_start3A_1131 = tpu.memref_squeeze %dma_start3A_1130 : memref<1x!tpu.dma_semaphore, #tpu.memory_space<semaphore_mem>> -> memref<!tpu.dma_semaphore, #tpu.memory_space<semaphore_mem>>
      tpu.enqueue_indirect_dma source(%dma_start3A_1123 : memref<256x128xf32, #tpu.memory_space<vmem>>) target(%dma_start3A_1129 : memref<256x128xf32, #tpu.memory_space<vmem_shared>>) offsets(%dma_start3A_1126 : memref<256xi32, #tpu.memory_space<vmem>>) semaphore(%dma_start3A_1131 : memref<!tpu.dma_semaphore, #tpu.memory_space<semaphore_mem>>) {add = true}
    }
    %sub3A = arith.constant 1 : i32
    %sub3A_983 = arith.subi %select_n3A, %sub3A : i32
    %rem3A = arith.constant 2 : i32
    %rem3A_984 = arith.remsi %sub3A_983, %rem3A : i32
    %dma_wait3A = arith.constant 0 : i32
    %dma_wait3A_985 = arith.constant 0 : i32
    %dma_wait3A_986 = tpu.memref_slice %arg8[%rem3A_984, %dma_wait3A, %dma_wait3A_985] : memref<2x256x128xf32, #tpu.memory_space<vmem>> -> memref<1x256x128xf32, #tpu.memory_space<vmem>>
    %dma_wait3A_987 = tpu.memref_squeeze %dma_wait3A_986 : memref<1x256x128xf32, #tpu.memory_space<vmem>> -> memref<256x128xf32, #tpu.memory_space<vmem>>
    %dma_wait3A_988 = arith.constant 0 : i32
    %dma_wait3A_989 = tpu.memref_slice %arg9[%rem3A_984, %dma_wait3A_988] : memref<2x256xi32, #tpu.memory_space<vmem>> -> memref<1x256xi32, #tpu.memory_space<vmem>>
    %dma_wait3A_990 = tpu.memref_squeeze %dma_wait3A_989 : memref<1x256xi32, #tpu.memory_space<vmem>> -> memref<256xi32, #tpu.memory_space<vmem>>
    %dma_wait3A_991 = arith.constant 0 : i32
    %dma_wait3A_992 = arith.constant 0 : i32
    %dma_wait3A_993 = tpu.memref_slice %arg11[%dma_wait3A_991, %dma_wait3A_992] : memref<256x128xf32, #tpu.memory_space<vmem_shared>> -> memref<256x128xf32, #tpu.memory_space<vmem_shared>>
    %dma_wait3A_994 = tpu.memref_slice %arg15[%rem3A_984] : memref<2x!tpu.dma_semaphore, #tpu.memory_space<semaphore_mem>> -> memref<1x!tpu.dma_semaphore, #tpu.memory_space<semaphore_mem>>
    %dma_wait3A_995 = tpu.memref_squeeze %dma_wait3A_994 : memref<1x!tpu.dma_semaphore, #tpu.memory_space<semaphore_mem>> -> memref<!tpu.dma_semaphore, #tpu.memory_space<semaphore_mem>>
    tpu.wait_indirect_dma semaphore(%dma_wait3A_995 : memref<!tpu.dma_semaphore, #tpu.memory_space<semaphore_mem>>) src(%dma_wait3A_987 : memref<256x128xf32, #tpu.memory_space<vmem>>) dst(%dma_wait3A_993 : memref<256x128xf32, #tpu.memory_space<vmem_shared>>)
    %sub3A_996 = arith.constant 1 : i32
    %sub3A_997 = arith.subi %select_n3A, %sub3A_996 : i32
    %mul3A_998 = arith.constant 16 : i32
    %mul3A_999 = arith.muli %arg1, %mul3A_998 : i32
    %mul3A_1000 = arith.constant 8 : i32
    %mul3A_1001 = arith.muli %rem3A_984, %mul3A_1000 : i32
    %add3A_1002 = arith.addi %mul3A_999, %mul3A_1001 : i32
    %mul3A_1003 = arith.constant 8 : i32
    %mul3A_1004 = arith.muli %sub3A_997, %mul3A_1003 : i32
    %add3A_1005 = arith.addi %mul3A_2, %mul3A_1004 : i32
    %dma_start3A_1006 = tpu.memref_slice %arg13[%rem3A_984] : memref<2x!tpu.dma_semaphore, #tpu.memory_space<semaphore_mem>> -> memref<1x!tpu.dma_semaphore, #tpu.memory_space<semaphore_mem>>
    %dma_start3A_1007 = tpu.memref_squeeze %dma_start3A_1006 : memref<1x!tpu.dma_semaphore, #tpu.memory_space<semaphore_mem>> -> memref<!tpu.dma_semaphore, #tpu.memory_space<semaphore_mem>>
    %dma_start3A_1008 = arith.constant 0 : i32
    %dma_start3A_1009 = tpu.memref_slice %arg5[%add3A_1005, %dma_start3A_1008] : memref<10000x128xf32, #tpu.memory_space<hbm>> -> memref<8x128xf32, #tpu.memory_space<hbm>>
    %dma_start3A_1010 = arith.constant 0 : i32
    %dma_start3A_1011 = tpu.memref_slice %arg11[%add3A_1002, %dma_start3A_1010] : memref<256x128xf32, #tpu.memory_space<vmem_shared>> -> memref<8x128xf32, #tpu.memory_space<vmem_shared>>
    tpu.enqueue_dma source(%dma_start3A_1011 : memref<8x128xf32, #tpu.memory_space<vmem_shared>>) target(%dma_start3A_1009 : memref<8x128xf32, #tpu.memory_space<hbm>>) target_semaphore(%dma_start3A_1007 : memref<!tpu.dma_semaphore, #tpu.memory_space<semaphore_mem>>)
    %sub3A_1012 = arith.constant 2 : i32
    %sub3A_1013 = arith.subi %select_n3A, %sub3A_1012 : i32
    %sub3A_1014 = arith.constant 2 : i32
    %sub3A_1015 = arith.subi %select_n3A, %sub3A_1014 : i32
    %rem3A_1016 = arith.constant 2 : i32
    %rem3A_1017 = arith.remsi %sub3A_1015, %rem3A_1016 : i32
    %mul3A_1018 = arith.constant 16 : i32
    %mul3A_1019 = arith.muli %arg1, %mul3A_1018 : i32
    %mul3A_1020 = arith.constant 8 : i32
    %mul3A_1021 = arith.muli %rem3A_1017, %mul3A_1020 : i32
    %add3A_1022 = arith.addi %mul3A_1019, %mul3A_1021 : i32
    %mul3A_1023 = arith.constant 8 : i32
    %mul3A_1024 = arith.muli %sub3A_1013, %mul3A_1023 : i32
    %add3A_1025 = arith.addi %mul3A_2, %mul3A_1024 : i32
    %dma_wait3A_1026 = tpu.memref_slice %arg13[%rem3A_1017] : memref<2x!tpu.dma_semaphore, #tpu.memory_space<semaphore_mem>> -> memref<1x!tpu.dma_semaphore, #tpu.memory_space<semaphore_mem>>
    %dma_wait3A_1027 = tpu.memref_squeeze %dma_wait3A_1026 : memref<1x!tpu.dma_semaphore, #tpu.memory_space<semaphore_mem>> -> memref<!tpu.dma_semaphore, #tpu.memory_space<semaphore_mem>>
    %dma_wait3A_1028 = arith.constant 0 : i32
    %dma_wait3A_1029 = tpu.memref_slice %arg5[%add3A_1025, %dma_wait3A_1028] : memref<10000x128xf32, #tpu.memory_space<hbm>> -> memref<8x128xf32, #tpu.memory_space<hbm>>
    %dma_wait3A_1030 = arith.constant 0 : i32
    %dma_wait3A_1031 = tpu.memref_slice %arg11[%add3A_1022, %dma_wait3A_1030] : memref<256x128xf32, #tpu.memory_space<vmem_shared>> -> memref<8x128xf32, #tpu.memory_space<vmem_shared>>
    tpu.wait_dma2 semaphore(%dma_wait3A_1027 : memref<!tpu.dma_semaphore, #tpu.memory_space<semaphore_mem>>) src(%dma_wait3A_1031 : memref<8x128xf32, #tpu.memory_space<vmem_shared>>) dst(%dma_wait3A_1029 : memref<8x128xf32, #tpu.memory_space<hbm>>)
    %sub3A_1032 = arith.constant 1 : i32
    %sub3A_1033 = arith.subi %select_n3A, %sub3A_1032 : i32
    %mul3A_1034 = arith.constant 16 : i32
    %mul3A_1035 = arith.muli %arg1, %mul3A_1034 : i32
    %mul3A_1036 = arith.constant 8 : i32
    %mul3A_1037 = arith.muli %rem3A_984, %mul3A_1036 : i32
    %add3A_1038 = arith.addi %mul3A_1035, %mul3A_1037 : i32
    %mul3A_1039 = arith.constant 8 : i32
    %mul3A_1040 = arith.muli %sub3A_1033, %mul3A_1039 : i32
    %add3A_1041 = arith.addi %mul3A_2, %mul3A_1040 : i32
    %dma_wait3A_1042 = tpu.memref_slice %arg13[%rem3A_984] : memref<2x!tpu.dma_semaphore, #tpu.memory_space<semaphore_mem>> -> memref<1x!tpu.dma_semaphore, #tpu.memory_space<semaphore_mem>>
    %dma_wait3A_1043 = tpu.memref_squeeze %dma_wait3A_1042 : memref<1x!tpu.dma_semaphore, #tpu.memory_space<semaphore_mem>> -> memref<!tpu.dma_semaphore, #tpu.memory_space<semaphore_mem>>
    %dma_wait3A_1044 = arith.constant 0 : i32
    %dma_wait3A_1045 = tpu.memref_slice %arg5[%add3A_1041, %dma_wait3A_1044] : memref<10000x128xf32, #tpu.memory_space<hbm>> -> memref<8x128xf32, #tpu.memory_space<hbm>>
    %dma_wait3A_1046 = arith.constant 0 : i32
    %dma_wait3A_1047 = tpu.memref_slice %arg11[%add3A_1038, %dma_wait3A_1046] : memref<256x128xf32, #tpu.memory_space<vmem_shared>> -> memref<8x128xf32, #tpu.memory_space<vmem_shared>>
    tpu.wait_dma2 semaphore(%dma_wait3A_1043 : memref<!tpu.dma_semaphore, #tpu.memory_space<semaphore_mem>>) src(%dma_wait3A_1047 : memref<8x128xf32, #tpu.memory_space<vmem_shared>>) dst(%dma_wait3A_1045 : memref<8x128xf32, #tpu.memory_space<hbm>>)
    return
  }
}

#map = affine_map<(d0, d1) -> (0, 0)>
module attributes {stable_mosaic.version = 14 : i64} {
  func.func @body(%arg0: i32, %arg1: i32, %arg2: memref<320000x16xf32, #tpu.memory_space<hbm>>, %arg3: memref<10000x128xi32, #tpu.memory_space<hbm>>, %arg4: memref<8x128xf32, #tpu.memory_space<hbm>>, %arg5: memref<10000x128xf32, #tpu.memory_space<hbm>>, %arg6: memref<320x128xi32, #tpu.memory_space<vmem>>, %arg7: memref<10240xi32, #tpu.memory_space<vmem>>, %arg8: memref<2x256x16xf32, #tpu.memory_space<vmem>>, %arg9: memref<2x256xi32, #tpu.memory_space<vmem>>, %arg10: memref<8x16xf32, #tpu.memory_space<vmem>>, %arg11: memref<256x16xf32, #tpu.memory_space<vmem_shared>>, %arg12: memref<2x!tpu.dma_semaphore, #tpu.memory_space<semaphore_mem>>, %arg13: memref<2x!tpu.dma_semaphore, #tpu.memory_space<semaphore_mem>>, %arg14: memref<2x!tpu.dma_semaphore, #tpu.memory_space<semaphore_mem>>, %arg15: memref<2x!tpu.dma_semaphore, #tpu.memory_space<semaphore_mem>>) attributes {dimension_semantics = [#tpu.dimension_semantics<core_parallel>, #tpu.dimension_semantics<subcore_parallel>], iteration_bounds = array<i64: 2, 16>, scalar_prefetch = 0 : i64, scratch_operands = 10 : i64, tpu.core_type = #tpu.core_type<sc_vector_subcore>, window_params = [{transform_indices = #map}, {transform_indices = #map}, {transform_indices = #map}, {transform_indices = #map}]} {
    %mul3A = arith.constant 2 : i32
    %mul3A_0 = arith.muli %arg1, %mul3A : i32
    %add3A = arith.addi %mul3A_0, %arg0 : i32
    %mul3A_1 = arith.constant 320 : i32
    %mul3A_2 = arith.muli %add3A, %mul3A_1 : i32
    %eq3A = arith.constant 31 : i32
    %eq3A_3 = arith.cmpi eq, %add3A, %eq3A : i32
    %jit3A = arith.constant 10 : i32
    %jit3A_4 = arith.constant 40 : i32
    %select_n3A = arith.select %eq3A_3, %jit3A, %jit3A_4 : i32
    %ne3A = arith.constant 31 : i32
    %ne3A_5 = arith.cmpi ne, %add3A, %ne3A : i32
    %convert_element_type3A = arith.extui %ne3A_5 : i1 to i32
    %cond3A = arith.constant 0 : i32
    %cond3A_6 = arith.cmpi ne, %convert_element_type3A, %cond3A : i32
    scf.if %cond3A_6 {
      "tpu.region"() ({
        %run_scoped3A = tpu.sem_alloc : memref<!tpu.dma_semaphore, #tpu.memory_space<semaphore_mem>>
        %dma_start3A_600 = arith.constant 0 : i32
        %dma_start3A_601 = tpu.memref_slice %arg3[%mul3A_2, %dma_start3A_600] : memref<10000x128xi32, #tpu.memory_space<hbm>> -> memref<320x128xi32, #tpu.memory_space<hbm>>
        %dma_start3A_602 = arith.constant 0 : i32
        %dma_start3A_603 = tpu.memref_slice %arg3[%mul3A_2, %dma_start3A_602] : memref<10000x128xi32, #tpu.memory_space<hbm>> -> memref<320x128xi32, #tpu.memory_space<hbm>>
        tpu.enqueue_dma source(%dma_start3A_603 : memref<320x128xi32, #tpu.memory_space<hbm>>) target(%arg6 : memref<320x128xi32, #tpu.memory_space<vmem>>) target_semaphore(%run_scoped3A : memref<!tpu.dma_semaphore, #tpu.memory_space<semaphore_mem>>)
        %dma_wait3A_604 = arith.constant 0 : i32
        %dma_wait3A_605 = tpu.memref_slice %arg3[%mul3A_2, %dma_wait3A_604] : memref<10000x128xi32, #tpu.memory_space<hbm>> -> memref<320x128xi32, #tpu.memory_space<hbm>>
        %dma_wait3A_606 = arith.constant 0 : i32
        %dma_wait3A_607 = tpu.memref_slice %arg3[%mul3A_2, %dma_wait3A_606] : memref<10000x128xi32, #tpu.memory_space<hbm>> -> memref<320x128xi32, #tpu.memory_space<hbm>>
        tpu.wait_dma2 semaphore(%run_scoped3A : memref<!tpu.dma_semaphore, #tpu.memory_space<semaphore_mem>>) src(%dma_wait3A_607 : memref<320x128xi32, #tpu.memory_space<hbm>>) dst(%arg6 : memref<320x128xi32, #tpu.memory_space<vmem>>)
        tpu.yield
      }) : () -> ()
    } else {
    }
    %eq3A_7 = arith.constant 31 : i32
    %eq3A_8 = arith.cmpi eq, %add3A, %eq3A_7 : i32
    %convert_element_type3A_9 = arith.extui %eq3A_8 : i1 to i32
    %cond3A_10 = arith.constant 0 : i32
    %cond3A_11 = arith.cmpi ne, %convert_element_type3A_9, %cond3A_10 : i32
    scf.if %cond3A_11 {
      "tpu.region"() ({
        %run_scoped3A = tpu.sem_alloc : memref<!tpu.dma_semaphore, #tpu.memory_space<semaphore_mem>>
        %dma_start3A_600 = arith.constant 0 : i32
        %dma_start3A_601 = arith.constant 0 : i32
        %dma_start3A_602 = tpu.memref_slice %arg6[%dma_start3A_600, %dma_start3A_601] : memref<320x128xi32, #tpu.memory_space<vmem>> -> memref<80x128xi32, #tpu.memory_space<vmem>>
        %dma_start3A_603 = arith.constant 9920 : i32
        %dma_start3A_604 = arith.constant 0 : i32
        %dma_start3A_605 = tpu.memref_slice %arg3[%dma_start3A_603, %dma_start3A_604] : memref<10000x128xi32, #tpu.memory_space<hbm>> -> memref<80x128xi32, #tpu.memory_space<hbm>>
        %dma_start3A_606 = arith.constant 0 : i32
        %dma_start3A_607 = arith.constant 0 : i32
        %dma_start3A_608 = tpu.memref_slice %arg6[%dma_start3A_606, %dma_start3A_607] : memref<320x128xi32, #tpu.memory_space<vmem>> -> memref<80x128xi32, #tpu.memory_space<vmem>>
        %dma_start3A_609 = arith.constant 9920 : i32
        %dma_start3A_610 = arith.constant 0 : i32
        %dma_start3A_611 = tpu.memref_slice %arg3[%dma_start3A_609, %dma_start3A_610] : memref<10000x128xi32, #tpu.memory_space<hbm>> -> memref<80x128xi32, #tpu.memory_space<hbm>>
        tpu.enqueue_dma source(%dma_start3A_611 : memref<80x128xi32, #tpu.memory_space<hbm>>) target(%dma_start3A_608 : memref<80x128xi32, #tpu.memory_space<vmem>>) target_semaphore(%run_scoped3A : memref<!tpu.dma_semaphore, #tpu.memory_space<semaphore_mem>>)
        %dma_wait3A_612 = arith.constant 0 : i32
        %dma_wait3A_613 = arith.constant 0 : i32
        %dma_wait3A_614 = tpu.memref_slice %arg6[%dma_wait3A_612, %dma_wait3A_613] : memref<320x128xi32, #tpu.memory_space<vmem>> -> memref<80x128xi32, #tpu.memory_space<vmem>>
        %dma_wait3A_615 = arith.constant 9920 : i32
        %dma_wait3A_616 = arith.constant 0 : i32
        %dma_wait3A_617 = tpu.memref_slice %arg3[%dma_wait3A_615, %dma_wait3A_616] : memref<10000x128xi32, #tpu.memory_space<hbm>> -> memref<80x128xi32, #tpu.memory_space<hbm>>
        %dma_wait3A_618 = arith.constant 0 : i32
        %dma_wait3A_619 = arith.constant 0 : i32
        %dma_wait3A_620 = tpu.memref_slice %arg6[%dma_wait3A_618, %dma_wait3A_619] : memref<320x128xi32, #tpu.memory_space<vmem>> -> memref<80x128xi32, #tpu.memory_space<vmem>>
        %dma_wait3A_621 = arith.constant 9920 : i32
        %dma_wait3A_622 = arith.constant 0 : i32
        %dma_wait3A_623 = tpu.memref_slice %arg3[%dma_wait3A_621, %dma_wait3A_622] : memref<10000x128xi32, #tpu.memory_space<hbm>> -> memref<80x128xi32, #tpu.memory_space<hbm>>
        tpu.wait_dma2 semaphore(%run_scoped3A : memref<!tpu.dma_semaphore, #tpu.memory_space<semaphore_mem>>) src(%dma_wait3A_623 : memref<80x128xi32, #tpu.memory_space<hbm>>) dst(%dma_wait3A_620 : memref<80x128xi32, #tpu.memory_space<vmem>>)
        tpu.yield
      }) : () -> ()
    } else {
    }
    %scan3A = arith.constant 0 : i32
    %scan3A_12 = arith.constant 0 : i32
    %scan3A_13 = arith.constant 320 : i32
    %scan3A_14 = arith.addi %scan3A_12, %scan3A_13 : i32
    %scan3A_15 = arith.constant 1 : i32
    scf.for %scan3A_600 = %scan3A_12 to %scan3A_14 step %scan3A_15  : i32 {
      %get3A = arith.index_cast %scan3A_600 : i32 to index
      %get3A_601 = arith.constant 0 : index
      %get3A_602 = tpu.vector_load %arg6[%get3A, %get3A_601] {strides = array<i32>} : memref<320x128xi32, #tpu.memory_space<vmem>>, vector<1x16xi32>,
      %get3A_603 = vector.shape_cast %get3A_602 : vector<1x16xi32> to vector<16xi32>
      %mul3A_604 = arith.constant 32 : i32
      %mul3A_605 = arith.muli %scan3A_600, %mul3A_604 : i32
      %add3A_606 = arith.constant 0 : i32
      %add3A_607 = arith.addi %mul3A_605, %add3A_606 : i32
      %swap3A_608 = arith.index_cast %add3A_607 : i32 to index
      %swap3A_609 = tpu.vector_load %arg7[%swap3A_608] {strides = array<i32>} : memref<10240xi32, #tpu.memory_space<vmem>>, vector<16xi32>,
      %swap3A_610 = vector.shape_cast %swap3A_609 : vector<16xi32> to vector<16xi32>
      %swap3A_611 = vector.shape_cast %get3A_603 : vector<16xi32> to vector<16xi32>
      tpu.vector_store %arg7[%swap3A_608], %swap3A_611 {strides = array<i32>} : memref<10240xi32, #tpu.memory_space<vmem>>, vector<16xi32>,
      %get3A_612 = arith.index_cast %scan3A_600 : i32 to index
      %get3A_613 = arith.constant 16 : index
      %get3A_614 = tpu.vector_load %arg6[%get3A_612, %get3A_613] {strides = array<i32>} : memref<320x128xi32, #tpu.memory_space<vmem>>, vector<1x16xi32>,
      %get3A_615 = vector.shape_cast %get3A_614 : vector<1x16xi32> to vector<16xi32>
      %mul3A_616 = arith.constant 32 : i32
      %mul3A_617 = arith.muli %scan3A_600, %mul3A_616 : i32
      %add3A_618 = arith.constant 16 : i32
      %add3A_619 = arith.addi %mul3A_617, %add3A_618 : i32
      %swap3A_620 = arith.index_cast %add3A_619 : i32 to index
      %swap3A_621 = tpu.vector_load %arg7[%swap3A_620] {strides = array<i32>} : memref<10240xi32, #tpu.memory_space<vmem>>, vector<16xi32>,
      %swap3A_622 = vector.shape_cast %swap3A_621 : vector<16xi32> to vector<16xi32>
      %swap3A_623 = vector.shape_cast %get3A_615 : vector<16xi32> to vector<16xi32>
      tpu.vector_store %arg7[%swap3A_620], %swap3A_623 {strides = array<i32>} : memref<10240xi32, #tpu.memory_space<vmem>>, vector<16xi32>,
    }
    %scan3A_16 = arith.constant 320 : i32
    %broadcast_in_dim3A = arith.constant 0.000000e+00 : f32
    %broadcast_in_dim3A_17 = vector.broadcast %broadcast_in_dim3A : f32 to vector<16xf32>
    %swap3A = arith.constant 0 : i32
    %swap3A_18 = arith.index_cast %swap3A : i32 to index
    %swap3A_19 = arith.constant 0 : index
    %swap3A_20 = tpu.vector_load %arg10[%swap3A_18, %swap3A_19] {strides = array<i32>} : memref<8x16xf32, #tpu.memory_space<vmem>>, vector<1x16xf32>,
    %swap3A_21 = vector.shape_cast %swap3A_20 : vector<1x16xf32> to vector<16xf32>
    %swap3A_22 = vector.shape_cast %broadcast_in_dim3A_17 : vector<16xf32> to vector<1x16xf32>
    tpu.vector_store %arg10[%swap3A_18, %swap3A_19], %swap3A_22 {strides = array<i32>} : memref<8x16xf32, #tpu.memory_space<vmem>>, vector<1x16xf32>,
    %broadcast_in_dim3A_23 = arith.constant 0.000000e+00 : f32
    %broadcast_in_dim3A_24 = vector.broadcast %broadcast_in_dim3A_23 : f32 to vector<16xf32>
    %swap3A_25 = arith.constant 1 : i32
    %swap3A_26 = arith.index_cast %swap3A_25 : i32 to index
    %swap3A_27 = arith.constant 0 : index
    %swap3A_28 = tpu.vector_load %arg10[%swap3A_26, %swap3A_27] {strides = array<i32>} : memref<8x16xf32, #tpu.memory_space<vmem>>, vector<1x16xf32>,
    %swap3A_29 = vector.shape_cast %swap3A_28 : vector<1x16xf32> to vector<16xf32>
    %swap3A_30 = vector.shape_cast %broadcast_in_dim3A_24 : vector<16xf32> to vector<1x16xf32>
    tpu.vector_store %arg10[%swap3A_26, %swap3A_27], %swap3A_30 {strides = array<i32>} : memref<8x16xf32, #tpu.memory_space<vmem>>, vector<1x16xf32>,
    %broadcast_in_dim3A_31 = arith.constant 0.000000e+00 : f32
    %broadcast_in_dim3A_32 = vector.broadcast %broadcast_in_dim3A_31 : f32 to vector<16xf32>
    %swap3A_33 = arith.constant 2 : i32
    %swap3A_34 = arith.index_cast %swap3A_33 : i32 to index
    %swap3A_35 = arith.constant 0 : index
    %swap3A_36 = tpu.vector_load %arg10[%swap3A_34, %swap3A_35] {strides = array<i32>} : memref<8x16xf32, #tpu.memory_space<vmem>>, vector<1x16xf32>,
    %swap3A_37 = vector.shape_cast %swap3A_36 : vector<1x16xf32> to vector<16xf32>
    %swap3A_38 = vector.shape_cast %broadcast_in_dim3A_32 : vector<16xf32> to vector<1x16xf32>
    tpu.vector_store %arg10[%swap3A_34, %swap3A_35], %swap3A_38 {strides = array<i32>} : memref<8x16xf32, #tpu.memory_space<vmem>>, vector<1x16xf32>,
    %broadcast_in_dim3A_39 = arith.constant 0.000000e+00 : f32
    %broadcast_in_dim3A_40 = vector.broadcast %broadcast_in_dim3A_39 : f32 to vector<16xf32>
    %swap3A_41 = arith.constant 3 : i32
    %swap3A_42 = arith.index_cast %swap3A_41 : i32 to index
    %swap3A_43 = arith.constant 0 : index
    %swap3A_44 = tpu.vector_load %arg10[%swap3A_42, %swap3A_43] {strides = array<i32>} : memref<8x16xf32, #tpu.memory_space<vmem>>, vector<1x16xf32>,
    %swap3A_45 = vector.shape_cast %swap3A_44 : vector<1x16xf32> to vector<16xf32>
    %swap3A_46 = vector.shape_cast %broadcast_in_dim3A_40 : vector<16xf32> to vector<1x16xf32>
    tpu.vector_store %arg10[%swap3A_42, %swap3A_43], %swap3A_46 {strides = array<i32>} : memref<8x16xf32, #tpu.memory_space<vmem>>, vector<1x16xf32>,
    %broadcast_in_dim3A_47 = arith.constant 0.000000e+00 : f32
    %broadcast_in_dim3A_48 = vector.broadcast %broadcast_in_dim3A_47 : f32 to vector<16xf32>
    %swap3A_49 = arith.constant 4 : i32
    %swap3A_50 = arith.index_cast %swap3A_49 : i32 to index
    %swap3A_51 = arith.constant 0 : index
    %swap3A_52 = tpu.vector_load %arg10[%swap3A_50, %swap3A_51] {strides = array<i32>} : memref<8x16xf32, #tpu.memory_space<vmem>>, vector<1x16xf32>,
    %swap3A_53 = vector.shape_cast %swap3A_52 : vector<1x16xf32> to vector<16xf32>
    %swap3A_54 = vector.shape_cast %broadcast_in_dim3A_48 : vector<16xf32> to vector<1x16xf32>
    tpu.vector_store %arg10[%swap3A_50, %swap3A_51], %swap3A_54 {strides = array<i32>} : memref<8x16xf32, #tpu.memory_space<vmem>>, vector<1x16xf32>,
    %broadcast_in_dim3A_55 = arith.constant 0.000000e+00 : f32
    %broadcast_in_dim3A_56 = vector.broadcast %broadcast_in_dim3A_55 : f32 to vector<16xf32>
    %swap3A_57 = arith.constant 5 : i32
    %swap3A_58 = arith.index_cast %swap3A_57 : i32 to index
    %swap3A_59 = arith.constant 0 : index
    %swap3A_60 = tpu.vector_load %arg10[%swap3A_58, %swap3A_59] {strides = array<i32>} : memref<8x16xf32, #tpu.memory_space<vmem>>, vector<1x16xf32>,
    %swap3A_61 = vector.shape_cast %swap3A_60 : vector<1x16xf32> to vector<16xf32>
    %swap3A_62 = vector.shape_cast %broadcast_in_dim3A_56 : vector<16xf32> to vector<1x16xf32>
    tpu.vector_store %arg10[%swap3A_58, %swap3A_59], %swap3A_62 {strides = array<i32>} : memref<8x16xf32, #tpu.memory_space<vmem>>, vector<1x16xf32>,
    %broadcast_in_dim3A_63 = arith.constant 0.000000e+00 : f32
    %broadcast_in_dim3A_64 = vector.broadcast %broadcast_in_dim3A_63 : f32 to vector<16xf32>
    %swap3A_65 = arith.constant 6 : i32
    %swap3A_66 = arith.index_cast %swap3A_65 : i32 to index
    %swap3A_67 = arith.constant 0 : index
    %swap3A_68 = tpu.vector_load %arg10[%swap3A_66, %swap3A_67] {strides = array<i32>} : memref<8x16xf32, #tpu.memory_space<vmem>>, vector<1x16xf32>,
    %swap3A_69 = vector.shape_cast %swap3A_68 : vector<1x16xf32> to vector<16xf32>
    %swap3A_70 = vector.shape_cast %broadcast_in_dim3A_64 : vector<16xf32> to vector<1x16xf32>
    tpu.vector_store %arg10[%swap3A_66, %swap3A_67], %swap3A_70 {strides = array<i32>} : memref<8x16xf32, #tpu.memory_space<vmem>>, vector<1x16xf32>,
    %broadcast_in_dim3A_71 = arith.constant 0.000000e+00 : f32
    %broadcast_in_dim3A_72 = vector.broadcast %broadcast_in_dim3A_71 : f32 to vector<16xf32>
    %swap3A_73 = arith.constant 7 : i32
    %swap3A_74 = arith.index_cast %swap3A_73 : i32 to index
    %swap3A_75 = arith.constant 0 : index
    %swap3A_76 = tpu.vector_load %arg10[%swap3A_74, %swap3A_75] {strides = array<i32>} : memref<8x16xf32, #tpu.memory_space<vmem>>, vector<1x16xf32>,
    %swap3A_77 = vector.shape_cast %swap3A_76 : vector<1x16xf32> to vector<16xf32>
    %swap3A_78 = vector.shape_cast %broadcast_in_dim3A_72 : vector<16xf32> to vector<1x16xf32>
    tpu.vector_store %arg10[%swap3A_74, %swap3A_75], %swap3A_78 {strides = array<i32>} : memref<8x16xf32, #tpu.memory_space<vmem>>, vector<1x16xf32>,
    %mul3A_79 = arith.constant 16 : i32
    %mul3A_80 = arith.muli %arg1, %mul3A_79 : i32
    %add3A_81 = arith.constant 0 : i32
    %add3A_82 = arith.addi %mul3A_80, %add3A_81 : i32
    %add3A_83 = arith.constant 0 : i32
    %add3A_84 = arith.addi %add3A_82, %add3A_83 : i32
    %broadcast_in_dim3A_85 = vector.broadcast %add3A_84 : i32 to vector<16xi32>
    %swap3A_86 = arith.constant 0 : i32
    %swap3A_87 = arith.index_cast %swap3A_86 : i32 to index
    %swap3A_88 = arith.constant 0 : index
    %swap3A_89 = tpu.vector_load %arg9[%swap3A_87, %swap3A_88] {strides = array<i32>} : memref<2x256xi32, #tpu.memory_space<vmem>>, vector<1x16xi32>,
    %swap3A_90 = vector.shape_cast %swap3A_89 : vector<1x16xi32> to vector<16xi32>
    %swap3A_91 = vector.shape_cast %broadcast_in_dim3A_85 : vector<16xi32> to vector<1x16xi32>
    tpu.vector_store %arg9[%swap3A_87, %swap3A_88], %swap3A_91 {strides = array<i32>} : memref<2x256xi32, #tpu.memory_space<vmem>>, vector<1x16xi32>,
    %mul3A_92 = arith.constant 16 : i32
    %mul3A_93 = arith.muli %arg1, %mul3A_92 : i32
    %add3A_94 = arith.constant 0 : i32
    %add3A_95 = arith.addi %mul3A_93, %add3A_94 : i32
    %add3A_96 = arith.constant 0 : i32
    %add3A_97 = arith.addi %add3A_95, %add3A_96 : i32
    %broadcast_in_dim3A_98 = vector.broadcast %add3A_97 : i32 to vector<16xi32>
    %swap3A_99 = arith.constant 0 : i32
    %swap3A_100 = arith.index_cast %swap3A_99 : i32 to index
    %swap3A_101 = arith.constant 16 : index
    %swap3A_102 = tpu.vector_load %arg9[%swap3A_100, %swap3A_101] {strides = array<i32>} : memref<2x256xi32, #tpu.memory_space<vmem>>, vector<1x16xi32>,
    %swap3A_103 = vector.shape_cast %swap3A_102 : vector<1x16xi32> to vector<16xi32>
    %swap3A_104 = vector.shape_cast %broadcast_in_dim3A_98 : vector<16xi32> to vector<1x16xi32>
    tpu.vector_store %arg9[%swap3A_100, %swap3A_101], %swap3A_104 {strides = array<i32>} : memref<2x256xi32, #tpu.memory_space<vmem>>, vector<1x16xi32>,
    %mul3A_105 = arith.constant 16 : i32
    %mul3A_106 = arith.muli %arg1, %mul3A_105 : i32
    %add3A_107 = arith.constant 0 : i32
    %add3A_108 = arith.addi %mul3A_106, %add3A_107 : i32
    %add3A_109 = arith.constant 1 : i32
    %add3A_110 = arith.addi %add3A_108, %add3A_109 : i32
    %broadcast_in_dim3A_111 = vector.broadcast %add3A_110 : i32 to vector<16xi32>
    %swap3A_112 = arith.constant 0 : i32
    %swap3A_113 = arith.index_cast %swap3A_112 : i32 to index
    %swap3A_114 = arith.constant 32 : index
    %swap3A_115 = tpu.vector_load %arg9[%swap3A_113, %swap3A_114] {strides = array<i32>} : memref<2x256xi32, #tpu.memory_space<vmem>>, vector<1x16xi32>,
    %swap3A_116 = vector.shape_cast %swap3A_115 : vector<1x16xi32> to vector<16xi32>
    %swap3A_117 = vector.shape_cast %broadcast_in_dim3A_111 : vector<16xi32> to vector<1x16xi32>
    tpu.vector_store %arg9[%swap3A_113, %swap3A_114], %swap3A_117 {strides = array<i32>} : memref<2x256xi32, #tpu.memory_space<vmem>>, vector<1x16xi32>,
    %mul3A_118 = arith.constant 16 : i32
    %mul3A_119 = arith.muli %arg1, %mul3A_118 : i32
    %add3A_120 = arith.constant 0 : i32
    %add3A_121 = arith.addi %mul3A_119, %add3A_120 : i32
    %add3A_122 = arith.constant 1 : i32
    %add3A_123 = arith.addi %add3A_121, %add3A_122 : i32
    %broadcast_in_dim3A_124 = vector.broadcast %add3A_123 : i32 to vector<16xi32>
    %swap3A_125 = arith.constant 0 : i32
    %swap3A_126 = arith.index_cast %swap3A_125 : i32 to index
    %swap3A_127 = arith.constant 48 : index
    %swap3A_128 = tpu.vector_load %arg9[%swap3A_126, %swap3A_127] {strides = array<i32>} : memref<2x256xi32, #tpu.memory_space<vmem>>, vector<1x16xi32>,
    %swap3A_129 = vector.shape_cast %swap3A_128 : vector<1x16xi32> to vector<16xi32>
    %swap3A_130 = vector.shape_cast %broadcast_in_dim3A_124 : vector<16xi32> to vector<1x16xi32>
    tpu.vector_store %arg9[%swap3A_126, %swap3A_127], %swap3A_130 {strides = array<i32>} : memref<2x256xi32, #tpu.memory_space<vmem>>, vector<1x16xi32>,
    %mul3A_131 = arith.constant 16 : i32
    %mul3A_132 = arith.muli %arg1, %mul3A_131 : i32
    %add3A_133 = arith.constant 0 : i32
    %add3A_134 = arith.addi %mul3A_132, %add3A_133 : i32
    %add3A_135 = arith.constant 2 : i32
    %add3A_136 = arith.addi %add3A_134, %add3A_135 : i32
    %broadcast_in_dim3A_137 = vector.broadcast %add3A_136 : i32 to vector<16xi32>
    %swap3A_138 = arith.constant 0 : i32
    %swap3A_139 = arith.index_cast %swap3A_138 : i32 to index
    %swap3A_140 = arith.constant 64 : index
    %swap3A_141 = tpu.vector_load %arg9[%swap3A_139, %swap3A_140] {strides = array<i32>} : memref<2x256xi32, #tpu.memory_space<vmem>>, vector<1x16xi32>,
    %swap3A_142 = vector.shape_cast %swap3A_141 : vector<1x16xi32> to vector<16xi32>
    %swap3A_143 = vector.shape_cast %broadcast_in_dim3A_137 : vector<16xi32> to vector<1x16xi32>
    tpu.vector_store %arg9[%swap3A_139, %swap3A_140], %swap3A_143 {strides = array<i32>} : memref<2x256xi32, #tpu.memory_space<vmem>>, vector<1x16xi32>,
    %mul3A_144 = arith.constant 16 : i32
    %mul3A_145 = arith.muli %arg1, %mul3A_144 : i32
    %add3A_146 = arith.constant 0 : i32
    %add3A_147 = arith.addi %mul3A_145, %add3A_146 : i32
    %add3A_148 = arith.constant 2 : i32
    %add3A_149 = arith.addi %add3A_147, %add3A_148 : i32
    %broadcast_in_dim3A_150 = vector.broadcast %add3A_149 : i32 to vector<16xi32>
    %swap3A_151 = arith.constant 0 : i32
    %swap3A_152 = arith.index_cast %swap3A_151 : i32 to index
    %swap3A_153 = arith.constant 80 : index
    %swap3A_154 = tpu.vector_load %arg9[%swap3A_152, %swap3A_153] {strides = array<i32>} : memref<2x256xi32, #tpu.memory_space<vmem>>, vector<1x16xi32>,
    %swap3A_155 = vector.shape_cast %swap3A_154 : vector<1x16xi32> to vector<16xi32>
    %swap3A_156 = vector.shape_cast %broadcast_in_dim3A_150 : vector<16xi32> to vector<1x16xi32>
    tpu.vector_store %arg9[%swap3A_152, %swap3A_153], %swap3A_156 {strides = array<i32>} : memref<2x256xi32, #tpu.memory_space<vmem>>, vector<1x16xi32>,
    %mul3A_157 = arith.constant 16 : i32
    %mul3A_158 = arith.muli %arg1, %mul3A_157 : i32
    %add3A_159 = arith.constant 0 : i32
    %add3A_160 = arith.addi %mul3A_158, %add3A_159 : i32
    %add3A_161 = arith.constant 3 : i32
    %add3A_162 = arith.addi %add3A_160, %add3A_161 : i32
    %broadcast_in_dim3A_163 = vector.broadcast %add3A_162 : i32 to vector<16xi32>
    %swap3A_164 = arith.constant 0 : i32
    %swap3A_165 = arith.index_cast %swap3A_164 : i32 to index
    %swap3A_166 = arith.constant 96 : index
    %swap3A_167 = tpu.vector_load %arg9[%swap3A_165, %swap3A_166] {strides = array<i32>} : memref<2x256xi32, #tpu.memory_space<vmem>>, vector<1x16xi32>,
    %swap3A_168 = vector.shape_cast %swap3A_167 : vector<1x16xi32> to vector<16xi32>
    %swap3A_169 = vector.shape_cast %broadcast_in_dim3A_163 : vector<16xi32> to vector<1x16xi32>
    tpu.vector_store %arg9[%swap3A_165, %swap3A_166], %swap3A_169 {strides = array<i32>} : memref<2x256xi32, #tpu.memory_space<vmem>>, vector<1x16xi32>,
    %mul3A_170 = arith.constant 16 : i32
    %mul3A_171 = arith.muli %arg1, %mul3A_170 : i32
    %add3A_172 = arith.constant 0 : i32
    %add3A_173 = arith.addi %mul3A_171, %add3A_172 : i32
    %add3A_174 = arith.constant 3 : i32
    %add3A_175 = arith.addi %add3A_173, %add3A_174 : i32
    %broadcast_in_dim3A_176 = vector.broadcast %add3A_175 : i32 to vector<16xi32>
    %swap3A_177 = arith.constant 0 : i32
    %swap3A_178 = arith.index_cast %swap3A_177 : i32 to index
    %swap3A_179 = arith.constant 112 : index
    %swap3A_180 = tpu.vector_load %arg9[%swap3A_178, %swap3A_179] {strides = array<i32>} : memref<2x256xi32, #tpu.memory_space<vmem>>, vector<1x16xi32>,
    %swap3A_181 = vector.shape_cast %swap3A_180 : vector<1x16xi32> to vector<16xi32>
    %swap3A_182 = vector.shape_cast %broadcast_in_dim3A_176 : vector<16xi32> to vector<1x16xi32>
    tpu.vector_store %arg9[%swap3A_178, %swap3A_179], %swap3A_182 {strides = array<i32>} : memref<2x256xi32, #tpu.memory_space<vmem>>, vector<1x16xi32>,
    %mul3A_183 = arith.constant 16 : i32
    %mul3A_184 = arith.muli %arg1, %mul3A_183 : i32
    %add3A_185 = arith.constant 0 : i32
    %add3A_186 = arith.addi %mul3A_184, %add3A_185 : i32
    %add3A_187 = arith.constant 4 : i32
    %add3A_188 = arith.addi %add3A_186, %add3A_187 : i32
    %broadcast_in_dim3A_189 = vector.broadcast %add3A_188 : i32 to vector<16xi32>
    %swap3A_190 = arith.constant 0 : i32
    %swap3A_191 = arith.index_cast %swap3A_190 : i32 to index
    %swap3A_192 = arith.constant 128 : index
    %swap3A_193 = tpu.vector_load %arg9[%swap3A_191, %swap3A_192] {strides = array<i32>} : memref<2x256xi32, #tpu.memory_space<vmem>>, vector<1x16xi32>,
    %swap3A_194 = vector.shape_cast %swap3A_193 : vector<1x16xi32> to vector<16xi32>
    %swap3A_195 = vector.shape_cast %broadcast_in_dim3A_189 : vector<16xi32> to vector<1x16xi32>
    tpu.vector_store %arg9[%swap3A_191, %swap3A_192], %swap3A_195 {strides = array<i32>} : memref<2x256xi32, #tpu.memory_space<vmem>>, vector<1x16xi32>,
    %mul3A_196 = arith.constant 16 : i32
    %mul3A_197 = arith.muli %arg1, %mul3A_196 : i32
    %add3A_198 = arith.constant 0 : i32
    %add3A_199 = arith.addi %mul3A_197, %add3A_198 : i32
    %add3A_200 = arith.constant 4 : i32
    %add3A_201 = arith.addi %add3A_199, %add3A_200 : i32
    %broadcast_in_dim3A_202 = vector.broadcast %add3A_201 : i32 to vector<16xi32>
    %swap3A_203 = arith.constant 0 : i32
    %swap3A_204 = arith.index_cast %swap3A_203 : i32 to index
    %swap3A_205 = arith.constant 144 : index
    %swap3A_206 = tpu.vector_load %arg9[%swap3A_204, %swap3A_205] {strides = array<i32>} : memref<2x256xi32, #tpu.memory_space<vmem>>, vector<1x16xi32>,
    %swap3A_207 = vector.shape_cast %swap3A_206 : vector<1x16xi32> to vector<16xi32>
    %swap3A_208 = vector.shape_cast %broadcast_in_dim3A_202 : vector<16xi32> to vector<1x16xi32>
    tpu.vector_store %arg9[%swap3A_204, %swap3A_205], %swap3A_208 {strides = array<i32>} : memref<2x256xi32, #tpu.memory_space<vmem>>, vector<1x16xi32>,
    %mul3A_209 = arith.constant 16 : i32
    %mul3A_210 = arith.muli %arg1, %mul3A_209 : i32
    %add3A_211 = arith.constant 0 : i32
    %add3A_212 = arith.addi %mul3A_210, %add3A_211 : i32
    %add3A_213 = arith.constant 5 : i32
    %add3A_214 = arith.addi %add3A_212, %add3A_213 : i32
    %broadcast_in_dim3A_215 = vector.broadcast %add3A_214 : i32 to vector<16xi32>
    %swap3A_216 = arith.constant 0 : i32
    %swap3A_217 = arith.index_cast %swap3A_216 : i32 to index
    %swap3A_218 = arith.constant 160 : index
    %swap3A_219 = tpu.vector_load %arg9[%swap3A_217, %swap3A_218] {strides = array<i32>} : memref<2x256xi32, #tpu.memory_space<vmem>>, vector<1x16xi32>,
    %swap3A_220 = vector.shape_cast %swap3A_219 : vector<1x16xi32> to vector<16xi32>
    %swap3A_221 = vector.shape_cast %broadcast_in_dim3A_215 : vector<16xi32> to vector<1x16xi32>
    tpu.vector_store %arg9[%swap3A_217, %swap3A_218], %swap3A_221 {strides = array<i32>} : memref<2x256xi32, #tpu.memory_space<vmem>>, vector<1x16xi32>,
    %mul3A_222 = arith.constant 16 : i32
    %mul3A_223 = arith.muli %arg1, %mul3A_222 : i32
    %add3A_224 = arith.constant 0 : i32
    %add3A_225 = arith.addi %mul3A_223, %add3A_224 : i32
    %add3A_226 = arith.constant 5 : i32
    %add3A_227 = arith.addi %add3A_225, %add3A_226 : i32
    %broadcast_in_dim3A_228 = vector.broadcast %add3A_227 : i32 to vector<16xi32>
    %swap3A_229 = arith.constant 0 : i32
    %swap3A_230 = arith.index_cast %swap3A_229 : i32 to index
    %swap3A_231 = arith.constant 176 : index
    %swap3A_232 = tpu.vector_load %arg9[%swap3A_230, %swap3A_231] {strides = array<i32>} : memref<2x256xi32, #tpu.memory_space<vmem>>, vector<1x16xi32>,
    %swap3A_233 = vector.shape_cast %swap3A_232 : vector<1x16xi32> to vector<16xi32>
    %swap3A_234 = vector.shape_cast %broadcast_in_dim3A_228 : vector<16xi32> to vector<1x16xi32>
    tpu.vector_store %arg9[%swap3A_230, %swap3A_231], %swap3A_234 {strides = array<i32>} : memref<2x256xi32, #tpu.memory_space<vmem>>, vector<1x16xi32>,
    %mul3A_235 = arith.constant 16 : i32
    %mul3A_236 = arith.muli %arg1, %mul3A_235 : i32
    %add3A_237 = arith.constant 0 : i32
    %add3A_238 = arith.addi %mul3A_236, %add3A_237 : i32
    %add3A_239 = arith.constant 6 : i32
    %add3A_240 = arith.addi %add3A_238, %add3A_239 : i32
    %broadcast_in_dim3A_241 = vector.broadcast %add3A_240 : i32 to vector<16xi32>
    %swap3A_242 = arith.constant 0 : i32
    %swap3A_243 = arith.index_cast %swap3A_242 : i32 to index
    %swap3A_244 = arith.constant 192 : index
    %swap3A_245 = tpu.vector_load %arg9[%swap3A_243, %swap3A_244] {strides = array<i32>} : memref<2x256xi32, #tpu.memory_space<vmem>>, vector<1x16xi32>,
    %swap3A_246 = vector.shape_cast %swap3A_245 : vector<1x16xi32> to vector<16xi32>
    %swap3A_247 = vector.shape_cast %broadcast_in_dim3A_241 : vector<16xi32> to vector<1x16xi32>
    tpu.vector_store %arg9[%swap3A_243, %swap3A_244], %swap3A_247 {strides = array<i32>} : memref<2x256xi32, #tpu.memory_space<vmem>>, vector<1x16xi32>,
    %mul3A_248 = arith.constant 16 : i32
    %mul3A_249 = arith.muli %arg1, %mul3A_248 : i32
    %add3A_250 = arith.constant 0 : i32
    %add3A_251 = arith.addi %mul3A_249, %add3A_250 : i32
    %add3A_252 = arith.constant 6 : i32
    %add3A_253 = arith.addi %add3A_251, %add3A_252 : i32
    %broadcast_in_dim3A_254 = vector.broadcast %add3A_253 : i32 to vector<16xi32>
    %swap3A_255 = arith.constant 0 : i32
    %swap3A_256 = arith.index_cast %swap3A_255 : i32 to index
    %swap3A_257 = arith.constant 208 : index
    %swap3A_258 = tpu.vector_load %arg9[%swap3A_256, %swap3A_257] {strides = array<i32>} : memref<2x256xi32, #tpu.memory_space<vmem>>, vector<1x16xi32>,
    %swap3A_259 = vector.shape_cast %swap3A_258 : vector<1x16xi32> to vector<16xi32>
    %swap3A_260 = vector.shape_cast %broadcast_in_dim3A_254 : vector<16xi32> to vector<1x16xi32>
    tpu.vector_store %arg9[%swap3A_256, %swap3A_257], %swap3A_260 {strides = array<i32>} : memref<2x256xi32, #tpu.memory_space<vmem>>, vector<1x16xi32>,
    %mul3A_261 = arith.constant 16 : i32
    %mul3A_262 = arith.muli %arg1, %mul3A_261 : i32
    %add3A_263 = arith.constant 0 : i32
    %add3A_264 = arith.addi %mul3A_262, %add3A_263 : i32
    %add3A_265 = arith.constant 7 : i32
    %add3A_266 = arith.addi %add3A_264, %add3A_265 : i32
    %broadcast_in_dim3A_267 = vector.broadcast %add3A_266 : i32 to vector<16xi32>
    %swap3A_268 = arith.constant 0 : i32
    %swap3A_269 = arith.index_cast %swap3A_268 : i32 to index
    %swap3A_270 = arith.constant 224 : index
    %swap3A_271 = tpu.vector_load %arg9[%swap3A_269, %swap3A_270] {strides = array<i32>} : memref<2x256xi32, #tpu.memory_space<vmem>>, vector<1x16xi32>,
    %swap3A_272 = vector.shape_cast %swap3A_271 : vector<1x16xi32> to vector<16xi32>
    %swap3A_273 = vector.shape_cast %broadcast_in_dim3A_267 : vector<16xi32> to vector<1x16xi32>
    tpu.vector_store %arg9[%swap3A_269, %swap3A_270], %swap3A_273 {strides = array<i32>} : memref<2x256xi32, #tpu.memory_space<vmem>>, vector<1x16xi32>,
    %mul3A_274 = arith.constant 16 : i32
    %mul3A_275 = arith.muli %arg1, %mul3A_274 : i32
    %add3A_276 = arith.constant 0 : i32
    %add3A_277 = arith.addi %mul3A_275, %add3A_276 : i32
    %add3A_278 = arith.constant 7 : i32
    %add3A_279 = arith.addi %add3A_277, %add3A_278 : i32
    %broadcast_in_dim3A_280 = vector.broadcast %add3A_279 : i32 to vector<16xi32>
    %swap3A_281 = arith.constant 0 : i32
    %swap3A_282 = arith.index_cast %swap3A_281 : i32 to index
    %swap3A_283 = arith.constant 240 : index
    %swap3A_284 = tpu.vector_load %arg9[%swap3A_282, %swap3A_283] {strides = array<i32>} : memref<2x256xi32, #tpu.memory_space<vmem>>, vector<1x16xi32>,
    %swap3A_285 = vector.shape_cast %swap3A_284 : vector<1x16xi32> to vector<16xi32>
    %swap3A_286 = vector.shape_cast %broadcast_in_dim3A_280 : vector<16xi32> to vector<1x16xi32>
    tpu.vector_store %arg9[%swap3A_282, %swap3A_283], %swap3A_286 {strides = array<i32>} : memref<2x256xi32, #tpu.memory_space<vmem>>, vector<1x16xi32>,
    %mul3A_287 = arith.constant 16 : i32
    %mul3A_288 = arith.muli %arg1, %mul3A_287 : i32
    %add3A_289 = arith.constant 8 : i32
    %add3A_290 = arith.addi %mul3A_288, %add3A_289 : i32
    %add3A_291 = arith.constant 0 : i32
    %add3A_292 = arith.addi %add3A_290, %add3A_291 : i32
    %broadcast_in_dim3A_293 = vector.broadcast %add3A_292 : i32 to vector<16xi32>
    %swap3A_294 = arith.constant 1 : i32
    %swap3A_295 = arith.index_cast %swap3A_294 : i32 to index
    %swap3A_296 = arith.constant 0 : index
    %swap3A_297 = tpu.vector_load %arg9[%swap3A_295, %swap3A_296] {strides = array<i32>} : memref<2x256xi32, #tpu.memory_space<vmem>>, vector<1x16xi32>,
    %swap3A_298 = vector.shape_cast %swap3A_297 : vector<1x16xi32> to vector<16xi32>
    %swap3A_299 = vector.shape_cast %broadcast_in_dim3A_293 : vector<16xi32> to vector<1x16xi32>
    tpu.vector_store %arg9[%swap3A_295, %swap3A_296], %swap3A_299 {strides = array<i32>} : memref<2x256xi32, #tpu.memory_space<vmem>>, vector<1x16xi32>,
    %mul3A_300 = arith.constant 16 : i32
    %mul3A_301 = arith.muli %arg1, %mul3A_300 : i32
    %add3A_302 = arith.constant 8 : i32
    %add3A_303 = arith.addi %mul3A_301, %add3A_302 : i32
    %add3A_304 = arith.constant 0 : i32
    %add3A_305 = arith.addi %add3A_303, %add3A_304 : i32
    %broadcast_in_dim3A_306 = vector.broadcast %add3A_305 : i32 to vector<16xi32>
    %swap3A_307 = arith.constant 1 : i32
    %swap3A_308 = arith.index_cast %swap3A_307 : i32 to index
    %swap3A_309 = arith.constant 16 : index
    %swap3A_310 = tpu.vector_load %arg9[%swap3A_308, %swap3A_309] {strides = array<i32>} : memref<2x256xi32, #tpu.memory_space<vmem>>, vector<1x16xi32>,
    %swap3A_311 = vector.shape_cast %swap3A_310 : vector<1x16xi32> to vector<16xi32>
    %swap3A_312 = vector.shape_cast %broadcast_in_dim3A_306 : vector<16xi32> to vector<1x16xi32>
    tpu.vector_store %arg9[%swap3A_308, %swap3A_309], %swap3A_312 {strides = array<i32>} : memref<2x256xi32, #tpu.memory_space<vmem>>, vector<1x16xi32>,
    %mul3A_313 = arith.constant 16 : i32
    %mul3A_314 = arith.muli %arg1, %mul3A_313 : i32
    %add3A_315 = arith.constant 8 : i32
    %add3A_316 = arith.addi %mul3A_314, %add3A_315 : i32
    %add3A_317 = arith.constant 1 : i32
    %add3A_318 = arith.addi %add3A_316, %add3A_317 : i32
    %broadcast_in_dim3A_319 = vector.broadcast %add3A_318 : i32 to vector<16xi32>
    %swap3A_320 = arith.constant 1 : i32
    %swap3A_321 = arith.index_cast %swap3A_320 : i32 to index
    %swap3A_322 = arith.constant 32 : index
    %swap3A_323 = tpu.vector_load %arg9[%swap3A_321, %swap3A_322] {strides = array<i32>} : memref<2x256xi32, #tpu.memory_space<vmem>>, vector<1x16xi32>,
    %swap3A_324 = vector.shape_cast %swap3A_323 : vector<1x16xi32> to vector<16xi32>
    %swap3A_325 = vector.shape_cast %broadcast_in_dim3A_319 : vector<16xi32> to vector<1x16xi32>
    tpu.vector_store %arg9[%swap3A_321, %swap3A_322], %swap3A_325 {strides = array<i32>} : memref<2x256xi32, #tpu.memory_space<vmem>>, vector<1x16xi32>,
    %mul3A_326 = arith.constant 16 : i32
    %mul3A_327 = arith.muli %arg1, %mul3A_326 : i32
    %add3A_328 = arith.constant 8 : i32
    %add3A_329 = arith.addi %mul3A_327, %add3A_328 : i32
    %add3A_330 = arith.constant 1 : i32
    %add3A_331 = arith.addi %add3A_329, %add3A_330 : i32
    %broadcast_in_dim3A_332 = vector.broadcast %add3A_331 : i32 to vector<16xi32>
    %swap3A_333 = arith.constant 1 : i32
    %swap3A_334 = arith.index_cast %swap3A_333 : i32 to index
    %swap3A_335 = arith.constant 48 : index
    %swap3A_336 = tpu.vector_load %arg9[%swap3A_334, %swap3A_335] {strides = array<i32>} : memref<2x256xi32, #tpu.memory_space<vmem>>, vector<1x16xi32>,
    %swap3A_337 = vector.shape_cast %swap3A_336 : vector<1x16xi32> to vector<16xi32>
    %swap3A_338 = vector.shape_cast %broadcast_in_dim3A_332 : vector<16xi32> to vector<1x16xi32>
    tpu.vector_store %arg9[%swap3A_334, %swap3A_335], %swap3A_338 {strides = array<i32>} : memref<2x256xi32, #tpu.memory_space<vmem>>, vector<1x16xi32>,
    %mul3A_339 = arith.constant 16 : i32
    %mul3A_340 = arith.muli %arg1, %mul3A_339 : i32
    %add3A_341 = arith.constant 8 : i32
    %add3A_342 = arith.addi %mul3A_340, %add3A_341 : i32
    %add3A_343 = arith.constant 2 : i32
    %add3A_344 = arith.addi %add3A_342, %add3A_343 : i32
    %broadcast_in_dim3A_345 = vector.broadcast %add3A_344 : i32 to vector<16xi32>
    %swap3A_346 = arith.constant 1 : i32
    %swap3A_347 = arith.index_cast %swap3A_346 : i32 to index
    %swap3A_348 = arith.constant 64 : index
    %swap3A_349 = tpu.vector_load %arg9[%swap3A_347, %swap3A_348] {strides = array<i32>} : memref<2x256xi32, #tpu.memory_space<vmem>>, vector<1x16xi32>,
    %swap3A_350 = vector.shape_cast %swap3A_349 : vector<1x16xi32> to vector<16xi32>
    %swap3A_351 = vector.shape_cast %broadcast_in_dim3A_345 : vector<16xi32> to vector<1x16xi32>
    tpu.vector_store %arg9[%swap3A_347, %swap3A_348], %swap3A_351 {strides = array<i32>} : memref<2x256xi32, #tpu.memory_space<vmem>>, vector<1x16xi32>,
    %mul3A_352 = arith.constant 16 : i32
    %mul3A_353 = arith.muli %arg1, %mul3A_352 : i32
    %add3A_354 = arith.constant 8 : i32
    %add3A_355 = arith.addi %mul3A_353, %add3A_354 : i32
    %add3A_356 = arith.constant 2 : i32
    %add3A_357 = arith.addi %add3A_355, %add3A_356 : i32
    %broadcast_in_dim3A_358 = vector.broadcast %add3A_357 : i32 to vector<16xi32>
    %swap3A_359 = arith.constant 1 : i32
    %swap3A_360 = arith.index_cast %swap3A_359 : i32 to index
    %swap3A_361 = arith.constant 80 : index
    %swap3A_362 = tpu.vector_load %arg9[%swap3A_360, %swap3A_361] {strides = array<i32>} : memref<2x256xi32, #tpu.memory_space<vmem>>, vector<1x16xi32>,
    %swap3A_363 = vector.shape_cast %swap3A_362 : vector<1x16xi32> to vector<16xi32>
    %swap3A_364 = vector.shape_cast %broadcast_in_dim3A_358 : vector<16xi32> to vector<1x16xi32>
    tpu.vector_store %arg9[%swap3A_360, %swap3A_361], %swap3A_364 {strides = array<i32>} : memref<2x256xi32, #tpu.memory_space<vmem>>, vector<1x16xi32>,
    %mul3A_365 = arith.constant 16 : i32
    %mul3A_366 = arith.muli %arg1, %mul3A_365 : i32
    %add3A_367 = arith.constant 8 : i32
    %add3A_368 = arith.addi %mul3A_366, %add3A_367 : i32
    %add3A_369 = arith.constant 3 : i32
    %add3A_370 = arith.addi %add3A_368, %add3A_369 : i32
    %broadcast_in_dim3A_371 = vector.broadcast %add3A_370 : i32 to vector<16xi32>
    %swap3A_372 = arith.constant 1 : i32
    %swap3A_373 = arith.index_cast %swap3A_372 : i32 to index
    %swap3A_374 = arith.constant 96 : index
    %swap3A_375 = tpu.vector_load %arg9[%swap3A_373, %swap3A_374] {strides = array<i32>} : memref<2x256xi32, #tpu.memory_space<vmem>>, vector<1x16xi32>,
    %swap3A_376 = vector.shape_cast %swap3A_375 : vector<1x16xi32> to vector<16xi32>
    %swap3A_377 = vector.shape_cast %broadcast_in_dim3A_371 : vector<16xi32> to vector<1x16xi32>
    tpu.vector_store %arg9[%swap3A_373, %swap3A_374], %swap3A_377 {strides = array<i32>} : memref<2x256xi32, #tpu.memory_space<vmem>>, vector<1x16xi32>,
    %mul3A_378 = arith.constant 16 : i32
    %mul3A_379 = arith.muli %arg1, %mul3A_378 : i32
    %add3A_380 = arith.constant 8 : i32
    %add3A_381 = arith.addi %mul3A_379, %add3A_380 : i32
    %add3A_382 = arith.constant 3 : i32
    %add3A_383 = arith.addi %add3A_381, %add3A_382 : i32
    %broadcast_in_dim3A_384 = vector.broadcast %add3A_383 : i32 to vector<16xi32>
    %swap3A_385 = arith.constant 1 : i32
    %swap3A_386 = arith.index_cast %swap3A_385 : i32 to index
    %swap3A_387 = arith.constant 112 : index
    %swap3A_388 = tpu.vector_load %arg9[%swap3A_386, %swap3A_387] {strides = array<i32>} : memref<2x256xi32, #tpu.memory_space<vmem>>, vector<1x16xi32>,
    %swap3A_389 = vector.shape_cast %swap3A_388 : vector<1x16xi32> to vector<16xi32>
    %swap3A_390 = vector.shape_cast %broadcast_in_dim3A_384 : vector<16xi32> to vector<1x16xi32>
    tpu.vector_store %arg9[%swap3A_386, %swap3A_387], %swap3A_390 {strides = array<i32>} : memref<2x256xi32, #tpu.memory_space<vmem>>, vector<1x16xi32>,
    %mul3A_391 = arith.constant 16 : i32
    %mul3A_392 = arith.muli %arg1, %mul3A_391 : i32
    %add3A_393 = arith.constant 8 : i32
    %add3A_394 = arith.addi %mul3A_392, %add3A_393 : i32
    %add3A_395 = arith.constant 4 : i32
    %add3A_396 = arith.addi %add3A_394, %add3A_395 : i32
    %broadcast_in_dim3A_397 = vector.broadcast %add3A_396 : i32 to vector<16xi32>
    %swap3A_398 = arith.constant 1 : i32
    %swap3A_399 = arith.index_cast %swap3A_398 : i32 to index
    %swap3A_400 = arith.constant 128 : index
    %swap3A_401 = tpu.vector_load %arg9[%swap3A_399, %swap3A_400] {strides = array<i32>} : memref<2x256xi32, #tpu.memory_space<vmem>>, vector<1x16xi32>,
    %swap3A_402 = vector.shape_cast %swap3A_401 : vector<1x16xi32> to vector<16xi32>
    %swap3A_403 = vector.shape_cast %broadcast_in_dim3A_397 : vector<16xi32> to vector<1x16xi32>
    tpu.vector_store %arg9[%swap3A_399, %swap3A_400], %swap3A_403 {strides = array<i32>} : memref<2x256xi32, #tpu.memory_space<vmem>>, vector<1x16xi32>,
    %mul3A_404 = arith.constant 16 : i32
    %mul3A_405 = arith.muli %arg1, %mul3A_404 : i32
    %add3A_406 = arith.constant 8 : i32
    %add3A_407 = arith.addi %mul3A_405, %add3A_406 : i32
    %add3A_408 = arith.constant 4 : i32
    %add3A_409 = arith.addi %add3A_407, %add3A_408 : i32
    %broadcast_in_dim3A_410 = vector.broadcast %add3A_409 : i32 to vector<16xi32>
    %swap3A_411 = arith.constant 1 : i32
    %swap3A_412 = arith.index_cast %swap3A_411 : i32 to index
    %swap3A_413 = arith.constant 144 : index
    %swap3A_414 = tpu.vector_load %arg9[%swap3A_412, %swap3A_413] {strides = array<i32>} : memref<2x256xi32, #tpu.memory_space<vmem>>, vector<1x16xi32>,
    %swap3A_415 = vector.shape_cast %swap3A_414 : vector<1x16xi32> to vector<16xi32>
    %swap3A_416 = vector.shape_cast %broadcast_in_dim3A_410 : vector<16xi32> to vector<1x16xi32>
    tpu.vector_store %arg9[%swap3A_412, %swap3A_413], %swap3A_416 {strides = array<i32>} : memref<2x256xi32, #tpu.memory_space<vmem>>, vector<1x16xi32>,
    %mul3A_417 = arith.constant 16 : i32
    %mul3A_418 = arith.muli %arg1, %mul3A_417 : i32
    %add3A_419 = arith.constant 8 : i32
    %add3A_420 = arith.addi %mul3A_418, %add3A_419 : i32
    %add3A_421 = arith.constant 5 : i32
    %add3A_422 = arith.addi %add3A_420, %add3A_421 : i32
    %broadcast_in_dim3A_423 = vector.broadcast %add3A_422 : i32 to vector<16xi32>
    %swap3A_424 = arith.constant 1 : i32
    %swap3A_425 = arith.index_cast %swap3A_424 : i32 to index
    %swap3A_426 = arith.constant 160 : index
    %swap3A_427 = tpu.vector_load %arg9[%swap3A_425, %swap3A_426] {strides = array<i32>} : memref<2x256xi32, #tpu.memory_space<vmem>>, vector<1x16xi32>,
    %swap3A_428 = vector.shape_cast %swap3A_427 : vector<1x16xi32> to vector<16xi32>
    %swap3A_429 = vector.shape_cast %broadcast_in_dim3A_423 : vector<16xi32> to vector<1x16xi32>
    tpu.vector_store %arg9[%swap3A_425, %swap3A_426], %swap3A_429 {strides = array<i32>} : memref<2x256xi32, #tpu.memory_space<vmem>>, vector<1x16xi32>,
    %mul3A_430 = arith.constant 16 : i32
    %mul3A_431 = arith.muli %arg1, %mul3A_430 : i32
    %add3A_432 = arith.constant 8 : i32
    %add3A_433 = arith.addi %mul3A_431, %add3A_432 : i32
    %add3A_434 = arith.constant 5 : i32
    %add3A_435 = arith.addi %add3A_433, %add3A_434 : i32
    %broadcast_in_dim3A_436 = vector.broadcast %add3A_435 : i32 to vector<16xi32>
    %swap3A_437 = arith.constant 1 : i32
    %swap3A_438 = arith.index_cast %swap3A_437 : i32 to index
    %swap3A_439 = arith.constant 176 : index
    %swap3A_440 = tpu.vector_load %arg9[%swap3A_438, %swap3A_439] {strides = array<i32>} : memref<2x256xi32, #tpu.memory_space<vmem>>, vector<1x16xi32>,
    %swap3A_441 = vector.shape_cast %swap3A_440 : vector<1x16xi32> to vector<16xi32>
    %swap3A_442 = vector.shape_cast %broadcast_in_dim3A_436 : vector<16xi32> to vector<1x16xi32>
    tpu.vector_store %arg9[%swap3A_438, %swap3A_439], %swap3A_442 {strides = array<i32>} : memref<2x256xi32, #tpu.memory_space<vmem>>, vector<1x16xi32>,
    %mul3A_443 = arith.constant 16 : i32
    %mul3A_444 = arith.muli %arg1, %mul3A_443 : i32
    %add3A_445 = arith.constant 8 : i32
    %add3A_446 = arith.addi %mul3A_444, %add3A_445 : i32
    %add3A_447 = arith.constant 6 : i32
    %add3A_448 = arith.addi %add3A_446, %add3A_447 : i32
    %broadcast_in_dim3A_449 = vector.broadcast %add3A_448 : i32 to vector<16xi32>
    %swap3A_450 = arith.constant 1 : i32
    %swap3A_451 = arith.index_cast %swap3A_450 : i32 to index
    %swap3A_452 = arith.constant 192 : index
    %swap3A_453 = tpu.vector_load %arg9[%swap3A_451, %swap3A_452] {strides = array<i32>} : memref<2x256xi32, #tpu.memory_space<vmem>>, vector<1x16xi32>,
    %swap3A_454 = vector.shape_cast %swap3A_453 : vector<1x16xi32> to vector<16xi32>
    %swap3A_455 = vector.shape_cast %broadcast_in_dim3A_449 : vector<16xi32> to vector<1x16xi32>
    tpu.vector_store %arg9[%swap3A_451, %swap3A_452], %swap3A_455 {strides = array<i32>} : memref<2x256xi32, #tpu.memory_space<vmem>>, vector<1x16xi32>,
    %mul3A_456 = arith.constant 16 : i32
    %mul3A_457 = arith.muli %arg1, %mul3A_456 : i32
    %add3A_458 = arith.constant 8 : i32
    %add3A_459 = arith.addi %mul3A_457, %add3A_458 : i32
    %add3A_460 = arith.constant 6 : i32
    %add3A_461 = arith.addi %add3A_459, %add3A_460 : i32
    %broadcast_in_dim3A_462 = vector.broadcast %add3A_461 : i32 to vector<16xi32>
    %swap3A_463 = arith.constant 1 : i32
    %swap3A_464 = arith.index_cast %swap3A_463 : i32 to index
    %swap3A_465 = arith.constant 208 : index
    %swap3A_466 = tpu.vector_load %arg9[%swap3A_464, %swap3A_465] {strides = array<i32>} : memref<2x256xi32, #tpu.memory_space<vmem>>, vector<1x16xi32>,
    %swap3A_467 = vector.shape_cast %swap3A_466 : vector<1x16xi32> to vector<16xi32>
    %swap3A_468 = vector.shape_cast %broadcast_in_dim3A_462 : vector<16xi32> to vector<1x16xi32>
    tpu.vector_store %arg9[%swap3A_464, %swap3A_465], %swap3A_468 {strides = array<i32>} : memref<2x256xi32, #tpu.memory_space<vmem>>, vector<1x16xi32>,
    %mul3A_469 = arith.constant 16 : i32
    %mul3A_470 = arith.muli %arg1, %mul3A_469 : i32
    %add3A_471 = arith.constant 8 : i32
    %add3A_472 = arith.addi %mul3A_470, %add3A_471 : i32
    %add3A_473 = arith.constant 7 : i32
    %add3A_474 = arith.addi %add3A_472, %add3A_473 : i32
    %broadcast_in_dim3A_475 = vector.broadcast %add3A_474 : i32 to vector<16xi32>
    %swap3A_476 = arith.constant 1 : i32
    %swap3A_477 = arith.index_cast %swap3A_476 : i32 to index
    %swap3A_478 = arith.constant 224 : index
    %swap3A_479 = tpu.vector_load %arg9[%swap3A_477, %swap3A_478] {strides = array<i32>} : memref<2x256xi32, #tpu.memory_space<vmem>>, vector<1x16xi32>,
    %swap3A_480 = vector.shape_cast %swap3A_479 : vector<1x16xi32> to vector<16xi32>
    %swap3A_481 = vector.shape_cast %broadcast_in_dim3A_475 : vector<16xi32> to vector<1x16xi32>
    tpu.vector_store %arg9[%swap3A_477, %swap3A_478], %swap3A_481 {strides = array<i32>} : memref<2x256xi32, #tpu.memory_space<vmem>>, vector<1x16xi32>,
    %mul3A_482 = arith.constant 16 : i32
    %mul3A_483 = arith.muli %arg1, %mul3A_482 : i32
    %add3A_484 = arith.constant 8 : i32
    %add3A_485 = arith.addi %mul3A_483, %add3A_484 : i32
    %add3A_486 = arith.constant 7 : i32
    %add3A_487 = arith.addi %add3A_485, %add3A_486 : i32
    %broadcast_in_dim3A_488 = vector.broadcast %add3A_487 : i32 to vector<16xi32>
    %swap3A_489 = arith.constant 1 : i32
    %swap3A_490 = arith.index_cast %swap3A_489 : i32 to index
    %swap3A_491 = arith.constant 240 : index
    %swap3A_492 = tpu.vector_load %arg9[%swap3A_490, %swap3A_491] {strides = array<i32>} : memref<2x256xi32, #tpu.memory_space<vmem>>, vector<1x16xi32>,
    %swap3A_493 = vector.shape_cast %swap3A_492 : vector<1x16xi32> to vector<16xi32>
    %swap3A_494 = vector.shape_cast %broadcast_in_dim3A_488 : vector<16xi32> to vector<1x16xi32>
    tpu.vector_store %arg9[%swap3A_490, %swap3A_491], %swap3A_494 {strides = array<i32>} : memref<2x256xi32, #tpu.memory_space<vmem>>, vector<1x16xi32>,
    %dma_start3A = arith.constant 0 : i32
    %dma_start3A_495 = arith.constant 0 : i32
    %dma_start3A_496 = arith.constant 0 : i32
    %dma_start3A_497 = arith.constant 0 : i32
    %dma_start3A_498 = tpu.memref_slice %arg8[%dma_start3A, %dma_start3A_496, %dma_start3A_497] : memref<2x256x16xf32, #tpu.memory_space<vmem>> -> memref<1x256x16xf32, #tpu.memory_space<vmem>>
    %dma_start3A_499 = tpu.memref_squeeze %dma_start3A_498 : memref<1x256x16xf32, #tpu.memory_space<vmem>> -> memref<256x16xf32, #tpu.memory_space<vmem>>
    %dma_start3A_500 = arith.constant 0 : i32
    %dma_start3A_501 = arith.constant 0 : i32
    %dma_start3A_502 = tpu.memref_slice %dma_start3A_499[%dma_start3A_500, %dma_start3A_501] : memref<256x16xf32, #tpu.memory_space<vmem>> -> memref<128x16xf32, #tpu.memory_space<vmem>>
    %dma_start3A_503 = arith.constant 0 : i32
    %dma_start3A_504 = tpu.memref_slice %arg7[%dma_start3A_503] : memref<10240xi32, #tpu.memory_space<vmem>> -> memref<128xi32, #tpu.memory_space<vmem>>
    %dma_start3A_505 = arith.constant 0 : i32
    %dma_start3A_506 = arith.constant 0 : i32
    %dma_start3A_507 = tpu.memref_slice %arg2[%dma_start3A_505, %dma_start3A_506] : memref<320000x16xf32, #tpu.memory_space<hbm>> -> memref<320000x16xf32, #tpu.memory_space<hbm>>
    %dma_start3A_508 = tpu.memref_slice %arg12[%dma_start3A_495] : memref<2x!tpu.dma_semaphore, #tpu.memory_space<semaphore_mem>> -> memref<1x!tpu.dma_semaphore, #tpu.memory_space<semaphore_mem>>
    %dma_start3A_509 = tpu.memref_squeeze %dma_start3A_508 : memref<1x!tpu.dma_semaphore, #tpu.memory_space<semaphore_mem>> -> memref<!tpu.dma_semaphore, #tpu.memory_space<semaphore_mem>>
    tpu.enqueue_indirect_dma source(%dma_start3A_507 : memref<320000x16xf32, #tpu.memory_space<hbm>>) target(%dma_start3A_502 : memref<128x16xf32, #tpu.memory_space<vmem>>) offsets(%dma_start3A_504 : memref<128xi32, #tpu.memory_space<vmem>>) semaphore(%dma_start3A_509 : memref<!tpu.dma_semaphore, #tpu.memory_space<semaphore_mem>>)
    %dma_start3A_510 = arith.constant 0 : i32
    %dma_start3A_511 = arith.constant 0 : i32
    %dma_start3A_512 = arith.constant 0 : i32
    %dma_start3A_513 = arith.constant 0 : i32
    %dma_start3A_514 = tpu.memref_slice %arg8[%dma_start3A_510, %dma_start3A_512, %dma_start3A_513] : memref<2x256x16xf32, #tpu.memory_space<vmem>> -> memref<1x256x16xf32, #tpu.memory_space<vmem>>
    %dma_start3A_515 = tpu.memref_squeeze %dma_start3A_514 : memref<1x256x16xf32, #tpu.memory_space<vmem>> -> memref<256x16xf32, #tpu.memory_space<vmem>>
    %dma_start3A_516 = arith.constant 128 : i32
    %dma_start3A_517 = arith.constant 0 : i32
    %dma_start3A_518 = tpu.memref_slice %dma_start3A_515[%dma_start3A_516, %dma_start3A_517] : memref<256x16xf32, #tpu.memory_space<vmem>> -> memref<128x16xf32, #tpu.memory_space<vmem>>
    %dma_start3A_519 = arith.constant 128 : i32
    %dma_start3A_520 = tpu.memref_slice %arg7[%dma_start3A_519] : memref<10240xi32, #tpu.memory_space<vmem>> -> memref<128xi32, #tpu.memory_space<vmem>>
    %dma_start3A_521 = arith.constant 0 : i32
    %dma_start3A_522 = arith.constant 0 : i32
    %dma_start3A_523 = tpu.memref_slice %arg2[%dma_start3A_521, %dma_start3A_522] : memref<320000x16xf32, #tpu.memory_space<hbm>> -> memref<320000x16xf32, #tpu.memory_space<hbm>>
    %dma_start3A_524 = tpu.memref_slice %arg12[%dma_start3A_511] : memref<2x!tpu.dma_semaphore, #tpu.memory_space<semaphore_mem>> -> memref<1x!tpu.dma_semaphore, #tpu.memory_space<semaphore_mem>>
    %dma_start3A_525 = tpu.memref_squeeze %dma_start3A_524 : memref<1x!tpu.dma_semaphore, #tpu.memory_space<semaphore_mem>> -> memref<!tpu.dma_semaphore, #tpu.memory_space<semaphore_mem>>
    tpu.enqueue_indirect_dma source(%dma_start3A_523 : memref<320000x16xf32, #tpu.memory_space<hbm>>) target(%dma_start3A_518 : memref<128x16xf32, #tpu.memory_space<vmem>>) offsets(%dma_start3A_520 : memref<128xi32, #tpu.memory_space<vmem>>) semaphore(%dma_start3A_525 : memref<!tpu.dma_semaphore, #tpu.memory_space<semaphore_mem>>)
    %while3A = arith.constant 0 : i32
    %while3A_526 = arith.constant 0 : i32
    %while3A_527 = arith.subi %select_n3A, %while3A_526 : i32
    %while3A_528 = arith.addi %while3A_526, %while3A_527 : i32
    %while3A_529 = arith.constant 1 : i32
    %while3A_530 = arith.divsi %while3A_527, %while3A_529 : i32
    %while3A_531 = arith.muli %while3A_530, %while3A_529 : i32
    %while3A_532 = arith.addi %while3A_526, %while3A_531 : i32
    %while3A_533 = arith.constant 1 : i32
    scf.for %while3A_600 = %while3A_526 to %while3A_532 step %while3A_533  : i32 {
      %rem3A_601 = arith.constant 2 : i32
      %rem3A_602 = arith.remsi %while3A_600, %rem3A_601 : i32
      %add3A_603 = arith.constant 1 : i32
      %add3A_604 = arith.addi %while3A_600, %add3A_603 : i32
      %rem3A_605 = arith.constant 2 : i32
      %rem3A_606 = arith.remsi %add3A_604, %rem3A_605 : i32
      %ge3A = arith.constant 1 : i32
      %ge3A_607 = arith.cmpi sge, %while3A_600, %ge3A : i32
      %convert_element_type3A_608 = arith.extui %ge3A_607 : i1 to i32
      %cond3A_609 = arith.constant 0 : i32
      %cond3A_610 = arith.cmpi ne, %convert_element_type3A_608, %cond3A_609 : i32
      scf.if %cond3A_610 {
        %dma_wait3A_684 = arith.constant 0 : i32
        %dma_wait3A_685 = arith.constant 0 : i32
        %dma_wait3A_686 = tpu.memref_slice %arg8[%rem3A_606, %dma_wait3A_684, %dma_wait3A_685] : memref<2x256x16xf32, #tpu.memory_space<vmem>> -> memref<1x256x16xf32, #tpu.memory_space<vmem>>
        %dma_wait3A_687 = tpu.memref_squeeze %dma_wait3A_686 : memref<1x256x16xf32, #tpu.memory_space<vmem>> -> memref<256x16xf32, #tpu.memory_space<vmem>>
        %dma_wait3A_688 = arith.constant 0 : i32
        %dma_wait3A_689 = tpu.memref_slice %arg9[%rem3A_606, %dma_wait3A_688] : memref<2x256xi32, #tpu.memory_space<vmem>> -> memref<1x256xi32, #tpu.memory_space<vmem>>
        %dma_wait3A_690 = tpu.memref_squeeze %dma_wait3A_689 : memref<1x256xi32, #tpu.memory_space<vmem>> -> memref<256xi32, #tpu.memory_space<vmem>>
        %dma_wait3A_691 = arith.constant 0 : i32
        %dma_wait3A_692 = arith.constant 0 : i32
        %dma_wait3A_693 = tpu.memref_slice %arg11[%dma_wait3A_691, %dma_wait3A_692] : memref<256x16xf32, #tpu.memory_space<vmem_shared>> -> memref<256x16xf32, #tpu.memory_space<vmem_shared>>
        %dma_wait3A_694 = tpu.memref_slice %arg15[%rem3A_606] : memref<2x!tpu.dma_semaphore, #tpu.memory_space<semaphore_mem>> -> memref<1x!tpu.dma_semaphore, #tpu.memory_space<semaphore_mem>>
        %dma_wait3A_695 = tpu.memref_squeeze %dma_wait3A_694 : memref<1x!tpu.dma_semaphore, #tpu.memory_space<semaphore_mem>> -> memref<!tpu.dma_semaphore, #tpu.memory_space<semaphore_mem>>
        tpu.wait_indirect_dma semaphore(%dma_wait3A_695 : memref<!tpu.dma_semaphore, #tpu.memory_space<semaphore_mem>>) src(%dma_wait3A_687 : memref<256x16xf32, #tpu.memory_space<vmem>>) dst(%dma_wait3A_693 : memref<256x16xf32, #tpu.memory_space<vmem_shared>>)
        %sub3A_696 = arith.constant 1 : i32
        %sub3A_697 = arith.subi %while3A_600, %sub3A_696 : i32
        %mul3A_698 = arith.constant 16 : i32
        %mul3A_699 = arith.muli %arg1, %mul3A_698 : i32
        %mul3A_700 = arith.constant 8 : i32
        %mul3A_701 = arith.muli %rem3A_606, %mul3A_700 : i32
        %add3A_702 = arith.addi %mul3A_699, %mul3A_701 : i32
        %mul3A_703 = arith.constant 8 : i32
        %mul3A_704 = arith.muli %sub3A_697, %mul3A_703 : i32
        %add3A_705 = arith.addi %mul3A_2, %mul3A_704 : i32
        %dma_start3A_706 = tpu.memref_slice %arg13[%rem3A_606] : memref<2x!tpu.dma_semaphore, #tpu.memory_space<semaphore_mem>> -> memref<1x!tpu.dma_semaphore, #tpu.memory_space<semaphore_mem>>
        %dma_start3A_707 = tpu.memref_squeeze %dma_start3A_706 : memref<1x!tpu.dma_semaphore, #tpu.memory_space<semaphore_mem>> -> memref<!tpu.dma_semaphore, #tpu.memory_space<semaphore_mem>>
        %dma_start3A_708 = arith.constant 0 : i32
        %dma_start3A_709 = tpu.memref_slice %arg5[%add3A_705, %dma_start3A_708] : memref<10000x128xf32, #tpu.memory_space<hbm>> -> memref<8x16xf32, #tpu.memory_space<hbm>>
        %dma_start3A_710 = arith.constant 0 : i32
        %dma_start3A_711 = tpu.memref_slice %arg11[%add3A_702, %dma_start3A_710] : memref<256x16xf32, #tpu.memory_space<vmem_shared>> -> memref<8x16xf32, #tpu.memory_space<vmem_shared>>
        tpu.enqueue_dma source(%dma_start3A_711 : memref<8x16xf32, #tpu.memory_space<vmem_shared>>) target(%dma_start3A_709 : memref<8x16xf32, #tpu.memory_space<hbm>>) target_semaphore(%dma_start3A_707 : memref<!tpu.dma_semaphore, #tpu.memory_space<semaphore_mem>>)
      } else {
      }
      %add3A_611 = arith.constant 1 : i32
      %add3A_612 = arith.addi %while3A_600, %add3A_611 : i32
      %lt3A = arith.cmpi slt, %add3A_612, %select_n3A : i32
      %convert_element_type3A_613 = arith.extui %lt3A : i1 to i32
      %cond3A_614 = arith.constant 0 : i32
      %cond3A_615 = arith.cmpi ne, %convert_element_type3A_613, %cond3A_614 : i32
      scf.if %cond3A_615 {
        %add3A_684 = arith.constant 1 : i32
        %add3A_685 = arith.addi %while3A_600, %add3A_684 : i32
        %mul3A_686 = arith.constant 256 : i32
        %mul3A_687 = arith.muli %add3A_685, %mul3A_686 : i32
        %add3A_688 = arith.constant 0 : i32
        %add3A_689 = arith.addi %mul3A_687, %add3A_688 : i32
        %dma_start3A_690 = arith.constant 0 : i32
        %dma_start3A_691 = arith.constant 0 : i32
        %dma_start3A_692 = tpu.memref_slice %arg8[%rem3A_606, %dma_start3A_690, %dma_start3A_691] : memref<2x256x16xf32, #tpu.memory_space<vmem>> -> memref<1x256x16xf32, #tpu.memory_space<vmem>>
        %dma_start3A_693 = tpu.memref_squeeze %dma_start3A_692 : memref<1x256x16xf32, #tpu.memory_space<vmem>> -> memref<256x16xf32, #tpu.memory_space<vmem>>
        %dma_start3A_694 = arith.constant 0 : i32
        %dma_start3A_695 = arith.constant 0 : i32
        %dma_start3A_696 = tpu.memref_slice %dma_start3A_693[%dma_start3A_694, %dma_start3A_695] : memref<256x16xf32, #tpu.memory_space<vmem>> -> memref<128x16xf32, #tpu.memory_space<vmem>>
        %dma_start3A_697 = tpu.memref_slice %arg7[%add3A_689] : memref<10240xi32, #tpu.memory_space<vmem>> -> memref<128xi32, #tpu.memory_space<vmem>>
        %dma_start3A_698 = arith.constant 0 : i32
        %dma_start3A_699 = arith.constant 0 : i32
        %dma_start3A_700 = tpu.memref_slice %arg2[%dma_start3A_698, %dma_start3A_699] : memref<320000x16xf32, #tpu.memory_space<hbm>> -> memref<320000x16xf32, #tpu.memory_space<hbm>>
        %dma_start3A_701 = tpu.memref_slice %arg12[%rem3A_606] : memref<2x!tpu.dma_semaphore, #tpu.memory_space<semaphore_mem>> -> memref<1x!tpu.dma_semaphore, #tpu.memory_space<semaphore_mem>>
        %dma_start3A_702 = tpu.memref_squeeze %dma_start3A_701 : memref<1x!tpu.dma_semaphore, #tpu.memory_space<semaphore_mem>> -> memref<!tpu.dma_semaphore, #tpu.memory_space<semaphore_mem>>
        tpu.enqueue_indirect_dma source(%dma_start3A_700 : memref<320000x16xf32, #tpu.memory_space<hbm>>) target(%dma_start3A_696 : memref<128x16xf32, #tpu.memory_space<vmem>>) offsets(%dma_start3A_697 : memref<128xi32, #tpu.memory_space<vmem>>) semaphore(%dma_start3A_702 : memref<!tpu.dma_semaphore, #tpu.memory_space<semaphore_mem>>)
        %mul3A_703 = arith.constant 256 : i32
        %mul3A_704 = arith.muli %add3A_685, %mul3A_703 : i32
        %add3A_705 = arith.constant 128 : i32
        %add3A_706 = arith.addi %mul3A_704, %add3A_705 : i32
        %dma_start3A_707 = arith.constant 0 : i32
        %dma_start3A_708 = arith.constant 0 : i32
        %dma_start3A_709 = tpu.memref_slice %arg8[%rem3A_606, %dma_start3A_707, %dma_start3A_708] : memref<2x256x16xf32, #tpu.memory_space<vmem>> -> memref<1x256x16xf32, #tpu.memory_space<vmem>>
        %dma_start3A_710 = tpu.memref_squeeze %dma_start3A_709 : memref<1x256x16xf32, #tpu.memory_space<vmem>> -> memref<256x16xf32, #tpu.memory_space<vmem>>
        %dma_start3A_711 = arith.constant 128 : i32
        %dma_start3A_712 = arith.constant 0 : i32
        %dma_start3A_713 = tpu.memref_slice %dma_start3A_710[%dma_start3A_711, %dma_start3A_712] : memref<256x16xf32, #tpu.memory_space<vmem>> -> memref<128x16xf32, #tpu.memory_space<vmem>>
        %dma_start3A_714 = tpu.memref_slice %arg7[%add3A_706] : memref<10240xi32, #tpu.memory_space<vmem>> -> memref<128xi32, #tpu.memory_space<vmem>>
        %dma_start3A_715 = arith.constant 0 : i32
        %dma_start3A_716 = arith.constant 0 : i32
        %dma_start3A_717 = tpu.memref_slice %arg2[%dma_start3A_715, %dma_start3A_716] : memref<320000x16xf32, #tpu.memory_space<hbm>> -> memref<320000x16xf32, #tpu.memory_space<hbm>>
        %dma_start3A_718 = tpu.memref_slice %arg12[%rem3A_606] : memref<2x!tpu.dma_semaphore, #tpu.memory_space<semaphore_mem>> -> memref<1x!tpu.dma_semaphore, #tpu.memory_space<semaphore_mem>>
        %dma_start3A_719 = tpu.memref_squeeze %dma_start3A_718 : memref<1x!tpu.dma_semaphore, #tpu.memory_space<semaphore_mem>> -> memref<!tpu.dma_semaphore, #tpu.memory_space<semaphore_mem>>
        tpu.enqueue_indirect_dma source(%dma_start3A_717 : memref<320000x16xf32, #tpu.memory_space<hbm>>) target(%dma_start3A_713 : memref<128x16xf32, #tpu.memory_space<vmem>>) offsets(%dma_start3A_714 : memref<128xi32, #tpu.memory_space<vmem>>) semaphore(%dma_start3A_719 : memref<!tpu.dma_semaphore, #tpu.memory_space<semaphore_mem>>)
      } else {
      }
      %ge3A_616 = arith.constant 2 : i32
      %ge3A_617 = arith.cmpi sge, %while3A_600, %ge3A_616 : i32
      %convert_element_type3A_618 = arith.extui %ge3A_617 : i1 to i32
      %cond3A_619 = arith.constant 0 : i32
      %cond3A_620 = arith.cmpi ne, %convert_element_type3A_618, %cond3A_619 : i32
      scf.if %cond3A_620 {
        %sub3A_684 = arith.constant 2 : i32
        %sub3A_685 = arith.subi %while3A_600, %sub3A_684 : i32
        %mul3A_686 = arith.constant 16 : i32
        %mul3A_687 = arith.muli %arg1, %mul3A_686 : i32
        %mul3A_688 = arith.constant 8 : i32
        %mul3A_689 = arith.muli %rem3A_602, %mul3A_688 : i32
        %add3A_690 = arith.addi %mul3A_687, %mul3A_689 : i32
        %mul3A_691 = arith.constant 8 : i32
        %mul3A_692 = arith.muli %sub3A_685, %mul3A_691 : i32
        %add3A_693 = arith.addi %mul3A_2, %mul3A_692 : i32
        %dma_wait3A_694 = tpu.memref_slice %arg13[%rem3A_602] : memref<2x!tpu.dma_semaphore, #tpu.memory_space<semaphore_mem>> -> memref<1x!tpu.dma_semaphore, #tpu.memory_space<semaphore_mem>>
        %dma_wait3A_695 = tpu.memref_squeeze %dma_wait3A_694 : memref<1x!tpu.dma_semaphore, #tpu.memory_space<semaphore_mem>> -> memref<!tpu.dma_semaphore, #tpu.memory_space<semaphore_mem>>
        %dma_wait3A_696 = arith.constant 0 : i32
        %dma_wait3A_697 = tpu.memref_slice %arg5[%add3A_693, %dma_wait3A_696] : memref<10000x128xf32, #tpu.memory_space<hbm>> -> memref<8x16xf32, #tpu.memory_space<hbm>>
        %dma_wait3A_698 = arith.constant 0 : i32
        %dma_wait3A_699 = tpu.memref_slice %arg11[%add3A_690, %dma_wait3A_698] : memref<256x16xf32, #tpu.memory_space<vmem_shared>> -> memref<8x16xf32, #tpu.memory_space<vmem_shared>>
        tpu.wait_dma2 semaphore(%dma_wait3A_695 : memref<!tpu.dma_semaphore, #tpu.memory_space<semaphore_mem>>) src(%dma_wait3A_699 : memref<8x16xf32, #tpu.memory_space<vmem_shared>>) dst(%dma_wait3A_697 : memref<8x16xf32, #tpu.memory_space<hbm>>)
      } else {
      }
      %mul3A_621 = arith.constant 16 : i32
      %mul3A_622 = arith.muli %arg1, %mul3A_621 : i32
      %mul3A_623 = arith.constant 8 : i32
      %mul3A_624 = arith.muli %rem3A_602, %mul3A_623 : i32
      %add3A_625 = arith.addi %mul3A_622, %mul3A_624 : i32
      %dma_start3A_626 = arith.constant 0 : i32
      %dma_start3A_627 = tpu.memref_slice %arg11[%add3A_625, %dma_start3A_626] : memref<256x16xf32, #tpu.memory_space<vmem_shared>> -> memref<8x16xf32, #tpu.memory_space<vmem_shared>>
      %dma_start3A_628 = tpu.memref_slice %arg14[%rem3A_602] : memref<2x!tpu.dma_semaphore, #tpu.memory_space<semaphore_mem>> -> memref<1x!tpu.dma_semaphore, #tpu.memory_space<semaphore_mem>>
      %dma_start3A_629 = tpu.memref_squeeze %dma_start3A_628 : memref<1x!tpu.dma_semaphore, #tpu.memory_space<semaphore_mem>> -> memref<!tpu.dma_semaphore, #tpu.memory_space<semaphore_mem>>
      %dma_start3A_630 = arith.constant 0 : i32
      %dma_start3A_631 = tpu.memref_slice %arg11[%add3A_625, %dma_start3A_630] : memref<256x16xf32, #tpu.memory_space<vmem_shared>> -> memref<8x16xf32, #tpu.memory_space<vmem_shared>>
      tpu.enqueue_dma source(%arg10 : memref<8x16xf32, #tpu.memory_space<vmem>>) target(%dma_start3A_631 : memref<8x16xf32, #tpu.memory_space<vmem_shared>>) target_semaphore(%dma_start3A_629 : memref<!tpu.dma_semaphore, #tpu.memory_space<semaphore_mem>>)
      %mul3A_632 = arith.constant 256 : i32
      %mul3A_633 = arith.muli %while3A_600, %mul3A_632 : i32
      %add3A_634 = arith.constant 0 : i32
      %add3A_635 = arith.addi %mul3A_633, %add3A_634 : i32
      %dma_wait3A_636 = arith.constant 0 : i32
      %dma_wait3A_637 = arith.constant 0 : i32
      %dma_wait3A_638 = tpu.memref_slice %arg8[%rem3A_602, %dma_wait3A_636, %dma_wait3A_637] : memref<2x256x16xf32, #tpu.memory_space<vmem>> -> memref<1x256x16xf32, #tpu.memory_space<vmem>>
      %dma_wait3A_639 = tpu.memref_squeeze %dma_wait3A_638 : memref<1x256x16xf32, #tpu.memory_space<vmem>> -> memref<256x16xf32, #tpu.memory_space<vmem>>
      %dma_wait3A_640 = arith.constant 0 : i32
      %dma_wait3A_641 = arith.constant 0 : i32
      %dma_wait3A_642 = tpu.memref_slice %dma_wait3A_639[%dma_wait3A_640, %dma_wait3A_641] : memref<256x16xf32, #tpu.memory_space<vmem>> -> memref<128x16xf32, #tpu.memory_space<vmem>>
      %dma_wait3A_643 = tpu.memref_slice %arg7[%add3A_635] : memref<10240xi32, #tpu.memory_space<vmem>> -> memref<128xi32, #tpu.memory_space<vmem>>
      %dma_wait3A_644 = arith.constant 0 : i32
      %dma_wait3A_645 = arith.constant 0 : i32
      %dma_wait3A_646 = tpu.memref_slice %arg2[%dma_wait3A_644, %dma_wait3A_645] : memref<320000x16xf32, #tpu.memory_space<hbm>> -> memref<320000x16xf32, #tpu.memory_space<hbm>>
      %dma_wait3A_647 = tpu.memref_slice %arg12[%rem3A_602] : memref<2x!tpu.dma_semaphore, #tpu.memory_space<semaphore_mem>> -> memref<1x!tpu.dma_semaphore, #tpu.memory_space<semaphore_mem>>
      %dma_wait3A_648 = tpu.memref_squeeze %dma_wait3A_647 : memref<1x!tpu.dma_semaphore, #tpu.memory_space<semaphore_mem>> -> memref<!tpu.dma_semaphore, #tpu.memory_space<semaphore_mem>>
      tpu.wait_indirect_dma semaphore(%dma_wait3A_648 : memref<!tpu.dma_semaphore, #tpu.memory_space<semaphore_mem>>) src(%dma_wait3A_646 : memref<320000x16xf32, #tpu.memory_space<hbm>>) dst(%dma_wait3A_642 : memref<128x16xf32, #tpu.memory_space<vmem>>)
      %mul3A_649 = arith.constant 256 : i32
      %mul3A_650 = arith.muli %while3A_600, %mul3A_649 : i32
      %add3A_651 = arith.constant 128 : i32
      %add3A_652 = arith.addi %mul3A_650, %add3A_651 : i32
      %dma_wait3A_653 = arith.constant 0 : i32
      %dma_wait3A_654 = arith.constant 0 : i32
      %dma_wait3A_655 = tpu.memref_slice %arg8[%rem3A_602, %dma_wait3A_653, %dma_wait3A_654] : memref<2x256x16xf32, #tpu.memory_space<vmem>> -> memref<1x256x16xf32, #tpu.memory_space<vmem>>
      %dma_wait3A_656 = tpu.memref_squeeze %dma_wait3A_655 : memref<1x256x16xf32, #tpu.memory_space<vmem>> -> memref<256x16xf32, #tpu.memory_space<vmem>>
      %dma_wait3A_657 = arith.constant 128 : i32
      %dma_wait3A_658 = arith.constant 0 : i32
      %dma_wait3A_659 = tpu.memref_slice %dma_wait3A_656[%dma_wait3A_657, %dma_wait3A_658] : memref<256x16xf32, #tpu.memory_space<vmem>> -> memref<128x16xf32, #tpu.memory_space<vmem>>
      %dma_wait3A_660 = tpu.memref_slice %arg7[%add3A_652] : memref<10240xi32, #tpu.memory_space<vmem>> -> memref<128xi32, #tpu.memory_space<vmem>>
      %dma_wait3A_661 = arith.constant 0 : i32
      %dma_wait3A_662 = arith.constant 0 : i32
      %dma_wait3A_663 = tpu.memref_slice %arg2[%dma_wait3A_661, %dma_wait3A_662] : memref<320000x16xf32, #tpu.memory_space<hbm>> -> memref<320000x16xf32, #tpu.memory_space<hbm>>
      %dma_wait3A_664 = tpu.memref_slice %arg12[%rem3A_602] : memref<2x!tpu.dma_semaphore, #tpu.memory_space<semaphore_mem>> -> memref<1x!tpu.dma_semaphore, #tpu.memory_space<semaphore_mem>>
      %dma_wait3A_665 = tpu.memref_squeeze %dma_wait3A_664 : memref<1x!tpu.dma_semaphore, #tpu.memory_space<semaphore_mem>> -> memref<!tpu.dma_semaphore, #tpu.memory_space<semaphore_mem>>
      tpu.wait_indirect_dma semaphore(%dma_wait3A_665 : memref<!tpu.dma_semaphore, #tpu.memory_space<semaphore_mem>>) src(%dma_wait3A_663 : memref<320000x16xf32, #tpu.memory_space<hbm>>) dst(%dma_wait3A_659 : memref<128x16xf32, #tpu.memory_space<vmem>>)
      %dma_wait3A_666 = arith.constant 0 : i32
      %dma_wait3A_667 = tpu.memref_slice %arg11[%add3A_625, %dma_wait3A_666] : memref<256x16xf32, #tpu.memory_space<vmem_shared>> -> memref<8x16xf32, #tpu.memory_space<vmem_shared>>
      %dma_wait3A_668 = tpu.memref_slice %arg14[%rem3A_602] : memref<2x!tpu.dma_semaphore, #tpu.memory_space<semaphore_mem>> -> memref<1x!tpu.dma_semaphore, #tpu.memory_space<semaphore_mem>>
      %dma_wait3A_669 = tpu.memref_squeeze %dma_wait3A_668 : memref<1x!tpu.dma_semaphore, #tpu.memory_space<semaphore_mem>> -> memref<!tpu.dma_semaphore, #tpu.memory_space<semaphore_mem>>
      %dma_wait3A_670 = arith.constant 0 : i32
      %dma_wait3A_671 = tpu.memref_slice %arg11[%add3A_625, %dma_wait3A_670] : memref<256x16xf32, #tpu.memory_space<vmem_shared>> -> memref<8x16xf32, #tpu.memory_space<vmem_shared>>
      tpu.wait_dma2 semaphore(%dma_wait3A_669 : memref<!tpu.dma_semaphore, #tpu.memory_space<semaphore_mem>>) src(%arg10 : memref<8x16xf32, #tpu.memory_space<vmem>>) dst(%dma_wait3A_671 : memref<8x16xf32, #tpu.memory_space<vmem_shared>>)
      %dma_start3A_672 = arith.constant 0 : i32
      %dma_start3A_673 = arith.constant 0 : i32
      %dma_start3A_674 = tpu.memref_slice %arg8[%rem3A_602, %dma_start3A_672, %dma_start3A_673] : memref<2x256x16xf32, #tpu.memory_space<vmem>> -> memref<1x256x16xf32, #tpu.memory_space<vmem>>
      %dma_start3A_675 = tpu.memref_squeeze %dma_start3A_674 : memref<1x256x16xf32, #tpu.memory_space<vmem>> -> memref<256x16xf32, #tpu.memory_space<vmem>>
      %dma_start3A_676 = arith.constant 0 : i32
      %dma_start3A_677 = tpu.memref_slice %arg9[%rem3A_602, %dma_start3A_676] : memref<2x256xi32, #tpu.memory_space<vmem>> -> memref<1x256xi32, #tpu.memory_space<vmem>>
      %dma_start3A_678 = tpu.memref_squeeze %dma_start3A_677 : memref<1x256xi32, #tpu.memory_space<vmem>> -> memref<256xi32, #tpu.memory_space<vmem>>
      %dma_start3A_679 = arith.constant 0 : i32
      %dma_start3A_680 = arith.constant 0 : i32
      %dma_start3A_681 = tpu.memref_slice %arg11[%dma_start3A_679, %dma_start3A_680] : memref<256x16xf32, #tpu.memory_space<vmem_shared>> -> memref<256x16xf32, #tpu.memory_space<vmem_shared>>
      %dma_start3A_682 = tpu.memref_slice %arg15[%rem3A_602] : memref<2x!tpu.dma_semaphore, #tpu.memory_space<semaphore_mem>> -> memref<1x!tpu.dma_semaphore, #tpu.memory_space<semaphore_mem>>
      %dma_start3A_683 = tpu.memref_squeeze %dma_start3A_682 : memref<1x!tpu.dma_semaphore, #tpu.memory_space<semaphore_mem>> -> memref<!tpu.dma_semaphore, #tpu.memory_space<semaphore_mem>>
      tpu.enqueue_indirect_dma source(%dma_start3A_675 : memref<256x16xf32, #tpu.memory_space<vmem>>) target(%dma_start3A_681 : memref<256x16xf32, #tpu.memory_space<vmem_shared>>) offsets(%dma_start3A_678 : memref<256xi32, #tpu.memory_space<vmem>>) semaphore(%dma_start3A_683 : memref<!tpu.dma_semaphore, #tpu.memory_space<semaphore_mem>>) {add = true}
    }
    %while3A_534 = arith.constant 1 : i32
    scf.for %while3A_600 = %while3A_532 to %while3A_528 step %while3A_534  : i32 {
      %rem3A_601 = arith.constant 2 : i32
      %rem3A_602 = arith.remsi %while3A_600, %rem3A_601 : i32
      %add3A_603 = arith.constant 1 : i32
      %add3A_604 = arith.addi %while3A_600, %add3A_603 : i32
      %rem3A_605 = arith.constant 2 : i32
      %rem3A_606 = arith.remsi %add3A_604, %rem3A_605 : i32
      %ge3A = arith.constant 1 : i32
      %ge3A_607 = arith.cmpi sge, %while3A_600, %ge3A : i32
      %convert_element_type3A_608 = arith.extui %ge3A_607 : i1 to i32
      %cond3A_609 = arith.constant 0 : i32
      %cond3A_610 = arith.cmpi ne, %convert_element_type3A_608, %cond3A_609 : i32
      scf.if %cond3A_610 {
        %dma_wait3A_684 = arith.constant 0 : i32
        %dma_wait3A_685 = arith.constant 0 : i32
        %dma_wait3A_686 = tpu.memref_slice %arg8[%rem3A_606, %dma_wait3A_684, %dma_wait3A_685] : memref<2x256x16xf32, #tpu.memory_space<vmem>> -> memref<1x256x16xf32, #tpu.memory_space<vmem>>
        %dma_wait3A_687 = tpu.memref_squeeze %dma_wait3A_686 : memref<1x256x16xf32, #tpu.memory_space<vmem>> -> memref<256x16xf32, #tpu.memory_space<vmem>>
        %dma_wait3A_688 = arith.constant 0 : i32
        %dma_wait3A_689 = tpu.memref_slice %arg9[%rem3A_606, %dma_wait3A_688] : memref<2x256xi32, #tpu.memory_space<vmem>> -> memref<1x256xi32, #tpu.memory_space<vmem>>
        %dma_wait3A_690 = tpu.memref_squeeze %dma_wait3A_689 : memref<1x256xi32, #tpu.memory_space<vmem>> -> memref<256xi32, #tpu.memory_space<vmem>>
        %dma_wait3A_691 = arith.constant 0 : i32
        %dma_wait3A_692 = arith.constant 0 : i32
        %dma_wait3A_693 = tpu.memref_slice %arg11[%dma_wait3A_691, %dma_wait3A_692] : memref<256x16xf32, #tpu.memory_space<vmem_shared>> -> memref<256x16xf32, #tpu.memory_space<vmem_shared>>
        %dma_wait3A_694 = tpu.memref_slice %arg15[%rem3A_606] : memref<2x!tpu.dma_semaphore, #tpu.memory_space<semaphore_mem>> -> memref<1x!tpu.dma_semaphore, #tpu.memory_space<semaphore_mem>>
        %dma_wait3A_695 = tpu.memref_squeeze %dma_wait3A_694 : memref<1x!tpu.dma_semaphore, #tpu.memory_space<semaphore_mem>> -> memref<!tpu.dma_semaphore, #tpu.memory_space<semaphore_mem>>
        tpu.wait_indirect_dma semaphore(%dma_wait3A_695 : memref<!tpu.dma_semaphore, #tpu.memory_space<semaphore_mem>>) src(%dma_wait3A_687 : memref<256x16xf32, #tpu.memory_space<vmem>>) dst(%dma_wait3A_693 : memref<256x16xf32, #tpu.memory_space<vmem_shared>>)
        %sub3A_696 = arith.constant 1 : i32
        %sub3A_697 = arith.subi %while3A_600, %sub3A_696 : i32
        %mul3A_698 = arith.constant 16 : i32
        %mul3A_699 = arith.muli %arg1, %mul3A_698 : i32
        %mul3A_700 = arith.constant 8 : i32
        %mul3A_701 = arith.muli %rem3A_606, %mul3A_700 : i32
        %add3A_702 = arith.addi %mul3A_699, %mul3A_701 : i32
        %mul3A_703 = arith.constant 8 : i32
        %mul3A_704 = arith.muli %sub3A_697, %mul3A_703 : i32
        %add3A_705 = arith.addi %mul3A_2, %mul3A_704 : i32
        %dma_start3A_706 = tpu.memref_slice %arg13[%rem3A_606] : memref<2x!tpu.dma_semaphore, #tpu.memory_space<semaphore_mem>> -> memref<1x!tpu.dma_semaphore, #tpu.memory_space<semaphore_mem>>
        %dma_start3A_707 = tpu.memref_squeeze %dma_start3A_706 : memref<1x!tpu.dma_semaphore, #tpu.memory_space<semaphore_mem>> -> memref<!tpu.dma_semaphore, #tpu.memory_space<semaphore_mem>>
        %dma_start3A_708 = arith.constant 0 : i32
        %dma_start3A_709 = tpu.memref_slice %arg5[%add3A_705, %dma_start3A_708] : memref<10000x128xf32, #tpu.memory_space<hbm>> -> memref<8x16xf32, #tpu.memory_space<hbm>>
        %dma_start3A_710 = arith.constant 0 : i32
        %dma_start3A_711 = tpu.memref_slice %arg11[%add3A_702, %dma_start3A_710] : memref<256x16xf32, #tpu.memory_space<vmem_shared>> -> memref<8x16xf32, #tpu.memory_space<vmem_shared>>
        tpu.enqueue_dma source(%dma_start3A_711 : memref<8x16xf32, #tpu.memory_space<vmem_shared>>) target(%dma_start3A_709 : memref<8x16xf32, #tpu.memory_space<hbm>>) target_semaphore(%dma_start3A_707 : memref<!tpu.dma_semaphore, #tpu.memory_space<semaphore_mem>>)
      } else {
      }
      %add3A_611 = arith.constant 1 : i32
      %add3A_612 = arith.addi %while3A_600, %add3A_611 : i32
      %lt3A = arith.cmpi slt, %add3A_612, %select_n3A : i32
      %convert_element_type3A_613 = arith.extui %lt3A : i1 to i32
      %cond3A_614 = arith.constant 0 : i32
      %cond3A_615 = arith.cmpi ne, %convert_element_type3A_613, %cond3A_614 : i32
      scf.if %cond3A_615 {
        %add3A_684 = arith.constant 1 : i32
        %add3A_685 = arith.addi %while3A_600, %add3A_684 : i32
        %mul3A_686 = arith.constant 256 : i32
        %mul3A_687 = arith.muli %add3A_685, %mul3A_686 : i32
        %add3A_688 = arith.constant 0 : i32
        %add3A_689 = arith.addi %mul3A_687, %add3A_688 : i32
        %dma_start3A_690 = arith.constant 0 : i32
        %dma_start3A_691 = arith.constant 0 : i32
        %dma_start3A_692 = tpu.memref_slice %arg8[%rem3A_606, %dma_start3A_690, %dma_start3A_691] : memref<2x256x16xf32, #tpu.memory_space<vmem>> -> memref<1x256x16xf32, #tpu.memory_space<vmem>>
        %dma_start3A_693 = tpu.memref_squeeze %dma_start3A_692 : memref<1x256x16xf32, #tpu.memory_space<vmem>> -> memref<256x16xf32, #tpu.memory_space<vmem>>
        %dma_start3A_694 = arith.constant 0 : i32
        %dma_start3A_695 = arith.constant 0 : i32
        %dma_start3A_696 = tpu.memref_slice %dma_start3A_693[%dma_start3A_694, %dma_start3A_695] : memref<256x16xf32, #tpu.memory_space<vmem>> -> memref<128x16xf32, #tpu.memory_space<vmem>>
        %dma_start3A_697 = tpu.memref_slice %arg7[%add3A_689] : memref<10240xi32, #tpu.memory_space<vmem>> -> memref<128xi32, #tpu.memory_space<vmem>>
        %dma_start3A_698 = arith.constant 0 : i32
        %dma_start3A_699 = arith.constant 0 : i32
        %dma_start3A_700 = tpu.memref_slice %arg2[%dma_start3A_698, %dma_start3A_699] : memref<320000x16xf32, #tpu.memory_space<hbm>> -> memref<320000x16xf32, #tpu.memory_space<hbm>>
        %dma_start3A_701 = tpu.memref_slice %arg12[%rem3A_606] : memref<2x!tpu.dma_semaphore, #tpu.memory_space<semaphore_mem>> -> memref<1x!tpu.dma_semaphore, #tpu.memory_space<semaphore_mem>>
        %dma_start3A_702 = tpu.memref_squeeze %dma_start3A_701 : memref<1x!tpu.dma_semaphore, #tpu.memory_space<semaphore_mem>> -> memref<!tpu.dma_semaphore, #tpu.memory_space<semaphore_mem>>
        tpu.enqueue_indirect_dma source(%dma_start3A_700 : memref<320000x16xf32, #tpu.memory_space<hbm>>) target(%dma_start3A_696 : memref<128x16xf32, #tpu.memory_space<vmem>>) offsets(%dma_start3A_697 : memref<128xi32, #tpu.memory_space<vmem>>) semaphore(%dma_start3A_702 : memref<!tpu.dma_semaphore, #tpu.memory_space<semaphore_mem>>)
        %mul3A_703 = arith.constant 256 : i32
        %mul3A_704 = arith.muli %add3A_685, %mul3A_703 : i32
        %add3A_705 = arith.constant 128 : i32
        %add3A_706 = arith.addi %mul3A_704, %add3A_705 : i32
        %dma_start3A_707 = arith.constant 0 : i32
        %dma_start3A_708 = arith.constant 0 : i32
        %dma_start3A_709 = tpu.memref_slice %arg8[%rem3A_606, %dma_start3A_707, %dma_start3A_708] : memref<2x256x16xf32, #tpu.memory_space<vmem>> -> memref<1x256x16xf32, #tpu.memory_space<vmem>>
        %dma_start3A_710 = tpu.memref_squeeze %dma_start3A_709 : memref<1x256x16xf32, #tpu.memory_space<vmem>> -> memref<256x16xf32, #tpu.memory_space<vmem>>
        %dma_start3A_711 = arith.constant 128 : i32
        %dma_start3A_712 = arith.constant 0 : i32
        %dma_start3A_713 = tpu.memref_slice %dma_start3A_710[%dma_start3A_711, %dma_start3A_712] : memref<256x16xf32, #tpu.memory_space<vmem>> -> memref<128x16xf32, #tpu.memory_space<vmem>>
        %dma_start3A_714 = tpu.memref_slice %arg7[%add3A_706] : memref<10240xi32, #tpu.memory_space<vmem>> -> memref<128xi32, #tpu.memory_space<vmem>>
        %dma_start3A_715 = arith.constant 0 : i32
        %dma_start3A_716 = arith.constant 0 : i32
        %dma_start3A_717 = tpu.memref_slice %arg2[%dma_start3A_715, %dma_start3A_716] : memref<320000x16xf32, #tpu.memory_space<hbm>> -> memref<320000x16xf32, #tpu.memory_space<hbm>>
        %dma_start3A_718 = tpu.memref_slice %arg12[%rem3A_606] : memref<2x!tpu.dma_semaphore, #tpu.memory_space<semaphore_mem>> -> memref<1x!tpu.dma_semaphore, #tpu.memory_space<semaphore_mem>>
        %dma_start3A_719 = tpu.memref_squeeze %dma_start3A_718 : memref<1x!tpu.dma_semaphore, #tpu.memory_space<semaphore_mem>> -> memref<!tpu.dma_semaphore, #tpu.memory_space<semaphore_mem>>
        tpu.enqueue_indirect_dma source(%dma_start3A_717 : memref<320000x16xf32, #tpu.memory_space<hbm>>) target(%dma_start3A_713 : memref<128x16xf32, #tpu.memory_space<vmem>>) offsets(%dma_start3A_714 : memref<128xi32, #tpu.memory_space<vmem>>) semaphore(%dma_start3A_719 : memref<!tpu.dma_semaphore, #tpu.memory_space<semaphore_mem>>)
      } else {
      }
      %ge3A_616 = arith.constant 2 : i32
      %ge3A_617 = arith.cmpi sge, %while3A_600, %ge3A_616 : i32
      %convert_element_type3A_618 = arith.extui %ge3A_617 : i1 to i32
      %cond3A_619 = arith.constant 0 : i32
      %cond3A_620 = arith.cmpi ne, %convert_element_type3A_618, %cond3A_619 : i32
      scf.if %cond3A_620 {
        %sub3A_684 = arith.constant 2 : i32
        %sub3A_685 = arith.subi %while3A_600, %sub3A_684 : i32
        %mul3A_686 = arith.constant 16 : i32
        %mul3A_687 = arith.muli %arg1, %mul3A_686 : i32
        %mul3A_688 = arith.constant 8 : i32
        %mul3A_689 = arith.muli %rem3A_602, %mul3A_688 : i32
        %add3A_690 = arith.addi %mul3A_687, %mul3A_689 : i32
        %mul3A_691 = arith.constant 8 : i32
        %mul3A_692 = arith.muli %sub3A_685, %mul3A_691 : i32
        %add3A_693 = arith.addi %mul3A_2, %mul3A_692 : i32
        %dma_wait3A_694 = tpu.memref_slice %arg13[%rem3A_602] : memref<2x!tpu.dma_semaphore, #tpu.memory_space<semaphore_mem>> -> memref<1x!tpu.dma_semaphore, #tpu.memory_space<semaphore_mem>>
        %dma_wait3A_695 = tpu.memref_squeeze %dma_wait3A_694 : memref<1x!tpu.dma_semaphore, #tpu.memory_space<semaphore_mem>> -> memref<!tpu.dma_semaphore, #tpu.memory_space<semaphore_mem>>
        %dma_wait3A_696 = arith.constant 0 : i32
        %dma_wait3A_697 = tpu.memref_slice %arg5[%add3A_693, %dma_wait3A_696] : memref<10000x128xf32, #tpu.memory_space<hbm>> -> memref<8x16xf32, #tpu.memory_space<hbm>>
        %dma_wait3A_698 = arith.constant 0 : i32
        %dma_wait3A_699 = tpu.memref_slice %arg11[%add3A_690, %dma_wait3A_698] : memref<256x16xf32, #tpu.memory_space<vmem_shared>> -> memref<8x16xf32, #tpu.memory_space<vmem_shared>>
        tpu.wait_dma2 semaphore(%dma_wait3A_695 : memref<!tpu.dma_semaphore, #tpu.memory_space<semaphore_mem>>) src(%dma_wait3A_699 : memref<8x16xf32, #tpu.memory_space<vmem_shared>>) dst(%dma_wait3A_697 : memref<8x16xf32, #tpu.memory_space<hbm>>)
      } else {
      }
      %mul3A_621 = arith.constant 16 : i32
      %mul3A_622 = arith.muli %arg1, %mul3A_621 : i32
      %mul3A_623 = arith.constant 8 : i32
      %mul3A_624 = arith.muli %rem3A_602, %mul3A_623 : i32
      %add3A_625 = arith.addi %mul3A_622, %mul3A_624 : i32
      %dma_start3A_626 = arith.constant 0 : i32
      %dma_start3A_627 = tpu.memref_slice %arg11[%add3A_625, %dma_start3A_626] : memref<256x16xf32, #tpu.memory_space<vmem_shared>> -> memref<8x16xf32, #tpu.memory_space<vmem_shared>>
      %dma_start3A_628 = tpu.memref_slice %arg14[%rem3A_602] : memref<2x!tpu.dma_semaphore, #tpu.memory_space<semaphore_mem>> -> memref<1x!tpu.dma_semaphore, #tpu.memory_space<semaphore_mem>>
      %dma_start3A_629 = tpu.memref_squeeze %dma_start3A_628 : memref<1x!tpu.dma_semaphore, #tpu.memory_space<semaphore_mem>> -> memref<!tpu.dma_semaphore, #tpu.memory_space<semaphore_mem>>
      %dma_start3A_630 = arith.constant 0 : i32
      %dma_start3A_631 = tpu.memref_slice %arg11[%add3A_625, %dma_start3A_630] : memref<256x16xf32, #tpu.memory_space<vmem_shared>> -> memref<8x16xf32, #tpu.memory_space<vmem_shared>>
      tpu.enqueue_dma source(%arg10 : memref<8x16xf32, #tpu.memory_space<vmem>>) target(%dma_start3A_631 : memref<8x16xf32, #tpu.memory_space<vmem_shared>>) target_semaphore(%dma_start3A_629 : memref<!tpu.dma_semaphore, #tpu.memory_space<semaphore_mem>>)
      %mul3A_632 = arith.constant 256 : i32
      %mul3A_633 = arith.muli %while3A_600, %mul3A_632 : i32
      %add3A_634 = arith.constant 0 : i32
      %add3A_635 = arith.addi %mul3A_633, %add3A_634 : i32
      %dma_wait3A_636 = arith.constant 0 : i32
      %dma_wait3A_637 = arith.constant 0 : i32
      %dma_wait3A_638 = tpu.memref_slice %arg8[%rem3A_602, %dma_wait3A_636, %dma_wait3A_637] : memref<2x256x16xf32, #tpu.memory_space<vmem>> -> memref<1x256x16xf32, #tpu.memory_space<vmem>>
      %dma_wait3A_639 = tpu.memref_squeeze %dma_wait3A_638 : memref<1x256x16xf32, #tpu.memory_space<vmem>> -> memref<256x16xf32, #tpu.memory_space<vmem>>
      %dma_wait3A_640 = arith.constant 0 : i32
      %dma_wait3A_641 = arith.constant 0 : i32
      %dma_wait3A_642 = tpu.memref_slice %dma_wait3A_639[%dma_wait3A_640, %dma_wait3A_641] : memref<256x16xf32, #tpu.memory_space<vmem>> -> memref<128x16xf32, #tpu.memory_space<vmem>>
      %dma_wait3A_643 = tpu.memref_slice %arg7[%add3A_635] : memref<10240xi32, #tpu.memory_space<vmem>> -> memref<128xi32, #tpu.memory_space<vmem>>
      %dma_wait3A_644 = arith.constant 0 : i32
      %dma_wait3A_645 = arith.constant 0 : i32
      %dma_wait3A_646 = tpu.memref_slice %arg2[%dma_wait3A_644, %dma_wait3A_645] : memref<320000x16xf32, #tpu.memory_space<hbm>> -> memref<320000x16xf32, #tpu.memory_space<hbm>>
      %dma_wait3A_647 = tpu.memref_slice %arg12[%rem3A_602] : memref<2x!tpu.dma_semaphore, #tpu.memory_space<semaphore_mem>> -> memref<1x!tpu.dma_semaphore, #tpu.memory_space<semaphore_mem>>
      %dma_wait3A_648 = tpu.memref_squeeze %dma_wait3A_647 : memref<1x!tpu.dma_semaphore, #tpu.memory_space<semaphore_mem>> -> memref<!tpu.dma_semaphore, #tpu.memory_space<semaphore_mem>>
      tpu.wait_indirect_dma semaphore(%dma_wait3A_648 : memref<!tpu.dma_semaphore, #tpu.memory_space<semaphore_mem>>) src(%dma_wait3A_646 : memref<320000x16xf32, #tpu.memory_space<hbm>>) dst(%dma_wait3A_642 : memref<128x16xf32, #tpu.memory_space<vmem>>)
      %mul3A_649 = arith.constant 256 : i32
      %mul3A_650 = arith.muli %while3A_600, %mul3A_649 : i32
      %add3A_651 = arith.constant 128 : i32
      %add3A_652 = arith.addi %mul3A_650, %add3A_651 : i32
      %dma_wait3A_653 = arith.constant 0 : i32
      %dma_wait3A_654 = arith.constant 0 : i32
      %dma_wait3A_655 = tpu.memref_slice %arg8[%rem3A_602, %dma_wait3A_653, %dma_wait3A_654] : memref<2x256x16xf32, #tpu.memory_space<vmem>> -> memref<1x256x16xf32, #tpu.memory_space<vmem>>
      %dma_wait3A_656 = tpu.memref_squeeze %dma_wait3A_655 : memref<1x256x16xf32, #tpu.memory_space<vmem>> -> memref<256x16xf32, #tpu.memory_space<vmem>>
      %dma_wait3A_657 = arith.constant 128 : i32
      %dma_wait3A_658 = arith.constant 0 : i32
      %dma_wait3A_659 = tpu.memref_slice %dma_wait3A_656[%dma_wait3A_657, %dma_wait3A_658] : memref<256x16xf32, #tpu.memory_space<vmem>> -> memref<128x16xf32, #tpu.memory_space<vmem>>
      %dma_wait3A_660 = tpu.memref_slice %arg7[%add3A_652] : memref<10240xi32, #tpu.memory_space<vmem>> -> memref<128xi32, #tpu.memory_space<vmem>>
      %dma_wait3A_661 = arith.constant 0 : i32
      %dma_wait3A_662 = arith.constant 0 : i32
      %dma_wait3A_663 = tpu.memref_slice %arg2[%dma_wait3A_661, %dma_wait3A_662] : memref<320000x16xf32, #tpu.memory_space<hbm>> -> memref<320000x16xf32, #tpu.memory_space<hbm>>
      %dma_wait3A_664 = tpu.memref_slice %arg12[%rem3A_602] : memref<2x!tpu.dma_semaphore, #tpu.memory_space<semaphore_mem>> -> memref<1x!tpu.dma_semaphore, #tpu.memory_space<semaphore_mem>>
      %dma_wait3A_665 = tpu.memref_squeeze %dma_wait3A_664 : memref<1x!tpu.dma_semaphore, #tpu.memory_space<semaphore_mem>> -> memref<!tpu.dma_semaphore, #tpu.memory_space<semaphore_mem>>
      tpu.wait_indirect_dma semaphore(%dma_wait3A_665 : memref<!tpu.dma_semaphore, #tpu.memory_space<semaphore_mem>>) src(%dma_wait3A_663 : memref<320000x16xf32, #tpu.memory_space<hbm>>) dst(%dma_wait3A_659 : memref<128x16xf32, #tpu.memory_space<vmem>>)
      %dma_wait3A_666 = arith.constant 0 : i32
      %dma_wait3A_667 = tpu.memref_slice %arg11[%add3A_625, %dma_wait3A_666] : memref<256x16xf32, #tpu.memory_space<vmem_shared>> -> memref<8x16xf32, #tpu.memory_space<vmem_shared>>
      %dma_wait3A_668 = tpu.memref_slice %arg14[%rem3A_602] : memref<2x!tpu.dma_semaphore, #tpu.memory_space<semaphore_mem>> -> memref<1x!tpu.dma_semaphore, #tpu.memory_space<semaphore_mem>>
      %dma_wait3A_669 = tpu.memref_squeeze %dma_wait3A_668 : memref<1x!tpu.dma_semaphore, #tpu.memory_space<semaphore_mem>> -> memref<!tpu.dma_semaphore, #tpu.memory_space<semaphore_mem>>
      %dma_wait3A_670 = arith.constant 0 : i32
      %dma_wait3A_671 = tpu.memref_slice %arg11[%add3A_625, %dma_wait3A_670] : memref<256x16xf32, #tpu.memory_space<vmem_shared>> -> memref<8x16xf32, #tpu.memory_space<vmem_shared>>
      tpu.wait_dma2 semaphore(%dma_wait3A_669 : memref<!tpu.dma_semaphore, #tpu.memory_space<semaphore_mem>>) src(%arg10 : memref<8x16xf32, #tpu.memory_space<vmem>>) dst(%dma_wait3A_671 : memref<8x16xf32, #tpu.memory_space<vmem_shared>>)
      %dma_start3A_672 = arith.constant 0 : i32
      %dma_start3A_673 = arith.constant 0 : i32
      %dma_start3A_674 = tpu.memref_slice %arg8[%rem3A_602, %dma_start3A_672, %dma_start3A_673] : memref<2x256x16xf32, #tpu.memory_space<vmem>> -> memref<1x256x16xf32, #tpu.memory_space<vmem>>
      %dma_start3A_675 = tpu.memref_squeeze %dma_start3A_674 : memref<1x256x16xf32, #tpu.memory_space<vmem>> -> memref<256x16xf32, #tpu.memory_space<vmem>>
      %dma_start3A_676 = arith.constant 0 : i32
      %dma_start3A_677 = tpu.memref_slice %arg9[%rem3A_602, %dma_start3A_676] : memref<2x256xi32, #tpu.memory_space<vmem>> -> memref<1x256xi32, #tpu.memory_space<vmem>>
      %dma_start3A_678 = tpu.memref_squeeze %dma_start3A_677 : memref<1x256xi32, #tpu.memory_space<vmem>> -> memref<256xi32, #tpu.memory_space<vmem>>
      %dma_start3A_679 = arith.constant 0 : i32
      %dma_start3A_680 = arith.constant 0 : i32
      %dma_start3A_681 = tpu.memref_slice %arg11[%dma_start3A_679, %dma_start3A_680] : memref<256x16xf32, #tpu.memory_space<vmem_shared>> -> memref<256x16xf32, #tpu.memory_space<vmem_shared>>
      %dma_start3A_682 = tpu.memref_slice %arg15[%rem3A_602] : memref<2x!tpu.dma_semaphore, #tpu.memory_space<semaphore_mem>> -> memref<1x!tpu.dma_semaphore, #tpu.memory_space<semaphore_mem>>
      %dma_start3A_683 = tpu.memref_squeeze %dma_start3A_682 : memref<1x!tpu.dma_semaphore, #tpu.memory_space<semaphore_mem>> -> memref<!tpu.dma_semaphore, #tpu.memory_space<semaphore_mem>>
      tpu.enqueue_indirect_dma source(%dma_start3A_675 : memref<256x16xf32, #tpu.memory_space<vmem>>) target(%dma_start3A_681 : memref<256x16xf32, #tpu.memory_space<vmem_shared>>) offsets(%dma_start3A_678 : memref<256xi32, #tpu.memory_space<vmem>>) semaphore(%dma_start3A_683 : memref<!tpu.dma_semaphore, #tpu.memory_space<semaphore_mem>>) {add = true}
    }
    %sub3A = arith.constant 1 : i32
    %sub3A_535 = arith.subi %select_n3A, %sub3A : i32
    %rem3A = arith.constant 2 : i32
    %rem3A_536 = arith.remsi %sub3A_535, %rem3A : i32
    %dma_wait3A = arith.constant 0 : i32
    %dma_wait3A_537 = arith.constant 0 : i32
    %dma_wait3A_538 = tpu.memref_slice %arg8[%rem3A_536, %dma_wait3A, %dma_wait3A_537] : memref<2x256x16xf32, #tpu.memory_space<vmem>> -> memref<1x256x16xf32, #tpu.memory_space<vmem>>
    %dma_wait3A_539 = tpu.memref_squeeze %dma_wait3A_538 : memref<1x256x16xf32, #tpu.memory_space<vmem>> -> memref<256x16xf32, #tpu.memory_space<vmem>>
    %dma_wait3A_540 = arith.constant 0 : i32
    %dma_wait3A_541 = tpu.memref_slice %arg9[%rem3A_536, %dma_wait3A_540] : memref<2x256xi32, #tpu.memory_space<vmem>> -> memref<1x256xi32, #tpu.memory_space<vmem>>
    %dma_wait3A_542 = tpu.memref_squeeze %dma_wait3A_541 : memref<1x256xi32, #tpu.memory_space<vmem>> -> memref<256xi32, #tpu.memory_space<vmem>>
    %dma_wait3A_543 = arith.constant 0 : i32
    %dma_wait3A_544 = arith.constant 0 : i32
    %dma_wait3A_545 = tpu.memref_slice %arg11[%dma_wait3A_543, %dma_wait3A_544] : memref<256x16xf32, #tpu.memory_space<vmem_shared>> -> memref<256x16xf32, #tpu.memory_space<vmem_shared>>
    %dma_wait3A_546 = tpu.memref_slice %arg15[%rem3A_536] : memref<2x!tpu.dma_semaphore, #tpu.memory_space<semaphore_mem>> -> memref<1x!tpu.dma_semaphore, #tpu.memory_space<semaphore_mem>>
    %dma_wait3A_547 = tpu.memref_squeeze %dma_wait3A_546 : memref<1x!tpu.dma_semaphore, #tpu.memory_space<semaphore_mem>> -> memref<!tpu.dma_semaphore, #tpu.memory_space<semaphore_mem>>
    tpu.wait_indirect_dma semaphore(%dma_wait3A_547 : memref<!tpu.dma_semaphore, #tpu.memory_space<semaphore_mem>>) src(%dma_wait3A_539 : memref<256x16xf32, #tpu.memory_space<vmem>>) dst(%dma_wait3A_545 : memref<256x16xf32, #tpu.memory_space<vmem_shared>>)
    %sub3A_548 = arith.constant 1 : i32
    %sub3A_549 = arith.subi %select_n3A, %sub3A_548 : i32
    %mul3A_550 = arith.constant 16 : i32
    %mul3A_551 = arith.muli %arg1, %mul3A_550 : i32
    %mul3A_552 = arith.constant 8 : i32
    %mul3A_553 = arith.muli %rem3A_536, %mul3A_552 : i32
    %add3A_554 = arith.addi %mul3A_551, %mul3A_553 : i32
    %mul3A_555 = arith.constant 8 : i32
    %mul3A_556 = arith.muli %sub3A_549, %mul3A_555 : i32
    %add3A_557 = arith.addi %mul3A_2, %mul3A_556 : i32
    %dma_start3A_558 = tpu.memref_slice %arg13[%rem3A_536] : memref<2x!tpu.dma_semaphore, #tpu.memory_space<semaphore_mem>> -> memref<1x!tpu.dma_semaphore, #tpu.memory_space<semaphore_mem>>
    %dma_start3A_559 = tpu.memref_squeeze %dma_start3A_558 : memref<1x!tpu.dma_semaphore, #tpu.memory_space<semaphore_mem>> -> memref<!tpu.dma_semaphore, #tpu.memory_space<semaphore_mem>>
    %dma_start3A_560 = arith.constant 0 : i32
    %dma_start3A_561 = tpu.memref_slice %arg5[%add3A_557, %dma_start3A_560] : memref<10000x128xf32, #tpu.memory_space<hbm>> -> memref<8x16xf32, #tpu.memory_space<hbm>>
    %dma_start3A_562 = arith.constant 0 : i32
    %dma_start3A_563 = tpu.memref_slice %arg11[%add3A_554, %dma_start3A_562] : memref<256x16xf32, #tpu.memory_space<vmem_shared>> -> memref<8x16xf32, #tpu.memory_space<vmem_shared>>
    tpu.enqueue_dma source(%dma_start3A_563 : memref<8x16xf32, #tpu.memory_space<vmem_shared>>) target(%dma_start3A_561 : memref<8x16xf32, #tpu.memory_space<hbm>>) target_semaphore(%dma_start3A_559 : memref<!tpu.dma_semaphore, #tpu.memory_space<semaphore_mem>>)
    %sub3A_564 = arith.constant 2 : i32
    %sub3A_565 = arith.subi %select_n3A, %sub3A_564 : i32
    %sub3A_566 = arith.constant 2 : i32
    %sub3A_567 = arith.subi %select_n3A, %sub3A_566 : i32
    %rem3A_568 = arith.constant 2 : i32
    %rem3A_569 = arith.remsi %sub3A_567, %rem3A_568 : i32
    %mul3A_570 = arith.constant 16 : i32
    %mul3A_571 = arith.muli %arg1, %mul3A_570 : i32
    %mul3A_572 = arith.constant 8 : i32
    %mul3A_573 = arith.muli %rem3A_569, %mul3A_572 : i32
    %add3A_574 = arith.addi %mul3A_571, %mul3A_573 : i32
    %mul3A_575 = arith.constant 8 : i32
    %mul3A_576 = arith.muli %sub3A_565, %mul3A_575 : i32
    %add3A_577 = arith.addi %mul3A_2, %mul3A_576 : i32
    %dma_wait3A_578 = tpu.memref_slice %arg13[%rem3A_569] : memref<2x!tpu.dma_semaphore, #tpu.memory_space<semaphore_mem>> -> memref<1x!tpu.dma_semaphore, #tpu.memory_space<semaphore_mem>>
    %dma_wait3A_579 = tpu.memref_squeeze %dma_wait3A_578 : memref<1x!tpu.dma_semaphore, #tpu.memory_space<semaphore_mem>> -> memref<!tpu.dma_semaphore, #tpu.memory_space<semaphore_mem>>
    %dma_wait3A_580 = arith.constant 0 : i32
    %dma_wait3A_581 = tpu.memref_slice %arg5[%add3A_577, %dma_wait3A_580] : memref<10000x128xf32, #tpu.memory_space<hbm>> -> memref<8x16xf32, #tpu.memory_space<hbm>>
    %dma_wait3A_582 = arith.constant 0 : i32
    %dma_wait3A_583 = tpu.memref_slice %arg11[%add3A_574, %dma_wait3A_582] : memref<256x16xf32, #tpu.memory_space<vmem_shared>> -> memref<8x16xf32, #tpu.memory_space<vmem_shared>>
    tpu.wait_dma2 semaphore(%dma_wait3A_579 : memref<!tpu.dma_semaphore, #tpu.memory_space<semaphore_mem>>) src(%dma_wait3A_583 : memref<8x16xf32, #tpu.memory_space<vmem_shared>>) dst(%dma_wait3A_581 : memref<8x16xf32, #tpu.memory_space<hbm>>)
    %sub3A_584 = arith.constant 1 : i32
    %sub3A_585 = arith.subi %select_n3A, %sub3A_584 : i32
    %mul3A_586 = arith.constant 16 : i32
    %mul3A_587 = arith.muli %arg1, %mul3A_586 : i32
    %mul3A_588 = arith.constant 8 : i32
    %mul3A_589 = arith.muli %rem3A_536, %mul3A_588 : i32
    %add3A_590 = arith.addi %mul3A_587, %mul3A_589 : i32
    %mul3A_591 = arith.constant 8 : i32
    %mul3A_592 = arith.muli %sub3A_585, %mul3A_591 : i32
    %add3A_593 = arith.addi %mul3A_2, %mul3A_592 : i32
    %dma_wait3A_594 = tpu.memref_slice %arg13[%rem3A_536] : memref<2x!tpu.dma_semaphore, #tpu.memory_space<semaphore_mem>> -> memref<1x!tpu.dma_semaphore, #tpu.memory_space<semaphore_mem>>
    %dma_wait3A_595 = tpu.memref_squeeze %dma_wait3A_594 : memref<1x!tpu.dma_semaphore, #tpu.memory_space<semaphore_mem>> -> memref<!tpu.dma_semaphore, #tpu.memory_space<semaphore_mem>>
    %dma_wait3A_596 = arith.constant 0 : i32
    %dma_wait3A_597 = tpu.memref_slice %arg5[%add3A_593, %dma_wait3A_596] : memref<10000x128xf32, #tpu.memory_space<hbm>> -> memref<8x16xf32, #tpu.memory_space<hbm>>
    %dma_wait3A_598 = arith.constant 0 : i32
    %dma_wait3A_599 = tpu.memref_slice %arg11[%add3A_590, %dma_wait3A_598] : memref<256x16xf32, #tpu.memory_space<vmem_shared>> -> memref<8x16xf32, #tpu.memory_space<vmem_shared>>
    tpu.wait_dma2 semaphore(%dma_wait3A_595 : memref<!tpu.dma_semaphore, #tpu.memory_space<semaphore_mem>>) src(%dma_wait3A_599 : memref<8x16xf32, #tpu.memory_space<vmem_shared>>) dst(%dma_wait3A_597 : memref<8x16xf32, #tpu.memory_space<hbm>>)
    return
  }
}

module attributes {stable_mosaic.version = 14 : i64} {
  func.func @_tc1_body(%arg0: i32, %arg1: memref<2000x128xf32, #tpu.memory_space<vmem>>, %arg2: memref<2000x128xf32, #tpu.memory_space<vmem>>, %arg3: memref<2000x128xf32, #tpu.memory_space<vmem>>, %arg4: memref<1x1x2000xi32, #tpu.memory_space<vmem>>, %arg5: memref<128x144xf32, #tpu.memory_space<vmem>>, %arg6: memref<128x128xf32, #tpu.memory_space<vmem>>, %arg7: memref<1x128xf32, #tpu.memory_space<vmem>>, %arg8: memref<128x128xf32, #tpu.memory_space<vmem>>, %arg9: memref<1x128xf32, #tpu.memory_space<vmem>>, %arg10: memref<2000x128xf32, #tpu.memory_space<vmem>>, %arg11: memref<2x128xf32, #tpu.memory_space<vmem>>, %arg12: memref<256x128xf32, #tpu.memory_space<vmem>>) attributes {dimension_semantics = [#tpu.dimension_semantics<arbitrary>], iteration_bounds = array<i64: 5>, scalar_prefetch = 0 : i64, scratch_operands = 0 : i64, tpu.core_type = #tpu.core_type<tc>, window_params = [{transform_indices = @transform_0, window_bounds = array<i64: 2000, 128>}, {transform_indices = @transform_1, window_bounds = array<i64: 2000, 128>}, {transform_indices = @transform_2, window_bounds = array<i64: 2000, 128>}, {transform_indices = @transform_3, window_bounds = array<i64: 1, 1, 2000>}, {pipeline_mode = #tpu.pipeline_mode<synchronous>, transform_indices = @transform_4, window_bounds = array<i64: 128, 144>}, {pipeline_mode = #tpu.pipeline_mode<synchronous>, transform_indices = @transform_5, window_bounds = array<i64: 128, 128>}, {pipeline_mode = #tpu.pipeline_mode<synchronous>, transform_indices = @transform_6, window_bounds = array<i64: 1, 128>}, {pipeline_mode = #tpu.pipeline_mode<synchronous>, transform_indices = @transform_7, window_bounds = array<i64: 128, 128>}, {pipeline_mode = #tpu.pipeline_mode<synchronous>, transform_indices = @transform_8, window_bounds = array<i64: 1, 128>}, {transform_indices = @transform_9, window_bounds = array<i64: 2000, 128>}, {pipeline_mode = #tpu.pipeline_mode<synchronous>, transform_indices = @transform_10, window_bounds = array<i64: 2, 128>}, {pipeline_mode = #tpu.pipeline_mode<synchronous>, transform_indices = @transform_11, window_bounds = array<i64: 256, 128>}]} {
    %get3A = arith.constant 0 : index
    %get3A_0 = arith.constant 0 : index
    %get3A_1 = vector.load %arg1[%get3A, %get3A_0] : memref<2000x128xf32, #tpu.memory_space<vmem>>, vector<2000x128xf32>
    %get3A_2 = arith.constant 0 : index
    %get3A_3 = arith.constant 0 : index
    %get3A_4 = vector.load %arg5[%get3A_2, %get3A_3] : memref<128x144xf32, #tpu.memory_space<vmem>>, vector<128x144xf32>
    %slice3A = vector.extract_strided_slice %get3A_4 {offsets = [0, 0], sizes = [128, 128], strides = [1, 1]} : vector<128x144xf32> to vector<128x128xf32>
    %slice3A_5 = vector.extract_strided_slice %get3A_4 {offsets = [0, 128], sizes = [128, 16], strides = [1, 1]} : vector<128x144xf32> to vector<128x16xf32>
    %get3A_6 = arith.constant 0 : index
    %get3A_7 = arith.constant 0 : index
    %get3A_8 = vector.load %arg6[%get3A_6, %get3A_7] : memref<128x128xf32, #tpu.memory_space<vmem>>, vector<128x128xf32>
    %add3A = arith.addf %slice3A, %get3A_8 : vector<128x128xf32>
    %get3A_9 = arith.constant 0 : index
    %get3A_10 = arith.constant 0 : index
    %get3A_11 = vector.load %arg2[%get3A_9, %get3A_10] : memref<2000x128xf32, #tpu.memory_space<vmem>>, vector<2000x128xf32>
    %dot_general3A = arith.constant dense<0.000000e+00> : vector<2000x128xf32>
    %dot_general3A_12 = tpu.matmul %get3A_11, %slice3A, %dot_general3A {dimension_numbers = #tpu.dot_dimension_numbers<[1], [1], [0], [0], [0, 0, 1, 0], [], []>, transpose_lhs_hint = false} : vector<2000x128xf32>, vector<128x128xf32>, vector<2000x128xf32> -> vector<2000x128xf32>
    %get3A_13 = arith.constant 0 : index
    %get3A_14 = arith.constant 0 : index
    %get3A_15 = vector.load %arg3[%get3A_13, %get3A_14] : memref<2000x128xf32, #tpu.memory_space<vmem>>, vector<2000x128xf32>
    %slice3A_16 = vector.extract_strided_slice %get3A_15 {offsets = [0, 0], sizes = [2000, 16], strides = [1, 1]} : vector<2000x128xf32> to vector<2000x16xf32>
    %dot_general3A_17 = arith.constant dense<0.000000e+00> : vector<2000x128xf32>
    %dot_general3A_18 = tpu.matmul %slice3A_16, %slice3A_5, %dot_general3A_17 {dimension_numbers = #tpu.dot_dimension_numbers<[1], [1], [0], [0], [0, 0, 1, 0], [], []>, transpose_lhs_hint = false} : vector<2000x16xf32>, vector<128x16xf32>, vector<2000x128xf32> -> vector<2000x128xf32>
    %add3A_19 = arith.addf %dot_general3A_12, %dot_general3A_18 : vector<2000x128xf32>
    %dot_general3A_20 = arith.constant dense<0.000000e+00> : vector<2000x128xf32>
    %dot_general3A_21 = tpu.matmul %get3A_1, %add3A, %dot_general3A_20 {dimension_numbers = #tpu.dot_dimension_numbers<[1], [1], [0], [0], [0, 0, 1, 0], [], []>, transpose_lhs_hint = false} : vector<2000x128xf32>, vector<128x128xf32>, vector<2000x128xf32> -> vector<2000x128xf32>
    %add3A_22 = arith.addf %add3A_19, %dot_general3A_21 : vector<2000x128xf32>
    %get3A_23 = arith.constant 0 : index
    %get3A_24 = arith.constant 0 : index
    %get3A_25 = vector.load %arg7[%get3A_23, %get3A_24] : memref<1x128xf32, #tpu.memory_space<vmem>>, vector<1x128xf32>
    %add3A_26 = vector.broadcast %get3A_25 : vector<1x128xf32> to vector<2000x128xf32>
    %add3A_27 = arith.addf %add3A_22, %add3A_26 : vector<2000x128xf32>
    %swap3A = arith.constant 0 : index
    %swap3A_28 = arith.constant 0 : index
    %swap3A_29 = vector.load %arg10[%swap3A, %swap3A_28] : memref<2000x128xf32, #tpu.memory_space<vmem>>, vector<2000x128xf32>
    tpu.vector_store %arg10[%swap3A, %swap3A_28], %add3A_27 {strides = array<i32>} : memref<2000x128xf32, #tpu.memory_space<vmem>>, vector<2000x128xf32>,
    %reduce_sum3A = arith.constant dense<0.000000e+00> : vector<128xf32>
    %reduce_sum3A_30 = vector.multi_reduction <add>, %add3A_27, %reduce_sum3A [0] : vector<2000x128xf32> to vector<128xf32>
    %broadcast_in_dim3A = vector.shape_cast %reduce_sum3A_30 : vector<128xf32> to vector<1x128xf32>
    %mul3A = arith.mulf %add3A_27, %add3A_27 : vector<2000x128xf32>
    %reduce_sum3A_31 = arith.constant dense<0.000000e+00> : vector<128xf32>
    %reduce_sum3A_32 = vector.multi_reduction <add>, %mul3A, %reduce_sum3A_31 [0] : vector<2000x128xf32> to vector<128xf32>
    %broadcast_in_dim3A_33 = vector.shape_cast %reduce_sum3A_32 : vector<128xf32> to vector<1x128xf32>
    %get3A_34 = arith.constant 0 : index
    %get3A_35 = arith.constant 0 : index
    %get3A_36 = vector.load %arg8[%get3A_34, %get3A_35] : memref<128x128xf32, #tpu.memory_space<vmem>>, vector<128x128xf32>
    %dot_general3A_37 = arith.constant dense<0.000000e+00> : vector<2000x128xf32>
    %dot_general3A_38 = tpu.matmul %get3A_1, %get3A_36, %dot_general3A_37 {dimension_numbers = #tpu.dot_dimension_numbers<[1], [1], [0], [0], [0, 0, 1, 0], [], []>, transpose_lhs_hint = false} : vector<2000x128xf32>, vector<128x128xf32>, vector<2000x128xf32> -> vector<2000x128xf32>
    %get3A_39 = arith.constant 0 : index
    %get3A_40 = arith.constant 0 : index
    %get3A_41 = vector.load %arg9[%get3A_39, %get3A_40] : memref<1x128xf32, #tpu.memory_space<vmem>>, vector<1x128xf32>
    %add3A_42 = vector.broadcast %get3A_41 : vector<1x128xf32> to vector<2000x128xf32>
    %add3A_43 = arith.addf %dot_general3A_38, %add3A_42 : vector<2000x128xf32>
    %reduce_max3A = arith.constant dense<0xFF800000> : vector<2000xf32>
    %reduce_max3A_44 = vector.multi_reduction <maximumf>, %add3A_43, %reduce_max3A [1] : vector<2000x128xf32> to vector<2000xf32>
    %broadcast_in_dim3A_45 = vector.shape_cast %reduce_max3A_44 : vector<2000xf32> to vector<2000x1xf32>
    %sub3A = vector.broadcast %broadcast_in_dim3A_45 : vector<2000x1xf32> to vector<2000x128xf32>
    %sub3A_46 = arith.subf %add3A_43, %sub3A : vector<2000x128xf32>
    %exp3A = math.exp %sub3A_46 : vector<2000x128xf32>
    %reduce_sum3A_47 = arith.constant dense<0.000000e+00> : vector<2000xf32>
    %reduce_sum3A_48 = vector.multi_reduction <add>, %exp3A, %reduce_sum3A_47 [1] : vector<2000x128xf32> to vector<2000xf32>
    %broadcast_in_dim3A_49 = vector.shape_cast %reduce_sum3A_48 : vector<2000xf32> to vector<2000x1xf32>
    %div3A = vector.broadcast %broadcast_in_dim3A_49 : vector<2000x1xf32> to vector<2000x128xf32>
    %div3A_50 = arith.divf %exp3A, %div3A : vector<2000x128xf32>
    %get3A_51 = arith.constant 0 : index
    %get3A_52 = arith.constant 0 : index
    %get3A_53 = arith.constant 0 : index
    %get3A_54 = vector.load %arg4[%get3A_51, %get3A_52, %get3A_53] : memref<1x1x2000xi32, #tpu.memory_space<vmem>>, vector<1x1x2000xi32>
    %get3A_55 = vector.shape_cast %get3A_54 : vector<1x1x2000xi32> to vector<1x2000xi32>
    %iota3A = tpu.iota {dimensions = array<i32: 0>} : vector<256x2000xi32>
    %eq3A = vector.broadcast %get3A_55 : vector<1x2000xi32> to vector<256x2000xi32>
    %eq3A_56 = arith.cmpi eq, %eq3A, %iota3A : vector<256x2000xi32>
    %jit3A = arith.constant 1.000000e+00 : f32
    %jit3A_57 = arith.constant 0.000000e+00 : f32
    %broadcast_in_dim3A_58 = vector.broadcast %jit3A : f32 to vector<256x2000xf32>
    %broadcast_in_dim3A_59 = vector.broadcast %jit3A_57 : f32 to vector<256x2000xf32>
    %select_n3A = arith.select %eq3A_56, %broadcast_in_dim3A_58, %broadcast_in_dim3A_59 : vector<256x2000xi1>, vector<256x2000xf32>
    %dot_general3A_60 = arith.constant dense<0.000000e+00> : vector<256x128xf32>
    %dot_general3A_61 = tpu.matmul %select_n3A, %div3A_50, %dot_general3A_60 {dimension_numbers = #tpu.dot_dimension_numbers<[1], [0], [0], [1], [0, 0, 1, 1], [], []>, transpose_lhs_hint = false} : vector<256x2000xf32>, vector<2000x128xf32>, vector<256x128xf32> -> vector<256x128xf32>
    %eq3A_62 = arith.constant 0 : i32
    %eq3A_63 = arith.cmpi eq, %arg0, %eq3A_62 : i32
    %convert_element_type3A = arith.extui %eq3A_63 : i1 to i32
    %cond3A = arith.constant 0 : i32
    %cond3A_64 = arith.cmpi ne, %convert_element_type3A, %cond3A : i32
    scf.if %cond3A_64 {
      %broadcast_in_dim3A_86 = arith.constant 0.000000e+00 : f32
      %broadcast_in_dim3A_87 = vector.broadcast %broadcast_in_dim3A_86 : f32 to vector<2x128xf32>
      %swap3A_88 = arith.constant 0 : index
      %swap3A_89 = arith.constant 0 : index
      %swap3A_90 = vector.load %arg11[%swap3A_88, %swap3A_89] : memref<2x128xf32, #tpu.memory_space<vmem>>, vector<2x128xf32>
      tpu.vector_store %arg11[%swap3A_88, %swap3A_89], %broadcast_in_dim3A_87 {strides = array<i32>} : memref<2x128xf32, #tpu.memory_space<vmem>>, vector<2x128xf32>,
      %broadcast_in_dim3A_91 = arith.constant 0.000000e+00 : f32
      %broadcast_in_dim3A_92 = vector.broadcast %broadcast_in_dim3A_91 : f32 to vector<256x128xf32>
      %swap3A_93 = arith.constant 0 : index
      %swap3A_94 = arith.constant 0 : index
      %swap3A_95 = vector.load %arg12[%swap3A_93, %swap3A_94] : memref<256x128xf32, #tpu.memory_space<vmem>>, vector<256x128xf32>
      tpu.vector_store %arg12[%swap3A_93, %swap3A_94], %broadcast_in_dim3A_92 {strides = array<i32>} : memref<256x128xf32, #tpu.memory_space<vmem>>, vector<256x128xf32>,
    } else {
    }
    %get3A_65 = arith.constant 0 : index
    %get3A_66 = arith.constant 0 : index
    %get3A_67 = vector.load %arg11[%get3A_65, %get3A_66] : memref<2x128xf32, #tpu.memory_space<vmem>>, vector<1x128xf32>
    %add3A_68 = arith.addf %get3A_67, %broadcast_in_dim3A : vector<1x128xf32>
    %swap3A_69 = arith.constant 0 : index
    %swap3A_70 = arith.constant 0 : index
    %swap3A_71 = vector.load %arg11[%swap3A_69, %swap3A_70] : memref<2x128xf32, #tpu.memory_space<vmem>>, vector<1x128xf32>
    tpu.vector_store %arg11[%swap3A_69, %swap3A_70], %add3A_68 {strides = array<i32>} : memref<2x128xf32, #tpu.memory_space<vmem>>, vector<1x128xf32>,
    %get3A_72 = arith.constant 1 : index
    %get3A_73 = arith.constant 0 : index
    %get3A_74 = vector.load %arg11[%get3A_72, %get3A_73] : memref<2x128xf32, #tpu.memory_space<vmem>>, vector<1x128xf32>
    %add3A_75 = arith.addf %get3A_74, %broadcast_in_dim3A_33 : vector<1x128xf32>
    %swap3A_76 = arith.constant 1 : index
    %swap3A_77 = arith.constant 0 : index
    %swap3A_78 = vector.load %arg11[%swap3A_76, %swap3A_77] : memref<2x128xf32, #tpu.memory_space<vmem>>, vector<1x128xf32>
    tpu.vector_store %arg11[%swap3A_76, %swap3A_77], %add3A_75 {strides = array<i32>} : memref<2x128xf32, #tpu.memory_space<vmem>>, vector<1x128xf32>,
    %get3A_79 = arith.constant 0 : index
    %get3A_80 = arith.constant 0 : index
    %get3A_81 = vector.load %arg12[%get3A_79, %get3A_80] : memref<256x128xf32, #tpu.memory_space<vmem>>, vector<256x128xf32>
    %add3A_82 = arith.addf %get3A_81, %dot_general3A_61 : vector<256x128xf32>
    %swap3A_83 = arith.constant 0 : index
    %swap3A_84 = arith.constant 0 : index
    %swap3A_85 = vector.load %arg12[%swap3A_83, %swap3A_84] : memref<256x128xf32, #tpu.memory_space<vmem>>, vector<256x128xf32>
    tpu.vector_store %arg12[%swap3A_83, %swap3A_84], %add3A_82 {strides = array<i32>} : memref<256x128xf32, #tpu.memory_space<vmem>>, vector<256x128xf32>,
    return
  }
  func.func @transform_0(%arg0: i32) -> (i32, i32) {
    %c0_i32 = arith.constant 0 : i32
    %c0_i32_0 = arith.constant 0 : i32
    return %arg0, %c0_i32 : i32, i32
  }
  func.func @transform_1(%arg0: i32) -> (i32, i32) {
    %c0_i32 = arith.constant 0 : i32
    %c0_i32_0 = arith.constant 0 : i32
    return %arg0, %c0_i32 : i32, i32
  }
  func.func @transform_2(%arg0: i32) -> (i32, i32) {
    %c0_i32 = arith.constant 0 : i32
    %c0_i32_0 = arith.constant 0 : i32
    return %arg0, %c0_i32 : i32, i32
  }
  func.func @transform_3(%arg0: i32) -> (i32, i32, i32) {
    %c0_i32 = arith.constant 0 : i32
    %c0_i32_0 = arith.constant 0 : i32
    %c0_i32_1 = arith.constant 0 : i32
    return %arg0, %c0_i32, %c0_i32_0 : i32, i32, i32
  }
  func.func @transform_4(%arg0: i32) -> (i32, i32) {
    %c0_i32 = arith.constant 0 : i32
    %c0_i32_0 = arith.constant 0 : i32
    %c0_i32_1 = arith.constant 0 : i32
    return %c0_i32, %c0_i32_0 : i32, i32
  }
  func.func @transform_5(%arg0: i32) -> (i32, i32) {
    %c0_i32 = arith.constant 0 : i32
    %c0_i32_0 = arith.constant 0 : i32
    %c0_i32_1 = arith.constant 0 : i32
    return %c0_i32, %c0_i32_0 : i32, i32
  }
  func.func @transform_6(%arg0: i32) -> (i32, i32) {
    %c0_i32 = arith.constant 0 : i32
    %c0_i32_0 = arith.constant 0 : i32
    %c0_i32_1 = arith.constant 0 : i32
    return %c0_i32, %c0_i32_0 : i32, i32
  }
  func.func @transform_7(%arg0: i32) -> (i32, i32) {
    %c0_i32 = arith.constant 0 : i32
    %c0_i32_0 = arith.constant 0 : i32
    %c0_i32_1 = arith.constant 0 : i32
    return %c0_i32, %c0_i32_0 : i32, i32
  }
  func.func @transform_8(%arg0: i32) -> (i32, i32) {
    %c0_i32 = arith.constant 0 : i32
    %c0_i32_0 = arith.constant 0 : i32
    %c0_i32_1 = arith.constant 0 : i32
    return %c0_i32, %c0_i32_0 : i32, i32
  }
  func.func @transform_9(%arg0: i32) -> (i32, i32) {
    %c0_i32 = arith.constant 0 : i32
    %c0_i32_0 = arith.constant 0 : i32
    return %arg0, %c0_i32 : i32, i32
  }
  func.func @transform_10(%arg0: i32) -> (i32, i32) {
    %c0_i32 = arith.constant 0 : i32
    %c0_i32_0 = arith.constant 0 : i32
    %c0_i32_1 = arith.constant 0 : i32
    return %c0_i32, %c0_i32_0 : i32, i32
  }
  func.func @transform_11(%arg0: i32) -> (i32, i32) {
    %c0_i32 = arith.constant 0 : i32
    %c0_i32_0 = arith.constant 0 : i32
    %c0_i32_1 = arith.constant 0 : i32
    return %c0_i32, %c0_i32_0 : i32, i32
  }
}

module attributes {stable_mosaic.version = 14 : i64} {
  func.func @_tc2_body(%arg0: i32, %arg1: memref<2000x128xf32, #tpu.memory_space<vmem>>, %arg2: memref<1x1x2000xi32, #tpu.memory_space<vmem>>, %arg3: memref<2x128xf32, #tpu.memory_space<vmem>>, %arg4: memref<256x128xf32, #tpu.memory_space<vmem>>, %arg5: memref<128x128xf32, #tpu.memory_space<vmem>>, %arg6: memref<1x128xf32, #tpu.memory_space<vmem>>, %arg7: memref<256x128xf32, #tpu.memory_space<vmem>>) attributes {dimension_semantics = [#tpu.dimension_semantics<arbitrary>], iteration_bounds = array<i64: 5>, scalar_prefetch = 0 : i64, scratch_operands = 0 : i64, tpu.core_type = #tpu.core_type<tc>, window_params = [{transform_indices = @transform_0, window_bounds = array<i64: 2000, 128>}, {transform_indices = @transform_1, window_bounds = array<i64: 1, 1, 2000>}, {pipeline_mode = #tpu.pipeline_mode<synchronous>, transform_indices = @transform_2, window_bounds = array<i64: 2, 128>}, {pipeline_mode = #tpu.pipeline_mode<synchronous>, transform_indices = @transform_3, window_bounds = array<i64: 256, 128>}, {pipeline_mode = #tpu.pipeline_mode<synchronous>, transform_indices = @transform_4, window_bounds = array<i64: 128, 128>}, {pipeline_mode = #tpu.pipeline_mode<synchronous>, transform_indices = @transform_5, window_bounds = array<i64: 1, 128>}, {pipeline_mode = #tpu.pipeline_mode<synchronous>, transform_indices = @transform_6, window_bounds = array<i64: 256, 128>}]} {
    %get3A = arith.constant 0 : index
    %get3A_0 = arith.constant 0 : index
    %get3A_1 = vector.load %arg3[%get3A, %get3A_0] : memref<2x128xf32, #tpu.memory_space<vmem>>, vector<1x128xf32>
    %mul3A = arith.constant 9.99999974E-5 : f32
    %mul3A_2 = vector.broadcast %mul3A : f32 to vector<1x128xf32>
    %mul3A_3 = arith.mulf %get3A_1, %mul3A_2 : vector<1x128xf32>
    %get3A_4 = arith.constant 1 : index
    %get3A_5 = arith.constant 0 : index
    %get3A_6 = vector.load %arg3[%get3A_4, %get3A_5] : memref<2x128xf32, #tpu.memory_space<vmem>>, vector<1x128xf32>
    %mul3A_7 = arith.constant 9.99999974E-5 : f32
    %mul3A_8 = vector.broadcast %mul3A_7 : f32 to vector<1x128xf32>
    %mul3A_9 = arith.mulf %get3A_6, %mul3A_8 : vector<1x128xf32>
    %mul3A_10 = arith.mulf %mul3A_3, %mul3A_3 : vector<1x128xf32>
    %sub3A = arith.subf %mul3A_9, %mul3A_10 : vector<1x128xf32>
    %get3A_11 = arith.constant 0 : index
    %get3A_12 = arith.constant 0 : index
    %get3A_13 = vector.load %arg1[%get3A_11, %get3A_12] : memref<2000x128xf32, #tpu.memory_space<vmem>>, vector<2000x128xf32>
    %sub3A_14 = vector.broadcast %mul3A_3 : vector<1x128xf32> to vector<2000x128xf32>
    %sub3A_15 = arith.subf %get3A_13, %sub3A_14 : vector<2000x128xf32>
    %add3A = arith.constant 9.99999974E-6 : f32
    %add3A_16 = vector.broadcast %add3A : f32 to vector<1x128xf32>
    %add3A_17 = arith.addf %sub3A, %add3A_16 : vector<1x128xf32>
    %rsqrt3A = math.rsqrt %add3A_17 : vector<1x128xf32>
    %mul3A_18 = vector.broadcast %rsqrt3A : vector<1x128xf32> to vector<2000x128xf32>
    %mul3A_19 = arith.mulf %sub3A_15, %mul3A_18 : vector<2000x128xf32>
    %max3A = arith.constant 0.000000e+00 : f32
    %max3A_20 = vector.broadcast %max3A : f32 to vector<2000x128xf32>
    %max3A_21 = arith.maximumf %mul3A_19, %max3A_20 : vector<2000x128xf32>
    %get3A_22 = arith.constant 0 : index
    %get3A_23 = arith.constant 0 : index
    %get3A_24 = vector.load %arg5[%get3A_22, %get3A_23] : memref<128x128xf32, #tpu.memory_space<vmem>>, vector<128x128xf32>
    %dot_general3A = arith.constant dense<0.000000e+00> : vector<2000x128xf32>
    %dot_general3A_25 = tpu.matmul %max3A_21, %get3A_24, %dot_general3A {dimension_numbers = #tpu.dot_dimension_numbers<[1], [1], [0], [0], [0, 0, 1, 0], [], []>, transpose_lhs_hint = false} : vector<2000x128xf32>, vector<128x128xf32>, vector<2000x128xf32> -> vector<2000x128xf32>
    %get3A_26 = arith.constant 0 : index
    %get3A_27 = arith.constant 0 : index
    %get3A_28 = vector.load %arg6[%get3A_26, %get3A_27] : memref<1x128xf32, #tpu.memory_space<vmem>>, vector<1x128xf32>
    %add3A_29 = vector.broadcast %get3A_28 : vector<1x128xf32> to vector<2000x128xf32>
    %add3A_30 = arith.addf %dot_general3A_25, %add3A_29 : vector<2000x128xf32>
    %reduce_max3A = arith.constant dense<0xFF800000> : vector<2000xf32>
    %reduce_max3A_31 = vector.multi_reduction <maximumf>, %add3A_30, %reduce_max3A [1] : vector<2000x128xf32> to vector<2000xf32>
    %broadcast_in_dim3A = vector.shape_cast %reduce_max3A_31 : vector<2000xf32> to vector<2000x1xf32>
    %sub3A_32 = vector.broadcast %broadcast_in_dim3A : vector<2000x1xf32> to vector<2000x128xf32>
    %sub3A_33 = arith.subf %add3A_30, %sub3A_32 : vector<2000x128xf32>
    %exp3A = math.exp %sub3A_33 : vector<2000x128xf32>
    %reduce_sum3A = arith.constant dense<0.000000e+00> : vector<2000xf32>
    %reduce_sum3A_34 = vector.multi_reduction <add>, %exp3A, %reduce_sum3A [1] : vector<2000x128xf32> to vector<2000xf32>
    %broadcast_in_dim3A_35 = vector.shape_cast %reduce_sum3A_34 : vector<2000xf32> to vector<2000x1xf32>
    %div3A = vector.broadcast %broadcast_in_dim3A_35 : vector<2000x1xf32> to vector<2000x128xf32>
    %div3A_36 = arith.divf %exp3A, %div3A : vector<2000x128xf32>
    %get3A_37 = arith.constant 0 : index
    %get3A_38 = arith.constant 0 : index
    %get3A_39 = arith.constant 0 : index
    %get3A_40 = vector.load %arg2[%get3A_37, %get3A_38, %get3A_39] : memref<1x1x2000xi32, #tpu.memory_space<vmem>>, vector<1x1x2000xi32>
    %get3A_41 = vector.shape_cast %get3A_40 : vector<1x1x2000xi32> to vector<1x2000xi32>
    %iota3A = tpu.iota {dimensions = array<i32: 0>} : vector<256x2000xi32>
    %eq3A = vector.broadcast %get3A_41 : vector<1x2000xi32> to vector<256x2000xi32>
    %eq3A_42 = arith.cmpi eq, %eq3A, %iota3A : vector<256x2000xi32>
    %jit3A = arith.constant 1.000000e+00 : f32
    %jit3A_43 = arith.constant 0.000000e+00 : f32
    %broadcast_in_dim3A_44 = vector.broadcast %jit3A : f32 to vector<256x2000xf32>
    %broadcast_in_dim3A_45 = vector.broadcast %jit3A_43 : f32 to vector<256x2000xf32>
    %select_n3A = arith.select %eq3A_42, %broadcast_in_dim3A_44, %broadcast_in_dim3A_45 : vector<256x2000xi1>, vector<256x2000xf32>
    %dot_general3A_46 = arith.constant dense<0.000000e+00> : vector<256x128xf32>
    %dot_general3A_47 = tpu.matmul %select_n3A, %div3A_36, %dot_general3A_46 {dimension_numbers = #tpu.dot_dimension_numbers<[1], [0], [0], [1], [0, 0, 1, 1], [], []>, transpose_lhs_hint = false} : vector<256x2000xf32>, vector<2000x128xf32>, vector<256x128xf32> -> vector<256x128xf32>
    %eq3A_48 = arith.constant 0 : i32
    %eq3A_49 = arith.cmpi eq, %arg0, %eq3A_48 : i32
    %convert_element_type3A = arith.extui %eq3A_49 : i1 to i32
    %cond3A = arith.constant 0 : i32
    %cond3A_50 = arith.cmpi ne, %convert_element_type3A, %cond3A : i32
    scf.if %cond3A_50 {
      %get3A_57 = arith.constant 0 : index
      %get3A_58 = arith.constant 0 : index
      %get3A_59 = vector.load %arg4[%get3A_57, %get3A_58] : memref<256x128xf32, #tpu.memory_space<vmem>>, vector<256x128xf32>
      %swap3A_60 = arith.constant 0 : index
      %swap3A_61 = arith.constant 0 : index
      %swap3A_62 = vector.load %arg7[%swap3A_60, %swap3A_61] : memref<256x128xf32, #tpu.memory_space<vmem>>, vector<256x128xf32>
      tpu.vector_store %arg7[%swap3A_60, %swap3A_61], %get3A_59 {strides = array<i32>} : memref<256x128xf32, #tpu.memory_space<vmem>>, vector<256x128xf32>,
    } else {
    }
    %get3A_51 = arith.constant 0 : index
    %get3A_52 = arith.constant 0 : index
    %get3A_53 = vector.load %arg7[%get3A_51, %get3A_52] : memref<256x128xf32, #tpu.memory_space<vmem>>, vector<256x128xf32>
    %add3A_54 = arith.addf %get3A_53, %dot_general3A_47 : vector<256x128xf32>
    %swap3A = arith.constant 0 : index
    %swap3A_55 = arith.constant 0 : index
    %swap3A_56 = vector.load %arg7[%swap3A, %swap3A_55] : memref<256x128xf32, #tpu.memory_space<vmem>>, vector<256x128xf32>
    tpu.vector_store %arg7[%swap3A, %swap3A_55], %add3A_54 {strides = array<i32>} : memref<256x128xf32, #tpu.memory_space<vmem>>, vector<256x128xf32>,
    return
  }
  func.func @transform_0(%arg0: i32) -> (i32, i32) {
    %c0_i32 = arith.constant 0 : i32
    %c0_i32_0 = arith.constant 0 : i32
    return %arg0, %c0_i32 : i32, i32
  }
  func.func @transform_1(%arg0: i32) -> (i32, i32, i32) {
    %c0_i32 = arith.constant 0 : i32
    %c0_i32_0 = arith.constant 0 : i32
    %c0_i32_1 = arith.constant 0 : i32
    return %arg0, %c0_i32, %c0_i32_0 : i32, i32, i32
  }
  func.func @transform_2(%arg0: i32) -> (i32, i32) {
    %c0_i32 = arith.constant 0 : i32
    %c0_i32_0 = arith.constant 0 : i32
    %c0_i32_1 = arith.constant 0 : i32
    return %c0_i32, %c0_i32_0 : i32, i32
  }
  func.func @transform_3(%arg0: i32) -> (i32, i32) {
    %c0_i32 = arith.constant 0 : i32
    %c0_i32_0 = arith.constant 0 : i32
    %c0_i32_1 = arith.constant 0 : i32
    return %c0_i32, %c0_i32_0 : i32, i32
  }
  func.func @transform_4(%arg0: i32) -> (i32, i32) {
    %c0_i32 = arith.constant 0 : i32
    %c0_i32_0 = arith.constant 0 : i32
    %c0_i32_1 = arith.constant 0 : i32
    return %c0_i32, %c0_i32_0 : i32, i32
  }
  func.func @transform_5(%arg0: i32) -> (i32, i32) {
    %c0_i32 = arith.constant 0 : i32
    %c0_i32_0 = arith.constant 0 : i32
    %c0_i32_1 = arith.constant 0 : i32
    return %c0_i32, %c0_i32_0 : i32, i32
  }
  func.func @transform_6(%arg0: i32) -> (i32, i32) {
    %c0_i32 = arith.constant 0 : i32
    %c0_i32_0 = arith.constant 0 : i32
    %c0_i32_1 = arith.constant 0 : i32
    return %c0_i32, %c0_i32_0 : i32, i32
  }
}

</mosaic_0001>

<sc_bundles>
// kernel: kernel.6.cloned.1.call-start
scs
__scs_entry_jumppad:
0x0: {  	(pc) =	sbr.rel $0x88, $3  }
0x1: {  	(tag) =	ssettag $0x0;
	lr =	simm.s32 $0x1  }
0x2: {  	[smem:$0x3F95] =	sst lr;
	_ =	strace $0xD0000000  }
0x3: {  	_ = 	snop  }
0x4: {  	_ = 	snop  }
0x5: {  	_ = 	snop  }
0x6: {  	_ = 	snop  }
0x7: {  	_ = 	snop  }
__scs_overlays_trampoline_lowered:
0x8: {  	[smem:$0x3FA4] =	sst s0  }
0x9: {  	[smem:$0x3FA5] =	sst s1  }
0xa: {  	[smem:$0x3FA6] =	sst s2  }
0xb: {  	[smem:$0x3FA7] =	sst s3  }
0xc: {  	[smem:$0x3FA8] =	sst s4  }
0xd: {  	[smem:$0x3FA9] =	sst s5  }
0xe: {  	[smem:$0x3FAA] =	sst s6  }
0xf: {  	[smem:$0x3FAB] =	sst s7  }
0x10: {  	[smem:$0x3FAC] =	sst s8  }
0x11: {  	[smem:$0x3FAD] =	sst s9;
	s0 =	simm.s32 @!p0 $0x0  }
0x12: {  	s1 =	sld [smem:$0x3F93];
	s0 =	simm.s32 @p0 $0x1  }
0x13: {  	[smem:$0x3FAE] =	sst s0;
	s0 =	simm.s32 @!p1 $0x0  }
0x14: {  	s2 =	sld [smem:$0x3F92];
	s0 =	simm.s32 @p1 $0x1  }
0x15: {  	[smem:$0x3FAF] =	sst s0;
	s0 =	simm.s32 @!p2 $0x0  }
0x16: {  	s3 =	sld [smem:$0x3FDB];
	s0 =	simm.s32 @p2 $0x1  }
0x17: {  	s4 =	simm.s32 $0x1BF5;
	[smem:$0x3FB1] =	sst s0  }
0x18: {  	s0 =	sld [smem:$0x3F94];
	_ =	swait.ge [sflag:s4], $0x0  }
0x19: {  	s7 =	sld [smem:$0x3F95]  }
0x1a: {  	s8 =	sadd.s32 $0xFFFFE003, lr  }
0x1b: {  	s9 =	sadd.s32 $0xFFFFFEF7, lr;
	s5 =	simm.s32 $0xFFFFFFFF;
	p2 =	slt.u32 s8, $0xFFFFF086  }
0x1c: {  	p1 =	slt.u32 s9, $0xF7A;
	s5 =	simm.s32 @!p2 $0x0  }
0x1d: {  	s5 =	simm.s32 @p1 $0x1;
	p0 =	seq.s32 s7, s2  }
0x1e: {  	s7 =	smul.u32 @!p0 $0xF7A, s2;
	p2 =	seq.s32 @!p0 s5, $0x0  }
0x1f: {  	s9 =	smul.u32 $0xF7A, s1;
	s8 =	simm.s32 @!p0 $0x1BF5;
	p2 =	por !p2, p0  }
0x20: {  	[sflag:s8] =	ssyncset.s32 @!p0 $0xFFFFF086;
	s6 =	sadd.s32 @!p0 s3, s7;
	s7 =	simm.s32 @!p0 $0x108  }
0x21: {  	s3 =	sadd.s32 s3, s9;
	s6 =	sadd.s32 @!p0 $0x88, s6;
	s7 =	simm.s32 @p2 $0x1082  }
0x22: {  	[simem:s7], [sflag:s8] =	dma.local @!p0 [hbm:s6], $0xF7A  }
0x23: {  	s9 =	sor.u32 $0xD0000000, s2;
	s6 =	simm.s32 $0x108;
	_ =	swait.ge @!p0 [sflag:s8], $0x0  }
0x24: {  	s3 =	sadd.s32 $0x88, s3;
	s6 =	simm.s32 @!p1 $0x1082;
	[sflag:s4] =	ssyncset.s32 $0xFFFFF086  }
0x25: {  	[simem:s6], [sflag:s4] =	dma.local [hbm:s3], $0xF7A  }
0x26: {  	[smem:$0x3F95] =	sst s1;
	(tag) =	ssettag s2;
	_ =	strace s9  }
0x27: {  	s1 =	sld [smem:$0x3FA5]  }
0x28: {  	s2 =	sld [smem:$0x3FA6]  }
0x29: {  	s4 =	sld [smem:$0x3FA8]  }
0x2a: {  	p0 =	seq.s32 s5, $0x0;
	s5 =	sld [smem:$0x3FA9]  }
0x2b: {  	s6 =	sld [smem:$0x3FAA]  }
0x2c: {  	s7 =	sld [smem:$0x3FAB]  }
0x2d: {  	s3 =	simm.s32 $0x108;
	s8 =	sld [smem:$0x3FAC]  }
0x2e: {  	s3 =	simm.s32 @!p0 $0x1082;
	s9 =	sld [smem:$0x3FAD]  }
0x2f: {  	lr =	sadd.s32 s0, s3;
	s0 =	sld [smem:$0x3FA4]  }
0x30: {  	s3 =	sld [smem:$0x3FA7]  }
0x31: {  	[smem:$0x3FB0] =	sst s10  }
0x32: {  	s10 =	sld [smem:$0x3FAE];
	_ =	sdelay $0x3  }
0x33: {  	p0 =	seq.s32 s10, $0x1;
	s10 =	sld [smem:$0x3FB0];
	_ =	sdelay $0x3  }
0x34: {  	[smem:$0x3FB0] =	sst s10  }
0x35: {  	s10 =	sld [smem:$0x3FAF];
	_ =	sdelay $0x3  }
0x36: {  	p1 =	seq.s32 s10, $0x1;
	s10 =	sld [smem:$0x3FB0];
	_ =	sdelay $0x3  }
0x37: {  	[smem:$0x3FB0] =	sst s10  }
0x38: {  	s10 =	sld [smem:$0x3FB1]  }
0x39: {  	_ = 	snop;
	(pc) =	sbr.ind lr, $3  }
0x3a: {  	_ = 	snop  }
0x3b: {  	_ = 	snop  }
0x3c: {  	p2 =	seq.s32 s10, $0x1;
	s10 =	sld [smem:$0x3FB0]  }
0x3d: {  	_ =	shalt  }
0x3e: {  	_ =	shalt  }
0x3f: {  	_ =	shalt  }
0x40: {  	_ =	shalt  }
0x41: {  	_ =	shalt  }
0x42: {  	_ =	shalt  }
0x43: {  	_ =	shalt  }
0x44: {  	_ =	shalt  }
0x45: {  	_ =	shalt  }
0x46: {  	_ =	shalt  }
0x47: {  	_ =	shalt  }
0x48: {  	_ =	shalt  }
0x49: {  	_ =	shalt  }
0x4a: {  	_ =	shalt  }
0x4b: {  	_ =	shalt  }
0x4c: {  	_ =	shalt  }
0x4d: {  	_ =	shalt  }
0x4e: {  	_ =	shalt  }
0x4f: {  	_ =	shalt  }
0x50: {  	_ =	shalt  }
0x51: {  	_ =	shalt  }
0x52: {  	_ =	shalt  }
0x53: {  	_ =	shalt  }
0x54: {  	_ =	shalt  }
0x55: {  	_ =	shalt  }
0x56: {  	_ =	shalt  }
0x57: {  	_ =	shalt  }
0x58: {  	_ =	shalt  }
0x59: {  	_ =	shalt  }
0x5a: {  	_ =	shalt  }
0x5b: {  	_ =	shalt  }
0x5c: {  	_ =	shalt  }
0x5d: {  	_ =	shalt  }
0x5e: {  	_ =	shalt  }
0x5f: {  	_ =	shalt  }
0x60: {  	_ =	shalt  }
0x61: {  	_ =	shalt  }
0x62: {  	_ =	shalt  }
0x63: {  	_ =	shalt  }
0x64: {  	_ =	shalt  }
0x65: {  	_ =	shalt  }
0x66: {  	_ =	shalt  }
0x67: {  	_ =	shalt  }
0x68: {  	_ =	shalt  }
0x69: {  	_ =	shalt  }
0x6a: {  	_ =	shalt  }
0x6b: {  	_ =	shalt  }
0x6c: {  	_ =	shalt  }
0x6d: {  	_ =	shalt  }
0x6e: {  	_ =	shalt  }
0x6f: {  	_ =	shalt  }
0x70: {  	_ =	shalt  }
0x71: {  	_ =	shalt  }
0x72: {  	_ =	shalt  }
0x73: {  	_ =	shalt  }
0x74: {  	_ =	shalt  }
0x75: {  	_ =	shalt  }
0x76: {  	_ =	shalt  }
0x77: {  	_ =	shalt  }
0x78: {  	_ =	shalt  }
0x79: {  	_ =	shalt  }
0x7a: {  	_ =	shalt  }
0x7b: {  	_ =	shalt  }
0x7c: {  	_ =	shalt  }
0x7d: {  	_ =	shalt  }
0x7e: {  	_ =	shalt  }
0x7f: {  	_ =	shalt  }
0x80: {  	_ =	shalt  }
0x81: {  	_ =	shalt  }
0x82: {  	_ =	shalt  }
0x83: {  	_ =	shalt  }
0x84: {  	_ =	shalt  }
0x85: {  	_ =	shalt  }
0x86: {  	_ =	shalt  }
0x87: {  	_ =	shalt  }
.Lfunc_end0:
.L_simem_size_0:
called_computation_lowered:
.L_overlay_start_0:
0x88: {  	s2 =	sld [smem:$0x3FD9]  }
0x89: {  	s3 =	sld [smem:$0x3FFE];
	_ =	sdelay $0x1  }
0x8a: {  	s1 =	srdreg.scid  }
0x8b: {  	s0 =	sand.u32 $0x1, s1  }
0x8c: {  	s17 =	sshll.u32 s0, $0xA;
	s2 =	sadd.s32 s3, s2  }
0x8d: {  	s2 =	sadd.s32 s2, s17  }
0x8e: {  	[smem:$0x3FBC] =	sst s2  }
0x8f: {  	_ = 	snop  }
0x90: {  	s2 =	sld [smem:$0x3FC9];
	(tm) =	ssettm $0x1  }
0x91: {  	s18 =	sld [smem:$0x3FFB];
	_ =	sdelay $0x3  }
0x92: {  	_ =	strace s18  }
0x93: {  	s3 =	sld [smem:$0x3FFC];
	_ =	sdelay $0x3  }
0x94: {  	_ =	strace s3  }
0x95: {  	s3 =	sld [smem:$0x3FFD];
	_ =	sdelay $0x3  }
0x96: {  	_ =	strace s3  }
0x97: {  	_ =	strace $0x8FFFFFFF  }
0x98: {  	s19 =	sld [smem:$0x3FDB];
	_ =	sdelay $0x1  }
0x99: {  	s4 =	simm.s32 $_scs_section_size  }
0x9a: {  	s5 =	simm.s32 $_size__tile_overlayer_lowered;
	s6 =	simm.s32 $_tile_overlayer_lowered  }
0x9b: {  	s22 =	simm.s32 $0x1BFF;
	s21 =	sshll.u32 s6, $0x1;
	s3 =	sadd.s32 s4, s19  }
0x9c: {  	s7 =	simm.s32 $0x0;
	s20 =	sshll.u32 s5, $0x1;
	s5 =	sadd.s32 s21, s3  }
0x9d: {  	[timem:s7], [sflag:s22] =	dma.local [hbm:s5], s20  }
0x9e: {  	_ =	swait.ge [sflag:s22], s20  }
0x9f: {  	s4 =	ssub.s32 $0x0, s20;
	[sflag:s22] =	ssyncset.done $0x0  }
0xa0: {  	[sflag:s22] =	ssyncadd.s32 s4;
	_ =	sdelay $0x1  }
0xa1: {  	s23 =	simm.s32 $0x1B8B  }
0xa2: {  	_ =	swait.ge [sflag:s23], $0x1  }
0xa3: {  	[sflag:s23] =	ssyncset.done $0x0  }
0xa4: {  	s25 =	simm.s32 $0x1B8E;
	s24 =	sld [smem:$0x3FFE];
	[sflag:s23] =	ssyncadd.s32 $0xFFFFFFFF  }
0xa5: {  	s26 =	simm.s32 $execute0_lowered;
	[smem:$0x3FD2] =	sst s25  }
0xa6: {  	s5 =	sshll.u32 s26, $0x1;
	_ =	strace $0x80000046;
	[dreg:$0x1] =	wrdreg $0xFFFFFFFF  }
0xa7: {  	s28 =	simm.s32 $_size_execute0_lowered;
	s3 =	sadd.s32 s3, s5;
	[dreg:$0x0] =	wrdreg $0x0  }
0xa8: {  	s5 =	sshll.u32 s28, $0x1;
	[dreg:$0x2] =	wrdreg s3  }
0xa9: {  	[dreg:$0x3] =	wrdreg s5  }
0xaa: {  	[dreg:$0x4] =	wrdreg $0xC0  }
0xab: {  	_ =	task [dreg:s7], $0x5FFFF  }
0xac: {  	[dreg:$0x1] =	wrdreg $0xFFFFFFFF  }
0xad: {  	[dreg:$0x0] =	wrdreg $0x60  }
0xae: {  	[dreg:$0x2] =	wrdreg s2  }
0xaf: {  	[dreg:$0x3] =	wrdreg s24  }
0xb0: {  	[dreg:$0x4] =	wrdreg $0x1CE000  }
0xb1: {  	[dreg:$0x5] =	wrdreg $0x9  }
0xb2: {  	_ =	task.clear_ibuf [dreg:s7], $0x6FFFF;
	_ =	strace $0x90000046  }
0xb3: {  	s29 =	simm.s32 $0x9;
	_ =	strace $0x80000048  }
0xb4: {  	_ =	swait.ge [sflag:s29], $0x1  }
0xb5: {  	[sflag:s29] =	ssyncadd.s32 $0xFFFFFFFF  }
0xb6: {  	_ =	strace $0x90000048  }
0xb7: {  	_ =	sfence  }
0xb8: {  	s30 =	sld [smem:$0x0];
	_ =	sdelay $0x2  }
0xb9: {  	s31 =	sshll.u32 s1, $0xD;
	s1 =	sshrl.u32 s1, $0x2  }
0xba: {  	s3 =	sand.u32 $0x4000, s31;
	s1 =	sadd.s32 s1, s30  }
0xbb: {  	s0 =	sor.u32 s3, s0;
	s1 =	sshll.u32 s1, $0x11  }
0xbc: {  	s0 =	sor.u32 s1, s0  }
0xbd: {  	s0 =	sadd.s32 $0x8F2B, s0  }
0xbe: {  	[sflag:s0] =	ssyncadd.remote.s32 $0x1  }
0xbf: {  	_ =	sfence.sel $0xFFFF  }
0xc0: {  	[dreg:$0x0] =	wrdreg $0xFFFFFFFF;
	(pc) =	sbr.abs _section_cstart, $3  }
0xc1: {  	[dreg:$0x1] =	wrdreg $0xFFFFFFFF  }
0xc2: {  	_ =	task.clear_ibuf [dreg:s7], $0x2FFFF;
	_ =	strace $0x9FFFFFFF  }
0xc3: {  	(tm) =	ssettm $0x7FFFFFFF  }
tec
execute0_lowered:
.L_overlay_start_1:
0x0: {  	(tag) =	ssettag $0x1  }
0x1: {  	s1 =	rddreg [dreg:$0x0]  }
0x2: {  	s0 =	rddreg [dreg:$0x1];
	s2 =	srdreg.scid  }
0x3: {  	s13 =	stileid.u32;
	s3 =	rddreg [dreg:$0x2]  }
0x4: {  	s4 =	simm.s32 $0x0;
	s2 =	sand.u32 $0x1, s2;
	s5 =	sshll.u32 s13, $0x1  }
0x5: {  	[smem:$0x7FF] =	sst s4;
	s8 =	sadd.s32 $0x2AE00, s0;
	s12 =	sshll.u32 s13, $0x4  }
0x6: {  	s25 =	smul.u32 $0x2800, s13;
	s26 =	sshll.u32 s13, $0xB;
	s19 =	sshllo.u32 s13, $0x4  }
0x7: {  	s5 =	sor.u32 s2, s5;
	_ =	strace $0x80000047;
	s9 =	ssub.s32 $0x2, s2  }
0x8: {  	s15 =	sor.u32 $0x3, s12;
	s17 =	sor.u32 $0x4, s12;
	s24 =	sor.u32 $0x5, s12  }
0x9: {  	s21 =	sor.u32 $0x6, s12;
	s22 =	sor.u32 $0x7, s12;
	s16 =	sor.u32 $0x8, s12  }
0xa: {  	s29 =	sor.u32 $0x9, s12;
	s2 =	smul.u32 $0x1400, s2;
	s31 =	sor.u32 $0xA, s12  }
0xb: {  	s28 =	sor.u32 $0xB, s12;
	s18 =	sor.u32 $0xD, s12;
	s20 =	sor.u32 $0xE, s12  }
0xc: {  	v15 =	vmov s19;
	s19 =	simm.s32 $0x3;
	s6 =	smul.u32 $0x1400, s5;
	s10 =	sshrl.u32 s9, $0x1  }
0xd: {  	p0 =	seq.s32 s5, $0x1F;
	s5 =	simm.s32 $0xA;
	v5 =	vmov s24;
	s24 =	simm.s32 $0x1  }
0xe: {  	v4 =	vmov s17;
	v6 =	vmov s21;
	v9 =	vmov s29;
	s29 =	simm.s32 $0x7;
	s17 =	simm.s32 $0x8;
	s21 =	simm.s32 $0x4  }
0xf: {  	s11 =	ssub.s32 s9, s10;
	s5 =	simm.s32 @!p0 $0x28;
	s2 =	sadd.s32 s2, s25  }
0x10: {  	s10 =	sadd.s32 s26, s3;
	s25 =	simm.s32 $0x5;
	s26 =	simm.s32 $0x100  }
0x11: {  	s7 =	sadd.s32 s6, s0;
	s0 =	sadd.s32 $0x2A800, s0;
	s23 =	sshll.u32 s5, $0x7  }
0x12: {  	s2 =	sadd.s32 s2, s8;
	s14 =	smax.u32 s11, $0x1;
	s13 =	sadd.s32 $0x400, s10  }
0x13: {  	s7 =	sadd.s32 $0x3C00, s7;
	[dreg:$0x5] =	wrdreg s0;
	s9 =	sadd.s32 s23, s6  }
0x14: {  	s0 =	sor.u32 $0x1, s12;
	s6 =	sadd.s32 s8, s6;
	s9 =	sadd.s32 $0x1FFFFF80, s9  }
0x15: {  	v16 =	vimm.f32 $0.0e+00;
	v0 =	vmov s12;
	v3 =	vmov s15;
	[dreg:$0x8] =	wrdreg s14;
	s30 =	sadd.s32 $0x80, s2;
	s9 =	sand.u32 $0x1FFFFF80, s9  }
0x16: {  	v7 =	vmov s22;
	v8 =	vmov s16;
	v10 =	vmov s31;
	s14 =	simm.s32 $0x80;
	[dreg:$0x4] =	wrdreg s7;
	s9 =	sadd.s32 s8, s9  }
0x17: {  	v11 =	vmov s28;
	v13 =	vmov s18;
	v14 =	vmov s20;
	s7 =	sor.u32 $0x2, s12;
	[dreg:$0x6] =	wrdreg s9;
	s9 =	sor.u32 $0xC, s12  }
0x18: {  	s23 =	simm.s32 $0x1CA00;
	s2 =	simm.s32 $0x6;
	[dreg:$0x7] =	wrdreg s6;
	v1 =	vmov s0;
	v2 =	vmov s7;
	v12 =	vmov s9  }
.LBB2_1:
0x19: {  	s0 =	simm.s32 @p0 $0x0;
	s6 =	rddreg [dreg:$0x5]  }
0x1a: {  	[tilespmem:s0], [sflag:$0x9] =	stream.linear.gather @p0 [hbm4b:s6+s0], $0x2800, $0x38;
	[tilespmem:$0x1D600] =	vst v63  }
0x1b: {  	s0 =	simm.s32 @p0 $0x9  }
0x1c: {  	_ =	swait.ge @p0 [sflag:s0], $0x2800  }
0x1d: {  	[sflag:s0] =	ssyncset.done @p0 $0x0  }
0x1e: {  	s6 =	rddreg [dreg:$0x4];
	[sflag:s0] =	ssyncadd.s32 @p0 $0xFFFFD800;
	s0 =	simm.s32 @!p0 $0x0  }
0x1f: {  	[tilespmem:s0], [sflag:$0x9] =	stream.linear.gather @!p0 [hbm4b:s6+s0], $0xA000, $0x38;
	[tilespmem:$0x1D600] =	vst v63  }
0x20: {  	s0 =	simm.s32 @!p0 $0x9  }
0x21: {  	_ =	swait.ge @!p0 [sflag:s0], $0xA000  }
0x22: {  	[sflag:s0] =	ssyncset.done @!p0 $0x0  }
0x23: {  	[sflag:s0] =	ssyncadd.s32 @!p0 $0xFFFF6000;
	s0 =	simm.s32 $0x10  }
0x24: {  	s7 =	simm.s32 $0x0;
	s6 =	simm.s32 $0x80;
	v17 =	vld [tilespmem:s0+$0xFFFFFFF0]  }
.LBB2_2:
0x25: {  	p1 =	sne.s32 s6, $0x9F80;
	_ =	sdelay $0x2  }
0x26: {  	s8 =	sshra.s32 s7, $0x2;
	s7 =	smov.u32 s6  }
0x27: {  	[tilespmem:s8+$0xA000] =	vst v17  }
0x28: {  	v17 =	vld [tilespmem:s0+$0x0];
	_ =	sdelay $0x1  }
.Ltmp0:
0x29: {  	(pc) =	sbr.rel @p1 .LBB2_2-.Ltmp0, $3  }
0x2a: {  	_ =	sdelay $0x1  }
0x2b: {  	s0 =	sadd.s32 $0x80, s0;
	[tilespmem:s8+$0xA010] =	vst v17  }
0x2c: {  	s6 =	sadd.s32 $0x80, s6;
	v17 =	vld [tilespmem:s0+$0xFFFFFFF0]  }
0x2d: {  	_ =	sdelay $0x2  }
0x2e: {  	s6 =	sshra.s32 s7, $0x2  }
0x2f: {  	[tilespmem:s6+$0xA000] =	vst v17  }
0x30: {  	v17 =	vld [tilespmem:s0+$0x0];
	_ =	sdelay $0x4  }
0x31: {  	[tilespmem:s6+$0xA010] =	vst v17  }
0x32: {  	[tilespmem:$0x1CA00] =	vst v16  }
0x33: {  	[tilespmem:$0x1CA10] =	vst v16  }
0x34: {  	[tilespmem:$0x1CA20] =	vst v16  }
0x35: {  	[tilespmem:$0x1CA30] =	vst v16  }
0x36: {  	[tilespmem:$0x1CA40] =	vst v16  }
0x37: {  	[tilespmem:$0x1CA50] =	vst v16  }
0x38: {  	[tilespmem:$0x1CA60] =	vst v16  }
0x39: {  	[tilespmem:$0x1CA70] =	vst v16  }
0x3a: {  	[tilespmem:$0x1CA80] =	vst v16  }
0x3b: {  	[tilespmem:$0x1CA90] =	vst v16  }
0x3c: {  	[tilespmem:$0x1CAA0] =	vst v16  }
0x3d: {  	[tilespmem:$0x1CAB0] =	vst v16  }
0x3e: {  	[tilespmem:$0x1CAC0] =	vst v16  }
0x3f: {  	[tilespmem:$0x1CAD0] =	vst v16  }
0x40: {  	[tilespmem:$0x1CAE0] =	vst v16  }
0x41: {  	[tilespmem:$0x1CAF0] =	vst v16  }
0x42: {  	[tilespmem:$0x1CB00] =	vst v16  }
0x43: {  	[tilespmem:$0x1CB10] =	vst v16  }
0x44: {  	[tilespmem:$0x1CB20] =	vst v16  }
0x45: {  	[tilespmem:$0x1CB30] =	vst v16  }
0x46: {  	[tilespmem:$0x1CB40] =	vst v16  }
0x47: {  	[tilespmem:$0x1CB50] =	vst v16  }
0x48: {  	[tilespmem:$0x1CB60] =	vst v16  }
0x49: {  	[tilespmem:$0x1CB70] =	vst v16  }
0x4a: {  	[tilespmem:$0x1CB80] =	vst v16  }
0x4b: {  	[tilespmem:$0x1CB90] =	vst v16  }
0x4c: {  	[tilespmem:$0x1CBA0] =	vst v16  }
0x4d: {  	[tilespmem:$0x1CBB0] =	vst v16  }
0x4e: {  	[tilespmem:$0x1CBC0] =	vst v16  }
0x4f: {  	[tilespmem:$0x1CBD0] =	vst v16  }
0x50: {  	[tilespmem:$0x1CBE0] =	vst v16  }
0x51: {  	[tilespmem:$0x1CBF0] =	vst v16  }
0x52: {  	[tilespmem:$0x1CC00] =	vst v16  }
0x53: {  	[tilespmem:$0x1CC10] =	vst v16  }
0x54: {  	[tilespmem:$0x1CC20] =	vst v16  }
0x55: {  	[tilespmem:$0x1CC30] =	vst v16  }
0x56: {  	[tilespmem:$0x1CC40] =	vst v16  }
0x57: {  	[tilespmem:$0x1CC50] =	vst v16  }
0x58: {  	[tilespmem:$0x1CC60] =	vst v16  }
0x59: {  	[tilespmem:$0x1CC70] =	vst v16  }
0x5a: {  	[tilespmem:$0x1CC80] =	vst v16  }
0x5b: {  	[tilespmem:$0x1CC90] =	vst v16  }
0x5c: {  	[tilespmem:$0x1CCA0] =	vst v16  }
0x5d: {  	[tilespmem:$0x1CCB0] =	vst v16  }
0x5e: {  	[tilespmem:$0x1CCC0] =	vst v16  }
0x5f: {  	[tilespmem:$0x1CCD0] =	vst v16  }
0x60: {  	[tilespmem:$0x1CCE0] =	vst v16  }
0x61: {  	[tilespmem:$0x1CCF0] =	vst v16  }
0x62: {  	[tilespmem:$0x1CD00] =	vst v16  }
0x63: {  	[tilespmem:$0x1CD10] =	vst v16  }
0x64: {  	[tilespmem:$0x1CD20] =	vst v16  }
0x65: {  	[tilespmem:$0x1CD30] =	vst v16  }
0x66: {  	[tilespmem:$0x1CD40] =	vst v16  }
0x67: {  	[tilespmem:$0x1CD50] =	vst v16  }
0x68: {  	[tilespmem:$0x1CD60] =	vst v16  }
0x69: {  	[tilespmem:$0x1CD70] =	vst v16  }
0x6a: {  	[tilespmem:$0x1CD80] =	vst v16  }
0x6b: {  	[tilespmem:$0x1CD90] =	vst v16  }
0x6c: {  	[tilespmem:$0x1CDA0] =	vst v16  }
0x6d: {  	[tilespmem:$0x1CDB0] =	vst v16  }
0x6e: {  	[tilespmem:$0x1CDC0] =	vst v16  }
0x6f: {  	[tilespmem:$0x1CDD0] =	vst v16  }
0x70: {  	[tilespmem:$0x1CDE0] =	vst v16  }
0x71: {  	[tilespmem:$0x1CDF0] =	vst v16  }
0x72: {  	[tilespmem:$0x1C800] =	vst v0  }
0x73: {  	[tilespmem:$0x1C810] =	vst v0  }
0x74: {  	[tilespmem:$0x1C820] =	vst v1  }
0x75: {  	[tilespmem:$0x1C830] =	vst v1  }
0x76: {  	[tilespmem:$0x1C840] =	vst v2  }
0x77: {  	[tilespmem:$0x1C850] =	vst v2  }
0x78: {  	[tilespmem:$0x1C860] =	vst v3  }
0x79: {  	[tilespmem:$0x1C870] =	vst v3  }
0x7a: {  	[tilespmem:$0x1C880] =	vst v4  }
0x7b: {  	[tilespmem:$0x1C890] =	vst v4  }
0x7c: {  	[tilespmem:$0x1C8A0] =	vst v5  }
0x7d: {  	[tilespmem:$0x1C8B0] =	vst v5  }
0x7e: {  	[tilespmem:$0x1C8C0] =	vst v6  }
0x7f: {  	[tilespmem:$0x1C8D0] =	vst v6  }
0x80: {  	[tilespmem:$0x1C8E0] =	vst v7  }
0x81: {  	[tilespmem:$0x1C8F0] =	vst v7  }
0x82: {  	[tilespmem:$0x1C900] =	vst v8  }
0x83: {  	[tilespmem:$0x1C910] =	vst v8  }
0x84: {  	[tilespmem:$0x1C920] =	vst v9  }
0x85: {  	[tilespmem:$0x1C930] =	vst v9  }
0x86: {  	[tilespmem:$0x1C940] =	vst v10  }
0x87: {  	[tilespmem:$0x1C950] =	vst v10  }
0x88: {  	[tilespmem:$0x1C960] =	vst v11  }
0x89: {  	[tilespmem:$0x1C970] =	vst v11  }
0x8a: {  	[tilespmem:$0x1C980] =	vst v12  }
0x8b: {  	[tilespmem:$0x1C990] =	vst v12  }
0x8c: {  	[tilespmem:$0x1C9A0] =	vst v13  }
0x8d: {  	[tilespmem:$0x1C9B0] =	vst v13  }
0x8e: {  	[tilespmem:$0x1C9C0] =	vst v14  }
0x8f: {  	[tilespmem:$0x1C9D0] =	vst v14  }
0x90: {  	[tilespmem:$0x1C9E0] =	vst v15  }
0x91: {  	s12 =	simm.s32 $0xA000;
	s9 =	simm.s32 $0xC800;
	[tilespmem:$0x1C9F0] =	vst v15  }
0x92: {  	[tilespmem:s9], [sflag:$0x1] =	stream.indirect.gather [hbm4b:s1+s14], $0x80, s12, s14, $0xb8;
	[tilespmem:$0x1D600] =	vst v63  }
0x93: {  	s15 =	simm.s32 $0xA080;
	s11 =	simm.s32 $0x10800  }
0x94: {  	[tilespmem:s11], [sflag:$0x1] =	stream.indirect.gather [hbm4b:s1+s14], $0x80, s15, s14, $0xb8;
	[tilespmem:$0x1D600] =	vst v63  }
0x95: {  	s16 =	simm.s32 $0xA100;
	s12 =	simm.s32 $0x14800  }
0x96: {  	[tilespmem:s12], [sflag:$0x2] =	stream.indirect.gather [hbm4b:s1+s14], $0x80, s16, s14, $0xb8;
	[tilespmem:$0x1D600] =	vst v63  }
0x97: {  	s18 =	simm.s32 $0xA180;
	s20 =	simm.s32 $0x18800  }
0x98: {  	[tilespmem:s20], [sflag:$0x2] =	stream.indirect.gather [hbm4b:s1+s14], $0x80, s18, s14, $0xb8;
	[tilespmem:$0x1D600] =	vst v63  }
0x99: {  	_ = 	snop  }
0x9a: {  	[spmem:s10] =	stream.linear.scatter [tilespmem:s23], [sflag:$0x5], $0x400, $0x38;
	[tilespmem:$0x1D600] =	vst v63  }
0x9b: {  	_ =	swait.ge [sflag:s24], $0x4000  }
0x9c: {  	[sflag:s24] =	ssyncset.done $0x0  }
0x9d: {  	[sflag:s24] =	ssyncadd.s32 $0xFFFFC000  }
0x9e: {  	_ =	swait.ge [sflag:s24], $0x4000  }
0x9f: {  	[sflag:s24] =	ssyncset.done $0x0  }
0xa0: {  	[sflag:s24] =	ssyncadd.s32 $0xFFFFC000  }
0xa1: {  	_ =	swait.ge [sflag:s25], $0x400  }
0xa2: {  	[sflag:s25] =	ssyncset.done $0x0  }
0xa3: {  	s22 =	simm.s32 $0x1C800;
	s6 =	stileid.u32;
	[sflag:s25] =	ssyncadd.s32 $0xFFFFFC00  }
0xa4: {  	[spmem:s3] =	stream.indirect.scatter.add.f32 [tilespmem:s9], [sflag:$0x7], $0x80, s22, s26, $0xb8;
	[tilespmem:$0x1D600] =	vst v63  }
0xa5: {  	s0 =	sshll.u32 s6, $0x6;
	_ =	swait.ge [sflag:s29], $0x8000  }
0xa6: {  	s7 =	sor.u32 $0x1C03, s0;
	s15 =	sshrl.u32 s10, $0x3;
	[sflag:s29] =	ssyncset.done $0x0  }
0xa7: {  	s16 =	simm.s32 $0xA200;
	s8 =	rddreg [dreg:$0x7];
	[sflag:s29] =	ssyncadd.s32 $0xFFFF8000  }
0xa8: {  	[hbm:s8], [sflag:s7] =	dma.local [spmem:s15], $0x80  }
0xa9: {  	[tilespmem:s9], [sflag:$0x1] =	stream.indirect.gather [hbm4b:s1+s14], $0x80, s16, s14, $0xb8;
	[tilespmem:$0x1D600] =	vst v63  }
0xaa: {  	s18 =	simm.s32 $0xA280  }
0xab: {  	[tilespmem:s11], [sflag:$0x1] =	stream.indirect.gather [hbm4b:s1+s14], $0x80, s18, s14, $0xb8;
	[tilespmem:$0x1D600] =	vst v63  }
0xac: {  	s20 =	simm.s32 $0x2  }
0xad: {  	[spmem:s13] =	stream.linear.scatter [tilespmem:s23], [sflag:$0x6], $0x400, $0x38;
	[tilespmem:$0x1D600] =	vst v63  }
0xae: {  	_ =	swait.ge [sflag:s20], $0x4000  }
0xaf: {  	[sflag:s20] =	ssyncset.done $0x0  }
0xb0: {  	[sflag:s20] =	ssyncadd.s32 $0xFFFFC000  }
0xb1: {  	_ =	swait.ge [sflag:s20], $0x4000  }
0xb2: {  	[sflag:s20] =	ssyncset.done $0x0  }
0xb3: {  	s22 =	simm.s32 $0x3;
	[sflag:s20] =	ssyncadd.s32 $0xFFFFC000  }
0xb4: {  	p1 =	sle.u32 s5, $0x3;
	s7 =	sand.u32 $0x1, s22;
	_ =	swait.ge [sflag:s2], $0x400  }
0xb5: {  	s8 =	simm.s32 $0x1C900;
	s9 =	sadd.s32 $0x7, s7;
	[sflag:s2] =	ssyncset.done $0x0  }
0xb6: {  	s15 =	sshll.u32 s7, $0xA;
	s28 =	sor.u32 s0, s7;
	[sflag:s2] =	ssyncadd.s32 $0xFFFFFC00  }
0xb7: {  	[spmem:s3] =	stream.indirect.scatter.add.f32 [tilespmem:s12], [sflag:$0x8], $0x80, s8, s26, $0xb8;
	[tilespmem:$0x1D600] =	vst v63  }
0xb8: {  	s31 =	sshll.u32 @!p1 s7, $0xF;
	s15 =	sadd.s32 s15, s10;
	_ =	swait.ge [sflag:s9], $0x8000  }
0xb9: {  	s7 =	sadd.s32 @!p1 $0x1, s7;
	s15 =	sshrl.u32 s15, $0x3;
	[sflag:s9] =	ssyncset.done $0x0  }
0xba: {  	s11 =	sadd.s32 $0x1C03, s28;
	s28 =	simm.s32 @!p1 $0x80;
	[sflag:s9] =	ssyncadd.s32 $0xFFFF8000  }
0xbb: {  	[hbm:s30], [sflag:s11] =	dma.local [spmem:s15], $0x80  }
0xbc: {  	s8 =	simm.s32 $0xA300;
	s12 =	sadd.s32 @!p1 $0xC800, s31;
	s15 =	sand.u32 $0x1, s20  }
0xbd: {  	[tilespmem:s12], [sflag:s7] =	stream.indirect.gather @!p1 [hbm4b:s1+s28], $0x80, s8, s28, $0xb8;
	[tilespmem:$0x1D600] =	vst v63  }
0xbe: {  	s6 =	simm.s32 @!p1 $0xA380;
	s8 =	sor.u32 @!p1 $0x10800, s31;
	s16 =	sadd.s32 $0x3, s15  }
0xbf: {  	[tilespmem:s8], [sflag:s7] =	stream.indirect.gather @!p1 [hbm4b:s1+s28], $0x80, s6, s28, $0xb8;
	[tilespmem:$0x1D600] =	vst v63  }
0xc0: {  	s18 =	sshll.u32 s15, $0xA;
	s31 =	sadd.s32 $0x5, s15;
	_ =	swait.ge [sflag:s16], $0x80  }
0xc1: {  	s20 =	sadd.s32 s18, s10;
	p1 =	sne.s32 s5, $0x3;
	[sflag:s16] =	ssyncset.done $0x0  }
.Ltmp1:
0xc2: {  	s7 =	sadd.s32 $0x1, s15;
	[sflag:s16] =	ssyncadd.s32 $0xFFFFFF80;
	(pc) =	sbr.rel @!p1 .LBB2_5-.Ltmp1, $4  }
0xc3: {  	[spmem:s20] =	stream.linear.scatter [tilespmem:s23], [sflag:s31], $0x400, $0x38;
	[tilespmem:$0x1D600] =	vst v63  }
0xc4: {  	_ =	swait.ge [sflag:s7], $0x4000  }
0xc5: {  	s12 =	smov.u32 s30;
	s6 =	sshll.u32 s15, $0xF;
	[sflag:s7] =	ssyncset.done $0x0  }
0xc6: {  	s8 =	sshll.u32 s15, $0x8;
	s28 =	simm.s32 $0xA400;
	[sflag:s7] =	ssyncadd.s32 $0xFFFFC000  }
.LBB2_4:
0xc7: {  	_ =	swait.ge [sflag:s7], $0x4000  }
0xc8: {  	s15 =	sadd.s32 $0x7, s15;
	s9 =	smov.u32 s22;
	s22 =	sadd.s32 $0x1, s22  }
0xc9: {  	s8 =	sor.u32 $0x1C800, s8;
	s11 =	sand.u32 $0x1, s22;
	[sflag:s7] =	ssyncset.done $0x0  }
0xca: {  	s18 =	sadd.s32 $0x7, s11;
	s20 =	sshll.u32 s11, $0xA;
	[sflag:s7] =	ssyncadd.s32 $0xFFFFC000  }
0xcb: {  	s7 =	sor.u32 s0, s11;
	s20 =	sadd.s32 s20, s10;
	_ =	swait.ge [sflag:s31], $0x400  }
0xcc: {  	s6 =	sadd.s32 $0xC800, s6;
	p1 =	sge.u32 s22, s5;
	[sflag:s31] =	ssyncset.done $0x0  }
0xcd: {  	s12 =	sadd.s32 $0x80, s12;
	s16 =	sshll.u32 @!p1 s11, $0xF;
	[sflag:s31] =	ssyncadd.s32 $0xFFFFFC00  }
0xce: {  	[spmem:s3] =	stream.indirect.scatter.add.f32 [tilespmem:s6], [sflag:s15], $0x80, s8, s26, $0xb8;
	[tilespmem:$0x1D600] =	vst v63  }
0xcf: {  	s6 =	sadd.s32 @!p1 $0xC800, s16;
	s8 =	simm.s32 @!p1 $0x80;
	_ =	swait.ge [sflag:s18], $0x8000  }
0xd0: {  	s15 =	sshrl.u32 s20, $0x3;
	s16 =	sor.u32 @!p1 $0x10800, s16;
	[sflag:s18] =	ssyncset.done $0x0  }
0xd1: {  	s11 =	sadd.s32 @!p1 $0x1, s11;
	s7 =	sadd.s32 $0x1C03, s7;
	[sflag:s18] =	ssyncadd.s32 $0xFFFF8000  }
0xd2: {  	[hbm:s12], [sflag:s7] =	dma.local [spmem:s15], $0x80  }
0xd3: {  	[tilespmem:s6], [sflag:s11] =	stream.indirect.gather @!p1 [hbm4b:s1+s8], $0x80, s28, s8, $0xb8;
	[tilespmem:$0x1D600] =	vst v63  }
0xd4: {  	p2 =	sne.s32 s5, s22;
	s15 =	sand.u32 $0x1, s9;
	s6 =	sadd.s32 @!p1 $0x80, s28  }
0xd5: {  	[tilespmem:s16], [sflag:s11] =	stream.indirect.gather @!p1 [hbm4b:s1+s8], $0x80, s6, s8, $0xb8;
	[tilespmem:$0x1D600] =	vst v63  }
0xd6: {  	s7 =	sadd.s32 $0x3, s15;
	s8 =	sshll.u32 s15, $0xA;
	s6 =	sshll.u32 s15, $0xF  }
0xd7: {  	s31 =	sadd.s32 $0x5, s15;
	s9 =	sadd.s32 s8, s10;
	_ =	swait.ge [sflag:s7], $0x80  }
0xd8: {  	s8 =	sshll.u32 s15, $0x8;
	[sflag:s7] =	ssyncset.done $0x0  }
.Ltmp2:
0xd9: {  	[sflag:s7] =	ssyncadd.s32 $0xFFFFFF80;
	s7 =	sadd.s32 $0x1, s15;
	(pc) =	sbr.rel @p2 .LBB2_4-.Ltmp2, $4  }
0xda: {  	[spmem:s9] =	stream.linear.scatter [tilespmem:s23], [sflag:s31], $0x400, $0x38;
	[tilespmem:$0x1D600] =	vst v63  }
0xdb: {  	_ =	swait.ge [sflag:s7], $0x4000  }
0xdc: {  	[sflag:s7] =	ssyncset.done $0x0  }
0xdd: {  	s28 =	sadd.s32 $0x100, s28;
	[sflag:s7] =	ssyncadd.s32 $0xFFFFC000  }
.LBB2_5:
0xde: {  	_ =	swait.ge [sflag:s7], $0x4000  }
0xdf: {  	[sflag:s7] =	ssyncset.done $0x0  }
0xe0: {  	[sflag:s7] =	ssyncadd.s32 $0xFFFFC000  }
0xe1: {  	_ =	swait.ge [sflag:s31], $0x400  }
0xe2: {  	s20 =	sadd.s32 $0x7, s15;
	[sflag:s31] =	ssyncset.done $0x0  }
0xe3: {  	s8 =	sor.u32 $0x1C800, s8;
	s6 =	sadd.s32 $0xC800, s6;
	[sflag:s31] =	ssyncadd.s32 $0xFFFFFC00  }
0xe4: {  	[spmem:s3] =	stream.indirect.scatter.add.f32 [tilespmem:s6], [sflag:s20], $0x80, s8, s26, $0xb8;
	[tilespmem:$0x1D600] =	vst v63  }
0xe5: {  	_ =	swait.ge [sflag:s17], $0x8000  }
0xe6: {  	s0 =	sor.u32 $0x1C04, s0;
	[sflag:s17] =	ssyncset.done $0x0  }
0xe7: {  	s22 =	sshrl.u32 s13, $0x3;
	s28 =	rddreg [dreg:$0x6];
	[sflag:s17] =	ssyncadd.s32 $0xFFFF8000  }
0xe8: {  	[hbm:s28], [sflag:s0] =	dma.local [spmem:s22], $0x80  }
0xe9: {  	_ =	swait.ge [sflag:s19], $0x80  }
0xea: {  	[sflag:s19] =	ssyncset.done $0x0  }
0xeb: {  	[sflag:s19] =	ssyncadd.s32 $0xFFFFFF80  }
0xec: {  	_ =	swait.ge [sflag:s21], $0x80  }
0xed: {  	s4 =	sadd.s32 $0x1, s4;
	s31 =	rddreg [dreg:$0x8]  }
0xee: {  	p1 =	sne.s32 s4, s31  }
.Ltmp3:
0xef: {  	_ = 	snop;
	(pc) =	sbr.rel @p1 .LBB2_1-.Ltmp3, $3  }
0xf0: {  	_ =	sdelay $0x1  }
0xf1: {  	[sflag:s21] =	ssyncset.done $0x0  }
0xf2: {  	[sflag:s21] =	ssyncadd.s32 $0xFFFFFF80  }
0xf3: {  	_ =	sfence.sel $0x180000  }
0xf4: {  	[bflag:$0x0] =	sbarrier.arrive $0xFFFF  }
0xf5: {  	_ =	strace $0x90000047  }
0xf6: {  	s0 =	stileid.u32;
	[bflag:$0x2] =	sbarrier.arrive $0xFFFF  }
0xf7: {  	p0 =	sne.s32 s0, $0x0;
	s0 =	rddreg [dreg:$0x3]  }
0xf8: {  	s0 =	sadd.s32 @!p0 $0x100000, s0  }
0xf9: {  	[sflag:s0] =	ssyncadd.tile.s32 @!p0 $0x1;
	_ =	shalt  }
.Lfunc_end2:
_tile_overlayer_lowered:
.L_overlay_start_2:
0xfa: {  	(tag) =	ssettag $0x2  }
0xfb: {  	s0 =	rddreg [dreg:$0x0];
	s2 =	stileid.u32  }
0xfc: {  	s1 =	rddreg [dreg:$0x1];
	p0 =	sne.s32 s2, $0x0  }
0xfd: {  	s3 =	rddreg [dreg:$0x2];
	[bflag:$0x3] =	sbarrier.arrive $0xFFFF;
	s2 =	simm.s32 @!p0 $0x1C09  }
0xfe: {  	[timem:s3], [sflag:s2] =	dma.local @!p0 [hbm:s0], s1  }
0xff: {  	s0 =	simm.s32 @!p0 $0x9  }
0x100: {  	_ =	swait.ge @!p0 [sflag:s0], s1  }
0x101: {  	s1 =	ssub.s32 @!p0 $0x0, s1;
	[sflag:s0] =	ssyncset.done @!p0 $0x0  }
0x102: {  	[sflag:s0] =	ssyncadd.s32 @!p0 s1  }
0x103: {  	[bflag:$0x3] =	sbarrier.arrive $0xFFFF  }
0x104: {  	_ =	shalt  }

// kernel: kernel.9.cloned.1.call-start
scs
__scs_entry_jumppad:
0x0: {  	(pc) =	sbr.rel $0x88, $3  }
0x1: {  	(tag) =	ssettag $0x0;
	lr =	simm.s32 $0x1  }
0x2: {  	[smem:$0x3F95] =	sst lr;
	_ =	strace $0xD0000000  }
0x3: {  	_ = 	snop  }
0x4: {  	_ = 	snop  }
0x5: {  	_ = 	snop  }
0x6: {  	_ = 	snop  }
0x7: {  	_ = 	snop  }
__scs_overlays_trampoline_lowered:
0x8: {  	[smem:$0x3FA4] =	sst s0  }
0x9: {  	[smem:$0x3FA5] =	sst s1  }
0xa: {  	[smem:$0x3FA6] =	sst s2  }
0xb: {  	[smem:$0x3FA7] =	sst s3  }
0xc: {  	[smem:$0x3FA8] =	sst s4  }
0xd: {  	[smem:$0x3FA9] =	sst s5  }
0xe: {  	[smem:$0x3FAA] =	sst s6  }
0xf: {  	[smem:$0x3FAB] =	sst s7  }
0x10: {  	[smem:$0x3FAC] =	sst s8  }
0x11: {  	[smem:$0x3FAD] =	sst s9;
	s0 =	simm.s32 @!p0 $0x0  }
0x12: {  	s1 =	sld [smem:$0x3F93];
	s0 =	simm.s32 @p0 $0x1  }
0x13: {  	[smem:$0x3FAE] =	sst s0;
	s0 =	simm.s32 @!p1 $0x0  }
0x14: {  	s2 =	sld [smem:$0x3F92];
	s0 =	simm.s32 @p1 $0x1  }
0x15: {  	[smem:$0x3FAF] =	sst s0;
	s0 =	simm.s32 @!p2 $0x0  }
0x16: {  	s3 =	sld [smem:$0x3FDB];
	s0 =	simm.s32 @p2 $0x1  }
0x17: {  	s4 =	simm.s32 $0x1BF5;
	[smem:$0x3FB1] =	sst s0  }
0x18: {  	s0 =	sld [smem:$0x3F94];
	_ =	swait.ge [sflag:s4], $0x0  }
0x19: {  	s7 =	sld [smem:$0x3F95]  }
0x1a: {  	s8 =	sadd.s32 $0xFFFFE003, lr  }
0x1b: {  	s9 =	sadd.s32 $0xFFFFFEF7, lr;
	s5 =	simm.s32 $0xFFFFFFFF;
	p2 =	slt.u32 s8, $0xFFFFF086  }
0x1c: {  	p1 =	slt.u32 s9, $0xF7A;
	s5 =	simm.s32 @!p2 $0x0  }
0x1d: {  	s5 =	simm.s32 @p1 $0x1;
	p0 =	seq.s32 s7, s2  }
0x1e: {  	s7 =	smul.u32 @!p0 $0xF7A, s2;
	p2 =	seq.s32 @!p0 s5, $0x0  }
0x1f: {  	s9 =	smul.u32 $0xF7A, s1;
	s8 =	simm.s32 @!p0 $0x1BF5;
	p2 =	por !p2, p0  }
0x20: {  	[sflag:s8] =	ssyncset.s32 @!p0 $0xFFFFF086;
	s6 =	sadd.s32 @!p0 s3, s7;
	s7 =	simm.s32 @!p0 $0x108  }
0x21: {  	s3 =	sadd.s32 s3, s9;
	s6 =	sadd.s32 @!p0 $0x88, s6;
	s7 =	simm.s32 @p2 $0x1082  }
0x22: {  	[simem:s7], [sflag:s8] =	dma.local @!p0 [hbm:s6], $0xF7A  }
0x23: {  	s9 =	sor.u32 $0xD0000000, s2;
	s6 =	simm.s32 $0x108;
	_ =	swait.ge @!p0 [sflag:s8], $0x0  }
0x24: {  	s3 =	sadd.s32 $0x88, s3;
	s6 =	simm.s32 @!p1 $0x1082;
	[sflag:s4] =	ssyncset.s32 $0xFFFFF086  }
0x25: {  	[simem:s6], [sflag:s4] =	dma.local [hbm:s3], $0xF7A  }
0x26: {  	[smem:$0x3F95] =	sst s1;
	(tag) =	ssettag s2;
	_ =	strace s9  }
0x27: {  	s1 =	sld [smem:$0x3FA5]  }
0x28: {  	s2 =	sld [smem:$0x3FA6]  }
0x29: {  	s4 =	sld [smem:$0x3FA8]  }
0x2a: {  	p0 =	seq.s32 s5, $0x0;
	s5 =	sld [smem:$0x3FA9]  }
0x2b: {  	s6 =	sld [smem:$0x3FAA]  }
0x2c: {  	s7 =	sld [smem:$0x3FAB]  }
0x2d: {  	s3 =	simm.s32 $0x108;
	s8 =	sld [smem:$0x3FAC]  }
0x2e: {  	s3 =	simm.s32 @!p0 $0x1082;
	s9 =	sld [smem:$0x3FAD]  }
0x2f: {  	lr =	sadd.s32 s0, s3;
	s0 =	sld [smem:$0x3FA4]  }
0x30: {  	s3 =	sld [smem:$0x3FA7]  }
0x31: {  	[smem:$0x3FB0] =	sst s10  }
0x32: {  	s10 =	sld [smem:$0x3FAE];
	_ =	sdelay $0x3  }
0x33: {  	p0 =	seq.s32 s10, $0x1;
	s10 =	sld [smem:$0x3FB0];
	_ =	sdelay $0x3  }
0x34: {  	[smem:$0x3FB0] =	sst s10  }
0x35: {  	s10 =	sld [smem:$0x3FAF];
	_ =	sdelay $0x3  }
0x36: {  	p1 =	seq.s32 s10, $0x1;
	s10 =	sld [smem:$0x3FB0];
	_ =	sdelay $0x3  }
0x37: {  	[smem:$0x3FB0] =	sst s10  }
0x38: {  	s10 =	sld [smem:$0x3FB1]  }
0x39: {  	_ = 	snop;
	(pc) =	sbr.ind lr, $3  }
0x3a: {  	_ = 	snop  }
0x3b: {  	_ = 	snop  }
0x3c: {  	p2 =	seq.s32 s10, $0x1;
	s10 =	sld [smem:$0x3FB0]  }
0x3d: {  	_ =	shalt  }
0x3e: {  	_ =	shalt  }
0x3f: {  	_ =	shalt  }
0x40: {  	_ =	shalt  }
0x41: {  	_ =	shalt  }
0x42: {  	_ =	shalt  }
0x43: {  	_ =	shalt  }
0x44: {  	_ =	shalt  }
0x45: {  	_ =	shalt  }
0x46: {  	_ =	shalt  }
0x47: {  	_ =	shalt  }
0x48: {  	_ =	shalt  }
0x49: {  	_ =	shalt  }
0x4a: {  	_ =	shalt  }
0x4b: {  	_ =	shalt  }
0x4c: {  	_ =	shalt  }
0x4d: {  	_ =	shalt  }
0x4e: {  	_ =	shalt  }
0x4f: {  	_ =	shalt  }
0x50: {  	_ =	shalt  }
0x51: {  	_ =	shalt  }
0x52: {  	_ =	shalt  }
0x53: {  	_ =	shalt  }
0x54: {  	_ =	shalt  }
0x55: {  	_ =	shalt  }
0x56: {  	_ =	shalt  }
0x57: {  	_ =	shalt  }
0x58: {  	_ =	shalt  }
0x59: {  	_ =	shalt  }
0x5a: {  	_ =	shalt  }
0x5b: {  	_ =	shalt  }
0x5c: {  	_ =	shalt  }
0x5d: {  	_ =	shalt  }
0x5e: {  	_ =	shalt  }
0x5f: {  	_ =	shalt  }
0x60: {  	_ =	shalt  }
0x61: {  	_ =	shalt  }
0x62: {  	_ =	shalt  }
0x63: {  	_ =	shalt  }
0x64: {  	_ =	shalt  }
0x65: {  	_ =	shalt  }
0x66: {  	_ =	shalt  }
0x67: {  	_ =	shalt  }
0x68: {  	_ =	shalt  }
0x69: {  	_ =	shalt  }
0x6a: {  	_ =	shalt  }
0x6b: {  	_ =	shalt  }
0x6c: {  	_ =	shalt  }
0x6d: {  	_ =	shalt  }
0x6e: {  	_ =	shalt  }
0x6f: {  	_ =	shalt  }
0x70: {  	_ =	shalt  }
0x71: {  	_ =	shalt  }
0x72: {  	_ =	shalt  }
0x73: {  	_ =	shalt  }
0x74: {  	_ =	shalt  }
0x75: {  	_ =	shalt  }
0x76: {  	_ =	shalt  }
0x77: {  	_ =	shalt  }
0x78: {  	_ =	shalt  }
0x79: {  	_ =	shalt  }
0x7a: {  	_ =	shalt  }
0x7b: {  	_ =	shalt  }
0x7c: {  	_ =	shalt  }
0x7d: {  	_ =	shalt  }
0x7e: {  	_ =	shalt  }
0x7f: {  	_ =	shalt  }
0x80: {  	_ =	shalt  }
0x81: {  	_ =	shalt  }
0x82: {  	_ =	shalt  }
0x83: {  	_ =	shalt  }
0x84: {  	_ =	shalt  }
0x85: {  	_ =	shalt  }
0x86: {  	_ =	shalt  }
0x87: {  	_ =	shalt  }
.Lfunc_end0:
.L_simem_size_0:
called_computation.1_lowered:
.L_overlay_start_0:
0x88: {  	s2 =	sld [smem:$0x3FD9]  }
0x89: {  	s3 =	sld [smem:$0x3FFE];
	_ =	sdelay $0x1  }
0x8a: {  	s1 =	srdreg.scid  }
0x8b: {  	s0 =	sand.u32 $0x1, s1  }
0x8c: {  	s16 =	sshll.u32 s0, $0xA;
	s2 =	sadd.s32 s3, s2  }
0x8d: {  	s2 =	sadd.s32 s2, s16  }
0x8e: {  	[smem:$0x3FBC] =	sst s2  }
0x8f: {  	_ = 	snop  }
0x90: {  	(tm) =	ssettm $0x1  }
0x91: {  	s17 =	sld [smem:$0x3FFB];
	_ =	sdelay $0x3  }
0x92: {  	_ =	strace s17  }
0x93: {  	s2 =	sld [smem:$0x3FFC];
	_ =	sdelay $0x3  }
0x94: {  	_ =	strace s2  }
0x95: {  	s2 =	sld [smem:$0x3FFD];
	_ =	sdelay $0x3  }
0x96: {  	_ =	strace s2  }
0x97: {  	_ =	strace $0x8FFFFFFF  }
0x98: {  	s18 =	sld [smem:$0x3FDB];
	_ =	sdelay $0x1  }
0x99: {  	s19 =	simm.s32 $_scs_section_size  }
0x9a: {  	s4 =	simm.s32 $_size__tile_overlayer_lowered;
	s5 =	simm.s32 $_tile_overlayer_lowered  }
0x9b: {  	s22 =	simm.s32 $0x1BFF;
	s21 =	sshll.u32 s5, $0x1;
	s2 =	sadd.s32 s19, s18  }
0x9c: {  	s6 =	simm.s32 $0x0;
	s20 =	sshll.u32 s4, $0x1;
	s4 =	sadd.s32 s21, s2  }
0x9d: {  	[timem:s6], [sflag:s22] =	dma.local [hbm:s4], s20  }
0x9e: {  	_ =	swait.ge [sflag:s22], s20  }
0x9f: {  	s3 =	ssub.s32 $0x0, s20;
	[sflag:s22] =	ssyncset.done $0x0  }
0xa0: {  	[sflag:s22] =	ssyncadd.s32 s3;
	_ =	sdelay $0x1  }
0xa1: {  	s23 =	simm.s32 $0x1B8B  }
0xa2: {  	_ =	swait.ge [sflag:s23], $0x1  }
0xa3: {  	[sflag:s23] =	ssyncset.done $0x0  }
0xa4: {  	s25 =	simm.s32 $0x1B8E;
	s24 =	sld [smem:$0x3FFE];
	[sflag:s23] =	ssyncadd.s32 $0xFFFFFFFF  }
0xa5: {  	s26 =	simm.s32 $execute0_lowered;
	[smem:$0x3FD2] =	sst s25  }
0xa6: {  	s4 =	sshll.u32 s26, $0x1;
	_ =	strace $0x80000049;
	[dreg:$0x1] =	wrdreg $0xFFFFFFFF  }
0xa7: {  	s28 =	simm.s32 $_size_execute0_lowered;
	s2 =	sadd.s32 s2, s4;
	[dreg:$0x0] =	wrdreg $0x0  }
0xa8: {  	s4 =	sshll.u32 s28, $0x1;
	[dreg:$0x2] =	wrdreg s2  }
0xa9: {  	[dreg:$0x3] =	wrdreg s4  }
0xaa: {  	[dreg:$0x4] =	wrdreg $0xC0  }
0xab: {  	_ =	task [dreg:s6], $0x5FFFF  }
0xac: {  	[dreg:$0x1] =	wrdreg $0xFFFFFFFF  }
0xad: {  	[dreg:$0x0] =	wrdreg $0x60  }
0xae: {  	[dreg:$0x2] =	wrdreg s24  }
0xaf: {  	[dreg:$0x3] =	wrdreg $0xEA800  }
0xb0: {  	[dreg:$0x4] =	wrdreg $0x9  }
0xb1: {  	_ =	task.clear_ibuf [dreg:s6], $0x5FFFF;
	_ =	strace $0x90000049  }
0xb2: {  	s29 =	simm.s32 $0x9;
	_ =	strace $0x8000004B  }
0xb3: {  	_ =	swait.ge [sflag:s29], $0x1  }
0xb4: {  	[sflag:s29] =	ssyncadd.s32 $0xFFFFFFFF  }
0xb5: {  	_ =	strace $0x9000004B  }
0xb6: {  	_ =	sfence  }
0xb7: {  	s30 =	sld [smem:$0x0];
	_ =	sdelay $0x2  }
0xb8: {  	s31 =	sshll.u32 s1, $0xD;
	s1 =	sshrl.u32 s1, $0x2  }
0xb9: {  	s3 =	sand.u32 $0x4000, s31;
	s1 =	sadd.s32 s1, s30  }
0xba: {  	s0 =	sor.u32 s3, s0;
	s1 =	sshll.u32 s1, $0x11  }
0xbb: {  	s0 =	sor.u32 s1, s0  }
0xbc: {  	s0 =	sadd.s32 $0x8F2B, s0  }
0xbd: {  	[sflag:s0] =	ssyncadd.remote.s32 $0x1  }
0xbe: {  	_ =	sfence.sel $0xFFFF  }
0xbf: {  	[dreg:$0x0] =	wrdreg $0xFFFFFFFF;
	(pc) =	sbr.abs _section_cstart, $3  }
0xc0: {  	[dreg:$0x1] =	wrdreg $0xFFFFFFFF  }
0xc1: {  	_ =	task.clear_ibuf [dreg:s6], $0x2FFFF;
	_ =	strace $0x9FFFFFFF  }
0xc2: {  	(tm) =	ssettm $0x7FFFFFFF  }
0xc3: {  	_ =	shalt  }
tec
execute0_lowered:
.L_overlay_start_1:
0x0: {  	(tag) =	ssettag $0x1  }
0x1: {  	s0 =	rddreg [dreg:$0x0];
	s1 =	srdreg.scid  }
0x2: {  	s16 =	stileid.u32;
	s2 =	rddreg [dreg:$0x1];
	s3 =	simm.s32 $0x0  }
0x3: {  	s23 =	simm.s32 $0xEA00;
	s24 =	simm.s32 $0x1;
	s1 =	sand.u32 $0x1, s1  }
0x4: {  	s4 =	sshll.u32 s16, $0x1;
	[smem:$0x7FF] =	sst s3;
	s10 =	sadd.s32 $0x3C00, s0  }
0x5: {  	s14 =	smul.u32 $0x2800, s16;
	s19 =	sshll.u32 s16, $0x8;
	s5 =	sor.u32 s1, s4  }
0x6: {  	_ =	strace $0x8000004A;
	s8 =	ssub.s32 $0x2, s1;
	s1 =	smul.u32 $0x1400, s1  }
0x7: {  	s4 =	sadd.s32 $0x534000, s0;
	s6 =	smul.u32 $0x1400, s5;
	s9 =	sshrl.u32 s8, $0x1  }
0x8: {  	p0 =	seq.s32 s5, $0x1F;
	s5 =	simm.s32 $0xA;
	s8 =	ssub.s32 s8, s9  }
0x9: {  	s5 =	simm.s32 @!p0 $0x28;
	s1 =	sadd.s32 s1, s14;
	s14 =	simm.s32 $0x80  }
0xa: {  	s7 =	sadd.s32 s6, s0;
	s0 =	sadd.s32 $0x78C00, s0;
	s13 =	sshll.u32 s5, $0x7  }
0xb: {  	s1 =	sadd.s32 s1, s10;
	s8 =	smax.u32 s8, $0x1;
	s7 =	sadd.s32 $0x52000, s7  }
0xc: {  	[dreg:$0x4] =	wrdreg s0;
	s13 =	sadd.s32 s13, s6;
	s6 =	sadd.s32 s10, s6  }
0xd: {  	[dreg:$0x7] =	wrdreg s8;
	s17 =	sadd.s32 $0x80, s1;
	s0 =	simm.s32 $0x2  }
0xe: {  	[dreg:$0x3] =	wrdreg s7;
	s7 =	sshll.u32 s16, $0x4;
	s13 =	sadd.s32 $0x1FFFFF80, s13  }
0xf: {  	[dreg:$0x6] =	wrdreg s6;
	s9 =	sor.u32 $0x1, s7;
	s18 =	sor.u32 $0x2, s7  }
0x10: {  	s11 =	sor.u32 $0x3, s7;
	s12 =	sor.u32 $0x4, s7;
	s15 =	sor.u32 $0x5, s7  }
0x11: {  	s26 =	sor.u32 $0x6, s7;
	s21 =	sor.u32 $0x7, s7;
	s22 =	sor.u32 $0x8, s7  }
0x12: {  	v16 =	vimm.f32 $0.0e+00;
	s28 =	sor.u32 $0x9, s7;
	s30 =	sor.u32 $0xA, s7;
	s31 =	sor.u32 $0xB, s7;
	v0 =	vmov s7  }
0x13: {  	s13 =	sand.u32 $0x1FFFFF80, s13;
	s20 =	sor.u32 $0xC, s7;
	s25 =	sor.u32 $0xD, s7;
	v1 =	vmov s9;
	v2 =	vmov s18;
	v3 =	vmov s11  }
0x14: {  	s29 =	sor.u32 $0xE, s7;
	s13 =	sadd.s32 s10, s13;
	s10 =	sadd.s32 s19, s2;
	v4 =	vmov s12;
	v5 =	vmov s15;
	v6 =	vmov s26  }
0x15: {  	s19 =	sshllo.u32 s16, $0x4;
	v7 =	vmov s21;
	s26 =	simm.s32 $0x100;
	v8 =	vmov s22;
	v10 =	vmov s30;
	s30 =	simm.s32 $0x10  }
0x16: {  	v9 =	vmov s28;
	v11 =	vmov s31;
	v12 =	vmov s20;
	s15 =	simm.s32 $0x6;
	s21 =	simm.s32 $0x3;
	s22 =	simm.s32 $0x4  }
0x17: {  	v13 =	vmov s25;
	v14 =	vmov s29;
	[dreg:$0x5] =	wrdreg s13;
	s13 =	sadd.s32 $0x80, s10;
	v15 =	vmov s19;
	s19 =	simm.s32 $0x8  }
.LBB2_1:
0x18: {  	s1 =	simm.s32 @p0 $0x0;
	s6 =	rddreg [dreg:$0x4]  }
0x19: {  	[tilespmem:s1], [sflag:$0x9] =	stream.linear.gather @p0 [hbm4b:s6+s1], $0x2800, $0x38;
	[tilespmem:$0xEB80] =	vst v63  }
0x1a: {  	s1 =	simm.s32 @p0 $0x9  }
0x1b: {  	_ =	swait.ge @p0 [sflag:s1], $0x2800  }
0x1c: {  	[sflag:s1] =	ssyncset.done @p0 $0x0  }
0x1d: {  	s6 =	rddreg [dreg:$0x3];
	[sflag:s1] =	ssyncadd.s32 @p0 $0xFFFFD800;
	s1 =	simm.s32 @!p0 $0x0  }
0x1e: {  	[tilespmem:s1], [sflag:$0x9] =	stream.linear.gather @!p0 [hbm4b:s6+s1], $0xA000, $0x38;
	[tilespmem:$0xEB80] =	vst v63  }
0x1f: {  	s1 =	simm.s32 @!p0 $0x9  }
0x20: {  	_ =	swait.ge @!p0 [sflag:s1], $0xA000  }
0x21: {  	[sflag:s1] =	ssyncset.done @!p0 $0x0  }
0x22: {  	[sflag:s1] =	ssyncadd.s32 @!p0 $0xFFFF6000  }
0x23: {  	s7 =	simm.s32 $0x0;
	s6 =	simm.s32 $0x80;
	s1 =	simm.s32 $0x10;
	v17 =	vld [tilespmem:s30+$0xFFFFFFF0]  }
.LBB2_2:
0x24: {  	p1 =	sne.s32 s6, $0x9F80;
	_ =	sdelay $0x2  }
0x25: {  	s8 =	sshra.s32 s7, $0x2;
	s7 =	smov.u32 s6  }
0x26: {  	[tilespmem:s8+$0xA000] =	vst v17  }
0x27: {  	v17 =	vld [tilespmem:s1+$0x0];
	_ =	sdelay $0x1  }
.Ltmp0:
0x28: {  	(pc) =	sbr.rel @p1 .LBB2_2-.Ltmp0, $3  }
0x29: {  	_ =	sdelay $0x1  }
0x2a: {  	s1 =	sadd.s32 $0x80, s1;
	[tilespmem:s8+$0xA010] =	vst v17  }
0x2b: {  	s6 =	sadd.s32 $0x80, s6;
	v17 =	vld [tilespmem:s1+$0xFFFFFFF0]  }
0x2c: {  	_ =	sdelay $0x2  }
0x2d: {  	s6 =	sshra.s32 s7, $0x2  }
0x2e: {  	[tilespmem:s6+$0xA000] =	vst v17  }
0x2f: {  	v17 =	vld [tilespmem:s1+$0x0];
	_ =	sdelay $0x4  }
0x30: {  	[tilespmem:s6+$0xA010] =	vst v17  }
0x31: {  	[tilespmem:$0xEA00] =	vst v16  }
0x32: {  	[tilespmem:$0xEA10] =	vst v16  }
0x33: {  	[tilespmem:$0xEA20] =	vst v16  }
0x34: {  	[tilespmem:$0xEA30] =	vst v16  }
0x35: {  	[tilespmem:$0xEA40] =	vst v16  }
0x36: {  	[tilespmem:$0xEA50] =	vst v16  }
0x37: {  	[tilespmem:$0xEA60] =	vst v16  }
0x38: {  	[tilespmem:$0xEA70] =	vst v16  }
0x39: {  	[tilespmem:$0xE800] =	vst v0  }
0x3a: {  	[tilespmem:$0xE810] =	vst v0  }
0x3b: {  	[tilespmem:$0xE820] =	vst v1  }
0x3c: {  	[tilespmem:$0xE830] =	vst v1  }
0x3d: {  	[tilespmem:$0xE840] =	vst v2  }
0x3e: {  	[tilespmem:$0xE850] =	vst v2  }
0x3f: {  	[tilespmem:$0xE860] =	vst v3  }
0x40: {  	[tilespmem:$0xE870] =	vst v3  }
0x41: {  	[tilespmem:$0xE880] =	vst v4  }
0x42: {  	[tilespmem:$0xE890] =	vst v4  }
0x43: {  	[tilespmem:$0xE8A0] =	vst v5  }
0x44: {  	[tilespmem:$0xE8B0] =	vst v5  }
0x45: {  	[tilespmem:$0xE8C0] =	vst v6  }
0x46: {  	[tilespmem:$0xE8D0] =	vst v6  }
0x47: {  	[tilespmem:$0xE8E0] =	vst v7  }
0x48: {  	[tilespmem:$0xE8F0] =	vst v7  }
0x49: {  	[tilespmem:$0xE900] =	vst v8  }
0x4a: {  	[tilespmem:$0xE910] =	vst v8  }
0x4b: {  	[tilespmem:$0xE920] =	vst v9  }
0x4c: {  	[tilespmem:$0xE930] =	vst v9  }
0x4d: {  	[tilespmem:$0xE940] =	vst v10  }
0x4e: {  	[tilespmem:$0xE950] =	vst v10  }
0x4f: {  	[tilespmem:$0xE960] =	vst v11  }
0x50: {  	[tilespmem:$0xE970] =	vst v11  }
0x51: {  	[tilespmem:$0xE980] =	vst v12  }
0x52: {  	[tilespmem:$0xE990] =	vst v12  }
0x53: {  	[tilespmem:$0xE9A0] =	vst v13  }
0x54: {  	[tilespmem:$0xE9B0] =	vst v13  }
0x55: {  	[tilespmem:$0xE9C0] =	vst v14  }
0x56: {  	[tilespmem:$0xE9D0] =	vst v14  }
0x57: {  	[tilespmem:$0xE9E0] =	vst v15  }
0x58: {  	s20 =	simm.s32 $0xA000;
	s9 =	simm.s32 $0xC800;
	[tilespmem:$0xE9F0] =	vst v15  }
0x59: {  	[tilespmem:s9], [sflag:$0x1] =	stream.indirect.gather [hbm4b:s4+s14], $0x10, s20, s14, $0xb8;
	[tilespmem:$0xEB80] =	vst v63  }
0x5a: {  	s25 =	simm.s32 $0xA080;
	s11 =	simm.s32 $0xD000  }
0x5b: {  	[tilespmem:s11], [sflag:$0x1] =	stream.indirect.gather [hbm4b:s4+s14], $0x10, s25, s14, $0xb8;
	[tilespmem:$0xEB80] =	vst v63  }
0x5c: {  	s29 =	simm.s32 $0xA100;
	s12 =	simm.s32 $0xD800  }
0x5d: {  	[tilespmem:s12], [sflag:$0x2] =	stream.indirect.gather [hbm4b:s4+s14], $0x10, s29, s14, $0xb8;
	[tilespmem:$0xEB80] =	vst v63  }
0x5e: {  	s7 =	simm.s32 $0xE000;
	s6 =	simm.s32 $0xA180  }
0x5f: {  	[tilespmem:s7], [sflag:$0x2] =	stream.indirect.gather [hbm4b:s4+s14], $0x10, s6, s14, $0xb8;
	[tilespmem:$0xEB80] =	vst v63  }
0x60: {  	_ = 	snop  }
0x61: {  	[spmem:s10] =	stream.linear.scatter [tilespmem:s23], [sflag:$0x5], $0x80, $0x38;
	[tilespmem:$0xEB80] =	vst v63  }
0x62: {  	_ =	swait.ge [sflag:s24], $0x800  }
0x63: {  	[sflag:s24] =	ssyncset.done $0x0  }
0x64: {  	[sflag:s24] =	ssyncadd.s32 $0xFFFFF800  }
0x65: {  	_ =	swait.ge [sflag:s24], $0x800  }
0x66: {  	[sflag:s24] =	ssyncset.done $0x0  }
0x67: {  	s8 =	simm.s32 $0x5;
	[sflag:s24] =	ssyncadd.s32 $0xFFFFF800  }
0x68: {  	_ =	swait.ge [sflag:s8], $0x80  }
0x69: {  	s16 =	simm.s32 $0xE800;
	s20 =	stileid.u32;
	[sflag:s8] =	ssyncset.done $0x0  }
0x6a: {  	s18 =	simm.s32 $0x7;
	s28 =	sshll.u32 s20, $0x6;
	[sflag:s8] =	ssyncadd.s32 $0xFFFFFF80  }
0x6b: {  	[spmem:s2] =	stream.indirect.scatter.add.f32 [tilespmem:s9], [sflag:$0x7], $0x10, s16, s26, $0xb8;
	[tilespmem:$0xEB80] =	vst v63  }
0x6c: {  	s1 =	sor.u32 $0x1C03, s28;
	_ =	swait.ge [sflag:s18], $0x1000  }
0x6d: {  	s25 =	sshrl.u32 s10, $0x3;
	s29 =	simm.s32 $0x2;
	[sflag:s18] =	ssyncset.done $0x0  }
0x6e: {  	s6 =	simm.s32 $0xA200;
	s8 =	rddreg [dreg:$0x6];
	[sflag:s18] =	ssyncadd.s32 $0xFFFFF000  }
0x6f: {  	[hbm:s8@s30], [sflag:s1] =	dma.strided [spmem:s25@s29], $0x10, s24, $0x2   }
0x70: {  	[tilespmem:s9], [sflag:$0x1] =	stream.indirect.gather [hbm4b:s4+s14], $0x10, s6, s14, $0xb8;
	[tilespmem:$0xEB80] =	vst v63  }
0x71: {  	s8 =	simm.s32 $0xA280  }
0x72: {  	[tilespmem:s11], [sflag:$0x1] =	stream.indirect.gather [hbm4b:s4+s14], $0x10, s8, s14, $0xb8;
	[tilespmem:$0xEB80] =	vst v63  }
0x73: {  	_ = 	snop  }
0x74: {  	[spmem:s13] =	stream.linear.scatter [tilespmem:s23], [sflag:$0x6], $0x80, $0x38;
	[tilespmem:$0xEB80] =	vst v63  }
0x75: {  	_ =	swait.ge [sflag:s29], $0x800  }
0x76: {  	[sflag:s29] =	ssyncset.done $0x0  }
0x77: {  	[sflag:s29] =	ssyncadd.s32 $0xFFFFF800  }
0x78: {  	_ =	swait.ge [sflag:s29], $0x800  }
0x79: {  	[sflag:s29] =	ssyncset.done $0x0  }
0x7a: {  	s31 =	simm.s32 $0x3;
	[sflag:s29] =	ssyncadd.s32 $0xFFFFF800  }
0x7b: {  	p1 =	sle.u32 s5, $0x3;
	s7 =	sand.u32 $0x1, s29;
	_ =	swait.ge [sflag:s15], $0x80  }
0x7c: {  	s1 =	sand.u32 $0x1, s31;
	s9 =	simm.s32 $0xE900;
	[sflag:s15] =	ssyncset.done $0x0  }
0x7d: {  	s6 =	simm.s32 $0xA300;
	s11 =	sadd.s32 $0x7, s1;
	[sflag:s15] =	ssyncadd.s32 $0xFFFFFF80  }
0x7e: {  	[spmem:s2] =	stream.indirect.scatter.add.f32 [tilespmem:s12], [sflag:$0x8], $0x10, s9, s26, $0xb8;
	[tilespmem:$0xEB80] =	vst v63  }
0x7f: {  	s16 =	sshll.u32 s1, $0x7;
	s18 =	sor.u32 s28, s1;
	_ =	swait.ge [sflag:s11], $0x1000  }
0x80: {  	s20 =	sadd.s32 $0x1C03, s18;
	s9 =	sadd.s32 s16, s10;
	[sflag:s11] =	ssyncset.done $0x0  }
0x81: {  	s12 =	sshll.u32 @!p1 s1, $0xC;
	s9 =	sshrl.u32 s9, $0x3;
	[sflag:s11] =	ssyncadd.s32 $0xFFFFF000  }
0x82: {  	[hbm:s17@s30], [sflag:s20] =	dma.strided [spmem:s9@s0], $0x10, s24, $0x2   }
0x83: {  	s1 =	sadd.s32 @!p1 $0x1, s1;
	s8 =	sor.u32 @!p1 $0xC800, s12;
	s9 =	simm.s32 @!p1 $0x80  }
0x84: {  	[tilespmem:s8], [sflag:s1] =	stream.indirect.gather @!p1 [hbm4b:s4+s9], $0x10, s6, s9, $0xb8;
	[tilespmem:$0xEB80] =	vst v63  }
0x85: {  	s25 =	sadd.s32 $0x3, s7;
	s6 =	sadd.s32 @!p1 $0xD000, s12;
	s8 =	simm.s32 @!p1 $0xA380  }
0x86: {  	[tilespmem:s6], [sflag:s1] =	stream.indirect.gather @!p1 [hbm4b:s4+s9], $0x10, s8, s9, $0xb8;
	[tilespmem:$0xEB80] =	vst v63  }
0x87: {  	s29 =	sshll.u32 s7, $0x7;
	s6 =	sadd.s32 $0x5, s7;
	_ =	swait.ge [sflag:s25], $0x10  }
0x88: {  	s8 =	sadd.s32 s29, s10;
	p1 =	sne.s32 s5, $0x3;
	[sflag:s25] =	ssyncset.done $0x0  }
.Ltmp1:
0x89: {  	s9 =	sadd.s32 $0x1, s7;
	[sflag:s25] =	ssyncadd.s32 $0xFFFFFFF0;
	(pc) =	sbr.rel @!p1 .LBB2_5-.Ltmp1, $4  }
0x8a: {  	[spmem:s8] =	stream.linear.scatter [tilespmem:s23], [sflag:s6], $0x80, $0x38;
	[tilespmem:$0xEB80] =	vst v63  }
0x8b: {  	_ =	swait.ge [sflag:s9], $0x800  }
0x8c: {  	s11 =	sshll.u32 s7, $0x8;
	s12 =	smov.u32 s17;
	[sflag:s9] =	ssyncset.done $0x0  }
0x8d: {  	s1 =	simm.s32 $0xA400;
	s8 =	sshll.u32 s7, $0xC;
	[sflag:s9] =	ssyncadd.s32 $0xFFFFF800  }
.LBB2_4:
0x8e: {  	_ =	swait.ge [sflag:s9], $0x800  }
0x8f: {  	s7 =	sadd.s32 $0x7, s7;
	s18 =	smov.u32 s31;
	s31 =	sadd.s32 $0x1, s31  }
0x90: {  	s11 =	sor.u32 $0xE800, s11;
	s20 =	sand.u32 $0x1, s31;
	[sflag:s9] =	ssyncset.done $0x0  }
0x91: {  	s16 =	sadd.s32 $0x7, s20;
	s25 =	sshll.u32 s20, $0x7;
	[sflag:s9] =	ssyncadd.s32 $0xFFFFF800  }
0x92: {  	s9 =	sor.u32 s28, s20;
	s25 =	sadd.s32 s25, s10;
	_ =	swait.ge [sflag:s6], $0x80  }
0x93: {  	s8 =	sor.u32 $0xC800, s8;
	p1 =	sge.u32 s31, s5;
	[sflag:s6] =	ssyncset.done $0x0  }
0x94: {  	s12 =	sadd.s32 $0x80, s12;
	s29 =	sshll.u32 @!p1 s20, $0xC;
	[sflag:s6] =	ssyncadd.s32 $0xFFFFFF80  }
0x95: {  	[spmem:s2] =	stream.indirect.scatter.add.f32 [tilespmem:s8], [sflag:s7], $0x10, s11, s26, $0xb8;
	[tilespmem:$0xEB80] =	vst v63  }
0x96: {  	s6 =	sor.u32 @!p1 $0xC800, s29;
	s8 =	simm.s32 @!p1 $0x80;
	_ =	swait.ge [sflag:s16], $0x1000  }
0x97: {  	s7 =	sshrl.u32 s25, $0x3;
	s11 =	sadd.s32 @!p1 $0xD000, s29;
	[sflag:s16] =	ssyncset.done $0x0  }
0x98: {  	s9 =	sadd.s32 $0x1C03, s9;
	[sflag:s16] =	ssyncadd.s32 $0xFFFFF000;
	s16 =	sadd.s32 @!p1 $0x1, s20  }
0x99: {  	[hbm:s12@s30], [sflag:s9] =	dma.strided [spmem:s7@s0], $0x10, s24, $0x2   }
0x9a: {  	[tilespmem:s6], [sflag:s16] =	stream.indirect.gather @!p1 [hbm4b:s4+s8], $0x10, s1, s8, $0xb8;
	[tilespmem:$0xEB80] =	vst v63  }
0x9b: {  	p2 =	sne.s32 s5, s31;
	s7 =	sand.u32 $0x1, s18;
	s6 =	sadd.s32 @!p1 $0x80, s1  }
0x9c: {  	[tilespmem:s11], [sflag:s16] =	stream.indirect.gather @!p1 [hbm4b:s4+s8], $0x10, s6, s8, $0xb8;
	[tilespmem:$0xEB80] =	vst v63  }
0x9d: {  	s9 =	sadd.s32 $0x3, s7;
	s11 =	sshll.u32 s7, $0x7;
	s8 =	sshll.u32 s7, $0xC  }
0x9e: {  	s6 =	sadd.s32 $0x5, s7;
	s16 =	sadd.s32 s11, s10;
	_ =	swait.ge [sflag:s9], $0x10  }
0x9f: {  	s11 =	sshll.u32 s7, $0x8;
	[sflag:s9] =	ssyncset.done $0x0  }
.Ltmp2:
0xa0: {  	[sflag:s9] =	ssyncadd.s32 $0xFFFFFFF0;
	s9 =	sadd.s32 $0x1, s7;
	(pc) =	sbr.rel @p2 .LBB2_4-.Ltmp2, $4  }
0xa1: {  	[spmem:s16] =	stream.linear.scatter [tilespmem:s23], [sflag:s6], $0x80, $0x38;
	[tilespmem:$0xEB80] =	vst v63  }
0xa2: {  	_ =	swait.ge [sflag:s9], $0x800  }
0xa3: {  	[sflag:s9] =	ssyncset.done $0x0  }
0xa4: {  	s1 =	sadd.s32 $0x100, s1;
	[sflag:s9] =	ssyncadd.s32 $0xFFFFF800  }
.LBB2_5:
0xa5: {  	_ =	swait.ge [sflag:s9], $0x800  }
0xa6: {  	[sflag:s9] =	ssyncset.done $0x0  }
0xa7: {  	[sflag:s9] =	ssyncadd.s32 $0xFFFFF800  }
0xa8: {  	_ =	swait.ge [sflag:s6], $0x80  }
0xa9: {  	s1 =	sadd.s32 $0x7, s7;
	[sflag:s6] =	ssyncset.done $0x0  }
0xaa: {  	s20 =	sor.u32 $0xE800, s11;
	s8 =	sor.u32 $0xC800, s8;
	[sflag:s6] =	ssyncadd.s32 $0xFFFFFF80  }
0xab: {  	[spmem:s2] =	stream.indirect.scatter.add.f32 [tilespmem:s8], [sflag:s1], $0x10, s20, s26, $0xb8;
	[tilespmem:$0xEB80] =	vst v63  }
0xac: {  	_ =	swait.ge [sflag:s19], $0x1000  }
0xad: {  	s25 =	sor.u32 $0x1C04, s28;
	[sflag:s19] =	ssyncset.done $0x0  }
0xae: {  	s28 =	sshrl.u32 s13, $0x3;
	s29 =	rddreg [dreg:$0x5];
	[sflag:s19] =	ssyncadd.s32 $0xFFFFF000  }
0xaf: {  	[hbm:s29@s30], [sflag:s25] =	dma.strided [spmem:s28@s0], $0x10, s24, $0x2   }
0xb0: {  	_ =	swait.ge [sflag:s21], $0x10  }
0xb1: {  	[sflag:s21] =	ssyncset.done $0x0  }
0xb2: {  	[sflag:s21] =	ssyncadd.s32 $0xFFFFFFF0  }
0xb3: {  	_ =	swait.ge [sflag:s22], $0x10  }
0xb4: {  	s3 =	sadd.s32 $0x1, s3;
	s31 =	rddreg [dreg:$0x7]  }
0xb5: {  	p1 =	sne.s32 s3, s31  }
.Ltmp3:
0xb6: {  	_ = 	snop;
	(pc) =	sbr.rel @p1 .LBB2_1-.Ltmp3, $3  }
0xb7: {  	_ =	sdelay $0x1  }
0xb8: {  	[sflag:s22] =	ssyncset.done $0x0  }
0xb9: {  	[sflag:s22] =	ssyncadd.s32 $0xFFFFFFF0  }
0xba: {  	_ =	sfence.sel $0x180000  }
0xbb: {  	[bflag:$0x0] =	sbarrier.arrive $0xFFFF  }
0xbc: {  	_ =	strace $0x9000004A  }
0xbd: {  	s0 =	stileid.u32;
	[bflag:$0x2] =	sbarrier.arrive $0xFFFF  }
0xbe: {  	p0 =	sne.s32 s0, $0x0;
	s0 =	rddreg [dreg:$0x2]  }
0xbf: {  	s0 =	sadd.s32 @!p0 $0x100000, s0  }
0xc0: {  	[sflag:s0] =	ssyncadd.tile.s32 @!p0 $0x1;
	_ =	shalt  }
.Lfunc_end2:
_tile_overlayer_lowered:
.L_overlay_start_2:
0xc1: {  	(tag) =	ssettag $0x2  }
0xc2: {  	s0 =	rddreg [dreg:$0x0];
	s2 =	stileid.u32  }
0xc3: {  	s1 =	rddreg [dreg:$0x1];
	p0 =	sne.s32 s2, $0x0  }
0xc4: {  	s3 =	rddreg [dreg:$0x2];
	[bflag:$0x3] =	sbarrier.arrive $0xFFFF;
	s2 =	simm.s32 @!p0 $0x1C09  }
0xc5: {  	[timem:s3], [sflag:s2] =	dma.local @!p0 [hbm:s0], s1  }
0xc6: {  	s0 =	simm.s32 @!p0 $0x9  }
0xc7: {  	_ =	swait.ge @!p0 [sflag:s0], s1  }
0xc8: {  	s1 =	ssub.s32 @!p0 $0x0, s1;
	[sflag:s0] =	ssyncset.done @!p0 $0x0  }
0xc9: {  	[sflag:s0] =	ssyncadd.s32 @!p0 s1  }
0xca: {  	[bflag:$0x3] =	sbarrier.arrive $0xFFFF  }
0xcb: {  	_ =	shalt  }

</sc_bundles>
